<compile_context>
chip_gen: v7x
topology: tpu7x:2x2x1
jax: 0.10.2.dev20260603
libtpu: 0.0.44.dev20260713+nightly
codegen_flags: <defaults>
</compile_context>

<pallas_src>
import functools

import jax
import jax.numpy as jnp
from jax import lax
from jax.experimental import pallas as pl
from jax.experimental.pallas import tpu as pltpu
from jax.experimental.pallas import tpu_sc as plsc

_LANES = 16
_NW = 32
_SUB = 16


def _make_scores_kernel(B, K, D, BPW, NSUB, CHUNKS):
    mesh = plsc.VectorSubcoreMesh(core_axis_name="c", subcore_axis_name="s")
    nseg = D // _LANES
    crows = _SUB * (K + 1)

    @functools.partial(
        pl.kernel,
        out_type=jax.ShapeDtypeStruct((K + 1, _NW, NSUB, _LANES), jnp.float32),
        mesh=mesh,
        compiler_params=pltpu.CompilerParams(use_tc_tiling_on_sc=False),
        scratch_types=[
            pltpu.VMEM((NSUB, _SUB), jnp.int32),
            pltpu.VMEM((NSUB, crows), jnp.int32),
            pltpu.VMEM((_SUB, D), jnp.float32),
            pltpu.VMEM((_SUB, D), jnp.float32),
            pltpu.VMEM((crows, D), jnp.float32),
            pltpu.VMEM((crows, D), jnp.float32),
            pltpu.VMEM((K + 1, NSUB, _LANES), jnp.float32),
            pltpu.SemaphoreType.DMA,
            pltpu.SemaphoreType.DMA,
        ],
    )
    def scores_kernel(pw_hbm, cidx_hbm, ww_hbm, wv_hbm, out_hbm,
                      pwv, cidxv, wb0, wb1, cb0, cb1, outv, semA, semB):
        wid = lax.axis_index("s") * 2 + lax.axis_index("c")

        pltpu.sync_copy(pw_hbm.at[wid], pwv)
        pltpu.sync_copy(cidx_hbm.at[wid], cidxv)

        def fire_set(s, wb, cb, sem):
            pltpu.async_copy(ww_hbm.at[pwv.at[s]], wb, sem)
            for off, n in CHUNKS:
                pltpu.async_copy(wv_hbm.at[cidxv.at[s, pl.ds(off, n)]],
                                 cb.at[pl.ds(off, n)], sem)

        def wait_set(wb, cb, sem):
            pltpu.make_async_copy(ww_hbm.at[pwv.at[0]], wb, sem).wait()
            for off, n in CHUNKS:
                pltpu.make_async_copy(
                    wv_hbm.at[cidxv.at[0, pl.ds(off, n)]],
                    cb.at[pl.ds(off, n)], sem).wait()

        lane = lax.iota(jnp.int32, _LANES)
        perms = [lane ^ m for m in (8, 4, 2, 1)]
        zero = jnp.zeros((_LANES,), jnp.float32)

        def lanesum(x):
            for p in perms:
                x = x + x.at[p].get(mode="promise_in_bounds")
            return x

        def compute_sub(s, wb, cb):
            def row_body(r, accs):
                vs = [cb[r, pl.ds(j * _LANES, _LANES)] for j in range(nseg)]
                acc = wb[r, pl.ds(0, _LANES)] * vs[0]
                for j in range(1, nseg):
                    acc = acc + wb[r, pl.ds(j * _LANES, _LANES)] * vs[j]
                sel = lane == r
                new = [jnp.where(sel, lanesum(acc), accs[0])]
                for k in range(K):
                    e = _SUB + r * K + k
                    acc = cb[e, pl.ds(0, _LANES)] * vs[0]
                    for j in range(1, nseg):
                        acc = acc + cb[e, pl.ds(j * _LANES, _LANES)] * vs[j]
                    new.append(jnp.where(sel, -lanesum(acc), accs[k + 1]))
                return tuple(new)

            accs = lax.fori_loop(0, _SUB, row_body, (zero,) * (K + 1))
            for k in range(K + 1):
                outv[k, s, :] = accs[k]

        fire_set(0, wb0, cb0, semA)
        fire_set(1, wb1, cb1, semB)

        def pair_body(p, carry):
            s0 = 2 * p
            wait_set(wb0, cb0, semA)
            compute_sub(s0, wb0, cb0)

            @pl.when(s0 + 2 < NSUB)
            def _():
                fire_set(s0 + 2, wb0, cb0, semA)

            wait_set(wb1, cb1, semB)
            compute_sub(s0 + 1, wb1, cb1)

            @pl.when(s0 + 3 < NSUB)
            def _():
                fire_set(s0 + 3, wb1, cb1, semB)

            return carry

        lax.fori_loop(0, NSUB // 2, pair_body, 0)

        pltpu.sync_copy(outv, out_hbm.at[:, wid])

    return scores_kernel


def _loss_body(s_ref, o_ref):
    x = s_ref[...]
    ls = jnp.minimum(x, 0.0) - jnp.log1p(jnp.exp(-jnp.abs(x)))
    o_ref[0, 0] = -jnp.sum(ls)


def kernel(pos_w, pos_v, neg_v, W_w, W_v):
    B, K = neg_v.shape
    D = W_w.shape[1]
    BPW = B // _NW
    NSUB = BPW // _SUB
    crows = _SUB * (K + 1)
    CHUNKS = []
    off = 0
    while off < crows:
        n = min(128, crows - off)
        CHUNKS.append((off, n))
        off += n
    CHUNKS = tuple(CHUNKS)

    pw = pos_w.reshape(_NW, NSUB, _SUB)
    cidx = jnp.concatenate(
        [pos_v.reshape(_NW, NSUB, _SUB),
         neg_v.reshape(_NW, NSUB, _SUB * K)], axis=2)

    W_w, W_v = jax.lax.optimization_barrier((W_w, W_v))
    scores = _make_scores_kernel(B, K, D, BPW, NSUB, CHUNKS)(
        pw, cidx, W_w, W_v)

    loss = pl.pallas_call(
        _loss_body,
        out_shape=jax.ShapeDtypeStruct((1, 1), jnp.float32),
        out_specs=pl.BlockSpec(memory_space=pltpu.SMEM),
    )(scores.reshape(K + 1, B))
    return loss[0, 0]

# --- scband reference (transcript-rebuilt; emitter-appended) ---
"""Pipeline reference for scband-skip-gram-model-78847009620712 (READ-ONLY COPY).

The authoritative reference and input builder live on the scoring server;
editing this copy changes nothing except your own understanding.
"""

import jax, jax.numpy as jnp
import numpy as np

EMB_SIZE = 1000000
EMB_DIM = 64
BATCH = 16384
NEG = 20

def setup_inputs(seed: int = 0) -> dict:
    key = jax.random.key(seed)
    k1, k2, k3, k4, k5 = jax.random.split(key, 5)
    pos_w = jax.random.randint(k1, (BATCH,), 0, EMB_SIZE, dtype=jnp.int64 if jax.config.jax_enable_x64 else jnp.int32).astype(jnp.int32)
    pos_v = jax.random.randint(k2, (BATCH,), 0, EMB_SIZE).astype(jnp.int32)
    neg_v = jax.random.randint(k3, (BATCH, NEG), 0, EMB_SIZE).astype(jnp.int32)
    initrange = 0.5 / EMB_DIM
    W_w = jax.random.uniform(k4, (EMB_SIZE, EMB_DIM), dtype=jnp.float32, minval=-initrange, maxval=initrange)
    # original inits v_embeddings to zeros; use small uniform for non-degenerate numerics
    W_v = jax.random.uniform(k5, (EMB_SIZE, EMB_DIM), dtype=jnp.float32, minval=-initrange, maxval=initrange)
    return {"pos_w": pos_w, "pos_v": pos_v, "neg_v": neg_v, "W_w": W_w, "W_v": W_v}

def reference(pos_w, pos_v, neg_v, W_w, W_v):
    emb_w = jnp.take(W_w, pos_w, axis=0)          # [B, D]
    emb_v = jnp.take(W_v, pos_v, axis=0)          # [B, D]
    neg_emb_v = jnp.take(W_v, neg_v, axis=0)      # [B, K, D]
    score = jnp.sum(emb_w * emb_v, axis=1)        # [B]
    score = jax.nn.log_sigmoid(score)
    neg_score = jnp.einsum('bkd,bd->bk', neg_emb_v, emb_v)  # bmm(neg_emb_v, emb_v[:, :, None]).squeeze()
    neg_score = jax.nn.log_sigmoid(-1.0 * neg_score)
    loss = -1.0 * (jnp.sum(score) + jnp.sum(neg_score))
    return loss

if __name__ == "__main__":
    import jax
    _d = setup_inputs()
    print(jax.jit(kernel)(*tuple(_d.values())))

</pallas_src>

<mosaic_0001>
#map = affine_map<(d0, d1) -> (0, 0, 0)>
#map1 = affine_map<(d0, d1) -> (0, 0)>
#map2 = affine_map<(d0, d1) -> (0, 0, 0, 0)>
module attributes {stable_mosaic.version = 14 : i64} {
  func.func @scores_kernel(%arg0: i32, %arg1: i32, %arg2: memref<32x32x16xi32, #tpu.memory_space<hbm>>, %arg3: memref<32x32x336xi32, #tpu.memory_space<hbm>>, %arg4: memref<1000000x64xf32, #tpu.memory_space<hbm>>, %arg5: memref<1000000x64xf32, #tpu.memory_space<hbm>>, %arg6: memref<21x32x32x16xf32, #tpu.memory_space<hbm>>, %arg7: memref<32x16xi32, #tpu.memory_space<vmem>>, %arg8: memref<32x336xi32, #tpu.memory_space<vmem>>, %arg9: memref<16x64xf32, #tpu.memory_space<vmem>>, %arg10: memref<16x64xf32, #tpu.memory_space<vmem>>, %arg11: memref<336x64xf32, #tpu.memory_space<vmem>>, %arg12: memref<336x64xf32, #tpu.memory_space<vmem>>, %arg13: memref<21x32x16xf32, #tpu.memory_space<vmem>>, %arg14: memref<!tpu.dma_semaphore, #tpu.memory_space<semaphore_mem>>, %arg15: memref<!tpu.dma_semaphore, #tpu.memory_space<semaphore_mem>>) attributes {dimension_semantics = [#tpu.dimension_semantics<core_parallel>, #tpu.dimension_semantics<subcore_parallel>], iteration_bounds = array<i64: 2, 16>, scalar_prefetch = 0 : i64, scratch_operands = 9 : i64, tpu.core_type = #tpu.core_type<sc_vector_subcore>, window_params = [{transform_indices = #map}, {transform_indices = #map}, {transform_indices = #map1}, {transform_indices = #map1}, {transform_indices = #map2}]} {
    %mul3A = arith.constant 2 : i32
    %mul3A_0 = arith.muli %arg1, %mul3A : i32
    %add3A = arith.addi %mul3A_0, %arg0 : i32
    "tpu.region"() ({
      %run_scoped3A = tpu.sem_alloc : memref<!tpu.dma_semaphore, #tpu.memory_space<semaphore_mem>>
      %dma_start3A_91 = arith.constant 0 : i32
      %dma_start3A_92 = arith.constant 0 : i32
      %dma_start3A_93 = tpu.memref_slice %arg2[%add3A, %dma_start3A_91, %dma_start3A_92] : memref<32x32x16xi32, #tpu.memory_space<hbm>> -> memref<1x32x16xi32, #tpu.memory_space<hbm>>
      %dma_start3A_94 = tpu.memref_squeeze %dma_start3A_93 : memref<1x32x16xi32, #tpu.memory_space<hbm>> -> memref<32x16xi32, #tpu.memory_space<hbm>>
      %dma_start3A_95 = arith.constant 0 : i32
      %dma_start3A_96 = arith.constant 0 : i32
      %dma_start3A_97 = tpu.memref_slice %arg2[%add3A, %dma_start3A_95, %dma_start3A_96] : memref<32x32x16xi32, #tpu.memory_space<hbm>> -> memref<1x32x16xi32, #tpu.memory_space<hbm>>
      %dma_start3A_98 = tpu.memref_squeeze %dma_start3A_97 : memref<1x32x16xi32, #tpu.memory_space<hbm>> -> memref<32x16xi32, #tpu.memory_space<hbm>>
      tpu.enqueue_dma source(%dma_start3A_98 : memref<32x16xi32, #tpu.memory_space<hbm>>) target(%arg7 : memref<32x16xi32, #tpu.memory_space<vmem>>) target_semaphore(%run_scoped3A : memref<!tpu.dma_semaphore, #tpu.memory_space<semaphore_mem>>)
      %dma_wait3A = arith.constant 0 : i32
      %dma_wait3A_99 = arith.constant 0 : i32
      %dma_wait3A_100 = tpu.memref_slice %arg2[%add3A, %dma_wait3A, %dma_wait3A_99] : memref<32x32x16xi32, #tpu.memory_space<hbm>> -> memref<1x32x16xi32, #tpu.memory_space<hbm>>
      %dma_wait3A_101 = tpu.memref_squeeze %dma_wait3A_100 : memref<1x32x16xi32, #tpu.memory_space<hbm>> -> memref<32x16xi32, #tpu.memory_space<hbm>>
      %dma_wait3A_102 = arith.constant 0 : i32
      %dma_wait3A_103 = arith.constant 0 : i32
      %dma_wait3A_104 = tpu.memref_slice %arg2[%add3A, %dma_wait3A_102, %dma_wait3A_103] : memref<32x32x16xi32, #tpu.memory_space<hbm>> -> memref<1x32x16xi32, #tpu.memory_space<hbm>>
      %dma_wait3A_105 = tpu.memref_squeeze %dma_wait3A_104 : memref<1x32x16xi32, #tpu.memory_space<hbm>> -> memref<32x16xi32, #tpu.memory_space<hbm>>
      tpu.wait_dma2 semaphore(%run_scoped3A : memref<!tpu.dma_semaphore, #tpu.memory_space<semaphore_mem>>) src(%dma_wait3A_105 : memref<32x16xi32, #tpu.memory_space<hbm>>) dst(%arg7 : memref<32x16xi32, #tpu.memory_space<vmem>>)
      tpu.yield
    }) : () -> ()
    "tpu.region"() ({
      %run_scoped3A = tpu.sem_alloc : memref<!tpu.dma_semaphore, #tpu.memory_space<semaphore_mem>>
      %dma_start3A_91 = arith.constant 0 : i32
      %dma_start3A_92 = arith.constant 0 : i32
      %dma_start3A_93 = tpu.memref_slice %arg3[%add3A, %dma_start3A_91, %dma_start3A_92] : memref<32x32x336xi32, #tpu.memory_space<hbm>> -> memref<1x32x336xi32, #tpu.memory_space<hbm>>
      %dma_start3A_94 = tpu.memref_squeeze %dma_start3A_93 : memref<1x32x336xi32, #tpu.memory_space<hbm>> -> memref<32x336xi32, #tpu.memory_space<hbm>>
      %dma_start3A_95 = arith.constant 0 : i32
      %dma_start3A_96 = arith.constant 0 : i32
      %dma_start3A_97 = tpu.memref_slice %arg3[%add3A, %dma_start3A_95, %dma_start3A_96] : memref<32x32x336xi32, #tpu.memory_space<hbm>> -> memref<1x32x336xi32, #tpu.memory_space<hbm>>
      %dma_start3A_98 = tpu.memref_squeeze %dma_start3A_97 : memref<1x32x336xi32, #tpu.memory_space<hbm>> -> memref<32x336xi32, #tpu.memory_space<hbm>>
      tpu.enqueue_dma source(%dma_start3A_98 : memref<32x336xi32, #tpu.memory_space<hbm>>) target(%arg8 : memref<32x336xi32, #tpu.memory_space<vmem>>) target_semaphore(%run_scoped3A : memref<!tpu.dma_semaphore, #tpu.memory_space<semaphore_mem>>)
      %dma_wait3A = arith.constant 0 : i32
      %dma_wait3A_99 = arith.constant 0 : i32
      %dma_wait3A_100 = tpu.memref_slice %arg3[%add3A, %dma_wait3A, %dma_wait3A_99] : memref<32x32x336xi32, #tpu.memory_space<hbm>> -> memref<1x32x336xi32, #tpu.memory_space<hbm>>
      %dma_wait3A_101 = tpu.memref_squeeze %dma_wait3A_100 : memref<1x32x336xi32, #tpu.memory_space<hbm>> -> memref<32x336xi32, #tpu.memory_space<hbm>>
      %dma_wait3A_102 = arith.constant 0 : i32
      %dma_wait3A_103 = arith.constant 0 : i32
      %dma_wait3A_104 = tpu.memref_slice %arg3[%add3A, %dma_wait3A_102, %dma_wait3A_103] : memref<32x32x336xi32, #tpu.memory_space<hbm>> -> memref<1x32x336xi32, #tpu.memory_space<hbm>>
      %dma_wait3A_105 = tpu.memref_squeeze %dma_wait3A_104 : memref<1x32x336xi32, #tpu.memory_space<hbm>> -> memref<32x336xi32, #tpu.memory_space<hbm>>
      tpu.wait_dma2 semaphore(%run_scoped3A : memref<!tpu.dma_semaphore, #tpu.memory_space<semaphore_mem>>) src(%dma_wait3A_105 : memref<32x336xi32, #tpu.memory_space<hbm>>) dst(%arg8 : memref<32x336xi32, #tpu.memory_space<vmem>>)
      tpu.yield
    }) : () -> ()
    %iota3A = tpu.iota {dimensions = array<i32: 0>} : vector<16xi32>
    %xor3A = arith.constant 8 : i32
    %xor3A_1 = vector.broadcast %xor3A : i32 to vector<16xi32>
    %xor3A_2 = arith.xori %iota3A, %xor3A_1 : vector<16xi32>
    %xor3A_3 = arith.constant 4 : i32
    %xor3A_4 = vector.broadcast %xor3A_3 : i32 to vector<16xi32>
    %xor3A_5 = arith.xori %iota3A, %xor3A_4 : vector<16xi32>
    %xor3A_6 = arith.constant 2 : i32
    %xor3A_7 = vector.broadcast %xor3A_6 : i32 to vector<16xi32>
    %xor3A_8 = arith.xori %iota3A, %xor3A_7 : vector<16xi32>
    %xor3A_9 = arith.constant 1 : i32
    %xor3A_10 = vector.broadcast %xor3A_9 : i32 to vector<16xi32>
    %xor3A_11 = arith.xori %iota3A, %xor3A_10 : vector<16xi32>
    %broadcast_in_dim3A = arith.constant 0.000000e+00 : f32
    %broadcast_in_dim3A_12 = vector.broadcast %broadcast_in_dim3A : f32 to vector<16xf32>
    %dma_start3A = arith.constant 0 : i32
    %dma_start3A_13 = arith.constant 0 : i32
    %dma_start3A_14 = tpu.memref_slice %arg7[%dma_start3A, %dma_start3A_13] : memref<32x16xi32, #tpu.memory_space<vmem>> -> memref<1x16xi32, #tpu.memory_space<vmem>>
    %dma_start3A_15 = tpu.memref_squeeze %dma_start3A_14 : memref<1x16xi32, #tpu.memory_space<vmem>> -> memref<16xi32, #tpu.memory_space<vmem>>
    %dma_start3A_16 = arith.constant 0 : i32
    %dma_start3A_17 = arith.constant 0 : i32
    %dma_start3A_18 = tpu.memref_slice %arg4[%dma_start3A_16, %dma_start3A_17] : memref<1000000x64xf32, #tpu.memory_space<hbm>> -> memref<1000000x64xf32, #tpu.memory_space<hbm>>
    tpu.enqueue_indirect_dma source(%dma_start3A_18 : memref<1000000x64xf32, #tpu.memory_space<hbm>>) target(%arg9 : memref<16x64xf32, #tpu.memory_space<vmem>>) offsets(%dma_start3A_15 : memref<16xi32, #tpu.memory_space<vmem>>) semaphore(%arg14 : memref<!tpu.dma_semaphore, #tpu.memory_space<semaphore_mem>>)
    %dma_start3A_19 = arith.constant 0 : i32
    %dma_start3A_20 = arith.constant 0 : i32
    %dma_start3A_21 = arith.constant 0 : i32
    %dma_start3A_22 = tpu.memref_slice %arg11[%dma_start3A_20, %dma_start3A_21] : memref<336x64xf32, #tpu.memory_space<vmem>> -> memref<128x64xf32, #tpu.memory_space<vmem>>
    %dma_start3A_23 = arith.constant 0 : i32
    %dma_start3A_24 = tpu.memref_slice %arg8[%dma_start3A_19, %dma_start3A_23] : memref<32x336xi32, #tpu.memory_space<vmem>> -> memref<1x128xi32, #tpu.memory_space<vmem>>
    %dma_start3A_25 = tpu.memref_squeeze %dma_start3A_24 : memref<1x128xi32, #tpu.memory_space<vmem>> -> memref<128xi32, #tpu.memory_space<vmem>>
    %dma_start3A_26 = arith.constant 0 : i32
    %dma_start3A_27 = arith.constant 0 : i32
    %dma_start3A_28 = tpu.memref_slice %arg5[%dma_start3A_26, %dma_start3A_27] : memref<1000000x64xf32, #tpu.memory_space<hbm>> -> memref<1000000x64xf32, #tpu.memory_space<hbm>>
    tpu.enqueue_indirect_dma source(%dma_start3A_28 : memref<1000000x64xf32, #tpu.memory_space<hbm>>) target(%dma_start3A_22 : memref<128x64xf32, #tpu.memory_space<vmem>>) offsets(%dma_start3A_25 : memref<128xi32, #tpu.memory_space<vmem>>) semaphore(%arg14 : memref<!tpu.dma_semaphore, #tpu.memory_space<semaphore_mem>>)
    %dma_start3A_29 = arith.constant 0 : i32
    %dma_start3A_30 = arith.constant 128 : i32
    %dma_start3A_31 = arith.constant 0 : i32
    %dma_start3A_32 = tpu.memref_slice %arg11[%dma_start3A_30, %dma_start3A_31] : memref<336x64xf32, #tpu.memory_space<vmem>> -> memref<128x64xf32, #tpu.memory_space<vmem>>
    %dma_start3A_33 = arith.constant 128 : i32
    %dma_start3A_34 = tpu.memref_slice %arg8[%dma_start3A_29, %dma_start3A_33] : memref<32x336xi32, #tpu.memory_space<vmem>> -> memref<1x128xi32, #tpu.memory_space<vmem>>
    %dma_start3A_35 = tpu.memref_squeeze %dma_start3A_34 : memref<1x128xi32, #tpu.memory_space<vmem>> -> memref<128xi32, #tpu.memory_space<vmem>>
    %dma_start3A_36 = arith.constant 0 : i32
    %dma_start3A_37 = arith.constant 0 : i32
    %dma_start3A_38 = tpu.memref_slice %arg5[%dma_start3A_36, %dma_start3A_37] : memref<1000000x64xf32, #tpu.memory_space<hbm>> -> memref<1000000x64xf32, #tpu.memory_space<hbm>>
    tpu.enqueue_indirect_dma source(%dma_start3A_38 : memref<1000000x64xf32, #tpu.memory_space<hbm>>) target(%dma_start3A_32 : memref<128x64xf32, #tpu.memory_space<vmem>>) offsets(%dma_start3A_35 : memref<128xi32, #tpu.memory_space<vmem>>) semaphore(%arg14 : memref<!tpu.dma_semaphore, #tpu.memory_space<semaphore_mem>>)
    %dma_start3A_39 = arith.constant 0 : i32
    %dma_start3A_40 = arith.constant 256 : i32
    %dma_start3A_41 = arith.constant 0 : i32
    %dma_start3A_42 = tpu.memref_slice %arg11[%dma_start3A_40, %dma_start3A_41] : memref<336x64xf32, #tpu.memory_space<vmem>> -> memref<80x64xf32, #tpu.memory_space<vmem>>
    %dma_start3A_43 = arith.constant 256 : i32
    %dma_start3A_44 = tpu.memref_slice %arg8[%dma_start3A_39, %dma_start3A_43] : memref<32x336xi32, #tpu.memory_space<vmem>> -> memref<1x80xi32, #tpu.memory_space<vmem>>
    %dma_start3A_45 = tpu.memref_squeeze %dma_start3A_44 : memref<1x80xi32, #tpu.memory_space<vmem>> -> memref<80xi32, #tpu.memory_space<vmem>>
    %dma_start3A_46 = arith.constant 0 : i32
    %dma_start3A_47 = arith.constant 0 : i32
    %dma_start3A_48 = tpu.memref_slice %arg5[%dma_start3A_46, %dma_start3A_47] : memref<1000000x64xf32, #tpu.memory_space<hbm>> -> memref<1000000x64xf32, #tpu.memory_space<hbm>>
    tpu.enqueue_indirect_dma source(%dma_start3A_48 : memref<1000000x64xf32, #tpu.memory_space<hbm>>) target(%dma_start3A_42 : memref<80x64xf32, #tpu.memory_space<vmem>>) offsets(%dma_start3A_45 : memref<80xi32, #tpu.memory_space<vmem>>) semaphore(%arg14 : memref<!tpu.dma_semaphore, #tpu.memory_space<semaphore_mem>>)
    %dma_start3A_49 = arith.constant 1 : i32
    %dma_start3A_50 = arith.constant 0 : i32
    %dma_start3A_51 = tpu.memref_slice %arg7[%dma_start3A_49, %dma_start3A_50] : memref<32x16xi32, #tpu.memory_space<vmem>> -> memref<1x16xi32, #tpu.memory_space<vmem>>
    %dma_start3A_52 = tpu.memref_squeeze %dma_start3A_51 : memref<1x16xi32, #tpu.memory_space<vmem>> -> memref<16xi32, #tpu.memory_space<vmem>>
    %dma_start3A_53 = arith.constant 0 : i32
    %dma_start3A_54 = arith.constant 0 : i32
    %dma_start3A_55 = tpu.memref_slice %arg4[%dma_start3A_53, %dma_start3A_54] : memref<1000000x64xf32, #tpu.memory_space<hbm>> -> memref<1000000x64xf32, #tpu.memory_space<hbm>>
    tpu.enqueue_indirect_dma source(%dma_start3A_55 : memref<1000000x64xf32, #tpu.memory_space<hbm>>) target(%arg10 : memref<16x64xf32, #tpu.memory_space<vmem>>) offsets(%dma_start3A_52 : memref<16xi32, #tpu.memory_space<vmem>>) semaphore(%arg15 : memref<!tpu.dma_semaphore, #tpu.memory_space<semaphore_mem>>)
    %dma_start3A_56 = arith.constant 1 : i32
    %dma_start3A_57 = arith.constant 0 : i32
    %dma_start3A_58 = arith.constant 0 : i32
    %dma_start3A_59 = tpu.memref_slice %arg12[%dma_start3A_57, %dma_start3A_58] : memref<336x64xf32, #tpu.memory_space<vmem>> -> memref<128x64xf32, #tpu.memory_space<vmem>>
    %dma_start3A_60 = arith.constant 0 : i32
    %dma_start3A_61 = tpu.memref_slice %arg8[%dma_start3A_56, %dma_start3A_60] : memref<32x336xi32, #tpu.memory_space<vmem>> -> memref<1x128xi32, #tpu.memory_space<vmem>>
    %dma_start3A_62 = tpu.memref_squeeze %dma_start3A_61 : memref<1x128xi32, #tpu.memory_space<vmem>> -> memref<128xi32, #tpu.memory_space<vmem>>
    %dma_start3A_63 = arith.constant 0 : i32
    %dma_start3A_64 = arith.constant 0 : i32
    %dma_start3A_65 = tpu.memref_slice %arg5[%dma_start3A_63, %dma_start3A_64] : memref<1000000x64xf32, #tpu.memory_space<hbm>> -> memref<1000000x64xf32, #tpu.memory_space<hbm>>
    tpu.enqueue_indirect_dma source(%dma_start3A_65 : memref<1000000x64xf32, #tpu.memory_space<hbm>>) target(%dma_start3A_59 : memref<128x64xf32, #tpu.memory_space<vmem>>) offsets(%dma_start3A_62 : memref<128xi32, #tpu.memory_space<vmem>>) semaphore(%arg15 : memref<!tpu.dma_semaphore, #tpu.memory_space<semaphore_mem>>)
    %dma_start3A_66 = arith.constant 1 : i32
    %dma_start3A_67 = arith.constant 128 : i32
    %dma_start3A_68 = arith.constant 0 : i32
    %dma_start3A_69 = tpu.memref_slice %arg12[%dma_start3A_67, %dma_start3A_68] : memref<336x64xf32, #tpu.memory_space<vmem>> -> memref<128x64xf32, #tpu.memory_space<vmem>>
    %dma_start3A_70 = arith.constant 128 : i32
    %dma_start3A_71 = tpu.memref_slice %arg8[%dma_start3A_66, %dma_start3A_70] : memref<32x336xi32, #tpu.memory_space<vmem>> -> memref<1x128xi32, #tpu.memory_space<vmem>>
    %dma_start3A_72 = tpu.memref_squeeze %dma_start3A_71 : memref<1x128xi32, #tpu.memory_space<vmem>> -> memref<128xi32, #tpu.memory_space<vmem>>
    %dma_start3A_73 = arith.constant 0 : i32
    %dma_start3A_74 = arith.constant 0 : i32
    %dma_start3A_75 = tpu.memref_slice %arg5[%dma_start3A_73, %dma_start3A_74] : memref<1000000x64xf32, #tpu.memory_space<hbm>> -> memref<1000000x64xf32, #tpu.memory_space<hbm>>
    tpu.enqueue_indirect_dma source(%dma_start3A_75 : memref<1000000x64xf32, #tpu.memory_space<hbm>>) target(%dma_start3A_69 : memref<128x64xf32, #tpu.memory_space<vmem>>) offsets(%dma_start3A_72 : memref<128xi32, #tpu.memory_space<vmem>>) semaphore(%arg15 : memref<!tpu.dma_semaphore, #tpu.memory_space<semaphore_mem>>)
    %dma_start3A_76 = arith.constant 1 : i32
    %dma_start3A_77 = arith.constant 256 : i32
    %dma_start3A_78 = arith.constant 0 : i32
    %dma_start3A_79 = tpu.memref_slice %arg12[%dma_start3A_77, %dma_start3A_78] : memref<336x64xf32, #tpu.memory_space<vmem>> -> memref<80x64xf32, #tpu.memory_space<vmem>>
    %dma_start3A_80 = arith.constant 256 : i32
    %dma_start3A_81 = tpu.memref_slice %arg8[%dma_start3A_76, %dma_start3A_80] : memref<32x336xi32, #tpu.memory_space<vmem>> -> memref<1x80xi32, #tpu.memory_space<vmem>>
    %dma_start3A_82 = tpu.memref_squeeze %dma_start3A_81 : memref<1x80xi32, #tpu.memory_space<vmem>> -> memref<80xi32, #tpu.memory_space<vmem>>
    %dma_start3A_83 = arith.constant 0 : i32
    %dma_start3A_84 = arith.constant 0 : i32
    %dma_start3A_85 = tpu.memref_slice %arg5[%dma_start3A_83, %dma_start3A_84] : memref<1000000x64xf32, #tpu.memory_space<hbm>> -> memref<1000000x64xf32, #tpu.memory_space<hbm>>
    tpu.enqueue_indirect_dma source(%dma_start3A_85 : memref<1000000x64xf32, #tpu.memory_space<hbm>>) target(%dma_start3A_79 : memref<80x64xf32, #tpu.memory_space<vmem>>) offsets(%dma_start3A_82 : memref<80xi32, #tpu.memory_space<vmem>>) semaphore(%arg15 : memref<!tpu.dma_semaphore, #tpu.memory_space<semaphore_mem>>)
    %scan3A = arith.constant 0 : i32
    %scan3A_86 = arith.constant 0 : i32
    %scan3A_87 = arith.constant 16 : i32
    %scan3A_88 = arith.addi %scan3A_86, %scan3A_87 : i32
    %scan3A_89 = arith.constant 1 : i32
    scf.for %scan3A_91 = %scan3A_86 to %scan3A_88 step %scan3A_89  : i32 {
      %mul3A_92 = arith.constant 2 : i32
      %mul3A_93 = arith.muli %mul3A_92, %scan3A_91 : i32
      %dma_wait3A = arith.constant 0 : i32
      %dma_wait3A_94 = arith.constant 0 : i32
      %dma_wait3A_95 = tpu.memref_slice %arg7[%dma_wait3A, %dma_wait3A_94] : memref<32x16xi32, #tpu.memory_space<vmem>> -> memref<1x16xi32, #tpu.memory_space<vmem>>
      %dma_wait3A_96 = tpu.memref_squeeze %dma_wait3A_95 : memref<1x16xi32, #tpu.memory_space<vmem>> -> memref<16xi32, #tpu.memory_space<vmem>>
      %dma_wait3A_97 = arith.constant 0 : i32
      %dma_wait3A_98 = arith.constant 0 : i32
      %dma_wait3A_99 = tpu.memref_slice %arg4[%dma_wait3A_97, %dma_wait3A_98] : memref<1000000x64xf32, #tpu.memory_space<hbm>> -> memref<1000000x64xf32, #tpu.memory_space<hbm>>
      tpu.wait_indirect_dma semaphore(%arg14 : memref<!tpu.dma_semaphore, #tpu.memory_space<semaphore_mem>>) src(%dma_wait3A_99 : memref<1000000x64xf32, #tpu.memory_space<hbm>>) dst(%arg9 : memref<16x64xf32, #tpu.memory_space<vmem>>)
      %dma_wait3A_100 = arith.constant 0 : i32
      %dma_wait3A_101 = arith.constant 0 : i32
      %dma_wait3A_102 = arith.constant 0 : i32
      %dma_wait3A_103 = tpu.memref_slice %arg11[%dma_wait3A_101, %dma_wait3A_102] : memref<336x64xf32, #tpu.memory_space<vmem>> -> memref<128x64xf32, #tpu.memory_space<vmem>>
      %dma_wait3A_104 = arith.constant 0 : i32
      %dma_wait3A_105 = tpu.memref_slice %arg8[%dma_wait3A_100, %dma_wait3A_104] : memref<32x336xi32, #tpu.memory_space<vmem>> -> memref<1x128xi32, #tpu.memory_space<vmem>>
      %dma_wait3A_106 = tpu.memref_squeeze %dma_wait3A_105 : memref<1x128xi32, #tpu.memory_space<vmem>> -> memref<128xi32, #tpu.memory_space<vmem>>
      %dma_wait3A_107 = arith.constant 0 : i32
      %dma_wait3A_108 = arith.constant 0 : i32
      %dma_wait3A_109 = tpu.memref_slice %arg5[%dma_wait3A_107, %dma_wait3A_108] : memref<1000000x64xf32, #tpu.memory_space<hbm>> -> memref<1000000x64xf32, #tpu.memory_space<hbm>>
      tpu.wait_indirect_dma semaphore(%arg14 : memref<!tpu.dma_semaphore, #tpu.memory_space<semaphore_mem>>) src(%dma_wait3A_109 : memref<1000000x64xf32, #tpu.memory_space<hbm>>) dst(%dma_wait3A_103 : memref<128x64xf32, #tpu.memory_space<vmem>>)
      %dma_wait3A_110 = arith.constant 0 : i32
      %dma_wait3A_111 = arith.constant 128 : i32
      %dma_wait3A_112 = arith.constant 0 : i32
      %dma_wait3A_113 = tpu.memref_slice %arg11[%dma_wait3A_111, %dma_wait3A_112] : memref<336x64xf32, #tpu.memory_space<vmem>> -> memref<128x64xf32, #tpu.memory_space<vmem>>
      %dma_wait3A_114 = arith.constant 128 : i32
      %dma_wait3A_115 = tpu.memref_slice %arg8[%dma_wait3A_110, %dma_wait3A_114] : memref<32x336xi32, #tpu.memory_space<vmem>> -> memref<1x128xi32, #tpu.memory_space<vmem>>
      %dma_wait3A_116 = tpu.memref_squeeze %dma_wait3A_115 : memref<1x128xi32, #tpu.memory_space<vmem>> -> memref<128xi32, #tpu.memory_space<vmem>>
      %dma_wait3A_117 = arith.constant 0 : i32
      %dma_wait3A_118 = arith.constant 0 : i32
      %dma_wait3A_119 = tpu.memref_slice %arg5[%dma_wait3A_117, %dma_wait3A_118] : memref<1000000x64xf32, #tpu.memory_space<hbm>> -> memref<1000000x64xf32, #tpu.memory_space<hbm>>
      tpu.wait_indirect_dma semaphore(%arg14 : memref<!tpu.dma_semaphore, #tpu.memory_space<semaphore_mem>>) src(%dma_wait3A_119 : memref<1000000x64xf32, #tpu.memory_space<hbm>>) dst(%dma_wait3A_113 : memref<128x64xf32, #tpu.memory_space<vmem>>)
      %dma_wait3A_120 = arith.constant 0 : i32
      %dma_wait3A_121 = arith.constant 256 : i32
      %dma_wait3A_122 = arith.constant 0 : i32
      %dma_wait3A_123 = tpu.memref_slice %arg11[%dma_wait3A_121, %dma_wait3A_122] : memref<336x64xf32, #tpu.memory_space<vmem>> -> memref<80x64xf32, #tpu.memory_space<vmem>>
      %dma_wait3A_124 = arith.constant 256 : i32
      %dma_wait3A_125 = tpu.memref_slice %arg8[%dma_wait3A_120, %dma_wait3A_124] : memref<32x336xi32, #tpu.memory_space<vmem>> -> memref<1x80xi32, #tpu.memory_space<vmem>>
      %dma_wait3A_126 = tpu.memref_squeeze %dma_wait3A_125 : memref<1x80xi32, #tpu.memory_space<vmem>> -> memref<80xi32, #tpu.memory_space<vmem>>
      %dma_wait3A_127 = arith.constant 0 : i32
      %dma_wait3A_128 = arith.constant 0 : i32
      %dma_wait3A_129 = tpu.memref_slice %arg5[%dma_wait3A_127, %dma_wait3A_128] : memref<1000000x64xf32, #tpu.memory_space<hbm>> -> memref<1000000x64xf32, #tpu.memory_space<hbm>>
      tpu.wait_indirect_dma semaphore(%arg14 : memref<!tpu.dma_semaphore, #tpu.memory_space<semaphore_mem>>) src(%dma_wait3A_129 : memref<1000000x64xf32, #tpu.memory_space<hbm>>) dst(%dma_wait3A_123 : memref<80x64xf32, #tpu.memory_space<vmem>>)
      %scan3A_130 = arith.constant 0 : i32
      %scan3A_131 = arith.constant 16 : i32
      %scan3A_132 = arith.addi %scan3A_130, %scan3A_131 : i32
      %scan3A_133 = arith.constant 1 : i32
      %scan3A_134:21 = scf.for %scan3A_485 = %scan3A_130 to %scan3A_132 step %scan3A_133 iter_args(%scan3A_486 = %broadcast_in_dim3A_12, %scan3A_487 = %broadcast_in_dim3A_12, %scan3A_488 = %broadcast_in_dim3A_12, %scan3A_489 = %broadcast_in_dim3A_12, %scan3A_490 = %broadcast_in_dim3A_12, %scan3A_491 = %broadcast_in_dim3A_12, %scan3A_492 = %broadcast_in_dim3A_12, %scan3A_493 = %broadcast_in_dim3A_12, %scan3A_494 = %broadcast_in_dim3A_12, %scan3A_495 = %broadcast_in_dim3A_12, %scan3A_496 = %broadcast_in_dim3A_12, %scan3A_497 = %broadcast_in_dim3A_12, %scan3A_498 = %broadcast_in_dim3A_12, %scan3A_499 = %broadcast_in_dim3A_12, %scan3A_500 = %broadcast_in_dim3A_12, %scan3A_501 = %broadcast_in_dim3A_12, %scan3A_502 = %broadcast_in_dim3A_12, %scan3A_503 = %broadcast_in_dim3A_12, %scan3A_504 = %broadcast_in_dim3A_12, %scan3A_505 = %broadcast_in_dim3A_12, %scan3A_506 = %broadcast_in_dim3A_12) -> (vector<16xf32>, vector<16xf32>, vector<16xf32>, vector<16xf32>, vector<16xf32>, vector<16xf32>, vector<16xf32>, vector<16xf32>, vector<16xf32>, vector<16xf32>, vector<16xf32>, vector<16xf32>, vector<16xf32>, vector<16xf32>, vector<16xf32>, vector<16xf32>, vector<16xf32>, vector<16xf32>, vector<16xf32>, vector<16xf32>, vector<16xf32>)  : i32 {
        %get3A = arith.index_cast %scan3A_485 : i32 to index
        %get3A_507 = arith.constant 0 : index
        %get3A_508 = tpu.vector_load %arg11[%get3A, %get3A_507] {strides = array<i32>} : memref<336x64xf32, #tpu.memory_space<vmem>>, vector<1x16xf32>,
        %get3A_509 = vector.shape_cast %get3A_508 : vector<1x16xf32> to vector<16xf32>
        %get3A_510 = arith.index_cast %scan3A_485 : i32 to index
        %get3A_511 = arith.constant 16 : index
        %get3A_512 = tpu.vector_load %arg11[%get3A_510, %get3A_511] {strides = array<i32>} : memref<336x64xf32, #tpu.memory_space<vmem>>, vector<1x16xf32>,
        %get3A_513 = vector.shape_cast %get3A_512 : vector<1x16xf32> to vector<16xf32>
        %get3A_514 = arith.index_cast %scan3A_485 : i32 to index
        %get3A_515 = arith.constant 32 : index
        %get3A_516 = tpu.vector_load %arg11[%get3A_514, %get3A_515] {strides = array<i32>} : memref<336x64xf32, #tpu.memory_space<vmem>>, vector<1x16xf32>,
        %get3A_517 = vector.shape_cast %get3A_516 : vector<1x16xf32> to vector<16xf32>
        %get3A_518 = arith.index_cast %scan3A_485 : i32 to index
        %get3A_519 = arith.constant 48 : index
        %get3A_520 = tpu.vector_load %arg11[%get3A_518, %get3A_519] {strides = array<i32>} : memref<336x64xf32, #tpu.memory_space<vmem>>, vector<1x16xf32>,
        %get3A_521 = vector.shape_cast %get3A_520 : vector<1x16xf32> to vector<16xf32>
        %get3A_522 = arith.index_cast %scan3A_485 : i32 to index
        %get3A_523 = arith.constant 0 : index
        %get3A_524 = tpu.vector_load %arg9[%get3A_522, %get3A_523] {strides = array<i32>} : memref<16x64xf32, #tpu.memory_space<vmem>>, vector<1x16xf32>,
        %get3A_525 = vector.shape_cast %get3A_524 : vector<1x16xf32> to vector<16xf32>
        %mul3A_526 = arith.mulf %get3A_525, %get3A_509 : vector<16xf32>
        %get3A_527 = arith.index_cast %scan3A_485 : i32 to index
        %get3A_528 = arith.constant 16 : index
        %get3A_529 = tpu.vector_load %arg9[%get3A_527, %get3A_528] {strides = array<i32>} : memref<16x64xf32, #tpu.memory_space<vmem>>, vector<1x16xf32>,
        %get3A_530 = vector.shape_cast %get3A_529 : vector<1x16xf32> to vector<16xf32>
        %mul3A_531 = arith.mulf %get3A_530, %get3A_513 : vector<16xf32>
        %add3A_532 = arith.addf %mul3A_526, %mul3A_531 : vector<16xf32>
        %get3A_533 = arith.index_cast %scan3A_485 : i32 to index
        %get3A_534 = arith.constant 32 : index
        %get3A_535 = tpu.vector_load %arg9[%get3A_533, %get3A_534] {strides = array<i32>} : memref<16x64xf32, #tpu.memory_space<vmem>>, vector<1x16xf32>,
        %get3A_536 = vector.shape_cast %get3A_535 : vector<1x16xf32> to vector<16xf32>
        %mul3A_537 = arith.mulf %get3A_536, %get3A_517 : vector<16xf32>
        %add3A_538 = arith.addf %add3A_532, %mul3A_537 : vector<16xf32>
        %get3A_539 = arith.index_cast %scan3A_485 : i32 to index
        %get3A_540 = arith.constant 48 : index
        %get3A_541 = tpu.vector_load %arg9[%get3A_539, %get3A_540] {strides = array<i32>} : memref<16x64xf32, #tpu.memory_space<vmem>>, vector<1x16xf32>,
        %get3A_542 = vector.shape_cast %get3A_541 : vector<1x16xf32> to vector<16xf32>
        %mul3A_543 = arith.mulf %get3A_542, %get3A_521 : vector<16xf32>
        %add3A_544 = arith.addf %add3A_538, %mul3A_543 : vector<16xf32>
        %eq3A = vector.broadcast %scan3A_485 : i32 to vector<16xi32>
        %eq3A_545 = arith.cmpi eq, %iota3A, %eq3A : vector<16xi32>
        %lt3A_546 = arith.constant 0 : i32
        %lt3A_547 = vector.broadcast %lt3A_546 : i32 to vector<16xi32>
        %lt3A_548 = arith.cmpi slt, %xor3A_2, %lt3A_547 : vector<16xi32>
        %add3A_549 = arith.constant 16 : i32
        %add3A_550 = vector.broadcast %add3A_549 : i32 to vector<16xi32>
        %add3A_551 = arith.addi %xor3A_2, %add3A_550 : vector<16xi32>
        %select_n3A = arith.select %lt3A_548, %add3A_551, %xor3A_2 : vector<16xi1>, vector<16xi32>
        %broadcast_in_dim3A_552 = vector.shape_cast %select_n3A : vector<16xi32> to vector<16x1xi32>
        %gather3A = vector.shape_cast %broadcast_in_dim3A_552 : vector<16x1xi32> to vector<16xi32>
        %gather3A_553 = tpu.dynamic_gather %add3A_544[%gather3A] in [0] : vector<16xf32>, vector<16xi32> -> vector<16xf32>
        %add3A_554 = arith.addf %add3A_544, %gather3A_553 : vector<16xf32>
        %lt3A_555 = arith.constant 0 : i32
        %lt3A_556 = vector.broadcast %lt3A_555 : i32 to vector<16xi32>
        %lt3A_557 = arith.cmpi slt, %xor3A_5, %lt3A_556 : vector<16xi32>
        %add3A_558 = arith.constant 16 : i32
        %add3A_559 = vector.broadcast %add3A_558 : i32 to vector<16xi32>
        %add3A_560 = arith.addi %xor3A_5, %add3A_559 : vector<16xi32>
        %select_n3A_561 = arith.select %lt3A_557, %add3A_560, %xor3A_5 : vector<16xi1>, vector<16xi32>
        %broadcast_in_dim3A_562 = vector.shape_cast %select_n3A_561 : vector<16xi32> to vector<16x1xi32>
        %gather3A_563 = vector.shape_cast %broadcast_in_dim3A_562 : vector<16x1xi32> to vector<16xi32>
        %gather3A_564 = tpu.dynamic_gather %add3A_554[%gather3A_563] in [0] : vector<16xf32>, vector<16xi32> -> vector<16xf32>
        %add3A_565 = arith.addf %add3A_554, %gather3A_564 : vector<16xf32>
        %lt3A_566 = arith.constant 0 : i32
        %lt3A_567 = vector.broadcast %lt3A_566 : i32 to vector<16xi32>
        %lt3A_568 = arith.cmpi slt, %xor3A_8, %lt3A_567 : vector<16xi32>
        %add3A_569 = arith.constant 16 : i32
        %add3A_570 = vector.broadcast %add3A_569 : i32 to vector<16xi32>
        %add3A_571 = arith.addi %xor3A_8, %add3A_570 : vector<16xi32>
        %select_n3A_572 = arith.select %lt3A_568, %add3A_571, %xor3A_8 : vector<16xi1>, vector<16xi32>
        %broadcast_in_dim3A_573 = vector.shape_cast %select_n3A_572 : vector<16xi32> to vector<16x1xi32>
        %gather3A_574 = vector.shape_cast %broadcast_in_dim3A_573 : vector<16x1xi32> to vector<16xi32>
        %gather3A_575 = tpu.dynamic_gather %add3A_565[%gather3A_574] in [0] : vector<16xf32>, vector<16xi32> -> vector<16xf32>
        %add3A_576 = arith.addf %add3A_565, %gather3A_575 : vector<16xf32>
        %lt3A_577 = arith.constant 0 : i32
        %lt3A_578 = vector.broadcast %lt3A_577 : i32 to vector<16xi32>
        %lt3A_579 = arith.cmpi slt, %xor3A_11, %lt3A_578 : vector<16xi32>
        %add3A_580 = arith.constant 16 : i32
        %add3A_581 = vector.broadcast %add3A_580 : i32 to vector<16xi32>
        %add3A_582 = arith.addi %xor3A_11, %add3A_581 : vector<16xi32>
        %select_n3A_583 = arith.select %lt3A_579, %add3A_582, %xor3A_11 : vector<16xi1>, vector<16xi32>
        %broadcast_in_dim3A_584 = vector.shape_cast %select_n3A_583 : vector<16xi32> to vector<16x1xi32>
        %gather3A_585 = vector.shape_cast %broadcast_in_dim3A_584 : vector<16x1xi32> to vector<16xi32>
        %gather3A_586 = tpu.dynamic_gather %add3A_576[%gather3A_585] in [0] : vector<16xf32>, vector<16xi32> -> vector<16xf32>
        %add3A_587 = arith.addf %add3A_576, %gather3A_586 : vector<16xf32>
        %select_n3A_588 = arith.select %eq3A_545, %add3A_587, %scan3A_486 : vector<16xi1>, vector<16xf32>
        %mul3A_589 = arith.constant 20 : i32
        %mul3A_590 = arith.muli %scan3A_485, %mul3A_589 : i32
        %add3A_591 = arith.constant 16 : i32
        %add3A_592 = arith.addi %add3A_591, %mul3A_590 : i32
        %add3A_593 = arith.constant 0 : i32
        %add3A_594 = arith.addi %add3A_592, %add3A_593 : i32
        %get3A_595 = arith.index_cast %add3A_594 : i32 to index
        %get3A_596 = arith.constant 0 : index
        %get3A_597 = tpu.vector_load %arg11[%get3A_595, %get3A_596] {strides = array<i32>} : memref<336x64xf32, #tpu.memory_space<vmem>>, vector<1x16xf32>,
        %get3A_598 = vector.shape_cast %get3A_597 : vector<1x16xf32> to vector<16xf32>
        %mul3A_599 = arith.mulf %get3A_598, %get3A_509 : vector<16xf32>
        %get3A_600 = arith.index_cast %add3A_594 : i32 to index
        %get3A_601 = arith.constant 16 : index
        %get3A_602 = tpu.vector_load %arg11[%get3A_600, %get3A_601] {strides = array<i32>} : memref<336x64xf32, #tpu.memory_space<vmem>>, vector<1x16xf32>,
        %get3A_603 = vector.shape_cast %get3A_602 : vector<1x16xf32> to vector<16xf32>
        %mul3A_604 = arith.mulf %get3A_603, %get3A_513 : vector<16xf32>
        %add3A_605 = arith.addf %mul3A_599, %mul3A_604 : vector<16xf32>
        %get3A_606 = arith.index_cast %add3A_594 : i32 to index
        %get3A_607 = arith.constant 32 : index
        %get3A_608 = tpu.vector_load %arg11[%get3A_606, %get3A_607] {strides = array<i32>} : memref<336x64xf32, #tpu.memory_space<vmem>>, vector<1x16xf32>,
        %get3A_609 = vector.shape_cast %get3A_608 : vector<1x16xf32> to vector<16xf32>
        %mul3A_610 = arith.mulf %get3A_609, %get3A_517 : vector<16xf32>
        %add3A_611 = arith.addf %add3A_605, %mul3A_610 : vector<16xf32>
        %get3A_612 = arith.index_cast %add3A_594 : i32 to index
        %get3A_613 = arith.constant 48 : index
        %get3A_614 = tpu.vector_load %arg11[%get3A_612, %get3A_613] {strides = array<i32>} : memref<336x64xf32, #tpu.memory_space<vmem>>, vector<1x16xf32>,
        %get3A_615 = vector.shape_cast %get3A_614 : vector<1x16xf32> to vector<16xf32>
        %mul3A_616 = arith.mulf %get3A_615, %get3A_521 : vector<16xf32>
        %add3A_617 = arith.addf %add3A_611, %mul3A_616 : vector<16xf32>
        %lt3A_618 = arith.constant 0 : i32
        %lt3A_619 = vector.broadcast %lt3A_618 : i32 to vector<16xi32>
        %lt3A_620 = arith.cmpi slt, %xor3A_2, %lt3A_619 : vector<16xi32>
        %add3A_621 = arith.constant 16 : i32
        %add3A_622 = vector.broadcast %add3A_621 : i32 to vector<16xi32>
        %add3A_623 = arith.addi %xor3A_2, %add3A_622 : vector<16xi32>
        %select_n3A_624 = arith.select %lt3A_620, %add3A_623, %xor3A_2 : vector<16xi1>, vector<16xi32>
        %broadcast_in_dim3A_625 = vector.shape_cast %select_n3A_624 : vector<16xi32> to vector<16x1xi32>
        %gather3A_626 = vector.shape_cast %broadcast_in_dim3A_625 : vector<16x1xi32> to vector<16xi32>
        %gather3A_627 = tpu.dynamic_gather %add3A_617[%gather3A_626] in [0] : vector<16xf32>, vector<16xi32> -> vector<16xf32>
        %add3A_628 = arith.addf %add3A_617, %gather3A_627 : vector<16xf32>
        %lt3A_629 = arith.constant 0 : i32
        %lt3A_630 = vector.broadcast %lt3A_629 : i32 to vector<16xi32>
        %lt3A_631 = arith.cmpi slt, %xor3A_5, %lt3A_630 : vector<16xi32>
        %add3A_632 = arith.constant 16 : i32
        %add3A_633 = vector.broadcast %add3A_632 : i32 to vector<16xi32>
        %add3A_634 = arith.addi %xor3A_5, %add3A_633 : vector<16xi32>
        %select_n3A_635 = arith.select %lt3A_631, %add3A_634, %xor3A_5 : vector<16xi1>, vector<16xi32>
        %broadcast_in_dim3A_636 = vector.shape_cast %select_n3A_635 : vector<16xi32> to vector<16x1xi32>
        %gather3A_637 = vector.shape_cast %broadcast_in_dim3A_636 : vector<16x1xi32> to vector<16xi32>
        %gather3A_638 = tpu.dynamic_gather %add3A_628[%gather3A_637] in [0] : vector<16xf32>, vector<16xi32> -> vector<16xf32>
        %add3A_639 = arith.addf %add3A_628, %gather3A_638 : vector<16xf32>
        %lt3A_640 = arith.constant 0 : i32
        %lt3A_641 = vector.broadcast %lt3A_640 : i32 to vector<16xi32>
        %lt3A_642 = arith.cmpi slt, %xor3A_8, %lt3A_641 : vector<16xi32>
        %add3A_643 = arith.constant 16 : i32
        %add3A_644 = vector.broadcast %add3A_643 : i32 to vector<16xi32>
        %add3A_645 = arith.addi %xor3A_8, %add3A_644 : vector<16xi32>
        %select_n3A_646 = arith.select %lt3A_642, %add3A_645, %xor3A_8 : vector<16xi1>, vector<16xi32>
        %broadcast_in_dim3A_647 = vector.shape_cast %select_n3A_646 : vector<16xi32> to vector<16x1xi32>
        %gather3A_648 = vector.shape_cast %broadcast_in_dim3A_647 : vector<16x1xi32> to vector<16xi32>
        %gather3A_649 = tpu.dynamic_gather %add3A_639[%gather3A_648] in [0] : vector<16xf32>, vector<16xi32> -> vector<16xf32>
        %add3A_650 = arith.addf %add3A_639, %gather3A_649 : vector<16xf32>
        %lt3A_651 = arith.constant 0 : i32
        %lt3A_652 = vector.broadcast %lt3A_651 : i32 to vector<16xi32>
        %lt3A_653 = arith.cmpi slt, %xor3A_11, %lt3A_652 : vector<16xi32>
        %add3A_654 = arith.constant 16 : i32
        %add3A_655 = vector.broadcast %add3A_654 : i32 to vector<16xi32>
        %add3A_656 = arith.addi %xor3A_11, %add3A_655 : vector<16xi32>
        %select_n3A_657 = arith.select %lt3A_653, %add3A_656, %xor3A_11 : vector<16xi1>, vector<16xi32>
        %broadcast_in_dim3A_658 = vector.shape_cast %select_n3A_657 : vector<16xi32> to vector<16x1xi32>
        %gather3A_659 = vector.shape_cast %broadcast_in_dim3A_658 : vector<16x1xi32> to vector<16xi32>
        %gather3A_660 = tpu.dynamic_gather %add3A_650[%gather3A_659] in [0] : vector<16xf32>, vector<16xi32> -> vector<16xf32>
        %add3A_661 = arith.addf %add3A_650, %gather3A_660 : vector<16xf32>
        %neg3A = arith.constant 0.000000e+00 : f32
        %neg3A_662 = vector.broadcast %neg3A : f32 to vector<16xf32>
        %neg3A_663 = arith.subf %neg3A_662, %add3A_661 : vector<16xf32>
        %select_n3A_664 = arith.select %eq3A_545, %neg3A_663, %scan3A_487 : vector<16xi1>, vector<16xf32>
        %mul3A_665 = arith.constant 20 : i32
        %mul3A_666 = arith.muli %scan3A_485, %mul3A_665 : i32
        %add3A_667 = arith.constant 16 : i32
        %add3A_668 = arith.addi %add3A_667, %mul3A_666 : i32
        %add3A_669 = arith.constant 1 : i32
        %add3A_670 = arith.addi %add3A_668, %add3A_669 : i32
        %get3A_671 = arith.index_cast %add3A_670 : i32 to index
        %get3A_672 = arith.constant 0 : index
        %get3A_673 = tpu.vector_load %arg11[%get3A_671, %get3A_672] {strides = array<i32>} : memref<336x64xf32, #tpu.memory_space<vmem>>, vector<1x16xf32>,
        %get3A_674 = vector.shape_cast %get3A_673 : vector<1x16xf32> to vector<16xf32>
        %mul3A_675 = arith.mulf %get3A_674, %get3A_509 : vector<16xf32>
        %get3A_676 = arith.index_cast %add3A_670 : i32 to index
        %get3A_677 = arith.constant 16 : index
        %get3A_678 = tpu.vector_load %arg11[%get3A_676, %get3A_677] {strides = array<i32>} : memref<336x64xf32, #tpu.memory_space<vmem>>, vector<1x16xf32>,
        %get3A_679 = vector.shape_cast %get3A_678 : vector<1x16xf32> to vector<16xf32>
        %mul3A_680 = arith.mulf %get3A_679, %get3A_513 : vector<16xf32>
        %add3A_681 = arith.addf %mul3A_675, %mul3A_680 : vector<16xf32>
        %get3A_682 = arith.index_cast %add3A_670 : i32 to index
        %get3A_683 = arith.constant 32 : index
        %get3A_684 = tpu.vector_load %arg11[%get3A_682, %get3A_683] {strides = array<i32>} : memref<336x64xf32, #tpu.memory_space<vmem>>, vector<1x16xf32>,
        %get3A_685 = vector.shape_cast %get3A_684 : vector<1x16xf32> to vector<16xf32>
        %mul3A_686 = arith.mulf %get3A_685, %get3A_517 : vector<16xf32>
        %add3A_687 = arith.addf %add3A_681, %mul3A_686 : vector<16xf32>
        %get3A_688 = arith.index_cast %add3A_670 : i32 to index
        %get3A_689 = arith.constant 48 : index
        %get3A_690 = tpu.vector_load %arg11[%get3A_688, %get3A_689] {strides = array<i32>} : memref<336x64xf32, #tpu.memory_space<vmem>>, vector<1x16xf32>,
        %get3A_691 = vector.shape_cast %get3A_690 : vector<1x16xf32> to vector<16xf32>
        %mul3A_692 = arith.mulf %get3A_691, %get3A_521 : vector<16xf32>
        %add3A_693 = arith.addf %add3A_687, %mul3A_692 : vector<16xf32>
        %lt3A_694 = arith.constant 0 : i32
        %lt3A_695 = vector.broadcast %lt3A_694 : i32 to vector<16xi32>
        %lt3A_696 = arith.cmpi slt, %xor3A_2, %lt3A_695 : vector<16xi32>
        %add3A_697 = arith.constant 16 : i32
        %add3A_698 = vector.broadcast %add3A_697 : i32 to vector<16xi32>
        %add3A_699 = arith.addi %xor3A_2, %add3A_698 : vector<16xi32>
        %select_n3A_700 = arith.select %lt3A_696, %add3A_699, %xor3A_2 : vector<16xi1>, vector<16xi32>
        %broadcast_in_dim3A_701 = vector.shape_cast %select_n3A_700 : vector<16xi32> to vector<16x1xi32>
        %gather3A_702 = vector.shape_cast %broadcast_in_dim3A_701 : vector<16x1xi32> to vector<16xi32>
        %gather3A_703 = tpu.dynamic_gather %add3A_693[%gather3A_702] in [0] : vector<16xf32>, vector<16xi32> -> vector<16xf32>
        %add3A_704 = arith.addf %add3A_693, %gather3A_703 : vector<16xf32>
        %lt3A_705 = arith.constant 0 : i32
        %lt3A_706 = vector.broadcast %lt3A_705 : i32 to vector<16xi32>
        %lt3A_707 = arith.cmpi slt, %xor3A_5, %lt3A_706 : vector<16xi32>
        %add3A_708 = arith.constant 16 : i32
        %add3A_709 = vector.broadcast %add3A_708 : i32 to vector<16xi32>
        %add3A_710 = arith.addi %xor3A_5, %add3A_709 : vector<16xi32>
        %select_n3A_711 = arith.select %lt3A_707, %add3A_710, %xor3A_5 : vector<16xi1>, vector<16xi32>
        %broadcast_in_dim3A_712 = vector.shape_cast %select_n3A_711 : vector<16xi32> to vector<16x1xi32>
        %gather3A_713 = vector.shape_cast %broadcast_in_dim3A_712 : vector<16x1xi32> to vector<16xi32>
        %gather3A_714 = tpu.dynamic_gather %add3A_704[%gather3A_713] in [0] : vector<16xf32>, vector<16xi32> -> vector<16xf32>
        %add3A_715 = arith.addf %add3A_704, %gather3A_714 : vector<16xf32>
        %lt3A_716 = arith.constant 0 : i32
        %lt3A_717 = vector.broadcast %lt3A_716 : i32 to vector<16xi32>
        %lt3A_718 = arith.cmpi slt, %xor3A_8, %lt3A_717 : vector<16xi32>
        %add3A_719 = arith.constant 16 : i32
        %add3A_720 = vector.broadcast %add3A_719 : i32 to vector<16xi32>
        %add3A_721 = arith.addi %xor3A_8, %add3A_720 : vector<16xi32>
        %select_n3A_722 = arith.select %lt3A_718, %add3A_721, %xor3A_8 : vector<16xi1>, vector<16xi32>
        %broadcast_in_dim3A_723 = vector.shape_cast %select_n3A_722 : vector<16xi32> to vector<16x1xi32>
        %gather3A_724 = vector.shape_cast %broadcast_in_dim3A_723 : vector<16x1xi32> to vector<16xi32>
        %gather3A_725 = tpu.dynamic_gather %add3A_715[%gather3A_724] in [0] : vector<16xf32>, vector<16xi32> -> vector<16xf32>
        %add3A_726 = arith.addf %add3A_715, %gather3A_725 : vector<16xf32>
        %lt3A_727 = arith.constant 0 : i32
        %lt3A_728 = vector.broadcast %lt3A_727 : i32 to vector<16xi32>
        %lt3A_729 = arith.cmpi slt, %xor3A_11, %lt3A_728 : vector<16xi32>
        %add3A_730 = arith.constant 16 : i32
        %add3A_731 = vector.broadcast %add3A_730 : i32 to vector<16xi32>
        %add3A_732 = arith.addi %xor3A_11, %add3A_731 : vector<16xi32>
        %select_n3A_733 = arith.select %lt3A_729, %add3A_732, %xor3A_11 : vector<16xi1>, vector<16xi32>
        %broadcast_in_dim3A_734 = vector.shape_cast %select_n3A_733 : vector<16xi32> to vector<16x1xi32>
        %gather3A_735 = vector.shape_cast %broadcast_in_dim3A_734 : vector<16x1xi32> to vector<16xi32>
        %gather3A_736 = tpu.dynamic_gather %add3A_726[%gather3A_735] in [0] : vector<16xf32>, vector<16xi32> -> vector<16xf32>
        %add3A_737 = arith.addf %add3A_726, %gather3A_736 : vector<16xf32>
        %neg3A_738 = arith.constant 0.000000e+00 : f32
        %neg3A_739 = vector.broadcast %neg3A_738 : f32 to vector<16xf32>
        %neg3A_740 = arith.subf %neg3A_739, %add3A_737 : vector<16xf32>
        %select_n3A_741 = arith.select %eq3A_545, %neg3A_740, %scan3A_488 : vector<16xi1>, vector<16xf32>
        %mul3A_742 = arith.constant 20 : i32
        %mul3A_743 = arith.muli %scan3A_485, %mul3A_742 : i32
        %add3A_744 = arith.constant 16 : i32
        %add3A_745 = arith.addi %add3A_744, %mul3A_743 : i32
        %add3A_746 = arith.constant 2 : i32
        %add3A_747 = arith.addi %add3A_745, %add3A_746 : i32
        %get3A_748 = arith.index_cast %add3A_747 : i32 to index
        %get3A_749 = arith.constant 0 : index
        %get3A_750 = tpu.vector_load %arg11[%get3A_748, %get3A_749] {strides = array<i32>} : memref<336x64xf32, #tpu.memory_space<vmem>>, vector<1x16xf32>,
        %get3A_751 = vector.shape_cast %get3A_750 : vector<1x16xf32> to vector<16xf32>
        %mul3A_752 = arith.mulf %get3A_751, %get3A_509 : vector<16xf32>
        %get3A_753 = arith.index_cast %add3A_747 : i32 to index
        %get3A_754 = arith.constant 16 : index
        %get3A_755 = tpu.vector_load %arg11[%get3A_753, %get3A_754] {strides = array<i32>} : memref<336x64xf32, #tpu.memory_space<vmem>>, vector<1x16xf32>,
        %get3A_756 = vector.shape_cast %get3A_755 : vector<1x16xf32> to vector<16xf32>
        %mul3A_757 = arith.mulf %get3A_756, %get3A_513 : vector<16xf32>
        %add3A_758 = arith.addf %mul3A_752, %mul3A_757 : vector<16xf32>
        %get3A_759 = arith.index_cast %add3A_747 : i32 to index
        %get3A_760 = arith.constant 32 : index
        %get3A_761 = tpu.vector_load %arg11[%get3A_759, %get3A_760] {strides = array<i32>} : memref<336x64xf32, #tpu.memory_space<vmem>>, vector<1x16xf32>,
        %get3A_762 = vector.shape_cast %get3A_761 : vector<1x16xf32> to vector<16xf32>
        %mul3A_763 = arith.mulf %get3A_762, %get3A_517 : vector<16xf32>
        %add3A_764 = arith.addf %add3A_758, %mul3A_763 : vector<16xf32>
        %get3A_765 = arith.index_cast %add3A_747 : i32 to index
        %get3A_766 = arith.constant 48 : index
        %get3A_767 = tpu.vector_load %arg11[%get3A_765, %get3A_766] {strides = array<i32>} : memref<336x64xf32, #tpu.memory_space<vmem>>, vector<1x16xf32>,
        %get3A_768 = vector.shape_cast %get3A_767 : vector<1x16xf32> to vector<16xf32>
        %mul3A_769 = arith.mulf %get3A_768, %get3A_521 : vector<16xf32>
        %add3A_770 = arith.addf %add3A_764, %mul3A_769 : vector<16xf32>
        %lt3A_771 = arith.constant 0 : i32
        %lt3A_772 = vector.broadcast %lt3A_771 : i32 to vector<16xi32>
        %lt3A_773 = arith.cmpi slt, %xor3A_2, %lt3A_772 : vector<16xi32>
        %add3A_774 = arith.constant 16 : i32
        %add3A_775 = vector.broadcast %add3A_774 : i32 to vector<16xi32>
        %add3A_776 = arith.addi %xor3A_2, %add3A_775 : vector<16xi32>
        %select_n3A_777 = arith.select %lt3A_773, %add3A_776, %xor3A_2 : vector<16xi1>, vector<16xi32>
        %broadcast_in_dim3A_778 = vector.shape_cast %select_n3A_777 : vector<16xi32> to vector<16x1xi32>
        %gather3A_779 = vector.shape_cast %broadcast_in_dim3A_778 : vector<16x1xi32> to vector<16xi32>
        %gather3A_780 = tpu.dynamic_gather %add3A_770[%gather3A_779] in [0] : vector<16xf32>, vector<16xi32> -> vector<16xf32>
        %add3A_781 = arith.addf %add3A_770, %gather3A_780 : vector<16xf32>
        %lt3A_782 = arith.constant 0 : i32
        %lt3A_783 = vector.broadcast %lt3A_782 : i32 to vector<16xi32>
        %lt3A_784 = arith.cmpi slt, %xor3A_5, %lt3A_783 : vector<16xi32>
        %add3A_785 = arith.constant 16 : i32
        %add3A_786 = vector.broadcast %add3A_785 : i32 to vector<16xi32>
        %add3A_787 = arith.addi %xor3A_5, %add3A_786 : vector<16xi32>
        %select_n3A_788 = arith.select %lt3A_784, %add3A_787, %xor3A_5 : vector<16xi1>, vector<16xi32>
        %broadcast_in_dim3A_789 = vector.shape_cast %select_n3A_788 : vector<16xi32> to vector<16x1xi32>
        %gather3A_790 = vector.shape_cast %broadcast_in_dim3A_789 : vector<16x1xi32> to vector<16xi32>
        %gather3A_791 = tpu.dynamic_gather %add3A_781[%gather3A_790] in [0] : vector<16xf32>, vector<16xi32> -> vector<16xf32>
        %add3A_792 = arith.addf %add3A_781, %gather3A_791 : vector<16xf32>
        %lt3A_793 = arith.constant 0 : i32
        %lt3A_794 = vector.broadcast %lt3A_793 : i32 to vector<16xi32>
        %lt3A_795 = arith.cmpi slt, %xor3A_8, %lt3A_794 : vector<16xi32>
        %add3A_796 = arith.constant 16 : i32
        %add3A_797 = vector.broadcast %add3A_796 : i32 to vector<16xi32>
        %add3A_798 = arith.addi %xor3A_8, %add3A_797 : vector<16xi32>
        %select_n3A_799 = arith.select %lt3A_795, %add3A_798, %xor3A_8 : vector<16xi1>, vector<16xi32>
        %broadcast_in_dim3A_800 = vector.shape_cast %select_n3A_799 : vector<16xi32> to vector<16x1xi32>
        %gather3A_801 = vector.shape_cast %broadcast_in_dim3A_800 : vector<16x1xi32> to vector<16xi32>
        %gather3A_802 = tpu.dynamic_gather %add3A_792[%gather3A_801] in [0] : vector<16xf32>, vector<16xi32> -> vector<16xf32>
        %add3A_803 = arith.addf %add3A_792, %gather3A_802 : vector<16xf32>
        %lt3A_804 = arith.constant 0 : i32
        %lt3A_805 = vector.broadcast %lt3A_804 : i32 to vector<16xi32>
        %lt3A_806 = arith.cmpi slt, %xor3A_11, %lt3A_805 : vector<16xi32>
        %add3A_807 = arith.constant 16 : i32
        %add3A_808 = vector.broadcast %add3A_807 : i32 to vector<16xi32>
        %add3A_809 = arith.addi %xor3A_11, %add3A_808 : vector<16xi32>
        %select_n3A_810 = arith.select %lt3A_806, %add3A_809, %xor3A_11 : vector<16xi1>, vector<16xi32>
        %broadcast_in_dim3A_811 = vector.shape_cast %select_n3A_810 : vector<16xi32> to vector<16x1xi32>
        %gather3A_812 = vector.shape_cast %broadcast_in_dim3A_811 : vector<16x1xi32> to vector<16xi32>
        %gather3A_813 = tpu.dynamic_gather %add3A_803[%gather3A_812] in [0] : vector<16xf32>, vector<16xi32> -> vector<16xf32>
        %add3A_814 = arith.addf %add3A_803, %gather3A_813 : vector<16xf32>
        %neg3A_815 = arith.constant 0.000000e+00 : f32
        %neg3A_816 = vector.broadcast %neg3A_815 : f32 to vector<16xf32>
        %neg3A_817 = arith.subf %neg3A_816, %add3A_814 : vector<16xf32>
        %select_n3A_818 = arith.select %eq3A_545, %neg3A_817, %scan3A_489 : vector<16xi1>, vector<16xf32>
        %mul3A_819 = arith.constant 20 : i32
        %mul3A_820 = arith.muli %scan3A_485, %mul3A_819 : i32
        %add3A_821 = arith.constant 16 : i32
        %add3A_822 = arith.addi %add3A_821, %mul3A_820 : i32
        %add3A_823 = arith.constant 3 : i32
        %add3A_824 = arith.addi %add3A_822, %add3A_823 : i32
        %get3A_825 = arith.index_cast %add3A_824 : i32 to index
        %get3A_826 = arith.constant 0 : index
        %get3A_827 = tpu.vector_load %arg11[%get3A_825, %get3A_826] {strides = array<i32>} : memref<336x64xf32, #tpu.memory_space<vmem>>, vector<1x16xf32>,
        %get3A_828 = vector.shape_cast %get3A_827 : vector<1x16xf32> to vector<16xf32>
        %mul3A_829 = arith.mulf %get3A_828, %get3A_509 : vector<16xf32>
        %get3A_830 = arith.index_cast %add3A_824 : i32 to index
        %get3A_831 = arith.constant 16 : index
        %get3A_832 = tpu.vector_load %arg11[%get3A_830, %get3A_831] {strides = array<i32>} : memref<336x64xf32, #tpu.memory_space<vmem>>, vector<1x16xf32>,
        %get3A_833 = vector.shape_cast %get3A_832 : vector<1x16xf32> to vector<16xf32>
        %mul3A_834 = arith.mulf %get3A_833, %get3A_513 : vector<16xf32>
        %add3A_835 = arith.addf %mul3A_829, %mul3A_834 : vector<16xf32>
        %get3A_836 = arith.index_cast %add3A_824 : i32 to index
        %get3A_837 = arith.constant 32 : index
        %get3A_838 = tpu.vector_load %arg11[%get3A_836, %get3A_837] {strides = array<i32>} : memref<336x64xf32, #tpu.memory_space<vmem>>, vector<1x16xf32>,
        %get3A_839 = vector.shape_cast %get3A_838 : vector<1x16xf32> to vector<16xf32>
        %mul3A_840 = arith.mulf %get3A_839, %get3A_517 : vector<16xf32>
        %add3A_841 = arith.addf %add3A_835, %mul3A_840 : vector<16xf32>
        %get3A_842 = arith.index_cast %add3A_824 : i32 to index
        %get3A_843 = arith.constant 48 : index
        %get3A_844 = tpu.vector_load %arg11[%get3A_842, %get3A_843] {strides = array<i32>} : memref<336x64xf32, #tpu.memory_space<vmem>>, vector<1x16xf32>,
        %get3A_845 = vector.shape_cast %get3A_844 : vector<1x16xf32> to vector<16xf32>
        %mul3A_846 = arith.mulf %get3A_845, %get3A_521 : vector<16xf32>
        %add3A_847 = arith.addf %add3A_841, %mul3A_846 : vector<16xf32>
        %lt3A_848 = arith.constant 0 : i32
        %lt3A_849 = vector.broadcast %lt3A_848 : i32 to vector<16xi32>
        %lt3A_850 = arith.cmpi slt, %xor3A_2, %lt3A_849 : vector<16xi32>
        %add3A_851 = arith.constant 16 : i32
        %add3A_852 = vector.broadcast %add3A_851 : i32 to vector<16xi32>
        %add3A_853 = arith.addi %xor3A_2, %add3A_852 : vector<16xi32>
        %select_n3A_854 = arith.select %lt3A_850, %add3A_853, %xor3A_2 : vector<16xi1>, vector<16xi32>
        %broadcast_in_dim3A_855 = vector.shape_cast %select_n3A_854 : vector<16xi32> to vector<16x1xi32>
        %gather3A_856 = vector.shape_cast %broadcast_in_dim3A_855 : vector<16x1xi32> to vector<16xi32>
        %gather3A_857 = tpu.dynamic_gather %add3A_847[%gather3A_856] in [0] : vector<16xf32>, vector<16xi32> -> vector<16xf32>
        %add3A_858 = arith.addf %add3A_847, %gather3A_857 : vector<16xf32>
        %lt3A_859 = arith.constant 0 : i32
        %lt3A_860 = vector.broadcast %lt3A_859 : i32 to vector<16xi32>
        %lt3A_861 = arith.cmpi slt, %xor3A_5, %lt3A_860 : vector<16xi32>
        %add3A_862 = arith.constant 16 : i32
        %add3A_863 = vector.broadcast %add3A_862 : i32 to vector<16xi32>
        %add3A_864 = arith.addi %xor3A_5, %add3A_863 : vector<16xi32>
        %select_n3A_865 = arith.select %lt3A_861, %add3A_864, %xor3A_5 : vector<16xi1>, vector<16xi32>
        %broadcast_in_dim3A_866 = vector.shape_cast %select_n3A_865 : vector<16xi32> to vector<16x1xi32>
        %gather3A_867 = vector.shape_cast %broadcast_in_dim3A_866 : vector<16x1xi32> to vector<16xi32>
        %gather3A_868 = tpu.dynamic_gather %add3A_858[%gather3A_867] in [0] : vector<16xf32>, vector<16xi32> -> vector<16xf32>
        %add3A_869 = arith.addf %add3A_858, %gather3A_868 : vector<16xf32>
        %lt3A_870 = arith.constant 0 : i32
        %lt3A_871 = vector.broadcast %lt3A_870 : i32 to vector<16xi32>
        %lt3A_872 = arith.cmpi slt, %xor3A_8, %lt3A_871 : vector<16xi32>
        %add3A_873 = arith.constant 16 : i32
        %add3A_874 = vector.broadcast %add3A_873 : i32 to vector<16xi32>
        %add3A_875 = arith.addi %xor3A_8, %add3A_874 : vector<16xi32>
        %select_n3A_876 = arith.select %lt3A_872, %add3A_875, %xor3A_8 : vector<16xi1>, vector<16xi32>
        %broadcast_in_dim3A_877 = vector.shape_cast %select_n3A_876 : vector<16xi32> to vector<16x1xi32>
        %gather3A_878 = vector.shape_cast %broadcast_in_dim3A_877 : vector<16x1xi32> to vector<16xi32>
        %gather3A_879 = tpu.dynamic_gather %add3A_869[%gather3A_878] in [0] : vector<16xf32>, vector<16xi32> -> vector<16xf32>
        %add3A_880 = arith.addf %add3A_869, %gather3A_879 : vector<16xf32>
        %lt3A_881 = arith.constant 0 : i32
        %lt3A_882 = vector.broadcast %lt3A_881 : i32 to vector<16xi32>
        %lt3A_883 = arith.cmpi slt, %xor3A_11, %lt3A_882 : vector<16xi32>
        %add3A_884 = arith.constant 16 : i32
        %add3A_885 = vector.broadcast %add3A_884 : i32 to vector<16xi32>
        %add3A_886 = arith.addi %xor3A_11, %add3A_885 : vector<16xi32>
        %select_n3A_887 = arith.select %lt3A_883, %add3A_886, %xor3A_11 : vector<16xi1>, vector<16xi32>
        %broadcast_in_dim3A_888 = vector.shape_cast %select_n3A_887 : vector<16xi32> to vector<16x1xi32>
        %gather3A_889 = vector.shape_cast %broadcast_in_dim3A_888 : vector<16x1xi32> to vector<16xi32>
        %gather3A_890 = tpu.dynamic_gather %add3A_880[%gather3A_889] in [0] : vector<16xf32>, vector<16xi32> -> vector<16xf32>
        %add3A_891 = arith.addf %add3A_880, %gather3A_890 : vector<16xf32>
        %neg3A_892 = arith.constant 0.000000e+00 : f32
        %neg3A_893 = vector.broadcast %neg3A_892 : f32 to vector<16xf32>
        %neg3A_894 = arith.subf %neg3A_893, %add3A_891 : vector<16xf32>
        %select_n3A_895 = arith.select %eq3A_545, %neg3A_894, %scan3A_490 : vector<16xi1>, vector<16xf32>
        %mul3A_896 = arith.constant 20 : i32
        %mul3A_897 = arith.muli %scan3A_485, %mul3A_896 : i32
        %add3A_898 = arith.constant 16 : i32
        %add3A_899 = arith.addi %add3A_898, %mul3A_897 : i32
        %add3A_900 = arith.constant 4 : i32
        %add3A_901 = arith.addi %add3A_899, %add3A_900 : i32
        %get3A_902 = arith.index_cast %add3A_901 : i32 to index
        %get3A_903 = arith.constant 0 : index
        %get3A_904 = tpu.vector_load %arg11[%get3A_902, %get3A_903] {strides = array<i32>} : memref<336x64xf32, #tpu.memory_space<vmem>>, vector<1x16xf32>,
        %get3A_905 = vector.shape_cast %get3A_904 : vector<1x16xf32> to vector<16xf32>
        %mul3A_906 = arith.mulf %get3A_905, %get3A_509 : vector<16xf32>
        %get3A_907 = arith.index_cast %add3A_901 : i32 to index
        %get3A_908 = arith.constant 16 : index
        %get3A_909 = tpu.vector_load %arg11[%get3A_907, %get3A_908] {strides = array<i32>} : memref<336x64xf32, #tpu.memory_space<vmem>>, vector<1x16xf32>,
        %get3A_910 = vector.shape_cast %get3A_909 : vector<1x16xf32> to vector<16xf32>
        %mul3A_911 = arith.mulf %get3A_910, %get3A_513 : vector<16xf32>
        %add3A_912 = arith.addf %mul3A_906, %mul3A_911 : vector<16xf32>
        %get3A_913 = arith.index_cast %add3A_901 : i32 to index
        %get3A_914 = arith.constant 32 : index
        %get3A_915 = tpu.vector_load %arg11[%get3A_913, %get3A_914] {strides = array<i32>} : memref<336x64xf32, #tpu.memory_space<vmem>>, vector<1x16xf32>,
        %get3A_916 = vector.shape_cast %get3A_915 : vector<1x16xf32> to vector<16xf32>
        %mul3A_917 = arith.mulf %get3A_916, %get3A_517 : vector<16xf32>
        %add3A_918 = arith.addf %add3A_912, %mul3A_917 : vector<16xf32>
        %get3A_919 = arith.index_cast %add3A_901 : i32 to index
        %get3A_920 = arith.constant 48 : index
        %get3A_921 = tpu.vector_load %arg11[%get3A_919, %get3A_920] {strides = array<i32>} : memref<336x64xf32, #tpu.memory_space<vmem>>, vector<1x16xf32>,
        %get3A_922 = vector.shape_cast %get3A_921 : vector<1x16xf32> to vector<16xf32>
        %mul3A_923 = arith.mulf %get3A_922, %get3A_521 : vector<16xf32>
        %add3A_924 = arith.addf %add3A_918, %mul3A_923 : vector<16xf32>
        %lt3A_925 = arith.constant 0 : i32
        %lt3A_926 = vector.broadcast %lt3A_925 : i32 to vector<16xi32>
        %lt3A_927 = arith.cmpi slt, %xor3A_2, %lt3A_926 : vector<16xi32>
        %add3A_928 = arith.constant 16 : i32
        %add3A_929 = vector.broadcast %add3A_928 : i32 to vector<16xi32>
        %add3A_930 = arith.addi %xor3A_2, %add3A_929 : vector<16xi32>
        %select_n3A_931 = arith.select %lt3A_927, %add3A_930, %xor3A_2 : vector<16xi1>, vector<16xi32>
        %broadcast_in_dim3A_932 = vector.shape_cast %select_n3A_931 : vector<16xi32> to vector<16x1xi32>
        %gather3A_933 = vector.shape_cast %broadcast_in_dim3A_932 : vector<16x1xi32> to vector<16xi32>
        %gather3A_934 = tpu.dynamic_gather %add3A_924[%gather3A_933] in [0] : vector<16xf32>, vector<16xi32> -> vector<16xf32>
        %add3A_935 = arith.addf %add3A_924, %gather3A_934 : vector<16xf32>
        %lt3A_936 = arith.constant 0 : i32
        %lt3A_937 = vector.broadcast %lt3A_936 : i32 to vector<16xi32>
        %lt3A_938 = arith.cmpi slt, %xor3A_5, %lt3A_937 : vector<16xi32>
        %add3A_939 = arith.constant 16 : i32
        %add3A_940 = vector.broadcast %add3A_939 : i32 to vector<16xi32>
        %add3A_941 = arith.addi %xor3A_5, %add3A_940 : vector<16xi32>
        %select_n3A_942 = arith.select %lt3A_938, %add3A_941, %xor3A_5 : vector<16xi1>, vector<16xi32>
        %broadcast_in_dim3A_943 = vector.shape_cast %select_n3A_942 : vector<16xi32> to vector<16x1xi32>
        %gather3A_944 = vector.shape_cast %broadcast_in_dim3A_943 : vector<16x1xi32> to vector<16xi32>
        %gather3A_945 = tpu.dynamic_gather %add3A_935[%gather3A_944] in [0] : vector<16xf32>, vector<16xi32> -> vector<16xf32>
        %add3A_946 = arith.addf %add3A_935, %gather3A_945 : vector<16xf32>
        %lt3A_947 = arith.constant 0 : i32
        %lt3A_948 = vector.broadcast %lt3A_947 : i32 to vector<16xi32>
        %lt3A_949 = arith.cmpi slt, %xor3A_8, %lt3A_948 : vector<16xi32>
        %add3A_950 = arith.constant 16 : i32
        %add3A_951 = vector.broadcast %add3A_950 : i32 to vector<16xi32>
        %add3A_952 = arith.addi %xor3A_8, %add3A_951 : vector<16xi32>
        %select_n3A_953 = arith.select %lt3A_949, %add3A_952, %xor3A_8 : vector<16xi1>, vector<16xi32>
        %broadcast_in_dim3A_954 = vector.shape_cast %select_n3A_953 : vector<16xi32> to vector<16x1xi32>
        %gather3A_955 = vector.shape_cast %broadcast_in_dim3A_954 : vector<16x1xi32> to vector<16xi32>
        %gather3A_956 = tpu.dynamic_gather %add3A_946[%gather3A_955] in [0] : vector<16xf32>, vector<16xi32> -> vector<16xf32>
        %add3A_957 = arith.addf %add3A_946, %gather3A_956 : vector<16xf32>
        %lt3A_958 = arith.constant 0 : i32
        %lt3A_959 = vector.broadcast %lt3A_958 : i32 to vector<16xi32>
        %lt3A_960 = arith.cmpi slt, %xor3A_11, %lt3A_959 : vector<16xi32>
        %add3A_961 = arith.constant 16 : i32
        %add3A_962 = vector.broadcast %add3A_961 : i32 to vector<16xi32>
        %add3A_963 = arith.addi %xor3A_11, %add3A_962 : vector<16xi32>
        %select_n3A_964 = arith.select %lt3A_960, %add3A_963, %xor3A_11 : vector<16xi1>, vector<16xi32>
        %broadcast_in_dim3A_965 = vector.shape_cast %select_n3A_964 : vector<16xi32> to vector<16x1xi32>
        %gather3A_966 = vector.shape_cast %broadcast_in_dim3A_965 : vector<16x1xi32> to vector<16xi32>
        %gather3A_967 = tpu.dynamic_gather %add3A_957[%gather3A_966] in [0] : vector<16xf32>, vector<16xi32> -> vector<16xf32>
        %add3A_968 = arith.addf %add3A_957, %gather3A_967 : vector<16xf32>
        %neg3A_969 = arith.constant 0.000000e+00 : f32
        %neg3A_970 = vector.broadcast %neg3A_969 : f32 to vector<16xf32>
        %neg3A_971 = arith.subf %neg3A_970, %add3A_968 : vector<16xf32>
        %select_n3A_972 = arith.select %eq3A_545, %neg3A_971, %scan3A_491 : vector<16xi1>, vector<16xf32>
        %mul3A_973 = arith.constant 20 : i32
        %mul3A_974 = arith.muli %scan3A_485, %mul3A_973 : i32
        %add3A_975 = arith.constant 16 : i32
        %add3A_976 = arith.addi %add3A_975, %mul3A_974 : i32
        %add3A_977 = arith.constant 5 : i32
        %add3A_978 = arith.addi %add3A_976, %add3A_977 : i32
        %get3A_979 = arith.index_cast %add3A_978 : i32 to index
        %get3A_980 = arith.constant 0 : index
        %get3A_981 = tpu.vector_load %arg11[%get3A_979, %get3A_980] {strides = array<i32>} : memref<336x64xf32, #tpu.memory_space<vmem>>, vector<1x16xf32>,
        %get3A_982 = vector.shape_cast %get3A_981 : vector<1x16xf32> to vector<16xf32>
        %mul3A_983 = arith.mulf %get3A_982, %get3A_509 : vector<16xf32>
        %get3A_984 = arith.index_cast %add3A_978 : i32 to index
        %get3A_985 = arith.constant 16 : index
        %get3A_986 = tpu.vector_load %arg11[%get3A_984, %get3A_985] {strides = array<i32>} : memref<336x64xf32, #tpu.memory_space<vmem>>, vector<1x16xf32>,
        %get3A_987 = vector.shape_cast %get3A_986 : vector<1x16xf32> to vector<16xf32>
        %mul3A_988 = arith.mulf %get3A_987, %get3A_513 : vector<16xf32>
        %add3A_989 = arith.addf %mul3A_983, %mul3A_988 : vector<16xf32>
        %get3A_990 = arith.index_cast %add3A_978 : i32 to index
        %get3A_991 = arith.constant 32 : index
        %get3A_992 = tpu.vector_load %arg11[%get3A_990, %get3A_991] {strides = array<i32>} : memref<336x64xf32, #tpu.memory_space<vmem>>, vector<1x16xf32>,
        %get3A_993 = vector.shape_cast %get3A_992 : vector<1x16xf32> to vector<16xf32>
        %mul3A_994 = arith.mulf %get3A_993, %get3A_517 : vector<16xf32>
        %add3A_995 = arith.addf %add3A_989, %mul3A_994 : vector<16xf32>
        %get3A_996 = arith.index_cast %add3A_978 : i32 to index
        %get3A_997 = arith.constant 48 : index
        %get3A_998 = tpu.vector_load %arg11[%get3A_996, %get3A_997] {strides = array<i32>} : memref<336x64xf32, #tpu.memory_space<vmem>>, vector<1x16xf32>,
        %get3A_999 = vector.shape_cast %get3A_998 : vector<1x16xf32> to vector<16xf32>
        %mul3A_1000 = arith.mulf %get3A_999, %get3A_521 : vector<16xf32>
        %add3A_1001 = arith.addf %add3A_995, %mul3A_1000 : vector<16xf32>
        %lt3A_1002 = arith.constant 0 : i32
        %lt3A_1003 = vector.broadcast %lt3A_1002 : i32 to vector<16xi32>
        %lt3A_1004 = arith.cmpi slt, %xor3A_2, %lt3A_1003 : vector<16xi32>
        %add3A_1005 = arith.constant 16 : i32
        %add3A_1006 = vector.broadcast %add3A_1005 : i32 to vector<16xi32>
        %add3A_1007 = arith.addi %xor3A_2, %add3A_1006 : vector<16xi32>
        %select_n3A_1008 = arith.select %lt3A_1004, %add3A_1007, %xor3A_2 : vector<16xi1>, vector<16xi32>
        %broadcast_in_dim3A_1009 = vector.shape_cast %select_n3A_1008 : vector<16xi32> to vector<16x1xi32>
        %gather3A_1010 = vector.shape_cast %broadcast_in_dim3A_1009 : vector<16x1xi32> to vector<16xi32>
        %gather3A_1011 = tpu.dynamic_gather %add3A_1001[%gather3A_1010] in [0] : vector<16xf32>, vector<16xi32> -> vector<16xf32>
        %add3A_1012 = arith.addf %add3A_1001, %gather3A_1011 : vector<16xf32>
        %lt3A_1013 = arith.constant 0 : i32
        %lt3A_1014 = vector.broadcast %lt3A_1013 : i32 to vector<16xi32>
        %lt3A_1015 = arith.cmpi slt, %xor3A_5, %lt3A_1014 : vector<16xi32>
        %add3A_1016 = arith.constant 16 : i32
        %add3A_1017 = vector.broadcast %add3A_1016 : i32 to vector<16xi32>
        %add3A_1018 = arith.addi %xor3A_5, %add3A_1017 : vector<16xi32>
        %select_n3A_1019 = arith.select %lt3A_1015, %add3A_1018, %xor3A_5 : vector<16xi1>, vector<16xi32>
        %broadcast_in_dim3A_1020 = vector.shape_cast %select_n3A_1019 : vector<16xi32> to vector<16x1xi32>
        %gather3A_1021 = vector.shape_cast %broadcast_in_dim3A_1020 : vector<16x1xi32> to vector<16xi32>
        %gather3A_1022 = tpu.dynamic_gather %add3A_1012[%gather3A_1021] in [0] : vector<16xf32>, vector<16xi32> -> vector<16xf32>
        %add3A_1023 = arith.addf %add3A_1012, %gather3A_1022 : vector<16xf32>
        %lt3A_1024 = arith.constant 0 : i32
        %lt3A_1025 = vector.broadcast %lt3A_1024 : i32 to vector<16xi32>
        %lt3A_1026 = arith.cmpi slt, %xor3A_8, %lt3A_1025 : vector<16xi32>
        %add3A_1027 = arith.constant 16 : i32
        %add3A_1028 = vector.broadcast %add3A_1027 : i32 to vector<16xi32>
        %add3A_1029 = arith.addi %xor3A_8, %add3A_1028 : vector<16xi32>
        %select_n3A_1030 = arith.select %lt3A_1026, %add3A_1029, %xor3A_8 : vector<16xi1>, vector<16xi32>
        %broadcast_in_dim3A_1031 = vector.shape_cast %select_n3A_1030 : vector<16xi32> to vector<16x1xi32>
        %gather3A_1032 = vector.shape_cast %broadcast_in_dim3A_1031 : vector<16x1xi32> to vector<16xi32>
        %gather3A_1033 = tpu.dynamic_gather %add3A_1023[%gather3A_1032] in [0] : vector<16xf32>, vector<16xi32> -> vector<16xf32>
        %add3A_1034 = arith.addf %add3A_1023, %gather3A_1033 : vector<16xf32>
        %lt3A_1035 = arith.constant 0 : i32
        %lt3A_1036 = vector.broadcast %lt3A_1035 : i32 to vector<16xi32>
        %lt3A_1037 = arith.cmpi slt, %xor3A_11, %lt3A_1036 : vector<16xi32>
        %add3A_1038 = arith.constant 16 : i32
        %add3A_1039 = vector.broadcast %add3A_1038 : i32 to vector<16xi32>
        %add3A_1040 = arith.addi %xor3A_11, %add3A_1039 : vector<16xi32>
        %select_n3A_1041 = arith.select %lt3A_1037, %add3A_1040, %xor3A_11 : vector<16xi1>, vector<16xi32>
        %broadcast_in_dim3A_1042 = vector.shape_cast %select_n3A_1041 : vector<16xi32> to vector<16x1xi32>
        %gather3A_1043 = vector.shape_cast %broadcast_in_dim3A_1042 : vector<16x1xi32> to vector<16xi32>
        %gather3A_1044 = tpu.dynamic_gather %add3A_1034[%gather3A_1043] in [0] : vector<16xf32>, vector<16xi32> -> vector<16xf32>
        %add3A_1045 = arith.addf %add3A_1034, %gather3A_1044 : vector<16xf32>
        %neg3A_1046 = arith.constant 0.000000e+00 : f32
        %neg3A_1047 = vector.broadcast %neg3A_1046 : f32 to vector<16xf32>
        %neg3A_1048 = arith.subf %neg3A_1047, %add3A_1045 : vector<16xf32>
        %select_n3A_1049 = arith.select %eq3A_545, %neg3A_1048, %scan3A_492 : vector<16xi1>, vector<16xf32>
        %mul3A_1050 = arith.constant 20 : i32
        %mul3A_1051 = arith.muli %scan3A_485, %mul3A_1050 : i32
        %add3A_1052 = arith.constant 16 : i32
        %add3A_1053 = arith.addi %add3A_1052, %mul3A_1051 : i32
        %add3A_1054 = arith.constant 6 : i32
        %add3A_1055 = arith.addi %add3A_1053, %add3A_1054 : i32
        %get3A_1056 = arith.index_cast %add3A_1055 : i32 to index
        %get3A_1057 = arith.constant 0 : index
        %get3A_1058 = tpu.vector_load %arg11[%get3A_1056, %get3A_1057] {strides = array<i32>} : memref<336x64xf32, #tpu.memory_space<vmem>>, vector<1x16xf32>,
        %get3A_1059 = vector.shape_cast %get3A_1058 : vector<1x16xf32> to vector<16xf32>
        %mul3A_1060 = arith.mulf %get3A_1059, %get3A_509 : vector<16xf32>
        %get3A_1061 = arith.index_cast %add3A_1055 : i32 to index
        %get3A_1062 = arith.constant 16 : index
        %get3A_1063 = tpu.vector_load %arg11[%get3A_1061, %get3A_1062] {strides = array<i32>} : memref<336x64xf32, #tpu.memory_space<vmem>>, vector<1x16xf32>,
        %get3A_1064 = vector.shape_cast %get3A_1063 : vector<1x16xf32> to vector<16xf32>
        %mul3A_1065 = arith.mulf %get3A_1064, %get3A_513 : vector<16xf32>
        %add3A_1066 = arith.addf %mul3A_1060, %mul3A_1065 : vector<16xf32>
        %get3A_1067 = arith.index_cast %add3A_1055 : i32 to index
        %get3A_1068 = arith.constant 32 : index
        %get3A_1069 = tpu.vector_load %arg11[%get3A_1067, %get3A_1068] {strides = array<i32>} : memref<336x64xf32, #tpu.memory_space<vmem>>, vector<1x16xf32>,
        %get3A_1070 = vector.shape_cast %get3A_1069 : vector<1x16xf32> to vector<16xf32>
        %mul3A_1071 = arith.mulf %get3A_1070, %get3A_517 : vector<16xf32>
        %add3A_1072 = arith.addf %add3A_1066, %mul3A_1071 : vector<16xf32>
        %get3A_1073 = arith.index_cast %add3A_1055 : i32 to index
        %get3A_1074 = arith.constant 48 : index
        %get3A_1075 = tpu.vector_load %arg11[%get3A_1073, %get3A_1074] {strides = array<i32>} : memref<336x64xf32, #tpu.memory_space<vmem>>, vector<1x16xf32>,
        %get3A_1076 = vector.shape_cast %get3A_1075 : vector<1x16xf32> to vector<16xf32>
        %mul3A_1077 = arith.mulf %get3A_1076, %get3A_521 : vector<16xf32>
        %add3A_1078 = arith.addf %add3A_1072, %mul3A_1077 : vector<16xf32>
        %lt3A_1079 = arith.constant 0 : i32
        %lt3A_1080 = vector.broadcast %lt3A_1079 : i32 to vector<16xi32>
        %lt3A_1081 = arith.cmpi slt, %xor3A_2, %lt3A_1080 : vector<16xi32>
        %add3A_1082 = arith.constant 16 : i32
        %add3A_1083 = vector.broadcast %add3A_1082 : i32 to vector<16xi32>
        %add3A_1084 = arith.addi %xor3A_2, %add3A_1083 : vector<16xi32>
        %select_n3A_1085 = arith.select %lt3A_1081, %add3A_1084, %xor3A_2 : vector<16xi1>, vector<16xi32>
        %broadcast_in_dim3A_1086 = vector.shape_cast %select_n3A_1085 : vector<16xi32> to vector<16x1xi32>
        %gather3A_1087 = vector.shape_cast %broadcast_in_dim3A_1086 : vector<16x1xi32> to vector<16xi32>
        %gather3A_1088 = tpu.dynamic_gather %add3A_1078[%gather3A_1087] in [0] : vector<16xf32>, vector<16xi32> -> vector<16xf32>
        %add3A_1089 = arith.addf %add3A_1078, %gather3A_1088 : vector<16xf32>
        %lt3A_1090 = arith.constant 0 : i32
        %lt3A_1091 = vector.broadcast %lt3A_1090 : i32 to vector<16xi32>
        %lt3A_1092 = arith.cmpi slt, %xor3A_5, %lt3A_1091 : vector<16xi32>
        %add3A_1093 = arith.constant 16 : i32
        %add3A_1094 = vector.broadcast %add3A_1093 : i32 to vector<16xi32>
        %add3A_1095 = arith.addi %xor3A_5, %add3A_1094 : vector<16xi32>
        %select_n3A_1096 = arith.select %lt3A_1092, %add3A_1095, %xor3A_5 : vector<16xi1>, vector<16xi32>
        %broadcast_in_dim3A_1097 = vector.shape_cast %select_n3A_1096 : vector<16xi32> to vector<16x1xi32>
        %gather3A_1098 = vector.shape_cast %broadcast_in_dim3A_1097 : vector<16x1xi32> to vector<16xi32>
        %gather3A_1099 = tpu.dynamic_gather %add3A_1089[%gather3A_1098] in [0] : vector<16xf32>, vector<16xi32> -> vector<16xf32>
        %add3A_1100 = arith.addf %add3A_1089, %gather3A_1099 : vector<16xf32>
        %lt3A_1101 = arith.constant 0 : i32
        %lt3A_1102 = vector.broadcast %lt3A_1101 : i32 to vector<16xi32>
        %lt3A_1103 = arith.cmpi slt, %xor3A_8, %lt3A_1102 : vector<16xi32>
        %add3A_1104 = arith.constant 16 : i32
        %add3A_1105 = vector.broadcast %add3A_1104 : i32 to vector<16xi32>
        %add3A_1106 = arith.addi %xor3A_8, %add3A_1105 : vector<16xi32>
        %select_n3A_1107 = arith.select %lt3A_1103, %add3A_1106, %xor3A_8 : vector<16xi1>, vector<16xi32>
        %broadcast_in_dim3A_1108 = vector.shape_cast %select_n3A_1107 : vector<16xi32> to vector<16x1xi32>
        %gather3A_1109 = vector.shape_cast %broadcast_in_dim3A_1108 : vector<16x1xi32> to vector<16xi32>
        %gather3A_1110 = tpu.dynamic_gather %add3A_1100[%gather3A_1109] in [0] : vector<16xf32>, vector<16xi32> -> vector<16xf32>
        %add3A_1111 = arith.addf %add3A_1100, %gather3A_1110 : vector<16xf32>
        %lt3A_1112 = arith.constant 0 : i32
        %lt3A_1113 = vector.broadcast %lt3A_1112 : i32 to vector<16xi32>
        %lt3A_1114 = arith.cmpi slt, %xor3A_11, %lt3A_1113 : vector<16xi32>
        %add3A_1115 = arith.constant 16 : i32
        %add3A_1116 = vector.broadcast %add3A_1115 : i32 to vector<16xi32>
        %add3A_1117 = arith.addi %xor3A_11, %add3A_1116 : vector<16xi32>
        %select_n3A_1118 = arith.select %lt3A_1114, %add3A_1117, %xor3A_11 : vector<16xi1>, vector<16xi32>
        %broadcast_in_dim3A_1119 = vector.shape_cast %select_n3A_1118 : vector<16xi32> to vector<16x1xi32>
        %gather3A_1120 = vector.shape_cast %broadcast_in_dim3A_1119 : vector<16x1xi32> to vector<16xi32>
        %gather3A_1121 = tpu.dynamic_gather %add3A_1111[%gather3A_1120] in [0] : vector<16xf32>, vector<16xi32> -> vector<16xf32>
        %add3A_1122 = arith.addf %add3A_1111, %gather3A_1121 : vector<16xf32>
        %neg3A_1123 = arith.constant 0.000000e+00 : f32
        %neg3A_1124 = vector.broadcast %neg3A_1123 : f32 to vector<16xf32>
        %neg3A_1125 = arith.subf %neg3A_1124, %add3A_1122 : vector<16xf32>
        %select_n3A_1126 = arith.select %eq3A_545, %neg3A_1125, %scan3A_493 : vector<16xi1>, vector<16xf32>
        %mul3A_1127 = arith.constant 20 : i32
        %mul3A_1128 = arith.muli %scan3A_485, %mul3A_1127 : i32
        %add3A_1129 = arith.constant 16 : i32
        %add3A_1130 = arith.addi %add3A_1129, %mul3A_1128 : i32
        %add3A_1131 = arith.constant 7 : i32
        %add3A_1132 = arith.addi %add3A_1130, %add3A_1131 : i32
        %get3A_1133 = arith.index_cast %add3A_1132 : i32 to index
        %get3A_1134 = arith.constant 0 : index
        %get3A_1135 = tpu.vector_load %arg11[%get3A_1133, %get3A_1134] {strides = array<i32>} : memref<336x64xf32, #tpu.memory_space<vmem>>, vector<1x16xf32>,
        %get3A_1136 = vector.shape_cast %get3A_1135 : vector<1x16xf32> to vector<16xf32>
        %mul3A_1137 = arith.mulf %get3A_1136, %get3A_509 : vector<16xf32>
        %get3A_1138 = arith.index_cast %add3A_1132 : i32 to index
        %get3A_1139 = arith.constant 16 : index
        %get3A_1140 = tpu.vector_load %arg11[%get3A_1138, %get3A_1139] {strides = array<i32>} : memref<336x64xf32, #tpu.memory_space<vmem>>, vector<1x16xf32>,
        %get3A_1141 = vector.shape_cast %get3A_1140 : vector<1x16xf32> to vector<16xf32>
        %mul3A_1142 = arith.mulf %get3A_1141, %get3A_513 : vector<16xf32>
        %add3A_1143 = arith.addf %mul3A_1137, %mul3A_1142 : vector<16xf32>
        %get3A_1144 = arith.index_cast %add3A_1132 : i32 to index
        %get3A_1145 = arith.constant 32 : index
        %get3A_1146 = tpu.vector_load %arg11[%get3A_1144, %get3A_1145] {strides = array<i32>} : memref<336x64xf32, #tpu.memory_space<vmem>>, vector<1x16xf32>,
        %get3A_1147 = vector.shape_cast %get3A_1146 : vector<1x16xf32> to vector<16xf32>
        %mul3A_1148 = arith.mulf %get3A_1147, %get3A_517 : vector<16xf32>
        %add3A_1149 = arith.addf %add3A_1143, %mul3A_1148 : vector<16xf32>
        %get3A_1150 = arith.index_cast %add3A_1132 : i32 to index
        %get3A_1151 = arith.constant 48 : index
        %get3A_1152 = tpu.vector_load %arg11[%get3A_1150, %get3A_1151] {strides = array<i32>} : memref<336x64xf32, #tpu.memory_space<vmem>>, vector<1x16xf32>,
        %get3A_1153 = vector.shape_cast %get3A_1152 : vector<1x16xf32> to vector<16xf32>
        %mul3A_1154 = arith.mulf %get3A_1153, %get3A_521 : vector<16xf32>
        %add3A_1155 = arith.addf %add3A_1149, %mul3A_1154 : vector<16xf32>
        %lt3A_1156 = arith.constant 0 : i32
        %lt3A_1157 = vector.broadcast %lt3A_1156 : i32 to vector<16xi32>
        %lt3A_1158 = arith.cmpi slt, %xor3A_2, %lt3A_1157 : vector<16xi32>
        %add3A_1159 = arith.constant 16 : i32
        %add3A_1160 = vector.broadcast %add3A_1159 : i32 to vector<16xi32>
        %add3A_1161 = arith.addi %xor3A_2, %add3A_1160 : vector<16xi32>
        %select_n3A_1162 = arith.select %lt3A_1158, %add3A_1161, %xor3A_2 : vector<16xi1>, vector<16xi32>
        %broadcast_in_dim3A_1163 = vector.shape_cast %select_n3A_1162 : vector<16xi32> to vector<16x1xi32>
        %gather3A_1164 = vector.shape_cast %broadcast_in_dim3A_1163 : vector<16x1xi32> to vector<16xi32>
        %gather3A_1165 = tpu.dynamic_gather %add3A_1155[%gather3A_1164] in [0] : vector<16xf32>, vector<16xi32> -> vector<16xf32>
        %add3A_1166 = arith.addf %add3A_1155, %gather3A_1165 : vector<16xf32>
        %lt3A_1167 = arith.constant 0 : i32
        %lt3A_1168 = vector.broadcast %lt3A_1167 : i32 to vector<16xi32>
        %lt3A_1169 = arith.cmpi slt, %xor3A_5, %lt3A_1168 : vector<16xi32>
        %add3A_1170 = arith.constant 16 : i32
        %add3A_1171 = vector.broadcast %add3A_1170 : i32 to vector<16xi32>
        %add3A_1172 = arith.addi %xor3A_5, %add3A_1171 : vector<16xi32>
        %select_n3A_1173 = arith.select %lt3A_1169, %add3A_1172, %xor3A_5 : vector<16xi1>, vector<16xi32>
        %broadcast_in_dim3A_1174 = vector.shape_cast %select_n3A_1173 : vector<16xi32> to vector<16x1xi32>
        %gather3A_1175 = vector.shape_cast %broadcast_in_dim3A_1174 : vector<16x1xi32> to vector<16xi32>
        %gather3A_1176 = tpu.dynamic_gather %add3A_1166[%gather3A_1175] in [0] : vector<16xf32>, vector<16xi32> -> vector<16xf32>
        %add3A_1177 = arith.addf %add3A_1166, %gather3A_1176 : vector<16xf32>
        %lt3A_1178 = arith.constant 0 : i32
        %lt3A_1179 = vector.broadcast %lt3A_1178 : i32 to vector<16xi32>
        %lt3A_1180 = arith.cmpi slt, %xor3A_8, %lt3A_1179 : vector<16xi32>
        %add3A_1181 = arith.constant 16 : i32
        %add3A_1182 = vector.broadcast %add3A_1181 : i32 to vector<16xi32>
        %add3A_1183 = arith.addi %xor3A_8, %add3A_1182 : vector<16xi32>
        %select_n3A_1184 = arith.select %lt3A_1180, %add3A_1183, %xor3A_8 : vector<16xi1>, vector<16xi32>
        %broadcast_in_dim3A_1185 = vector.shape_cast %select_n3A_1184 : vector<16xi32> to vector<16x1xi32>
        %gather3A_1186 = vector.shape_cast %broadcast_in_dim3A_1185 : vector<16x1xi32> to vector<16xi32>
        %gather3A_1187 = tpu.dynamic_gather %add3A_1177[%gather3A_1186] in [0] : vector<16xf32>, vector<16xi32> -> vector<16xf32>
        %add3A_1188 = arith.addf %add3A_1177, %gather3A_1187 : vector<16xf32>
        %lt3A_1189 = arith.constant 0 : i32
        %lt3A_1190 = vector.broadcast %lt3A_1189 : i32 to vector<16xi32>
        %lt3A_1191 = arith.cmpi slt, %xor3A_11, %lt3A_1190 : vector<16xi32>
        %add3A_1192 = arith.constant 16 : i32
        %add3A_1193 = vector.broadcast %add3A_1192 : i32 to vector<16xi32>
        %add3A_1194 = arith.addi %xor3A_11, %add3A_1193 : vector<16xi32>
        %select_n3A_1195 = arith.select %lt3A_1191, %add3A_1194, %xor3A_11 : vector<16xi1>, vector<16xi32>
        %broadcast_in_dim3A_1196 = vector.shape_cast %select_n3A_1195 : vector<16xi32> to vector<16x1xi32>
        %gather3A_1197 = vector.shape_cast %broadcast_in_dim3A_1196 : vector<16x1xi32> to vector<16xi32>
        %gather3A_1198 = tpu.dynamic_gather %add3A_1188[%gather3A_1197] in [0] : vector<16xf32>, vector<16xi32> -> vector<16xf32>
        %add3A_1199 = arith.addf %add3A_1188, %gather3A_1198 : vector<16xf32>
        %neg3A_1200 = arith.constant 0.000000e+00 : f32
        %neg3A_1201 = vector.broadcast %neg3A_1200 : f32 to vector<16xf32>
        %neg3A_1202 = arith.subf %neg3A_1201, %add3A_1199 : vector<16xf32>
        %select_n3A_1203 = arith.select %eq3A_545, %neg3A_1202, %scan3A_494 : vector<16xi1>, vector<16xf32>
        %mul3A_1204 = arith.constant 20 : i32
        %mul3A_1205 = arith.muli %scan3A_485, %mul3A_1204 : i32
        %add3A_1206 = arith.constant 16 : i32
        %add3A_1207 = arith.addi %add3A_1206, %mul3A_1205 : i32
        %add3A_1208 = arith.constant 8 : i32
        %add3A_1209 = arith.addi %add3A_1207, %add3A_1208 : i32
        %get3A_1210 = arith.index_cast %add3A_1209 : i32 to index
        %get3A_1211 = arith.constant 0 : index
        %get3A_1212 = tpu.vector_load %arg11[%get3A_1210, %get3A_1211] {strides = array<i32>} : memref<336x64xf32, #tpu.memory_space<vmem>>, vector<1x16xf32>,
        %get3A_1213 = vector.shape_cast %get3A_1212 : vector<1x16xf32> to vector<16xf32>
        %mul3A_1214 = arith.mulf %get3A_1213, %get3A_509 : vector<16xf32>
        %get3A_1215 = arith.index_cast %add3A_1209 : i32 to index
        %get3A_1216 = arith.constant 16 : index
        %get3A_1217 = tpu.vector_load %arg11[%get3A_1215, %get3A_1216] {strides = array<i32>} : memref<336x64xf32, #tpu.memory_space<vmem>>, vector<1x16xf32>,
        %get3A_1218 = vector.shape_cast %get3A_1217 : vector<1x16xf32> to vector<16xf32>
        %mul3A_1219 = arith.mulf %get3A_1218, %get3A_513 : vector<16xf32>
        %add3A_1220 = arith.addf %mul3A_1214, %mul3A_1219 : vector<16xf32>
        %get3A_1221 = arith.index_cast %add3A_1209 : i32 to index
        %get3A_1222 = arith.constant 32 : index
        %get3A_1223 = tpu.vector_load %arg11[%get3A_1221, %get3A_1222] {strides = array<i32>} : memref<336x64xf32, #tpu.memory_space<vmem>>, vector<1x16xf32>,
        %get3A_1224 = vector.shape_cast %get3A_1223 : vector<1x16xf32> to vector<16xf32>
        %mul3A_1225 = arith.mulf %get3A_1224, %get3A_517 : vector<16xf32>
        %add3A_1226 = arith.addf %add3A_1220, %mul3A_1225 : vector<16xf32>
        %get3A_1227 = arith.index_cast %add3A_1209 : i32 to index
        %get3A_1228 = arith.constant 48 : index
        %get3A_1229 = tpu.vector_load %arg11[%get3A_1227, %get3A_1228] {strides = array<i32>} : memref<336x64xf32, #tpu.memory_space<vmem>>, vector<1x16xf32>,
        %get3A_1230 = vector.shape_cast %get3A_1229 : vector<1x16xf32> to vector<16xf32>
        %mul3A_1231 = arith.mulf %get3A_1230, %get3A_521 : vector<16xf32>
        %add3A_1232 = arith.addf %add3A_1226, %mul3A_1231 : vector<16xf32>
        %lt3A_1233 = arith.constant 0 : i32
        %lt3A_1234 = vector.broadcast %lt3A_1233 : i32 to vector<16xi32>
        %lt3A_1235 = arith.cmpi slt, %xor3A_2, %lt3A_1234 : vector<16xi32>
        %add3A_1236 = arith.constant 16 : i32
        %add3A_1237 = vector.broadcast %add3A_1236 : i32 to vector<16xi32>
        %add3A_1238 = arith.addi %xor3A_2, %add3A_1237 : vector<16xi32>
        %select_n3A_1239 = arith.select %lt3A_1235, %add3A_1238, %xor3A_2 : vector<16xi1>, vector<16xi32>
        %broadcast_in_dim3A_1240 = vector.shape_cast %select_n3A_1239 : vector<16xi32> to vector<16x1xi32>
        %gather3A_1241 = vector.shape_cast %broadcast_in_dim3A_1240 : vector<16x1xi32> to vector<16xi32>
        %gather3A_1242 = tpu.dynamic_gather %add3A_1232[%gather3A_1241] in [0] : vector<16xf32>, vector<16xi32> -> vector<16xf32>
        %add3A_1243 = arith.addf %add3A_1232, %gather3A_1242 : vector<16xf32>
        %lt3A_1244 = arith.constant 0 : i32
        %lt3A_1245 = vector.broadcast %lt3A_1244 : i32 to vector<16xi32>
        %lt3A_1246 = arith.cmpi slt, %xor3A_5, %lt3A_1245 : vector<16xi32>
        %add3A_1247 = arith.constant 16 : i32
        %add3A_1248 = vector.broadcast %add3A_1247 : i32 to vector<16xi32>
        %add3A_1249 = arith.addi %xor3A_5, %add3A_1248 : vector<16xi32>
        %select_n3A_1250 = arith.select %lt3A_1246, %add3A_1249, %xor3A_5 : vector<16xi1>, vector<16xi32>
        %broadcast_in_dim3A_1251 = vector.shape_cast %select_n3A_1250 : vector<16xi32> to vector<16x1xi32>
        %gather3A_1252 = vector.shape_cast %broadcast_in_dim3A_1251 : vector<16x1xi32> to vector<16xi32>
        %gather3A_1253 = tpu.dynamic_gather %add3A_1243[%gather3A_1252] in [0] : vector<16xf32>, vector<16xi32> -> vector<16xf32>
        %add3A_1254 = arith.addf %add3A_1243, %gather3A_1253 : vector<16xf32>
        %lt3A_1255 = arith.constant 0 : i32
        %lt3A_1256 = vector.broadcast %lt3A_1255 : i32 to vector<16xi32>
        %lt3A_1257 = arith.cmpi slt, %xor3A_8, %lt3A_1256 : vector<16xi32>
        %add3A_1258 = arith.constant 16 : i32
        %add3A_1259 = vector.broadcast %add3A_1258 : i32 to vector<16xi32>
        %add3A_1260 = arith.addi %xor3A_8, %add3A_1259 : vector<16xi32>
        %select_n3A_1261 = arith.select %lt3A_1257, %add3A_1260, %xor3A_8 : vector<16xi1>, vector<16xi32>
        %broadcast_in_dim3A_1262 = vector.shape_cast %select_n3A_1261 : vector<16xi32> to vector<16x1xi32>
        %gather3A_1263 = vector.shape_cast %broadcast_in_dim3A_1262 : vector<16x1xi32> to vector<16xi32>
        %gather3A_1264 = tpu.dynamic_gather %add3A_1254[%gather3A_1263] in [0] : vector<16xf32>, vector<16xi32> -> vector<16xf32>
        %add3A_1265 = arith.addf %add3A_1254, %gather3A_1264 : vector<16xf32>
        %lt3A_1266 = arith.constant 0 : i32
        %lt3A_1267 = vector.broadcast %lt3A_1266 : i32 to vector<16xi32>
        %lt3A_1268 = arith.cmpi slt, %xor3A_11, %lt3A_1267 : vector<16xi32>
        %add3A_1269 = arith.constant 16 : i32
        %add3A_1270 = vector.broadcast %add3A_1269 : i32 to vector<16xi32>
        %add3A_1271 = arith.addi %xor3A_11, %add3A_1270 : vector<16xi32>
        %select_n3A_1272 = arith.select %lt3A_1268, %add3A_1271, %xor3A_11 : vector<16xi1>, vector<16xi32>
        %broadcast_in_dim3A_1273 = vector.shape_cast %select_n3A_1272 : vector<16xi32> to vector<16x1xi32>
        %gather3A_1274 = vector.shape_cast %broadcast_in_dim3A_1273 : vector<16x1xi32> to vector<16xi32>
        %gather3A_1275 = tpu.dynamic_gather %add3A_1265[%gather3A_1274] in [0] : vector<16xf32>, vector<16xi32> -> vector<16xf32>
        %add3A_1276 = arith.addf %add3A_1265, %gather3A_1275 : vector<16xf32>
        %neg3A_1277 = arith.constant 0.000000e+00 : f32
        %neg3A_1278 = vector.broadcast %neg3A_1277 : f32 to vector<16xf32>
        %neg3A_1279 = arith.subf %neg3A_1278, %add3A_1276 : vector<16xf32>
        %select_n3A_1280 = arith.select %eq3A_545, %neg3A_1279, %scan3A_495 : vector<16xi1>, vector<16xf32>
        %mul3A_1281 = arith.constant 20 : i32
        %mul3A_1282 = arith.muli %scan3A_485, %mul3A_1281 : i32
        %add3A_1283 = arith.constant 16 : i32
        %add3A_1284 = arith.addi %add3A_1283, %mul3A_1282 : i32
        %add3A_1285 = arith.constant 9 : i32
        %add3A_1286 = arith.addi %add3A_1284, %add3A_1285 : i32
        %get3A_1287 = arith.index_cast %add3A_1286 : i32 to index
        %get3A_1288 = arith.constant 0 : index
        %get3A_1289 = tpu.vector_load %arg11[%get3A_1287, %get3A_1288] {strides = array<i32>} : memref<336x64xf32, #tpu.memory_space<vmem>>, vector<1x16xf32>,
        %get3A_1290 = vector.shape_cast %get3A_1289 : vector<1x16xf32> to vector<16xf32>
        %mul3A_1291 = arith.mulf %get3A_1290, %get3A_509 : vector<16xf32>
        %get3A_1292 = arith.index_cast %add3A_1286 : i32 to index
        %get3A_1293 = arith.constant 16 : index
        %get3A_1294 = tpu.vector_load %arg11[%get3A_1292, %get3A_1293] {strides = array<i32>} : memref<336x64xf32, #tpu.memory_space<vmem>>, vector<1x16xf32>,
        %get3A_1295 = vector.shape_cast %get3A_1294 : vector<1x16xf32> to vector<16xf32>
        %mul3A_1296 = arith.mulf %get3A_1295, %get3A_513 : vector<16xf32>
        %add3A_1297 = arith.addf %mul3A_1291, %mul3A_1296 : vector<16xf32>
        %get3A_1298 = arith.index_cast %add3A_1286 : i32 to index
        %get3A_1299 = arith.constant 32 : index
        %get3A_1300 = tpu.vector_load %arg11[%get3A_1298, %get3A_1299] {strides = array<i32>} : memref<336x64xf32, #tpu.memory_space<vmem>>, vector<1x16xf32>,
        %get3A_1301 = vector.shape_cast %get3A_1300 : vector<1x16xf32> to vector<16xf32>
        %mul3A_1302 = arith.mulf %get3A_1301, %get3A_517 : vector<16xf32>
        %add3A_1303 = arith.addf %add3A_1297, %mul3A_1302 : vector<16xf32>
        %get3A_1304 = arith.index_cast %add3A_1286 : i32 to index
        %get3A_1305 = arith.constant 48 : index
        %get3A_1306 = tpu.vector_load %arg11[%get3A_1304, %get3A_1305] {strides = array<i32>} : memref<336x64xf32, #tpu.memory_space<vmem>>, vector<1x16xf32>,
        %get3A_1307 = vector.shape_cast %get3A_1306 : vector<1x16xf32> to vector<16xf32>
        %mul3A_1308 = arith.mulf %get3A_1307, %get3A_521 : vector<16xf32>
        %add3A_1309 = arith.addf %add3A_1303, %mul3A_1308 : vector<16xf32>
        %lt3A_1310 = arith.constant 0 : i32
        %lt3A_1311 = vector.broadcast %lt3A_1310 : i32 to vector<16xi32>
        %lt3A_1312 = arith.cmpi slt, %xor3A_2, %lt3A_1311 : vector<16xi32>
        %add3A_1313 = arith.constant 16 : i32
        %add3A_1314 = vector.broadcast %add3A_1313 : i32 to vector<16xi32>
        %add3A_1315 = arith.addi %xor3A_2, %add3A_1314 : vector<16xi32>
        %select_n3A_1316 = arith.select %lt3A_1312, %add3A_1315, %xor3A_2 : vector<16xi1>, vector<16xi32>
        %broadcast_in_dim3A_1317 = vector.shape_cast %select_n3A_1316 : vector<16xi32> to vector<16x1xi32>
        %gather3A_1318 = vector.shape_cast %broadcast_in_dim3A_1317 : vector<16x1xi32> to vector<16xi32>
        %gather3A_1319 = tpu.dynamic_gather %add3A_1309[%gather3A_1318] in [0] : vector<16xf32>, vector<16xi32> -> vector<16xf32>
        %add3A_1320 = arith.addf %add3A_1309, %gather3A_1319 : vector<16xf32>
        %lt3A_1321 = arith.constant 0 : i32
        %lt3A_1322 = vector.broadcast %lt3A_1321 : i32 to vector<16xi32>
        %lt3A_1323 = arith.cmpi slt, %xor3A_5, %lt3A_1322 : vector<16xi32>
        %add3A_1324 = arith.constant 16 : i32
        %add3A_1325 = vector.broadcast %add3A_1324 : i32 to vector<16xi32>
        %add3A_1326 = arith.addi %xor3A_5, %add3A_1325 : vector<16xi32>
        %select_n3A_1327 = arith.select %lt3A_1323, %add3A_1326, %xor3A_5 : vector<16xi1>, vector<16xi32>
        %broadcast_in_dim3A_1328 = vector.shape_cast %select_n3A_1327 : vector<16xi32> to vector<16x1xi32>
        %gather3A_1329 = vector.shape_cast %broadcast_in_dim3A_1328 : vector<16x1xi32> to vector<16xi32>
        %gather3A_1330 = tpu.dynamic_gather %add3A_1320[%gather3A_1329] in [0] : vector<16xf32>, vector<16xi32> -> vector<16xf32>
        %add3A_1331 = arith.addf %add3A_1320, %gather3A_1330 : vector<16xf32>
        %lt3A_1332 = arith.constant 0 : i32
        %lt3A_1333 = vector.broadcast %lt3A_1332 : i32 to vector<16xi32>
        %lt3A_1334 = arith.cmpi slt, %xor3A_8, %lt3A_1333 : vector<16xi32>
        %add3A_1335 = arith.constant 16 : i32
        %add3A_1336 = vector.broadcast %add3A_1335 : i32 to vector<16xi32>
        %add3A_1337 = arith.addi %xor3A_8, %add3A_1336 : vector<16xi32>
        %select_n3A_1338 = arith.select %lt3A_1334, %add3A_1337, %xor3A_8 : vector<16xi1>, vector<16xi32>
        %broadcast_in_dim3A_1339 = vector.shape_cast %select_n3A_1338 : vector<16xi32> to vector<16x1xi32>
        %gather3A_1340 = vector.shape_cast %broadcast_in_dim3A_1339 : vector<16x1xi32> to vector<16xi32>
        %gather3A_1341 = tpu.dynamic_gather %add3A_1331[%gather3A_1340] in [0] : vector<16xf32>, vector<16xi32> -> vector<16xf32>
        %add3A_1342 = arith.addf %add3A_1331, %gather3A_1341 : vector<16xf32>
        %lt3A_1343 = arith.constant 0 : i32
        %lt3A_1344 = vector.broadcast %lt3A_1343 : i32 to vector<16xi32>
        %lt3A_1345 = arith.cmpi slt, %xor3A_11, %lt3A_1344 : vector<16xi32>
        %add3A_1346 = arith.constant 16 : i32
        %add3A_1347 = vector.broadcast %add3A_1346 : i32 to vector<16xi32>
        %add3A_1348 = arith.addi %xor3A_11, %add3A_1347 : vector<16xi32>
        %select_n3A_1349 = arith.select %lt3A_1345, %add3A_1348, %xor3A_11 : vector<16xi1>, vector<16xi32>
        %broadcast_in_dim3A_1350 = vector.shape_cast %select_n3A_1349 : vector<16xi32> to vector<16x1xi32>
        %gather3A_1351 = vector.shape_cast %broadcast_in_dim3A_1350 : vector<16x1xi32> to vector<16xi32>
        %gather3A_1352 = tpu.dynamic_gather %add3A_1342[%gather3A_1351] in [0] : vector<16xf32>, vector<16xi32> -> vector<16xf32>
        %add3A_1353 = arith.addf %add3A_1342, %gather3A_1352 : vector<16xf32>
        %neg3A_1354 = arith.constant 0.000000e+00 : f32
        %neg3A_1355 = vector.broadcast %neg3A_1354 : f32 to vector<16xf32>
        %neg3A_1356 = arith.subf %neg3A_1355, %add3A_1353 : vector<16xf32>
        %select_n3A_1357 = arith.select %eq3A_545, %neg3A_1356, %scan3A_496 : vector<16xi1>, vector<16xf32>
        %mul3A_1358 = arith.constant 20 : i32
        %mul3A_1359 = arith.muli %scan3A_485, %mul3A_1358 : i32
        %add3A_1360 = arith.constant 16 : i32
        %add3A_1361 = arith.addi %add3A_1360, %mul3A_1359 : i32
        %add3A_1362 = arith.constant 10 : i32
        %add3A_1363 = arith.addi %add3A_1361, %add3A_1362 : i32
        %get3A_1364 = arith.index_cast %add3A_1363 : i32 to index
        %get3A_1365 = arith.constant 0 : index
        %get3A_1366 = tpu.vector_load %arg11[%get3A_1364, %get3A_1365] {strides = array<i32>} : memref<336x64xf32, #tpu.memory_space<vmem>>, vector<1x16xf32>,
        %get3A_1367 = vector.shape_cast %get3A_1366 : vector<1x16xf32> to vector<16xf32>
        %mul3A_1368 = arith.mulf %get3A_1367, %get3A_509 : vector<16xf32>
        %get3A_1369 = arith.index_cast %add3A_1363 : i32 to index
        %get3A_1370 = arith.constant 16 : index
        %get3A_1371 = tpu.vector_load %arg11[%get3A_1369, %get3A_1370] {strides = array<i32>} : memref<336x64xf32, #tpu.memory_space<vmem>>, vector<1x16xf32>,
        %get3A_1372 = vector.shape_cast %get3A_1371 : vector<1x16xf32> to vector<16xf32>
        %mul3A_1373 = arith.mulf %get3A_1372, %get3A_513 : vector<16xf32>
        %add3A_1374 = arith.addf %mul3A_1368, %mul3A_1373 : vector<16xf32>
        %get3A_1375 = arith.index_cast %add3A_1363 : i32 to index
        %get3A_1376 = arith.constant 32 : index
        %get3A_1377 = tpu.vector_load %arg11[%get3A_1375, %get3A_1376] {strides = array<i32>} : memref<336x64xf32, #tpu.memory_space<vmem>>, vector<1x16xf32>,
        %get3A_1378 = vector.shape_cast %get3A_1377 : vector<1x16xf32> to vector<16xf32>
        %mul3A_1379 = arith.mulf %get3A_1378, %get3A_517 : vector<16xf32>
        %add3A_1380 = arith.addf %add3A_1374, %mul3A_1379 : vector<16xf32>
        %get3A_1381 = arith.index_cast %add3A_1363 : i32 to index
        %get3A_1382 = arith.constant 48 : index
        %get3A_1383 = tpu.vector_load %arg11[%get3A_1381, %get3A_1382] {strides = array<i32>} : memref<336x64xf32, #tpu.memory_space<vmem>>, vector<1x16xf32>,
        %get3A_1384 = vector.shape_cast %get3A_1383 : vector<1x16xf32> to vector<16xf32>
        %mul3A_1385 = arith.mulf %get3A_1384, %get3A_521 : vector<16xf32>
        %add3A_1386 = arith.addf %add3A_1380, %mul3A_1385 : vector<16xf32>
        %lt3A_1387 = arith.constant 0 : i32
        %lt3A_1388 = vector.broadcast %lt3A_1387 : i32 to vector<16xi32>
        %lt3A_1389 = arith.cmpi slt, %xor3A_2, %lt3A_1388 : vector<16xi32>
        %add3A_1390 = arith.constant 16 : i32
        %add3A_1391 = vector.broadcast %add3A_1390 : i32 to vector<16xi32>
        %add3A_1392 = arith.addi %xor3A_2, %add3A_1391 : vector<16xi32>
        %select_n3A_1393 = arith.select %lt3A_1389, %add3A_1392, %xor3A_2 : vector<16xi1>, vector<16xi32>
        %broadcast_in_dim3A_1394 = vector.shape_cast %select_n3A_1393 : vector<16xi32> to vector<16x1xi32>
        %gather3A_1395 = vector.shape_cast %broadcast_in_dim3A_1394 : vector<16x1xi32> to vector<16xi32>
        %gather3A_1396 = tpu.dynamic_gather %add3A_1386[%gather3A_1395] in [0] : vector<16xf32>, vector<16xi32> -> vector<16xf32>
        %add3A_1397 = arith.addf %add3A_1386, %gather3A_1396 : vector<16xf32>
        %lt3A_1398 = arith.constant 0 : i32
        %lt3A_1399 = vector.broadcast %lt3A_1398 : i32 to vector<16xi32>
        %lt3A_1400 = arith.cmpi slt, %xor3A_5, %lt3A_1399 : vector<16xi32>
        %add3A_1401 = arith.constant 16 : i32
        %add3A_1402 = vector.broadcast %add3A_1401 : i32 to vector<16xi32>
        %add3A_1403 = arith.addi %xor3A_5, %add3A_1402 : vector<16xi32>
        %select_n3A_1404 = arith.select %lt3A_1400, %add3A_1403, %xor3A_5 : vector<16xi1>, vector<16xi32>
        %broadcast_in_dim3A_1405 = vector.shape_cast %select_n3A_1404 : vector<16xi32> to vector<16x1xi32>
        %gather3A_1406 = vector.shape_cast %broadcast_in_dim3A_1405 : vector<16x1xi32> to vector<16xi32>
        %gather3A_1407 = tpu.dynamic_gather %add3A_1397[%gather3A_1406] in [0] : vector<16xf32>, vector<16xi32> -> vector<16xf32>
        %add3A_1408 = arith.addf %add3A_1397, %gather3A_1407 : vector<16xf32>
        %lt3A_1409 = arith.constant 0 : i32
        %lt3A_1410 = vector.broadcast %lt3A_1409 : i32 to vector<16xi32>
        %lt3A_1411 = arith.cmpi slt, %xor3A_8, %lt3A_1410 : vector<16xi32>
        %add3A_1412 = arith.constant 16 : i32
        %add3A_1413 = vector.broadcast %add3A_1412 : i32 to vector<16xi32>
        %add3A_1414 = arith.addi %xor3A_8, %add3A_1413 : vector<16xi32>
        %select_n3A_1415 = arith.select %lt3A_1411, %add3A_1414, %xor3A_8 : vector<16xi1>, vector<16xi32>
        %broadcast_in_dim3A_1416 = vector.shape_cast %select_n3A_1415 : vector<16xi32> to vector<16x1xi32>
        %gather3A_1417 = vector.shape_cast %broadcast_in_dim3A_1416 : vector<16x1xi32> to vector<16xi32>
        %gather3A_1418 = tpu.dynamic_gather %add3A_1408[%gather3A_1417] in [0] : vector<16xf32>, vector<16xi32> -> vector<16xf32>
        %add3A_1419 = arith.addf %add3A_1408, %gather3A_1418 : vector<16xf32>
        %lt3A_1420 = arith.constant 0 : i32
        %lt3A_1421 = vector.broadcast %lt3A_1420 : i32 to vector<16xi32>
        %lt3A_1422 = arith.cmpi slt, %xor3A_11, %lt3A_1421 : vector<16xi32>
        %add3A_1423 = arith.constant 16 : i32
        %add3A_1424 = vector.broadcast %add3A_1423 : i32 to vector<16xi32>
        %add3A_1425 = arith.addi %xor3A_11, %add3A_1424 : vector<16xi32>
        %select_n3A_1426 = arith.select %lt3A_1422, %add3A_1425, %xor3A_11 : vector<16xi1>, vector<16xi32>
        %broadcast_in_dim3A_1427 = vector.shape_cast %select_n3A_1426 : vector<16xi32> to vector<16x1xi32>
        %gather3A_1428 = vector.shape_cast %broadcast_in_dim3A_1427 : vector<16x1xi32> to vector<16xi32>
        %gather3A_1429 = tpu.dynamic_gather %add3A_1419[%gather3A_1428] in [0] : vector<16xf32>, vector<16xi32> -> vector<16xf32>
        %add3A_1430 = arith.addf %add3A_1419, %gather3A_1429 : vector<16xf32>
        %neg3A_1431 = arith.constant 0.000000e+00 : f32
        %neg3A_1432 = vector.broadcast %neg3A_1431 : f32 to vector<16xf32>
        %neg3A_1433 = arith.subf %neg3A_1432, %add3A_1430 : vector<16xf32>
        %select_n3A_1434 = arith.select %eq3A_545, %neg3A_1433, %scan3A_497 : vector<16xi1>, vector<16xf32>
        %mul3A_1435 = arith.constant 20 : i32
        %mul3A_1436 = arith.muli %scan3A_485, %mul3A_1435 : i32
        %add3A_1437 = arith.constant 16 : i32
        %add3A_1438 = arith.addi %add3A_1437, %mul3A_1436 : i32
        %add3A_1439 = arith.constant 11 : i32
        %add3A_1440 = arith.addi %add3A_1438, %add3A_1439 : i32
        %get3A_1441 = arith.index_cast %add3A_1440 : i32 to index
        %get3A_1442 = arith.constant 0 : index
        %get3A_1443 = tpu.vector_load %arg11[%get3A_1441, %get3A_1442] {strides = array<i32>} : memref<336x64xf32, #tpu.memory_space<vmem>>, vector<1x16xf32>,
        %get3A_1444 = vector.shape_cast %get3A_1443 : vector<1x16xf32> to vector<16xf32>
        %mul3A_1445 = arith.mulf %get3A_1444, %get3A_509 : vector<16xf32>
        %get3A_1446 = arith.index_cast %add3A_1440 : i32 to index
        %get3A_1447 = arith.constant 16 : index
        %get3A_1448 = tpu.vector_load %arg11[%get3A_1446, %get3A_1447] {strides = array<i32>} : memref<336x64xf32, #tpu.memory_space<vmem>>, vector<1x16xf32>,
        %get3A_1449 = vector.shape_cast %get3A_1448 : vector<1x16xf32> to vector<16xf32>
        %mul3A_1450 = arith.mulf %get3A_1449, %get3A_513 : vector<16xf32>
        %add3A_1451 = arith.addf %mul3A_1445, %mul3A_1450 : vector<16xf32>
        %get3A_1452 = arith.index_cast %add3A_1440 : i32 to index
        %get3A_1453 = arith.constant 32 : index
        %get3A_1454 = tpu.vector_load %arg11[%get3A_1452, %get3A_1453] {strides = array<i32>} : memref<336x64xf32, #tpu.memory_space<vmem>>, vector<1x16xf32>,
        %get3A_1455 = vector.shape_cast %get3A_1454 : vector<1x16xf32> to vector<16xf32>
        %mul3A_1456 = arith.mulf %get3A_1455, %get3A_517 : vector<16xf32>
        %add3A_1457 = arith.addf %add3A_1451, %mul3A_1456 : vector<16xf32>
        %get3A_1458 = arith.index_cast %add3A_1440 : i32 to index
        %get3A_1459 = arith.constant 48 : index
        %get3A_1460 = tpu.vector_load %arg11[%get3A_1458, %get3A_1459] {strides = array<i32>} : memref<336x64xf32, #tpu.memory_space<vmem>>, vector<1x16xf32>,
        %get3A_1461 = vector.shape_cast %get3A_1460 : vector<1x16xf32> to vector<16xf32>
        %mul3A_1462 = arith.mulf %get3A_1461, %get3A_521 : vector<16xf32>
        %add3A_1463 = arith.addf %add3A_1457, %mul3A_1462 : vector<16xf32>
        %lt3A_1464 = arith.constant 0 : i32
        %lt3A_1465 = vector.broadcast %lt3A_1464 : i32 to vector<16xi32>
        %lt3A_1466 = arith.cmpi slt, %xor3A_2, %lt3A_1465 : vector<16xi32>
        %add3A_1467 = arith.constant 16 : i32
        %add3A_1468 = vector.broadcast %add3A_1467 : i32 to vector<16xi32>
        %add3A_1469 = arith.addi %xor3A_2, %add3A_1468 : vector<16xi32>
        %select_n3A_1470 = arith.select %lt3A_1466, %add3A_1469, %xor3A_2 : vector<16xi1>, vector<16xi32>
        %broadcast_in_dim3A_1471 = vector.shape_cast %select_n3A_1470 : vector<16xi32> to vector<16x1xi32>
        %gather3A_1472 = vector.shape_cast %broadcast_in_dim3A_1471 : vector<16x1xi32> to vector<16xi32>
        %gather3A_1473 = tpu.dynamic_gather %add3A_1463[%gather3A_1472] in [0] : vector<16xf32>, vector<16xi32> -> vector<16xf32>
        %add3A_1474 = arith.addf %add3A_1463, %gather3A_1473 : vector<16xf32>
        %lt3A_1475 = arith.constant 0 : i32
        %lt3A_1476 = vector.broadcast %lt3A_1475 : i32 to vector<16xi32>
        %lt3A_1477 = arith.cmpi slt, %xor3A_5, %lt3A_1476 : vector<16xi32>
        %add3A_1478 = arith.constant 16 : i32
        %add3A_1479 = vector.broadcast %add3A_1478 : i32 to vector<16xi32>
        %add3A_1480 = arith.addi %xor3A_5, %add3A_1479 : vector<16xi32>
        %select_n3A_1481 = arith.select %lt3A_1477, %add3A_1480, %xor3A_5 : vector<16xi1>, vector<16xi32>
        %broadcast_in_dim3A_1482 = vector.shape_cast %select_n3A_1481 : vector<16xi32> to vector<16x1xi32>
        %gather3A_1483 = vector.shape_cast %broadcast_in_dim3A_1482 : vector<16x1xi32> to vector<16xi32>
        %gather3A_1484 = tpu.dynamic_gather %add3A_1474[%gather3A_1483] in [0] : vector<16xf32>, vector<16xi32> -> vector<16xf32>
        %add3A_1485 = arith.addf %add3A_1474, %gather3A_1484 : vector<16xf32>
        %lt3A_1486 = arith.constant 0 : i32
        %lt3A_1487 = vector.broadcast %lt3A_1486 : i32 to vector<16xi32>
        %lt3A_1488 = arith.cmpi slt, %xor3A_8, %lt3A_1487 : vector<16xi32>
        %add3A_1489 = arith.constant 16 : i32
        %add3A_1490 = vector.broadcast %add3A_1489 : i32 to vector<16xi32>
        %add3A_1491 = arith.addi %xor3A_8, %add3A_1490 : vector<16xi32>
        %select_n3A_1492 = arith.select %lt3A_1488, %add3A_1491, %xor3A_8 : vector<16xi1>, vector<16xi32>
        %broadcast_in_dim3A_1493 = vector.shape_cast %select_n3A_1492 : vector<16xi32> to vector<16x1xi32>
        %gather3A_1494 = vector.shape_cast %broadcast_in_dim3A_1493 : vector<16x1xi32> to vector<16xi32>
        %gather3A_1495 = tpu.dynamic_gather %add3A_1485[%gather3A_1494] in [0] : vector<16xf32>, vector<16xi32> -> vector<16xf32>
        %add3A_1496 = arith.addf %add3A_1485, %gather3A_1495 : vector<16xf32>
        %lt3A_1497 = arith.constant 0 : i32
        %lt3A_1498 = vector.broadcast %lt3A_1497 : i32 to vector<16xi32>
        %lt3A_1499 = arith.cmpi slt, %xor3A_11, %lt3A_1498 : vector<16xi32>
        %add3A_1500 = arith.constant 16 : i32
        %add3A_1501 = vector.broadcast %add3A_1500 : i32 to vector<16xi32>
        %add3A_1502 = arith.addi %xor3A_11, %add3A_1501 : vector<16xi32>
        %select_n3A_1503 = arith.select %lt3A_1499, %add3A_1502, %xor3A_11 : vector<16xi1>, vector<16xi32>
        %broadcast_in_dim3A_1504 = vector.shape_cast %select_n3A_1503 : vector<16xi32> to vector<16x1xi32>
        %gather3A_1505 = vector.shape_cast %broadcast_in_dim3A_1504 : vector<16x1xi32> to vector<16xi32>
        %gather3A_1506 = tpu.dynamic_gather %add3A_1496[%gather3A_1505] in [0] : vector<16xf32>, vector<16xi32> -> vector<16xf32>
        %add3A_1507 = arith.addf %add3A_1496, %gather3A_1506 : vector<16xf32>
        %neg3A_1508 = arith.constant 0.000000e+00 : f32
        %neg3A_1509 = vector.broadcast %neg3A_1508 : f32 to vector<16xf32>
        %neg3A_1510 = arith.subf %neg3A_1509, %add3A_1507 : vector<16xf32>
        %select_n3A_1511 = arith.select %eq3A_545, %neg3A_1510, %scan3A_498 : vector<16xi1>, vector<16xf32>
        %mul3A_1512 = arith.constant 20 : i32
        %mul3A_1513 = arith.muli %scan3A_485, %mul3A_1512 : i32
        %add3A_1514 = arith.constant 16 : i32
        %add3A_1515 = arith.addi %add3A_1514, %mul3A_1513 : i32
        %add3A_1516 = arith.constant 12 : i32
        %add3A_1517 = arith.addi %add3A_1515, %add3A_1516 : i32
        %get3A_1518 = arith.index_cast %add3A_1517 : i32 to index
        %get3A_1519 = arith.constant 0 : index
        %get3A_1520 = tpu.vector_load %arg11[%get3A_1518, %get3A_1519] {strides = array<i32>} : memref<336x64xf32, #tpu.memory_space<vmem>>, vector<1x16xf32>,
        %get3A_1521 = vector.shape_cast %get3A_1520 : vector<1x16xf32> to vector<16xf32>
        %mul3A_1522 = arith.mulf %get3A_1521, %get3A_509 : vector<16xf32>
        %get3A_1523 = arith.index_cast %add3A_1517 : i32 to index
        %get3A_1524 = arith.constant 16 : index
        %get3A_1525 = tpu.vector_load %arg11[%get3A_1523, %get3A_1524] {strides = array<i32>} : memref<336x64xf32, #tpu.memory_space<vmem>>, vector<1x16xf32>,
        %get3A_1526 = vector.shape_cast %get3A_1525 : vector<1x16xf32> to vector<16xf32>
        %mul3A_1527 = arith.mulf %get3A_1526, %get3A_513 : vector<16xf32>
        %add3A_1528 = arith.addf %mul3A_1522, %mul3A_1527 : vector<16xf32>
        %get3A_1529 = arith.index_cast %add3A_1517 : i32 to index
        %get3A_1530 = arith.constant 32 : index
        %get3A_1531 = tpu.vector_load %arg11[%get3A_1529, %get3A_1530] {strides = array<i32>} : memref<336x64xf32, #tpu.memory_space<vmem>>, vector<1x16xf32>,
        %get3A_1532 = vector.shape_cast %get3A_1531 : vector<1x16xf32> to vector<16xf32>
        %mul3A_1533 = arith.mulf %get3A_1532, %get3A_517 : vector<16xf32>
        %add3A_1534 = arith.addf %add3A_1528, %mul3A_1533 : vector<16xf32>
        %get3A_1535 = arith.index_cast %add3A_1517 : i32 to index
        %get3A_1536 = arith.constant 48 : index
        %get3A_1537 = tpu.vector_load %arg11[%get3A_1535, %get3A_1536] {strides = array<i32>} : memref<336x64xf32, #tpu.memory_space<vmem>>, vector<1x16xf32>,
        %get3A_1538 = vector.shape_cast %get3A_1537 : vector<1x16xf32> to vector<16xf32>
        %mul3A_1539 = arith.mulf %get3A_1538, %get3A_521 : vector<16xf32>
        %add3A_1540 = arith.addf %add3A_1534, %mul3A_1539 : vector<16xf32>
        %lt3A_1541 = arith.constant 0 : i32
        %lt3A_1542 = vector.broadcast %lt3A_1541 : i32 to vector<16xi32>
        %lt3A_1543 = arith.cmpi slt, %xor3A_2, %lt3A_1542 : vector<16xi32>
        %add3A_1544 = arith.constant 16 : i32
        %add3A_1545 = vector.broadcast %add3A_1544 : i32 to vector<16xi32>
        %add3A_1546 = arith.addi %xor3A_2, %add3A_1545 : vector<16xi32>
        %select_n3A_1547 = arith.select %lt3A_1543, %add3A_1546, %xor3A_2 : vector<16xi1>, vector<16xi32>
        %broadcast_in_dim3A_1548 = vector.shape_cast %select_n3A_1547 : vector<16xi32> to vector<16x1xi32>
        %gather3A_1549 = vector.shape_cast %broadcast_in_dim3A_1548 : vector<16x1xi32> to vector<16xi32>
        %gather3A_1550 = tpu.dynamic_gather %add3A_1540[%gather3A_1549] in [0] : vector<16xf32>, vector<16xi32> -> vector<16xf32>
        %add3A_1551 = arith.addf %add3A_1540, %gather3A_1550 : vector<16xf32>
        %lt3A_1552 = arith.constant 0 : i32
        %lt3A_1553 = vector.broadcast %lt3A_1552 : i32 to vector<16xi32>
        %lt3A_1554 = arith.cmpi slt, %xor3A_5, %lt3A_1553 : vector<16xi32>
        %add3A_1555 = arith.constant 16 : i32
        %add3A_1556 = vector.broadcast %add3A_1555 : i32 to vector<16xi32>
        %add3A_1557 = arith.addi %xor3A_5, %add3A_1556 : vector<16xi32>
        %select_n3A_1558 = arith.select %lt3A_1554, %add3A_1557, %xor3A_5 : vector<16xi1>, vector<16xi32>
        %broadcast_in_dim3A_1559 = vector.shape_cast %select_n3A_1558 : vector<16xi32> to vector<16x1xi32>
        %gather3A_1560 = vector.shape_cast %broadcast_in_dim3A_1559 : vector<16x1xi32> to vector<16xi32>
        %gather3A_1561 = tpu.dynamic_gather %add3A_1551[%gather3A_1560] in [0] : vector<16xf32>, vector<16xi32> -> vector<16xf32>
        %add3A_1562 = arith.addf %add3A_1551, %gather3A_1561 : vector<16xf32>
        %lt3A_1563 = arith.constant 0 : i32
        %lt3A_1564 = vector.broadcast %lt3A_1563 : i32 to vector<16xi32>
        %lt3A_1565 = arith.cmpi slt, %xor3A_8, %lt3A_1564 : vector<16xi32>
        %add3A_1566 = arith.constant 16 : i32
        %add3A_1567 = vector.broadcast %add3A_1566 : i32 to vector<16xi32>
        %add3A_1568 = arith.addi %xor3A_8, %add3A_1567 : vector<16xi32>
        %select_n3A_1569 = arith.select %lt3A_1565, %add3A_1568, %xor3A_8 : vector<16xi1>, vector<16xi32>
        %broadcast_in_dim3A_1570 = vector.shape_cast %select_n3A_1569 : vector<16xi32> to vector<16x1xi32>
        %gather3A_1571 = vector.shape_cast %broadcast_in_dim3A_1570 : vector<16x1xi32> to vector<16xi32>
        %gather3A_1572 = tpu.dynamic_gather %add3A_1562[%gather3A_1571] in [0] : vector<16xf32>, vector<16xi32> -> vector<16xf32>
        %add3A_1573 = arith.addf %add3A_1562, %gather3A_1572 : vector<16xf32>
        %lt3A_1574 = arith.constant 0 : i32
        %lt3A_1575 = vector.broadcast %lt3A_1574 : i32 to vector<16xi32>
        %lt3A_1576 = arith.cmpi slt, %xor3A_11, %lt3A_1575 : vector<16xi32>
        %add3A_1577 = arith.constant 16 : i32
        %add3A_1578 = vector.broadcast %add3A_1577 : i32 to vector<16xi32>
        %add3A_1579 = arith.addi %xor3A_11, %add3A_1578 : vector<16xi32>
        %select_n3A_1580 = arith.select %lt3A_1576, %add3A_1579, %xor3A_11 : vector<16xi1>, vector<16xi32>
        %broadcast_in_dim3A_1581 = vector.shape_cast %select_n3A_1580 : vector<16xi32> to vector<16x1xi32>
        %gather3A_1582 = vector.shape_cast %broadcast_in_dim3A_1581 : vector<16x1xi32> to vector<16xi32>
        %gather3A_1583 = tpu.dynamic_gather %add3A_1573[%gather3A_1582] in [0] : vector<16xf32>, vector<16xi32> -> vector<16xf32>
        %add3A_1584 = arith.addf %add3A_1573, %gather3A_1583 : vector<16xf32>
        %neg3A_1585 = arith.constant 0.000000e+00 : f32
        %neg3A_1586 = vector.broadcast %neg3A_1585 : f32 to vector<16xf32>
        %neg3A_1587 = arith.subf %neg3A_1586, %add3A_1584 : vector<16xf32>
        %select_n3A_1588 = arith.select %eq3A_545, %neg3A_1587, %scan3A_499 : vector<16xi1>, vector<16xf32>
        %mul3A_1589 = arith.constant 20 : i32
        %mul3A_1590 = arith.muli %scan3A_485, %mul3A_1589 : i32
        %add3A_1591 = arith.constant 16 : i32
        %add3A_1592 = arith.addi %add3A_1591, %mul3A_1590 : i32
        %add3A_1593 = arith.constant 13 : i32
        %add3A_1594 = arith.addi %add3A_1592, %add3A_1593 : i32
        %get3A_1595 = arith.index_cast %add3A_1594 : i32 to index
        %get3A_1596 = arith.constant 0 : index
        %get3A_1597 = tpu.vector_load %arg11[%get3A_1595, %get3A_1596] {strides = array<i32>} : memref<336x64xf32, #tpu.memory_space<vmem>>, vector<1x16xf32>,
        %get3A_1598 = vector.shape_cast %get3A_1597 : vector<1x16xf32> to vector<16xf32>
        %mul3A_1599 = arith.mulf %get3A_1598, %get3A_509 : vector<16xf32>
        %get3A_1600 = arith.index_cast %add3A_1594 : i32 to index
        %get3A_1601 = arith.constant 16 : index
        %get3A_1602 = tpu.vector_load %arg11[%get3A_1600, %get3A_1601] {strides = array<i32>} : memref<336x64xf32, #tpu.memory_space<vmem>>, vector<1x16xf32>,
        %get3A_1603 = vector.shape_cast %get3A_1602 : vector<1x16xf32> to vector<16xf32>
        %mul3A_1604 = arith.mulf %get3A_1603, %get3A_513 : vector<16xf32>
        %add3A_1605 = arith.addf %mul3A_1599, %mul3A_1604 : vector<16xf32>
        %get3A_1606 = arith.index_cast %add3A_1594 : i32 to index
        %get3A_1607 = arith.constant 32 : index
        %get3A_1608 = tpu.vector_load %arg11[%get3A_1606, %get3A_1607] {strides = array<i32>} : memref<336x64xf32, #tpu.memory_space<vmem>>, vector<1x16xf32>,
        %get3A_1609 = vector.shape_cast %get3A_1608 : vector<1x16xf32> to vector<16xf32>
        %mul3A_1610 = arith.mulf %get3A_1609, %get3A_517 : vector<16xf32>
        %add3A_1611 = arith.addf %add3A_1605, %mul3A_1610 : vector<16xf32>
        %get3A_1612 = arith.index_cast %add3A_1594 : i32 to index
        %get3A_1613 = arith.constant 48 : index
        %get3A_1614 = tpu.vector_load %arg11[%get3A_1612, %get3A_1613] {strides = array<i32>} : memref<336x64xf32, #tpu.memory_space<vmem>>, vector<1x16xf32>,
        %get3A_1615 = vector.shape_cast %get3A_1614 : vector<1x16xf32> to vector<16xf32>
        %mul3A_1616 = arith.mulf %get3A_1615, %get3A_521 : vector<16xf32>
        %add3A_1617 = arith.addf %add3A_1611, %mul3A_1616 : vector<16xf32>
        %lt3A_1618 = arith.constant 0 : i32
        %lt3A_1619 = vector.broadcast %lt3A_1618 : i32 to vector<16xi32>
        %lt3A_1620 = arith.cmpi slt, %xor3A_2, %lt3A_1619 : vector<16xi32>
        %add3A_1621 = arith.constant 16 : i32
        %add3A_1622 = vector.broadcast %add3A_1621 : i32 to vector<16xi32>
        %add3A_1623 = arith.addi %xor3A_2, %add3A_1622 : vector<16xi32>
        %select_n3A_1624 = arith.select %lt3A_1620, %add3A_1623, %xor3A_2 : vector<16xi1>, vector<16xi32>
        %broadcast_in_dim3A_1625 = vector.shape_cast %select_n3A_1624 : vector<16xi32> to vector<16x1xi32>
        %gather3A_1626 = vector.shape_cast %broadcast_in_dim3A_1625 : vector<16x1xi32> to vector<16xi32>
        %gather3A_1627 = tpu.dynamic_gather %add3A_1617[%gather3A_1626] in [0] : vector<16xf32>, vector<16xi32> -> vector<16xf32>
        %add3A_1628 = arith.addf %add3A_1617, %gather3A_1627 : vector<16xf32>
        %lt3A_1629 = arith.constant 0 : i32
        %lt3A_1630 = vector.broadcast %lt3A_1629 : i32 to vector<16xi32>
        %lt3A_1631 = arith.cmpi slt, %xor3A_5, %lt3A_1630 : vector<16xi32>
        %add3A_1632 = arith.constant 16 : i32
        %add3A_1633 = vector.broadcast %add3A_1632 : i32 to vector<16xi32>
        %add3A_1634 = arith.addi %xor3A_5, %add3A_1633 : vector<16xi32>
        %select_n3A_1635 = arith.select %lt3A_1631, %add3A_1634, %xor3A_5 : vector<16xi1>, vector<16xi32>
        %broadcast_in_dim3A_1636 = vector.shape_cast %select_n3A_1635 : vector<16xi32> to vector<16x1xi32>
        %gather3A_1637 = vector.shape_cast %broadcast_in_dim3A_1636 : vector<16x1xi32> to vector<16xi32>
        %gather3A_1638 = tpu.dynamic_gather %add3A_1628[%gather3A_1637] in [0] : vector<16xf32>, vector<16xi32> -> vector<16xf32>
        %add3A_1639 = arith.addf %add3A_1628, %gather3A_1638 : vector<16xf32>
        %lt3A_1640 = arith.constant 0 : i32
        %lt3A_1641 = vector.broadcast %lt3A_1640 : i32 to vector<16xi32>
        %lt3A_1642 = arith.cmpi slt, %xor3A_8, %lt3A_1641 : vector<16xi32>
        %add3A_1643 = arith.constant 16 : i32
        %add3A_1644 = vector.broadcast %add3A_1643 : i32 to vector<16xi32>
        %add3A_1645 = arith.addi %xor3A_8, %add3A_1644 : vector<16xi32>
        %select_n3A_1646 = arith.select %lt3A_1642, %add3A_1645, %xor3A_8 : vector<16xi1>, vector<16xi32>
        %broadcast_in_dim3A_1647 = vector.shape_cast %select_n3A_1646 : vector<16xi32> to vector<16x1xi32>
        %gather3A_1648 = vector.shape_cast %broadcast_in_dim3A_1647 : vector<16x1xi32> to vector<16xi32>
        %gather3A_1649 = tpu.dynamic_gather %add3A_1639[%gather3A_1648] in [0] : vector<16xf32>, vector<16xi32> -> vector<16xf32>
        %add3A_1650 = arith.addf %add3A_1639, %gather3A_1649 : vector<16xf32>
        %lt3A_1651 = arith.constant 0 : i32
        %lt3A_1652 = vector.broadcast %lt3A_1651 : i32 to vector<16xi32>
        %lt3A_1653 = arith.cmpi slt, %xor3A_11, %lt3A_1652 : vector<16xi32>
        %add3A_1654 = arith.constant 16 : i32
        %add3A_1655 = vector.broadcast %add3A_1654 : i32 to vector<16xi32>
        %add3A_1656 = arith.addi %xor3A_11, %add3A_1655 : vector<16xi32>
        %select_n3A_1657 = arith.select %lt3A_1653, %add3A_1656, %xor3A_11 : vector<16xi1>, vector<16xi32>
        %broadcast_in_dim3A_1658 = vector.shape_cast %select_n3A_1657 : vector<16xi32> to vector<16x1xi32>
        %gather3A_1659 = vector.shape_cast %broadcast_in_dim3A_1658 : vector<16x1xi32> to vector<16xi32>
        %gather3A_1660 = tpu.dynamic_gather %add3A_1650[%gather3A_1659] in [0] : vector<16xf32>, vector<16xi32> -> vector<16xf32>
        %add3A_1661 = arith.addf %add3A_1650, %gather3A_1660 : vector<16xf32>
        %neg3A_1662 = arith.constant 0.000000e+00 : f32
        %neg3A_1663 = vector.broadcast %neg3A_1662 : f32 to vector<16xf32>
        %neg3A_1664 = arith.subf %neg3A_1663, %add3A_1661 : vector<16xf32>
        %select_n3A_1665 = arith.select %eq3A_545, %neg3A_1664, %scan3A_500 : vector<16xi1>, vector<16xf32>
        %mul3A_1666 = arith.constant 20 : i32
        %mul3A_1667 = arith.muli %scan3A_485, %mul3A_1666 : i32
        %add3A_1668 = arith.constant 16 : i32
        %add3A_1669 = arith.addi %add3A_1668, %mul3A_1667 : i32
        %add3A_1670 = arith.constant 14 : i32
        %add3A_1671 = arith.addi %add3A_1669, %add3A_1670 : i32
        %get3A_1672 = arith.index_cast %add3A_1671 : i32 to index
        %get3A_1673 = arith.constant 0 : index
        %get3A_1674 = tpu.vector_load %arg11[%get3A_1672, %get3A_1673] {strides = array<i32>} : memref<336x64xf32, #tpu.memory_space<vmem>>, vector<1x16xf32>,
        %get3A_1675 = vector.shape_cast %get3A_1674 : vector<1x16xf32> to vector<16xf32>
        %mul3A_1676 = arith.mulf %get3A_1675, %get3A_509 : vector<16xf32>
        %get3A_1677 = arith.index_cast %add3A_1671 : i32 to index
        %get3A_1678 = arith.constant 16 : index
        %get3A_1679 = tpu.vector_load %arg11[%get3A_1677, %get3A_1678] {strides = array<i32>} : memref<336x64xf32, #tpu.memory_space<vmem>>, vector<1x16xf32>,
        %get3A_1680 = vector.shape_cast %get3A_1679 : vector<1x16xf32> to vector<16xf32>
        %mul3A_1681 = arith.mulf %get3A_1680, %get3A_513 : vector<16xf32>
        %add3A_1682 = arith.addf %mul3A_1676, %mul3A_1681 : vector<16xf32>
        %get3A_1683 = arith.index_cast %add3A_1671 : i32 to index
        %get3A_1684 = arith.constant 32 : index
        %get3A_1685 = tpu.vector_load %arg11[%get3A_1683, %get3A_1684] {strides = array<i32>} : memref<336x64xf32, #tpu.memory_space<vmem>>, vector<1x16xf32>,
        %get3A_1686 = vector.shape_cast %get3A_1685 : vector<1x16xf32> to vector<16xf32>
        %mul3A_1687 = arith.mulf %get3A_1686, %get3A_517 : vector<16xf32>
        %add3A_1688 = arith.addf %add3A_1682, %mul3A_1687 : vector<16xf32>
        %get3A_1689 = arith.index_cast %add3A_1671 : i32 to index
        %get3A_1690 = arith.constant 48 : index
        %get3A_1691 = tpu.vector_load %arg11[%get3A_1689, %get3A_1690] {strides = array<i32>} : memref<336x64xf32, #tpu.memory_space<vmem>>, vector<1x16xf32>,
        %get3A_1692 = vector.shape_cast %get3A_1691 : vector<1x16xf32> to vector<16xf32>
        %mul3A_1693 = arith.mulf %get3A_1692, %get3A_521 : vector<16xf32>
        %add3A_1694 = arith.addf %add3A_1688, %mul3A_1693 : vector<16xf32>
        %lt3A_1695 = arith.constant 0 : i32
        %lt3A_1696 = vector.broadcast %lt3A_1695 : i32 to vector<16xi32>
        %lt3A_1697 = arith.cmpi slt, %xor3A_2, %lt3A_1696 : vector<16xi32>
        %add3A_1698 = arith.constant 16 : i32
        %add3A_1699 = vector.broadcast %add3A_1698 : i32 to vector<16xi32>
        %add3A_1700 = arith.addi %xor3A_2, %add3A_1699 : vector<16xi32>
        %select_n3A_1701 = arith.select %lt3A_1697, %add3A_1700, %xor3A_2 : vector<16xi1>, vector<16xi32>
        %broadcast_in_dim3A_1702 = vector.shape_cast %select_n3A_1701 : vector<16xi32> to vector<16x1xi32>
        %gather3A_1703 = vector.shape_cast %broadcast_in_dim3A_1702 : vector<16x1xi32> to vector<16xi32>
        %gather3A_1704 = tpu.dynamic_gather %add3A_1694[%gather3A_1703] in [0] : vector<16xf32>, vector<16xi32> -> vector<16xf32>
        %add3A_1705 = arith.addf %add3A_1694, %gather3A_1704 : vector<16xf32>
        %lt3A_1706 = arith.constant 0 : i32
        %lt3A_1707 = vector.broadcast %lt3A_1706 : i32 to vector<16xi32>
        %lt3A_1708 = arith.cmpi slt, %xor3A_5, %lt3A_1707 : vector<16xi32>
        %add3A_1709 = arith.constant 16 : i32
        %add3A_1710 = vector.broadcast %add3A_1709 : i32 to vector<16xi32>
        %add3A_1711 = arith.addi %xor3A_5, %add3A_1710 : vector<16xi32>
        %select_n3A_1712 = arith.select %lt3A_1708, %add3A_1711, %xor3A_5 : vector<16xi1>, vector<16xi32>
        %broadcast_in_dim3A_1713 = vector.shape_cast %select_n3A_1712 : vector<16xi32> to vector<16x1xi32>
        %gather3A_1714 = vector.shape_cast %broadcast_in_dim3A_1713 : vector<16x1xi32> to vector<16xi32>
        %gather3A_1715 = tpu.dynamic_gather %add3A_1705[%gather3A_1714] in [0] : vector<16xf32>, vector<16xi32> -> vector<16xf32>
        %add3A_1716 = arith.addf %add3A_1705, %gather3A_1715 : vector<16xf32>
        %lt3A_1717 = arith.constant 0 : i32
        %lt3A_1718 = vector.broadcast %lt3A_1717 : i32 to vector<16xi32>
        %lt3A_1719 = arith.cmpi slt, %xor3A_8, %lt3A_1718 : vector<16xi32>
        %add3A_1720 = arith.constant 16 : i32
        %add3A_1721 = vector.broadcast %add3A_1720 : i32 to vector<16xi32>
        %add3A_1722 = arith.addi %xor3A_8, %add3A_1721 : vector<16xi32>
        %select_n3A_1723 = arith.select %lt3A_1719, %add3A_1722, %xor3A_8 : vector<16xi1>, vector<16xi32>
        %broadcast_in_dim3A_1724 = vector.shape_cast %select_n3A_1723 : vector<16xi32> to vector<16x1xi32>
        %gather3A_1725 = vector.shape_cast %broadcast_in_dim3A_1724 : vector<16x1xi32> to vector<16xi32>
        %gather3A_1726 = tpu.dynamic_gather %add3A_1716[%gather3A_1725] in [0] : vector<16xf32>, vector<16xi32> -> vector<16xf32>
        %add3A_1727 = arith.addf %add3A_1716, %gather3A_1726 : vector<16xf32>
        %lt3A_1728 = arith.constant 0 : i32
        %lt3A_1729 = vector.broadcast %lt3A_1728 : i32 to vector<16xi32>
        %lt3A_1730 = arith.cmpi slt, %xor3A_11, %lt3A_1729 : vector<16xi32>
        %add3A_1731 = arith.constant 16 : i32
        %add3A_1732 = vector.broadcast %add3A_1731 : i32 to vector<16xi32>
        %add3A_1733 = arith.addi %xor3A_11, %add3A_1732 : vector<16xi32>
        %select_n3A_1734 = arith.select %lt3A_1730, %add3A_1733, %xor3A_11 : vector<16xi1>, vector<16xi32>
        %broadcast_in_dim3A_1735 = vector.shape_cast %select_n3A_1734 : vector<16xi32> to vector<16x1xi32>
        %gather3A_1736 = vector.shape_cast %broadcast_in_dim3A_1735 : vector<16x1xi32> to vector<16xi32>
        %gather3A_1737 = tpu.dynamic_gather %add3A_1727[%gather3A_1736] in [0] : vector<16xf32>, vector<16xi32> -> vector<16xf32>
        %add3A_1738 = arith.addf %add3A_1727, %gather3A_1737 : vector<16xf32>
        %neg3A_1739 = arith.constant 0.000000e+00 : f32
        %neg3A_1740 = vector.broadcast %neg3A_1739 : f32 to vector<16xf32>
        %neg3A_1741 = arith.subf %neg3A_1740, %add3A_1738 : vector<16xf32>
        %select_n3A_1742 = arith.select %eq3A_545, %neg3A_1741, %scan3A_501 : vector<16xi1>, vector<16xf32>
        %mul3A_1743 = arith.constant 20 : i32
        %mul3A_1744 = arith.muli %scan3A_485, %mul3A_1743 : i32
        %add3A_1745 = arith.constant 16 : i32
        %add3A_1746 = arith.addi %add3A_1745, %mul3A_1744 : i32
        %add3A_1747 = arith.constant 15 : i32
        %add3A_1748 = arith.addi %add3A_1746, %add3A_1747 : i32
        %get3A_1749 = arith.index_cast %add3A_1748 : i32 to index
        %get3A_1750 = arith.constant 0 : index
        %get3A_1751 = tpu.vector_load %arg11[%get3A_1749, %get3A_1750] {strides = array<i32>} : memref<336x64xf32, #tpu.memory_space<vmem>>, vector<1x16xf32>,
        %get3A_1752 = vector.shape_cast %get3A_1751 : vector<1x16xf32> to vector<16xf32>
        %mul3A_1753 = arith.mulf %get3A_1752, %get3A_509 : vector<16xf32>
        %get3A_1754 = arith.index_cast %add3A_1748 : i32 to index
        %get3A_1755 = arith.constant 16 : index
        %get3A_1756 = tpu.vector_load %arg11[%get3A_1754, %get3A_1755] {strides = array<i32>} : memref<336x64xf32, #tpu.memory_space<vmem>>, vector<1x16xf32>,
        %get3A_1757 = vector.shape_cast %get3A_1756 : vector<1x16xf32> to vector<16xf32>
        %mul3A_1758 = arith.mulf %get3A_1757, %get3A_513 : vector<16xf32>
        %add3A_1759 = arith.addf %mul3A_1753, %mul3A_1758 : vector<16xf32>
        %get3A_1760 = arith.index_cast %add3A_1748 : i32 to index
        %get3A_1761 = arith.constant 32 : index
        %get3A_1762 = tpu.vector_load %arg11[%get3A_1760, %get3A_1761] {strides = array<i32>} : memref<336x64xf32, #tpu.memory_space<vmem>>, vector<1x16xf32>,
        %get3A_1763 = vector.shape_cast %get3A_1762 : vector<1x16xf32> to vector<16xf32>
        %mul3A_1764 = arith.mulf %get3A_1763, %get3A_517 : vector<16xf32>
        %add3A_1765 = arith.addf %add3A_1759, %mul3A_1764 : vector<16xf32>
        %get3A_1766 = arith.index_cast %add3A_1748 : i32 to index
        %get3A_1767 = arith.constant 48 : index
        %get3A_1768 = tpu.vector_load %arg11[%get3A_1766, %get3A_1767] {strides = array<i32>} : memref<336x64xf32, #tpu.memory_space<vmem>>, vector<1x16xf32>,
        %get3A_1769 = vector.shape_cast %get3A_1768 : vector<1x16xf32> to vector<16xf32>
        %mul3A_1770 = arith.mulf %get3A_1769, %get3A_521 : vector<16xf32>
        %add3A_1771 = arith.addf %add3A_1765, %mul3A_1770 : vector<16xf32>
        %lt3A_1772 = arith.constant 0 : i32
        %lt3A_1773 = vector.broadcast %lt3A_1772 : i32 to vector<16xi32>
        %lt3A_1774 = arith.cmpi slt, %xor3A_2, %lt3A_1773 : vector<16xi32>
        %add3A_1775 = arith.constant 16 : i32
        %add3A_1776 = vector.broadcast %add3A_1775 : i32 to vector<16xi32>
        %add3A_1777 = arith.addi %xor3A_2, %add3A_1776 : vector<16xi32>
        %select_n3A_1778 = arith.select %lt3A_1774, %add3A_1777, %xor3A_2 : vector<16xi1>, vector<16xi32>
        %broadcast_in_dim3A_1779 = vector.shape_cast %select_n3A_1778 : vector<16xi32> to vector<16x1xi32>
        %gather3A_1780 = vector.shape_cast %broadcast_in_dim3A_1779 : vector<16x1xi32> to vector<16xi32>
        %gather3A_1781 = tpu.dynamic_gather %add3A_1771[%gather3A_1780] in [0] : vector<16xf32>, vector<16xi32> -> vector<16xf32>
        %add3A_1782 = arith.addf %add3A_1771, %gather3A_1781 : vector<16xf32>
        %lt3A_1783 = arith.constant 0 : i32
        %lt3A_1784 = vector.broadcast %lt3A_1783 : i32 to vector<16xi32>
        %lt3A_1785 = arith.cmpi slt, %xor3A_5, %lt3A_1784 : vector<16xi32>
        %add3A_1786 = arith.constant 16 : i32
        %add3A_1787 = vector.broadcast %add3A_1786 : i32 to vector<16xi32>
        %add3A_1788 = arith.addi %xor3A_5, %add3A_1787 : vector<16xi32>
        %select_n3A_1789 = arith.select %lt3A_1785, %add3A_1788, %xor3A_5 : vector<16xi1>, vector<16xi32>
        %broadcast_in_dim3A_1790 = vector.shape_cast %select_n3A_1789 : vector<16xi32> to vector<16x1xi32>
        %gather3A_1791 = vector.shape_cast %broadcast_in_dim3A_1790 : vector<16x1xi32> to vector<16xi32>
        %gather3A_1792 = tpu.dynamic_gather %add3A_1782[%gather3A_1791] in [0] : vector<16xf32>, vector<16xi32> -> vector<16xf32>
        %add3A_1793 = arith.addf %add3A_1782, %gather3A_1792 : vector<16xf32>
        %lt3A_1794 = arith.constant 0 : i32
        %lt3A_1795 = vector.broadcast %lt3A_1794 : i32 to vector<16xi32>
        %lt3A_1796 = arith.cmpi slt, %xor3A_8, %lt3A_1795 : vector<16xi32>
        %add3A_1797 = arith.constant 16 : i32
        %add3A_1798 = vector.broadcast %add3A_1797 : i32 to vector<16xi32>
        %add3A_1799 = arith.addi %xor3A_8, %add3A_1798 : vector<16xi32>
        %select_n3A_1800 = arith.select %lt3A_1796, %add3A_1799, %xor3A_8 : vector<16xi1>, vector<16xi32>
        %broadcast_in_dim3A_1801 = vector.shape_cast %select_n3A_1800 : vector<16xi32> to vector<16x1xi32>
        %gather3A_1802 = vector.shape_cast %broadcast_in_dim3A_1801 : vector<16x1xi32> to vector<16xi32>
        %gather3A_1803 = tpu.dynamic_gather %add3A_1793[%gather3A_1802] in [0] : vector<16xf32>, vector<16xi32> -> vector<16xf32>
        %add3A_1804 = arith.addf %add3A_1793, %gather3A_1803 : vector<16xf32>
        %lt3A_1805 = arith.constant 0 : i32
        %lt3A_1806 = vector.broadcast %lt3A_1805 : i32 to vector<16xi32>
        %lt3A_1807 = arith.cmpi slt, %xor3A_11, %lt3A_1806 : vector<16xi32>
        %add3A_1808 = arith.constant 16 : i32
        %add3A_1809 = vector.broadcast %add3A_1808 : i32 to vector<16xi32>
        %add3A_1810 = arith.addi %xor3A_11, %add3A_1809 : vector<16xi32>
        %select_n3A_1811 = arith.select %lt3A_1807, %add3A_1810, %xor3A_11 : vector<16xi1>, vector<16xi32>
        %broadcast_in_dim3A_1812 = vector.shape_cast %select_n3A_1811 : vector<16xi32> to vector<16x1xi32>
        %gather3A_1813 = vector.shape_cast %broadcast_in_dim3A_1812 : vector<16x1xi32> to vector<16xi32>
        %gather3A_1814 = tpu.dynamic_gather %add3A_1804[%gather3A_1813] in [0] : vector<16xf32>, vector<16xi32> -> vector<16xf32>
        %add3A_1815 = arith.addf %add3A_1804, %gather3A_1814 : vector<16xf32>
        %neg3A_1816 = arith.constant 0.000000e+00 : f32
        %neg3A_1817 = vector.broadcast %neg3A_1816 : f32 to vector<16xf32>
        %neg3A_1818 = arith.subf %neg3A_1817, %add3A_1815 : vector<16xf32>
        %select_n3A_1819 = arith.select %eq3A_545, %neg3A_1818, %scan3A_502 : vector<16xi1>, vector<16xf32>
        %mul3A_1820 = arith.constant 20 : i32
        %mul3A_1821 = arith.muli %scan3A_485, %mul3A_1820 : i32
        %add3A_1822 = arith.constant 16 : i32
        %add3A_1823 = arith.addi %add3A_1822, %mul3A_1821 : i32
        %add3A_1824 = arith.constant 16 : i32
        %add3A_1825 = arith.addi %add3A_1823, %add3A_1824 : i32
        %get3A_1826 = arith.index_cast %add3A_1825 : i32 to index
        %get3A_1827 = arith.constant 0 : index
        %get3A_1828 = tpu.vector_load %arg11[%get3A_1826, %get3A_1827] {strides = array<i32>} : memref<336x64xf32, #tpu.memory_space<vmem>>, vector<1x16xf32>,
        %get3A_1829 = vector.shape_cast %get3A_1828 : vector<1x16xf32> to vector<16xf32>
        %mul3A_1830 = arith.mulf %get3A_1829, %get3A_509 : vector<16xf32>
        %get3A_1831 = arith.index_cast %add3A_1825 : i32 to index
        %get3A_1832 = arith.constant 16 : index
        %get3A_1833 = tpu.vector_load %arg11[%get3A_1831, %get3A_1832] {strides = array<i32>} : memref<336x64xf32, #tpu.memory_space<vmem>>, vector<1x16xf32>,
        %get3A_1834 = vector.shape_cast %get3A_1833 : vector<1x16xf32> to vector<16xf32>
        %mul3A_1835 = arith.mulf %get3A_1834, %get3A_513 : vector<16xf32>
        %add3A_1836 = arith.addf %mul3A_1830, %mul3A_1835 : vector<16xf32>
        %get3A_1837 = arith.index_cast %add3A_1825 : i32 to index
        %get3A_1838 = arith.constant 32 : index
        %get3A_1839 = tpu.vector_load %arg11[%get3A_1837, %get3A_1838] {strides = array<i32>} : memref<336x64xf32, #tpu.memory_space<vmem>>, vector<1x16xf32>,
        %get3A_1840 = vector.shape_cast %get3A_1839 : vector<1x16xf32> to vector<16xf32>
        %mul3A_1841 = arith.mulf %get3A_1840, %get3A_517 : vector<16xf32>
        %add3A_1842 = arith.addf %add3A_1836, %mul3A_1841 : vector<16xf32>
        %get3A_1843 = arith.index_cast %add3A_1825 : i32 to index
        %get3A_1844 = arith.constant 48 : index
        %get3A_1845 = tpu.vector_load %arg11[%get3A_1843, %get3A_1844] {strides = array<i32>} : memref<336x64xf32, #tpu.memory_space<vmem>>, vector<1x16xf32>,
        %get3A_1846 = vector.shape_cast %get3A_1845 : vector<1x16xf32> to vector<16xf32>
        %mul3A_1847 = arith.mulf %get3A_1846, %get3A_521 : vector<16xf32>
        %add3A_1848 = arith.addf %add3A_1842, %mul3A_1847 : vector<16xf32>
        %lt3A_1849 = arith.constant 0 : i32
        %lt3A_1850 = vector.broadcast %lt3A_1849 : i32 to vector<16xi32>
        %lt3A_1851 = arith.cmpi slt, %xor3A_2, %lt3A_1850 : vector<16xi32>
        %add3A_1852 = arith.constant 16 : i32
        %add3A_1853 = vector.broadcast %add3A_1852 : i32 to vector<16xi32>
        %add3A_1854 = arith.addi %xor3A_2, %add3A_1853 : vector<16xi32>
        %select_n3A_1855 = arith.select %lt3A_1851, %add3A_1854, %xor3A_2 : vector<16xi1>, vector<16xi32>
        %broadcast_in_dim3A_1856 = vector.shape_cast %select_n3A_1855 : vector<16xi32> to vector<16x1xi32>
        %gather3A_1857 = vector.shape_cast %broadcast_in_dim3A_1856 : vector<16x1xi32> to vector<16xi32>
        %gather3A_1858 = tpu.dynamic_gather %add3A_1848[%gather3A_1857] in [0] : vector<16xf32>, vector<16xi32> -> vector<16xf32>
        %add3A_1859 = arith.addf %add3A_1848, %gather3A_1858 : vector<16xf32>
        %lt3A_1860 = arith.constant 0 : i32
        %lt3A_1861 = vector.broadcast %lt3A_1860 : i32 to vector<16xi32>
        %lt3A_1862 = arith.cmpi slt, %xor3A_5, %lt3A_1861 : vector<16xi32>
        %add3A_1863 = arith.constant 16 : i32
        %add3A_1864 = vector.broadcast %add3A_1863 : i32 to vector<16xi32>
        %add3A_1865 = arith.addi %xor3A_5, %add3A_1864 : vector<16xi32>
        %select_n3A_1866 = arith.select %lt3A_1862, %add3A_1865, %xor3A_5 : vector<16xi1>, vector<16xi32>
        %broadcast_in_dim3A_1867 = vector.shape_cast %select_n3A_1866 : vector<16xi32> to vector<16x1xi32>
        %gather3A_1868 = vector.shape_cast %broadcast_in_dim3A_1867 : vector<16x1xi32> to vector<16xi32>
        %gather3A_1869 = tpu.dynamic_gather %add3A_1859[%gather3A_1868] in [0] : vector<16xf32>, vector<16xi32> -> vector<16xf32>
        %add3A_1870 = arith.addf %add3A_1859, %gather3A_1869 : vector<16xf32>
        %lt3A_1871 = arith.constant 0 : i32
        %lt3A_1872 = vector.broadcast %lt3A_1871 : i32 to vector<16xi32>
        %lt3A_1873 = arith.cmpi slt, %xor3A_8, %lt3A_1872 : vector<16xi32>
        %add3A_1874 = arith.constant 16 : i32
        %add3A_1875 = vector.broadcast %add3A_1874 : i32 to vector<16xi32>
        %add3A_1876 = arith.addi %xor3A_8, %add3A_1875 : vector<16xi32>
        %select_n3A_1877 = arith.select %lt3A_1873, %add3A_1876, %xor3A_8 : vector<16xi1>, vector<16xi32>
        %broadcast_in_dim3A_1878 = vector.shape_cast %select_n3A_1877 : vector<16xi32> to vector<16x1xi32>
        %gather3A_1879 = vector.shape_cast %broadcast_in_dim3A_1878 : vector<16x1xi32> to vector<16xi32>
        %gather3A_1880 = tpu.dynamic_gather %add3A_1870[%gather3A_1879] in [0] : vector<16xf32>, vector<16xi32> -> vector<16xf32>
        %add3A_1881 = arith.addf %add3A_1870, %gather3A_1880 : vector<16xf32>
        %lt3A_1882 = arith.constant 0 : i32
        %lt3A_1883 = vector.broadcast %lt3A_1882 : i32 to vector<16xi32>
        %lt3A_1884 = arith.cmpi slt, %xor3A_11, %lt3A_1883 : vector<16xi32>
        %add3A_1885 = arith.constant 16 : i32
        %add3A_1886 = vector.broadcast %add3A_1885 : i32 to vector<16xi32>
        %add3A_1887 = arith.addi %xor3A_11, %add3A_1886 : vector<16xi32>
        %select_n3A_1888 = arith.select %lt3A_1884, %add3A_1887, %xor3A_11 : vector<16xi1>, vector<16xi32>
        %broadcast_in_dim3A_1889 = vector.shape_cast %select_n3A_1888 : vector<16xi32> to vector<16x1xi32>
        %gather3A_1890 = vector.shape_cast %broadcast_in_dim3A_1889 : vector<16x1xi32> to vector<16xi32>
        %gather3A_1891 = tpu.dynamic_gather %add3A_1881[%gather3A_1890] in [0] : vector<16xf32>, vector<16xi32> -> vector<16xf32>
        %add3A_1892 = arith.addf %add3A_1881, %gather3A_1891 : vector<16xf32>
        %neg3A_1893 = arith.constant 0.000000e+00 : f32
        %neg3A_1894 = vector.broadcast %neg3A_1893 : f32 to vector<16xf32>
        %neg3A_1895 = arith.subf %neg3A_1894, %add3A_1892 : vector<16xf32>
        %select_n3A_1896 = arith.select %eq3A_545, %neg3A_1895, %scan3A_503 : vector<16xi1>, vector<16xf32>
        %mul3A_1897 = arith.constant 20 : i32
        %mul3A_1898 = arith.muli %scan3A_485, %mul3A_1897 : i32
        %add3A_1899 = arith.constant 16 : i32
        %add3A_1900 = arith.addi %add3A_1899, %mul3A_1898 : i32
        %add3A_1901 = arith.constant 17 : i32
        %add3A_1902 = arith.addi %add3A_1900, %add3A_1901 : i32
        %get3A_1903 = arith.index_cast %add3A_1902 : i32 to index
        %get3A_1904 = arith.constant 0 : index
        %get3A_1905 = tpu.vector_load %arg11[%get3A_1903, %get3A_1904] {strides = array<i32>} : memref<336x64xf32, #tpu.memory_space<vmem>>, vector<1x16xf32>,
        %get3A_1906 = vector.shape_cast %get3A_1905 : vector<1x16xf32> to vector<16xf32>
        %mul3A_1907 = arith.mulf %get3A_1906, %get3A_509 : vector<16xf32>
        %get3A_1908 = arith.index_cast %add3A_1902 : i32 to index
        %get3A_1909 = arith.constant 16 : index
        %get3A_1910 = tpu.vector_load %arg11[%get3A_1908, %get3A_1909] {strides = array<i32>} : memref<336x64xf32, #tpu.memory_space<vmem>>, vector<1x16xf32>,
        %get3A_1911 = vector.shape_cast %get3A_1910 : vector<1x16xf32> to vector<16xf32>
        %mul3A_1912 = arith.mulf %get3A_1911, %get3A_513 : vector<16xf32>
        %add3A_1913 = arith.addf %mul3A_1907, %mul3A_1912 : vector<16xf32>
        %get3A_1914 = arith.index_cast %add3A_1902 : i32 to index
        %get3A_1915 = arith.constant 32 : index
        %get3A_1916 = tpu.vector_load %arg11[%get3A_1914, %get3A_1915] {strides = array<i32>} : memref<336x64xf32, #tpu.memory_space<vmem>>, vector<1x16xf32>,
        %get3A_1917 = vector.shape_cast %get3A_1916 : vector<1x16xf32> to vector<16xf32>
        %mul3A_1918 = arith.mulf %get3A_1917, %get3A_517 : vector<16xf32>
        %add3A_1919 = arith.addf %add3A_1913, %mul3A_1918 : vector<16xf32>
        %get3A_1920 = arith.index_cast %add3A_1902 : i32 to index
        %get3A_1921 = arith.constant 48 : index
        %get3A_1922 = tpu.vector_load %arg11[%get3A_1920, %get3A_1921] {strides = array<i32>} : memref<336x64xf32, #tpu.memory_space<vmem>>, vector<1x16xf32>,
        %get3A_1923 = vector.shape_cast %get3A_1922 : vector<1x16xf32> to vector<16xf32>
        %mul3A_1924 = arith.mulf %get3A_1923, %get3A_521 : vector<16xf32>
        %add3A_1925 = arith.addf %add3A_1919, %mul3A_1924 : vector<16xf32>
        %lt3A_1926 = arith.constant 0 : i32
        %lt3A_1927 = vector.broadcast %lt3A_1926 : i32 to vector<16xi32>
        %lt3A_1928 = arith.cmpi slt, %xor3A_2, %lt3A_1927 : vector<16xi32>
        %add3A_1929 = arith.constant 16 : i32
        %add3A_1930 = vector.broadcast %add3A_1929 : i32 to vector<16xi32>
        %add3A_1931 = arith.addi %xor3A_2, %add3A_1930 : vector<16xi32>
        %select_n3A_1932 = arith.select %lt3A_1928, %add3A_1931, %xor3A_2 : vector<16xi1>, vector<16xi32>
        %broadcast_in_dim3A_1933 = vector.shape_cast %select_n3A_1932 : vector<16xi32> to vector<16x1xi32>
        %gather3A_1934 = vector.shape_cast %broadcast_in_dim3A_1933 : vector<16x1xi32> to vector<16xi32>
        %gather3A_1935 = tpu.dynamic_gather %add3A_1925[%gather3A_1934] in [0] : vector<16xf32>, vector<16xi32> -> vector<16xf32>
        %add3A_1936 = arith.addf %add3A_1925, %gather3A_1935 : vector<16xf32>
        %lt3A_1937 = arith.constant 0 : i32
        %lt3A_1938 = vector.broadcast %lt3A_1937 : i32 to vector<16xi32>
        %lt3A_1939 = arith.cmpi slt, %xor3A_5, %lt3A_1938 : vector<16xi32>
        %add3A_1940 = arith.constant 16 : i32
        %add3A_1941 = vector.broadcast %add3A_1940 : i32 to vector<16xi32>
        %add3A_1942 = arith.addi %xor3A_5, %add3A_1941 : vector<16xi32>
        %select_n3A_1943 = arith.select %lt3A_1939, %add3A_1942, %xor3A_5 : vector<16xi1>, vector<16xi32>
        %broadcast_in_dim3A_1944 = vector.shape_cast %select_n3A_1943 : vector<16xi32> to vector<16x1xi32>
        %gather3A_1945 = vector.shape_cast %broadcast_in_dim3A_1944 : vector<16x1xi32> to vector<16xi32>
        %gather3A_1946 = tpu.dynamic_gather %add3A_1936[%gather3A_1945] in [0] : vector<16xf32>, vector<16xi32> -> vector<16xf32>
        %add3A_1947 = arith.addf %add3A_1936, %gather3A_1946 : vector<16xf32>
        %lt3A_1948 = arith.constant 0 : i32
        %lt3A_1949 = vector.broadcast %lt3A_1948 : i32 to vector<16xi32>
        %lt3A_1950 = arith.cmpi slt, %xor3A_8, %lt3A_1949 : vector<16xi32>
        %add3A_1951 = arith.constant 16 : i32
        %add3A_1952 = vector.broadcast %add3A_1951 : i32 to vector<16xi32>
        %add3A_1953 = arith.addi %xor3A_8, %add3A_1952 : vector<16xi32>
        %select_n3A_1954 = arith.select %lt3A_1950, %add3A_1953, %xor3A_8 : vector<16xi1>, vector<16xi32>
        %broadcast_in_dim3A_1955 = vector.shape_cast %select_n3A_1954 : vector<16xi32> to vector<16x1xi32>
        %gather3A_1956 = vector.shape_cast %broadcast_in_dim3A_1955 : vector<16x1xi32> to vector<16xi32>
        %gather3A_1957 = tpu.dynamic_gather %add3A_1947[%gather3A_1956] in [0] : vector<16xf32>, vector<16xi32> -> vector<16xf32>
        %add3A_1958 = arith.addf %add3A_1947, %gather3A_1957 : vector<16xf32>
        %lt3A_1959 = arith.constant 0 : i32
        %lt3A_1960 = vector.broadcast %lt3A_1959 : i32 to vector<16xi32>
        %lt3A_1961 = arith.cmpi slt, %xor3A_11, %lt3A_1960 : vector<16xi32>
        %add3A_1962 = arith.constant 16 : i32
        %add3A_1963 = vector.broadcast %add3A_1962 : i32 to vector<16xi32>
        %add3A_1964 = arith.addi %xor3A_11, %add3A_1963 : vector<16xi32>
        %select_n3A_1965 = arith.select %lt3A_1961, %add3A_1964, %xor3A_11 : vector<16xi1>, vector<16xi32>
        %broadcast_in_dim3A_1966 = vector.shape_cast %select_n3A_1965 : vector<16xi32> to vector<16x1xi32>
        %gather3A_1967 = vector.shape_cast %broadcast_in_dim3A_1966 : vector<16x1xi32> to vector<16xi32>
        %gather3A_1968 = tpu.dynamic_gather %add3A_1958[%gather3A_1967] in [0] : vector<16xf32>, vector<16xi32> -> vector<16xf32>
        %add3A_1969 = arith.addf %add3A_1958, %gather3A_1968 : vector<16xf32>
        %neg3A_1970 = arith.constant 0.000000e+00 : f32
        %neg3A_1971 = vector.broadcast %neg3A_1970 : f32 to vector<16xf32>
        %neg3A_1972 = arith.subf %neg3A_1971, %add3A_1969 : vector<16xf32>
        %select_n3A_1973 = arith.select %eq3A_545, %neg3A_1972, %scan3A_504 : vector<16xi1>, vector<16xf32>
        %mul3A_1974 = arith.constant 20 : i32
        %mul3A_1975 = arith.muli %scan3A_485, %mul3A_1974 : i32
        %add3A_1976 = arith.constant 16 : i32
        %add3A_1977 = arith.addi %add3A_1976, %mul3A_1975 : i32
        %add3A_1978 = arith.constant 18 : i32
        %add3A_1979 = arith.addi %add3A_1977, %add3A_1978 : i32
        %get3A_1980 = arith.index_cast %add3A_1979 : i32 to index
        %get3A_1981 = arith.constant 0 : index
        %get3A_1982 = tpu.vector_load %arg11[%get3A_1980, %get3A_1981] {strides = array<i32>} : memref<336x64xf32, #tpu.memory_space<vmem>>, vector<1x16xf32>,
        %get3A_1983 = vector.shape_cast %get3A_1982 : vector<1x16xf32> to vector<16xf32>
        %mul3A_1984 = arith.mulf %get3A_1983, %get3A_509 : vector<16xf32>
        %get3A_1985 = arith.index_cast %add3A_1979 : i32 to index
        %get3A_1986 = arith.constant 16 : index
        %get3A_1987 = tpu.vector_load %arg11[%get3A_1985, %get3A_1986] {strides = array<i32>} : memref<336x64xf32, #tpu.memory_space<vmem>>, vector<1x16xf32>,
        %get3A_1988 = vector.shape_cast %get3A_1987 : vector<1x16xf32> to vector<16xf32>
        %mul3A_1989 = arith.mulf %get3A_1988, %get3A_513 : vector<16xf32>
        %add3A_1990 = arith.addf %mul3A_1984, %mul3A_1989 : vector<16xf32>
        %get3A_1991 = arith.index_cast %add3A_1979 : i32 to index
        %get3A_1992 = arith.constant 32 : index
        %get3A_1993 = tpu.vector_load %arg11[%get3A_1991, %get3A_1992] {strides = array<i32>} : memref<336x64xf32, #tpu.memory_space<vmem>>, vector<1x16xf32>,
        %get3A_1994 = vector.shape_cast %get3A_1993 : vector<1x16xf32> to vector<16xf32>
        %mul3A_1995 = arith.mulf %get3A_1994, %get3A_517 : vector<16xf32>
        %add3A_1996 = arith.addf %add3A_1990, %mul3A_1995 : vector<16xf32>
        %get3A_1997 = arith.index_cast %add3A_1979 : i32 to index
        %get3A_1998 = arith.constant 48 : index
        %get3A_1999 = tpu.vector_load %arg11[%get3A_1997, %get3A_1998] {strides = array<i32>} : memref<336x64xf32, #tpu.memory_space<vmem>>, vector<1x16xf32>,
        %get3A_2000 = vector.shape_cast %get3A_1999 : vector<1x16xf32> to vector<16xf32>
        %mul3A_2001 = arith.mulf %get3A_2000, %get3A_521 : vector<16xf32>
        %add3A_2002 = arith.addf %add3A_1996, %mul3A_2001 : vector<16xf32>
        %lt3A_2003 = arith.constant 0 : i32
        %lt3A_2004 = vector.broadcast %lt3A_2003 : i32 to vector<16xi32>
        %lt3A_2005 = arith.cmpi slt, %xor3A_2, %lt3A_2004 : vector<16xi32>
        %add3A_2006 = arith.constant 16 : i32
        %add3A_2007 = vector.broadcast %add3A_2006 : i32 to vector<16xi32>
        %add3A_2008 = arith.addi %xor3A_2, %add3A_2007 : vector<16xi32>
        %select_n3A_2009 = arith.select %lt3A_2005, %add3A_2008, %xor3A_2 : vector<16xi1>, vector<16xi32>
        %broadcast_in_dim3A_2010 = vector.shape_cast %select_n3A_2009 : vector<16xi32> to vector<16x1xi32>
        %gather3A_2011 = vector.shape_cast %broadcast_in_dim3A_2010 : vector<16x1xi32> to vector<16xi32>
        %gather3A_2012 = tpu.dynamic_gather %add3A_2002[%gather3A_2011] in [0] : vector<16xf32>, vector<16xi32> -> vector<16xf32>
        %add3A_2013 = arith.addf %add3A_2002, %gather3A_2012 : vector<16xf32>
        %lt3A_2014 = arith.constant 0 : i32
        %lt3A_2015 = vector.broadcast %lt3A_2014 : i32 to vector<16xi32>
        %lt3A_2016 = arith.cmpi slt, %xor3A_5, %lt3A_2015 : vector<16xi32>
        %add3A_2017 = arith.constant 16 : i32
        %add3A_2018 = vector.broadcast %add3A_2017 : i32 to vector<16xi32>
        %add3A_2019 = arith.addi %xor3A_5, %add3A_2018 : vector<16xi32>
        %select_n3A_2020 = arith.select %lt3A_2016, %add3A_2019, %xor3A_5 : vector<16xi1>, vector<16xi32>
        %broadcast_in_dim3A_2021 = vector.shape_cast %select_n3A_2020 : vector<16xi32> to vector<16x1xi32>
        %gather3A_2022 = vector.shape_cast %broadcast_in_dim3A_2021 : vector<16x1xi32> to vector<16xi32>
        %gather3A_2023 = tpu.dynamic_gather %add3A_2013[%gather3A_2022] in [0] : vector<16xf32>, vector<16xi32> -> vector<16xf32>
        %add3A_2024 = arith.addf %add3A_2013, %gather3A_2023 : vector<16xf32>
        %lt3A_2025 = arith.constant 0 : i32
        %lt3A_2026 = vector.broadcast %lt3A_2025 : i32 to vector<16xi32>
        %lt3A_2027 = arith.cmpi slt, %xor3A_8, %lt3A_2026 : vector<16xi32>
        %add3A_2028 = arith.constant 16 : i32
        %add3A_2029 = vector.broadcast %add3A_2028 : i32 to vector<16xi32>
        %add3A_2030 = arith.addi %xor3A_8, %add3A_2029 : vector<16xi32>
        %select_n3A_2031 = arith.select %lt3A_2027, %add3A_2030, %xor3A_8 : vector<16xi1>, vector<16xi32>
        %broadcast_in_dim3A_2032 = vector.shape_cast %select_n3A_2031 : vector<16xi32> to vector<16x1xi32>
        %gather3A_2033 = vector.shape_cast %broadcast_in_dim3A_2032 : vector<16x1xi32> to vector<16xi32>
        %gather3A_2034 = tpu.dynamic_gather %add3A_2024[%gather3A_2033] in [0] : vector<16xf32>, vector<16xi32> -> vector<16xf32>
        %add3A_2035 = arith.addf %add3A_2024, %gather3A_2034 : vector<16xf32>
        %lt3A_2036 = arith.constant 0 : i32
        %lt3A_2037 = vector.broadcast %lt3A_2036 : i32 to vector<16xi32>
        %lt3A_2038 = arith.cmpi slt, %xor3A_11, %lt3A_2037 : vector<16xi32>
        %add3A_2039 = arith.constant 16 : i32
        %add3A_2040 = vector.broadcast %add3A_2039 : i32 to vector<16xi32>
        %add3A_2041 = arith.addi %xor3A_11, %add3A_2040 : vector<16xi32>
        %select_n3A_2042 = arith.select %lt3A_2038, %add3A_2041, %xor3A_11 : vector<16xi1>, vector<16xi32>
        %broadcast_in_dim3A_2043 = vector.shape_cast %select_n3A_2042 : vector<16xi32> to vector<16x1xi32>
        %gather3A_2044 = vector.shape_cast %broadcast_in_dim3A_2043 : vector<16x1xi32> to vector<16xi32>
        %gather3A_2045 = tpu.dynamic_gather %add3A_2035[%gather3A_2044] in [0] : vector<16xf32>, vector<16xi32> -> vector<16xf32>
        %add3A_2046 = arith.addf %add3A_2035, %gather3A_2045 : vector<16xf32>
        %neg3A_2047 = arith.constant 0.000000e+00 : f32
        %neg3A_2048 = vector.broadcast %neg3A_2047 : f32 to vector<16xf32>
        %neg3A_2049 = arith.subf %neg3A_2048, %add3A_2046 : vector<16xf32>
        %select_n3A_2050 = arith.select %eq3A_545, %neg3A_2049, %scan3A_505 : vector<16xi1>, vector<16xf32>
        %mul3A_2051 = arith.constant 20 : i32
        %mul3A_2052 = arith.muli %scan3A_485, %mul3A_2051 : i32
        %add3A_2053 = arith.constant 16 : i32
        %add3A_2054 = arith.addi %add3A_2053, %mul3A_2052 : i32
        %add3A_2055 = arith.constant 19 : i32
        %add3A_2056 = arith.addi %add3A_2054, %add3A_2055 : i32
        %get3A_2057 = arith.index_cast %add3A_2056 : i32 to index
        %get3A_2058 = arith.constant 0 : index
        %get3A_2059 = tpu.vector_load %arg11[%get3A_2057, %get3A_2058] {strides = array<i32>} : memref<336x64xf32, #tpu.memory_space<vmem>>, vector<1x16xf32>,
        %get3A_2060 = vector.shape_cast %get3A_2059 : vector<1x16xf32> to vector<16xf32>
        %mul3A_2061 = arith.mulf %get3A_2060, %get3A_509 : vector<16xf32>
        %get3A_2062 = arith.index_cast %add3A_2056 : i32 to index
        %get3A_2063 = arith.constant 16 : index
        %get3A_2064 = tpu.vector_load %arg11[%get3A_2062, %get3A_2063] {strides = array<i32>} : memref<336x64xf32, #tpu.memory_space<vmem>>, vector<1x16xf32>,
        %get3A_2065 = vector.shape_cast %get3A_2064 : vector<1x16xf32> to vector<16xf32>
        %mul3A_2066 = arith.mulf %get3A_2065, %get3A_513 : vector<16xf32>
        %add3A_2067 = arith.addf %mul3A_2061, %mul3A_2066 : vector<16xf32>
        %get3A_2068 = arith.index_cast %add3A_2056 : i32 to index
        %get3A_2069 = arith.constant 32 : index
        %get3A_2070 = tpu.vector_load %arg11[%get3A_2068, %get3A_2069] {strides = array<i32>} : memref<336x64xf32, #tpu.memory_space<vmem>>, vector<1x16xf32>,
        %get3A_2071 = vector.shape_cast %get3A_2070 : vector<1x16xf32> to vector<16xf32>
        %mul3A_2072 = arith.mulf %get3A_2071, %get3A_517 : vector<16xf32>
        %add3A_2073 = arith.addf %add3A_2067, %mul3A_2072 : vector<16xf32>
        %get3A_2074 = arith.index_cast %add3A_2056 : i32 to index
        %get3A_2075 = arith.constant 48 : index
        %get3A_2076 = tpu.vector_load %arg11[%get3A_2074, %get3A_2075] {strides = array<i32>} : memref<336x64xf32, #tpu.memory_space<vmem>>, vector<1x16xf32>,
        %get3A_2077 = vector.shape_cast %get3A_2076 : vector<1x16xf32> to vector<16xf32>
        %mul3A_2078 = arith.mulf %get3A_2077, %get3A_521 : vector<16xf32>
        %add3A_2079 = arith.addf %add3A_2073, %mul3A_2078 : vector<16xf32>
        %lt3A_2080 = arith.constant 0 : i32
        %lt3A_2081 = vector.broadcast %lt3A_2080 : i32 to vector<16xi32>
        %lt3A_2082 = arith.cmpi slt, %xor3A_2, %lt3A_2081 : vector<16xi32>
        %add3A_2083 = arith.constant 16 : i32
        %add3A_2084 = vector.broadcast %add3A_2083 : i32 to vector<16xi32>
        %add3A_2085 = arith.addi %xor3A_2, %add3A_2084 : vector<16xi32>
        %select_n3A_2086 = arith.select %lt3A_2082, %add3A_2085, %xor3A_2 : vector<16xi1>, vector<16xi32>
        %broadcast_in_dim3A_2087 = vector.shape_cast %select_n3A_2086 : vector<16xi32> to vector<16x1xi32>
        %gather3A_2088 = vector.shape_cast %broadcast_in_dim3A_2087 : vector<16x1xi32> to vector<16xi32>
        %gather3A_2089 = tpu.dynamic_gather %add3A_2079[%gather3A_2088] in [0] : vector<16xf32>, vector<16xi32> -> vector<16xf32>
        %add3A_2090 = arith.addf %add3A_2079, %gather3A_2089 : vector<16xf32>
        %lt3A_2091 = arith.constant 0 : i32
        %lt3A_2092 = vector.broadcast %lt3A_2091 : i32 to vector<16xi32>
        %lt3A_2093 = arith.cmpi slt, %xor3A_5, %lt3A_2092 : vector<16xi32>
        %add3A_2094 = arith.constant 16 : i32
        %add3A_2095 = vector.broadcast %add3A_2094 : i32 to vector<16xi32>
        %add3A_2096 = arith.addi %xor3A_5, %add3A_2095 : vector<16xi32>
        %select_n3A_2097 = arith.select %lt3A_2093, %add3A_2096, %xor3A_5 : vector<16xi1>, vector<16xi32>
        %broadcast_in_dim3A_2098 = vector.shape_cast %select_n3A_2097 : vector<16xi32> to vector<16x1xi32>
        %gather3A_2099 = vector.shape_cast %broadcast_in_dim3A_2098 : vector<16x1xi32> to vector<16xi32>
        %gather3A_2100 = tpu.dynamic_gather %add3A_2090[%gather3A_2099] in [0] : vector<16xf32>, vector<16xi32> -> vector<16xf32>
        %add3A_2101 = arith.addf %add3A_2090, %gather3A_2100 : vector<16xf32>
        %lt3A_2102 = arith.constant 0 : i32
        %lt3A_2103 = vector.broadcast %lt3A_2102 : i32 to vector<16xi32>
        %lt3A_2104 = arith.cmpi slt, %xor3A_8, %lt3A_2103 : vector<16xi32>
        %add3A_2105 = arith.constant 16 : i32
        %add3A_2106 = vector.broadcast %add3A_2105 : i32 to vector<16xi32>
        %add3A_2107 = arith.addi %xor3A_8, %add3A_2106 : vector<16xi32>
        %select_n3A_2108 = arith.select %lt3A_2104, %add3A_2107, %xor3A_8 : vector<16xi1>, vector<16xi32>
        %broadcast_in_dim3A_2109 = vector.shape_cast %select_n3A_2108 : vector<16xi32> to vector<16x1xi32>
        %gather3A_2110 = vector.shape_cast %broadcast_in_dim3A_2109 : vector<16x1xi32> to vector<16xi32>
        %gather3A_2111 = tpu.dynamic_gather %add3A_2101[%gather3A_2110] in [0] : vector<16xf32>, vector<16xi32> -> vector<16xf32>
        %add3A_2112 = arith.addf %add3A_2101, %gather3A_2111 : vector<16xf32>
        %lt3A_2113 = arith.constant 0 : i32
        %lt3A_2114 = vector.broadcast %lt3A_2113 : i32 to vector<16xi32>
        %lt3A_2115 = arith.cmpi slt, %xor3A_11, %lt3A_2114 : vector<16xi32>
        %add3A_2116 = arith.constant 16 : i32
        %add3A_2117 = vector.broadcast %add3A_2116 : i32 to vector<16xi32>
        %add3A_2118 = arith.addi %xor3A_11, %add3A_2117 : vector<16xi32>
        %select_n3A_2119 = arith.select %lt3A_2115, %add3A_2118, %xor3A_11 : vector<16xi1>, vector<16xi32>
        %broadcast_in_dim3A_2120 = vector.shape_cast %select_n3A_2119 : vector<16xi32> to vector<16x1xi32>
        %gather3A_2121 = vector.shape_cast %broadcast_in_dim3A_2120 : vector<16x1xi32> to vector<16xi32>
        %gather3A_2122 = tpu.dynamic_gather %add3A_2112[%gather3A_2121] in [0] : vector<16xf32>, vector<16xi32> -> vector<16xf32>
        %add3A_2123 = arith.addf %add3A_2112, %gather3A_2122 : vector<16xf32>
        %neg3A_2124 = arith.constant 0.000000e+00 : f32
        %neg3A_2125 = vector.broadcast %neg3A_2124 : f32 to vector<16xf32>
        %neg3A_2126 = arith.subf %neg3A_2125, %add3A_2123 : vector<16xf32>
        %select_n3A_2127 = arith.select %eq3A_545, %neg3A_2126, %scan3A_506 : vector<16xi1>, vector<16xf32>
        scf.yield %select_n3A_588, %select_n3A_664, %select_n3A_741, %select_n3A_818, %select_n3A_895, %select_n3A_972, %select_n3A_1049, %select_n3A_1126, %select_n3A_1203, %select_n3A_1280, %select_n3A_1357, %select_n3A_1434, %select_n3A_1511, %select_n3A_1588, %select_n3A_1665, %select_n3A_1742, %select_n3A_1819, %select_n3A_1896, %select_n3A_1973, %select_n3A_2050, %select_n3A_2127 : vector<16xf32>, vector<16xf32>, vector<16xf32>, vector<16xf32>, vector<16xf32>, vector<16xf32>, vector<16xf32>, vector<16xf32>, vector<16xf32>, vector<16xf32>, vector<16xf32>, vector<16xf32>, vector<16xf32>, vector<16xf32>, vector<16xf32>, vector<16xf32>, vector<16xf32>, vector<16xf32>, vector<16xf32>, vector<16xf32>, vector<16xf32>
      }
      %scan3A_135 = arith.constant 16 : i32
      %swap3A = arith.constant 0 : i32
      %swap3A_136 = arith.index_cast %swap3A : i32 to index
      %swap3A_137 = arith.index_cast %mul3A_93 : i32 to index
      %swap3A_138 = arith.constant 0 : index
      %swap3A_139 = tpu.vector_load %arg13[%swap3A_136, %swap3A_137, %swap3A_138] {strides = array<i32>} : memref<21x32x16xf32, #tpu.memory_space<vmem>>, vector<1x1x16xf32>,
      %swap3A_140 = vector.shape_cast %swap3A_139 : vector<1x1x16xf32> to vector<16xf32>
      %swap3A_141 = vector.shape_cast %scan3A_134#0 : vector<16xf32> to vector<1x1x16xf32>
      tpu.vector_store %arg13[%swap3A_136, %swap3A_137, %swap3A_138], %swap3A_141 {strides = array<i32>} : memref<21x32x16xf32, #tpu.memory_space<vmem>>, vector<1x1x16xf32>,
      %swap3A_142 = arith.constant 1 : i32
      %swap3A_143 = arith.index_cast %swap3A_142 : i32 to index
      %swap3A_144 = arith.index_cast %mul3A_93 : i32 to index
      %swap3A_145 = arith.constant 0 : index
      %swap3A_146 = tpu.vector_load %arg13[%swap3A_143, %swap3A_144, %swap3A_145] {strides = array<i32>} : memref<21x32x16xf32, #tpu.memory_space<vmem>>, vector<1x1x16xf32>,
      %swap3A_147 = vector.shape_cast %swap3A_146 : vector<1x1x16xf32> to vector<16xf32>
      %swap3A_148 = vector.shape_cast %scan3A_134#1 : vector<16xf32> to vector<1x1x16xf32>
      tpu.vector_store %arg13[%swap3A_143, %swap3A_144, %swap3A_145], %swap3A_148 {strides = array<i32>} : memref<21x32x16xf32, #tpu.memory_space<vmem>>, vector<1x1x16xf32>,
      %swap3A_149 = arith.constant 2 : i32
      %swap3A_150 = arith.index_cast %swap3A_149 : i32 to index
      %swap3A_151 = arith.index_cast %mul3A_93 : i32 to index
      %swap3A_152 = arith.constant 0 : index
      %swap3A_153 = tpu.vector_load %arg13[%swap3A_150, %swap3A_151, %swap3A_152] {strides = array<i32>} : memref<21x32x16xf32, #tpu.memory_space<vmem>>, vector<1x1x16xf32>,
      %swap3A_154 = vector.shape_cast %swap3A_153 : vector<1x1x16xf32> to vector<16xf32>
      %swap3A_155 = vector.shape_cast %scan3A_134#2 : vector<16xf32> to vector<1x1x16xf32>
      tpu.vector_store %arg13[%swap3A_150, %swap3A_151, %swap3A_152], %swap3A_155 {strides = array<i32>} : memref<21x32x16xf32, #tpu.memory_space<vmem>>, vector<1x1x16xf32>,
      %swap3A_156 = arith.constant 3 : i32
      %swap3A_157 = arith.index_cast %swap3A_156 : i32 to index
      %swap3A_158 = arith.index_cast %mul3A_93 : i32 to index
      %swap3A_159 = arith.constant 0 : index
      %swap3A_160 = tpu.vector_load %arg13[%swap3A_157, %swap3A_158, %swap3A_159] {strides = array<i32>} : memref<21x32x16xf32, #tpu.memory_space<vmem>>, vector<1x1x16xf32>,
      %swap3A_161 = vector.shape_cast %swap3A_160 : vector<1x1x16xf32> to vector<16xf32>
      %swap3A_162 = vector.shape_cast %scan3A_134#3 : vector<16xf32> to vector<1x1x16xf32>
      tpu.vector_store %arg13[%swap3A_157, %swap3A_158, %swap3A_159], %swap3A_162 {strides = array<i32>} : memref<21x32x16xf32, #tpu.memory_space<vmem>>, vector<1x1x16xf32>,
      %swap3A_163 = arith.constant 4 : i32
      %swap3A_164 = arith.index_cast %swap3A_163 : i32 to index
      %swap3A_165 = arith.index_cast %mul3A_93 : i32 to index
      %swap3A_166 = arith.constant 0 : index
      %swap3A_167 = tpu.vector_load %arg13[%swap3A_164, %swap3A_165, %swap3A_166] {strides = array<i32>} : memref<21x32x16xf32, #tpu.memory_space<vmem>>, vector<1x1x16xf32>,
      %swap3A_168 = vector.shape_cast %swap3A_167 : vector<1x1x16xf32> to vector<16xf32>
      %swap3A_169 = vector.shape_cast %scan3A_134#4 : vector<16xf32> to vector<1x1x16xf32>
      tpu.vector_store %arg13[%swap3A_164, %swap3A_165, %swap3A_166], %swap3A_169 {strides = array<i32>} : memref<21x32x16xf32, #tpu.memory_space<vmem>>, vector<1x1x16xf32>,
      %swap3A_170 = arith.constant 5 : i32
      %swap3A_171 = arith.index_cast %swap3A_170 : i32 to index
      %swap3A_172 = arith.index_cast %mul3A_93 : i32 to index
      %swap3A_173 = arith.constant 0 : index
      %swap3A_174 = tpu.vector_load %arg13[%swap3A_171, %swap3A_172, %swap3A_173] {strides = array<i32>} : memref<21x32x16xf32, #tpu.memory_space<vmem>>, vector<1x1x16xf32>,
      %swap3A_175 = vector.shape_cast %swap3A_174 : vector<1x1x16xf32> to vector<16xf32>
      %swap3A_176 = vector.shape_cast %scan3A_134#5 : vector<16xf32> to vector<1x1x16xf32>
      tpu.vector_store %arg13[%swap3A_171, %swap3A_172, %swap3A_173], %swap3A_176 {strides = array<i32>} : memref<21x32x16xf32, #tpu.memory_space<vmem>>, vector<1x1x16xf32>,
      %swap3A_177 = arith.constant 6 : i32
      %swap3A_178 = arith.index_cast %swap3A_177 : i32 to index
      %swap3A_179 = arith.index_cast %mul3A_93 : i32 to index
      %swap3A_180 = arith.constant 0 : index
      %swap3A_181 = tpu.vector_load %arg13[%swap3A_178, %swap3A_179, %swap3A_180] {strides = array<i32>} : memref<21x32x16xf32, #tpu.memory_space<vmem>>, vector<1x1x16xf32>,
      %swap3A_182 = vector.shape_cast %swap3A_181 : vector<1x1x16xf32> to vector<16xf32>
      %swap3A_183 = vector.shape_cast %scan3A_134#6 : vector<16xf32> to vector<1x1x16xf32>
      tpu.vector_store %arg13[%swap3A_178, %swap3A_179, %swap3A_180], %swap3A_183 {strides = array<i32>} : memref<21x32x16xf32, #tpu.memory_space<vmem>>, vector<1x1x16xf32>,
      %swap3A_184 = arith.constant 7 : i32
      %swap3A_185 = arith.index_cast %swap3A_184 : i32 to index
      %swap3A_186 = arith.index_cast %mul3A_93 : i32 to index
      %swap3A_187 = arith.constant 0 : index
      %swap3A_188 = tpu.vector_load %arg13[%swap3A_185, %swap3A_186, %swap3A_187] {strides = array<i32>} : memref<21x32x16xf32, #tpu.memory_space<vmem>>, vector<1x1x16xf32>,
      %swap3A_189 = vector.shape_cast %swap3A_188 : vector<1x1x16xf32> to vector<16xf32>
      %swap3A_190 = vector.shape_cast %scan3A_134#7 : vector<16xf32> to vector<1x1x16xf32>
      tpu.vector_store %arg13[%swap3A_185, %swap3A_186, %swap3A_187], %swap3A_190 {strides = array<i32>} : memref<21x32x16xf32, #tpu.memory_space<vmem>>, vector<1x1x16xf32>,
      %swap3A_191 = arith.constant 8 : i32
      %swap3A_192 = arith.index_cast %swap3A_191 : i32 to index
      %swap3A_193 = arith.index_cast %mul3A_93 : i32 to index
      %swap3A_194 = arith.constant 0 : index
      %swap3A_195 = tpu.vector_load %arg13[%swap3A_192, %swap3A_193, %swap3A_194] {strides = array<i32>} : memref<21x32x16xf32, #tpu.memory_space<vmem>>, vector<1x1x16xf32>,
      %swap3A_196 = vector.shape_cast %swap3A_195 : vector<1x1x16xf32> to vector<16xf32>
      %swap3A_197 = vector.shape_cast %scan3A_134#8 : vector<16xf32> to vector<1x1x16xf32>
      tpu.vector_store %arg13[%swap3A_192, %swap3A_193, %swap3A_194], %swap3A_197 {strides = array<i32>} : memref<21x32x16xf32, #tpu.memory_space<vmem>>, vector<1x1x16xf32>,
      %swap3A_198 = arith.constant 9 : i32
      %swap3A_199 = arith.index_cast %swap3A_198 : i32 to index
      %swap3A_200 = arith.index_cast %mul3A_93 : i32 to index
      %swap3A_201 = arith.constant 0 : index
      %swap3A_202 = tpu.vector_load %arg13[%swap3A_199, %swap3A_200, %swap3A_201] {strides = array<i32>} : memref<21x32x16xf32, #tpu.memory_space<vmem>>, vector<1x1x16xf32>,
      %swap3A_203 = vector.shape_cast %swap3A_202 : vector<1x1x16xf32> to vector<16xf32>
      %swap3A_204 = vector.shape_cast %scan3A_134#9 : vector<16xf32> to vector<1x1x16xf32>
      tpu.vector_store %arg13[%swap3A_199, %swap3A_200, %swap3A_201], %swap3A_204 {strides = array<i32>} : memref<21x32x16xf32, #tpu.memory_space<vmem>>, vector<1x1x16xf32>,
      %swap3A_205 = arith.constant 10 : i32
      %swap3A_206 = arith.index_cast %swap3A_205 : i32 to index
      %swap3A_207 = arith.index_cast %mul3A_93 : i32 to index
      %swap3A_208 = arith.constant 0 : index
      %swap3A_209 = tpu.vector_load %arg13[%swap3A_206, %swap3A_207, %swap3A_208] {strides = array<i32>} : memref<21x32x16xf32, #tpu.memory_space<vmem>>, vector<1x1x16xf32>,
      %swap3A_210 = vector.shape_cast %swap3A_209 : vector<1x1x16xf32> to vector<16xf32>
      %swap3A_211 = vector.shape_cast %scan3A_134#10 : vector<16xf32> to vector<1x1x16xf32>
      tpu.vector_store %arg13[%swap3A_206, %swap3A_207, %swap3A_208], %swap3A_211 {strides = array<i32>} : memref<21x32x16xf32, #tpu.memory_space<vmem>>, vector<1x1x16xf32>,
      %swap3A_212 = arith.constant 11 : i32
      %swap3A_213 = arith.index_cast %swap3A_212 : i32 to index
      %swap3A_214 = arith.index_cast %mul3A_93 : i32 to index
      %swap3A_215 = arith.constant 0 : index
      %swap3A_216 = tpu.vector_load %arg13[%swap3A_213, %swap3A_214, %swap3A_215] {strides = array<i32>} : memref<21x32x16xf32, #tpu.memory_space<vmem>>, vector<1x1x16xf32>,
      %swap3A_217 = vector.shape_cast %swap3A_216 : vector<1x1x16xf32> to vector<16xf32>
      %swap3A_218 = vector.shape_cast %scan3A_134#11 : vector<16xf32> to vector<1x1x16xf32>
      tpu.vector_store %arg13[%swap3A_213, %swap3A_214, %swap3A_215], %swap3A_218 {strides = array<i32>} : memref<21x32x16xf32, #tpu.memory_space<vmem>>, vector<1x1x16xf32>,
      %swap3A_219 = arith.constant 12 : i32
      %swap3A_220 = arith.index_cast %swap3A_219 : i32 to index
      %swap3A_221 = arith.index_cast %mul3A_93 : i32 to index
      %swap3A_222 = arith.constant 0 : index
      %swap3A_223 = tpu.vector_load %arg13[%swap3A_220, %swap3A_221, %swap3A_222] {strides = array<i32>} : memref<21x32x16xf32, #tpu.memory_space<vmem>>, vector<1x1x16xf32>,
      %swap3A_224 = vector.shape_cast %swap3A_223 : vector<1x1x16xf32> to vector<16xf32>
      %swap3A_225 = vector.shape_cast %scan3A_134#12 : vector<16xf32> to vector<1x1x16xf32>
      tpu.vector_store %arg13[%swap3A_220, %swap3A_221, %swap3A_222], %swap3A_225 {strides = array<i32>} : memref<21x32x16xf32, #tpu.memory_space<vmem>>, vector<1x1x16xf32>,
      %swap3A_226 = arith.constant 13 : i32
      %swap3A_227 = arith.index_cast %swap3A_226 : i32 to index
      %swap3A_228 = arith.index_cast %mul3A_93 : i32 to index
      %swap3A_229 = arith.constant 0 : index
      %swap3A_230 = tpu.vector_load %arg13[%swap3A_227, %swap3A_228, %swap3A_229] {strides = array<i32>} : memref<21x32x16xf32, #tpu.memory_space<vmem>>, vector<1x1x16xf32>,
      %swap3A_231 = vector.shape_cast %swap3A_230 : vector<1x1x16xf32> to vector<16xf32>
      %swap3A_232 = vector.shape_cast %scan3A_134#13 : vector<16xf32> to vector<1x1x16xf32>
      tpu.vector_store %arg13[%swap3A_227, %swap3A_228, %swap3A_229], %swap3A_232 {strides = array<i32>} : memref<21x32x16xf32, #tpu.memory_space<vmem>>, vector<1x1x16xf32>,
      %swap3A_233 = arith.constant 14 : i32
      %swap3A_234 = arith.index_cast %swap3A_233 : i32 to index
      %swap3A_235 = arith.index_cast %mul3A_93 : i32 to index
      %swap3A_236 = arith.constant 0 : index
      %swap3A_237 = tpu.vector_load %arg13[%swap3A_234, %swap3A_235, %swap3A_236] {strides = array<i32>} : memref<21x32x16xf32, #tpu.memory_space<vmem>>, vector<1x1x16xf32>,
      %swap3A_238 = vector.shape_cast %swap3A_237 : vector<1x1x16xf32> to vector<16xf32>
      %swap3A_239 = vector.shape_cast %scan3A_134#14 : vector<16xf32> to vector<1x1x16xf32>
      tpu.vector_store %arg13[%swap3A_234, %swap3A_235, %swap3A_236], %swap3A_239 {strides = array<i32>} : memref<21x32x16xf32, #tpu.memory_space<vmem>>, vector<1x1x16xf32>,
      %swap3A_240 = arith.constant 15 : i32
      %swap3A_241 = arith.index_cast %swap3A_240 : i32 to index
      %swap3A_242 = arith.index_cast %mul3A_93 : i32 to index
      %swap3A_243 = arith.constant 0 : index
      %swap3A_244 = tpu.vector_load %arg13[%swap3A_241, %swap3A_242, %swap3A_243] {strides = array<i32>} : memref<21x32x16xf32, #tpu.memory_space<vmem>>, vector<1x1x16xf32>,
      %swap3A_245 = vector.shape_cast %swap3A_244 : vector<1x1x16xf32> to vector<16xf32>
      %swap3A_246 = vector.shape_cast %scan3A_134#15 : vector<16xf32> to vector<1x1x16xf32>
      tpu.vector_store %arg13[%swap3A_241, %swap3A_242, %swap3A_243], %swap3A_246 {strides = array<i32>} : memref<21x32x16xf32, #tpu.memory_space<vmem>>, vector<1x1x16xf32>,
      %swap3A_247 = arith.constant 16 : i32
      %swap3A_248 = arith.index_cast %swap3A_247 : i32 to index
      %swap3A_249 = arith.index_cast %mul3A_93 : i32 to index
      %swap3A_250 = arith.constant 0 : index
      %swap3A_251 = tpu.vector_load %arg13[%swap3A_248, %swap3A_249, %swap3A_250] {strides = array<i32>} : memref<21x32x16xf32, #tpu.memory_space<vmem>>, vector<1x1x16xf32>,
      %swap3A_252 = vector.shape_cast %swap3A_251 : vector<1x1x16xf32> to vector<16xf32>
      %swap3A_253 = vector.shape_cast %scan3A_134#16 : vector<16xf32> to vector<1x1x16xf32>
      tpu.vector_store %arg13[%swap3A_248, %swap3A_249, %swap3A_250], %swap3A_253 {strides = array<i32>} : memref<21x32x16xf32, #tpu.memory_space<vmem>>, vector<1x1x16xf32>,
      %swap3A_254 = arith.constant 17 : i32
      %swap3A_255 = arith.index_cast %swap3A_254 : i32 to index
      %swap3A_256 = arith.index_cast %mul3A_93 : i32 to index
      %swap3A_257 = arith.constant 0 : index
      %swap3A_258 = tpu.vector_load %arg13[%swap3A_255, %swap3A_256, %swap3A_257] {strides = array<i32>} : memref<21x32x16xf32, #tpu.memory_space<vmem>>, vector<1x1x16xf32>,
      %swap3A_259 = vector.shape_cast %swap3A_258 : vector<1x1x16xf32> to vector<16xf32>
      %swap3A_260 = vector.shape_cast %scan3A_134#17 : vector<16xf32> to vector<1x1x16xf32>
      tpu.vector_store %arg13[%swap3A_255, %swap3A_256, %swap3A_257], %swap3A_260 {strides = array<i32>} : memref<21x32x16xf32, #tpu.memory_space<vmem>>, vector<1x1x16xf32>,
      %swap3A_261 = arith.constant 18 : i32
      %swap3A_262 = arith.index_cast %swap3A_261 : i32 to index
      %swap3A_263 = arith.index_cast %mul3A_93 : i32 to index
      %swap3A_264 = arith.constant 0 : index
      %swap3A_265 = tpu.vector_load %arg13[%swap3A_262, %swap3A_263, %swap3A_264] {strides = array<i32>} : memref<21x32x16xf32, #tpu.memory_space<vmem>>, vector<1x1x16xf32>,
      %swap3A_266 = vector.shape_cast %swap3A_265 : vector<1x1x16xf32> to vector<16xf32>
      %swap3A_267 = vector.shape_cast %scan3A_134#18 : vector<16xf32> to vector<1x1x16xf32>
      tpu.vector_store %arg13[%swap3A_262, %swap3A_263, %swap3A_264], %swap3A_267 {strides = array<i32>} : memref<21x32x16xf32, #tpu.memory_space<vmem>>, vector<1x1x16xf32>,
      %swap3A_268 = arith.constant 19 : i32
      %swap3A_269 = arith.index_cast %swap3A_268 : i32 to index
      %swap3A_270 = arith.index_cast %mul3A_93 : i32 to index
      %swap3A_271 = arith.constant 0 : index
      %swap3A_272 = tpu.vector_load %arg13[%swap3A_269, %swap3A_270, %swap3A_271] {strides = array<i32>} : memref<21x32x16xf32, #tpu.memory_space<vmem>>, vector<1x1x16xf32>,
      %swap3A_273 = vector.shape_cast %swap3A_272 : vector<1x1x16xf32> to vector<16xf32>
      %swap3A_274 = vector.shape_cast %scan3A_134#19 : vector<16xf32> to vector<1x1x16xf32>
      tpu.vector_store %arg13[%swap3A_269, %swap3A_270, %swap3A_271], %swap3A_274 {strides = array<i32>} : memref<21x32x16xf32, #tpu.memory_space<vmem>>, vector<1x1x16xf32>,
      %swap3A_275 = arith.constant 20 : i32
      %swap3A_276 = arith.index_cast %swap3A_275 : i32 to index
      %swap3A_277 = arith.index_cast %mul3A_93 : i32 to index
      %swap3A_278 = arith.constant 0 : index
      %swap3A_279 = tpu.vector_load %arg13[%swap3A_276, %swap3A_277, %swap3A_278] {strides = array<i32>} : memref<21x32x16xf32, #tpu.memory_space<vmem>>, vector<1x1x16xf32>,
      %swap3A_280 = vector.shape_cast %swap3A_279 : vector<1x1x16xf32> to vector<16xf32>
      %swap3A_281 = vector.shape_cast %scan3A_134#20 : vector<16xf32> to vector<1x1x16xf32>
      tpu.vector_store %arg13[%swap3A_276, %swap3A_277, %swap3A_278], %swap3A_281 {strides = array<i32>} : memref<21x32x16xf32, #tpu.memory_space<vmem>>, vector<1x1x16xf32>,
      %add3A_282 = arith.constant 2 : i32
      %add3A_283 = arith.addi %mul3A_93, %add3A_282 : i32
      %lt3A = arith.constant 32 : i32
      %lt3A_284 = arith.cmpi slt, %add3A_283, %lt3A : i32
      %convert_element_type3A = arith.extui %lt3A_284 : i1 to i32
      %cond3A = arith.constant 0 : i32
      %cond3A_285 = arith.cmpi ne, %convert_element_type3A, %cond3A : i32
      scf.if %cond3A_285 {
        %add3A_485 = arith.constant 2 : i32
        %add3A_486 = arith.addi %mul3A_93, %add3A_485 : i32
        %dma_start3A_487 = arith.constant 0 : i32
        %dma_start3A_488 = tpu.memref_slice %arg7[%add3A_486, %dma_start3A_487] : memref<32x16xi32, #tpu.memory_space<vmem>> -> memref<1x16xi32, #tpu.memory_space<vmem>>
        %dma_start3A_489 = tpu.memref_squeeze %dma_start3A_488 : memref<1x16xi32, #tpu.memory_space<vmem>> -> memref<16xi32, #tpu.memory_space<vmem>>
        %dma_start3A_490 = arith.constant 0 : i32
        %dma_start3A_491 = arith.constant 0 : i32
        %dma_start3A_492 = tpu.memref_slice %arg4[%dma_start3A_490, %dma_start3A_491] : memref<1000000x64xf32, #tpu.memory_space<hbm>> -> memref<1000000x64xf32, #tpu.memory_space<hbm>>
        tpu.enqueue_indirect_dma source(%dma_start3A_492 : memref<1000000x64xf32, #tpu.memory_space<hbm>>) target(%arg9 : memref<16x64xf32, #tpu.memory_space<vmem>>) offsets(%dma_start3A_489 : memref<16xi32, #tpu.memory_space<vmem>>) semaphore(%arg14 : memref<!tpu.dma_semaphore, #tpu.memory_space<semaphore_mem>>)
        %dma_start3A_493 = arith.constant 0 : i32
        %dma_start3A_494 = arith.constant 0 : i32
        %dma_start3A_495 = tpu.memref_slice %arg11[%dma_start3A_493, %dma_start3A_494] : memref<336x64xf32, #tpu.memory_space<vmem>> -> memref<128x64xf32, #tpu.memory_space<vmem>>
        %dma_start3A_496 = arith.constant 0 : i32
        %dma_start3A_497 = tpu.memref_slice %arg8[%add3A_486, %dma_start3A_496] : memref<32x336xi32, #tpu.memory_space<vmem>> -> memref<1x128xi32, #tpu.memory_space<vmem>>
        %dma_start3A_498 = tpu.memref_squeeze %dma_start3A_497 : memref<1x128xi32, #tpu.memory_space<vmem>> -> memref<128xi32, #tpu.memory_space<vmem>>
        %dma_start3A_499 = arith.constant 0 : i32
        %dma_start3A_500 = arith.constant 0 : i32
        %dma_start3A_501 = tpu.memref_slice %arg5[%dma_start3A_499, %dma_start3A_500] : memref<1000000x64xf32, #tpu.memory_space<hbm>> -> memref<1000000x64xf32, #tpu.memory_space<hbm>>
        tpu.enqueue_indirect_dma source(%dma_start3A_501 : memref<1000000x64xf32, #tpu.memory_space<hbm>>) target(%dma_start3A_495 : memref<128x64xf32, #tpu.memory_space<vmem>>) offsets(%dma_start3A_498 : memref<128xi32, #tpu.memory_space<vmem>>) semaphore(%arg14 : memref<!tpu.dma_semaphore, #tpu.memory_space<semaphore_mem>>)
        %dma_start3A_502 = arith.constant 128 : i32
        %dma_start3A_503 = arith.constant 0 : i32
        %dma_start3A_504 = tpu.memref_slice %arg11[%dma_start3A_502, %dma_start3A_503] : memref<336x64xf32, #tpu.memory_space<vmem>> -> memref<128x64xf32, #tpu.memory_space<vmem>>
        %dma_start3A_505 = arith.constant 128 : i32
        %dma_start3A_506 = tpu.memref_slice %arg8[%add3A_486, %dma_start3A_505] : memref<32x336xi32, #tpu.memory_space<vmem>> -> memref<1x128xi32, #tpu.memory_space<vmem>>
        %dma_start3A_507 = tpu.memref_squeeze %dma_start3A_506 : memref<1x128xi32, #tpu.memory_space<vmem>> -> memref<128xi32, #tpu.memory_space<vmem>>
        %dma_start3A_508 = arith.constant 0 : i32
        %dma_start3A_509 = arith.constant 0 : i32
        %dma_start3A_510 = tpu.memref_slice %arg5[%dma_start3A_508, %dma_start3A_509] : memref<1000000x64xf32, #tpu.memory_space<hbm>> -> memref<1000000x64xf32, #tpu.memory_space<hbm>>
        tpu.enqueue_indirect_dma source(%dma_start3A_510 : memref<1000000x64xf32, #tpu.memory_space<hbm>>) target(%dma_start3A_504 : memref<128x64xf32, #tpu.memory_space<vmem>>) offsets(%dma_start3A_507 : memref<128xi32, #tpu.memory_space<vmem>>) semaphore(%arg14 : memref<!tpu.dma_semaphore, #tpu.memory_space<semaphore_mem>>)
        %dma_start3A_511 = arith.constant 256 : i32
        %dma_start3A_512 = arith.constant 0 : i32
        %dma_start3A_513 = tpu.memref_slice %arg11[%dma_start3A_511, %dma_start3A_512] : memref<336x64xf32, #tpu.memory_space<vmem>> -> memref<80x64xf32, #tpu.memory_space<vmem>>
        %dma_start3A_514 = arith.constant 256 : i32
        %dma_start3A_515 = tpu.memref_slice %arg8[%add3A_486, %dma_start3A_514] : memref<32x336xi32, #tpu.memory_space<vmem>> -> memref<1x80xi32, #tpu.memory_space<vmem>>
        %dma_start3A_516 = tpu.memref_squeeze %dma_start3A_515 : memref<1x80xi32, #tpu.memory_space<vmem>> -> memref<80xi32, #tpu.memory_space<vmem>>
        %dma_start3A_517 = arith.constant 0 : i32
        %dma_start3A_518 = arith.constant 0 : i32
        %dma_start3A_519 = tpu.memref_slice %arg5[%dma_start3A_517, %dma_start3A_518] : memref<1000000x64xf32, #tpu.memory_space<hbm>> -> memref<1000000x64xf32, #tpu.memory_space<hbm>>
        tpu.enqueue_indirect_dma source(%dma_start3A_519 : memref<1000000x64xf32, #tpu.memory_space<hbm>>) target(%dma_start3A_513 : memref<80x64xf32, #tpu.memory_space<vmem>>) offsets(%dma_start3A_516 : memref<80xi32, #tpu.memory_space<vmem>>) semaphore(%arg14 : memref<!tpu.dma_semaphore, #tpu.memory_space<semaphore_mem>>)
      } else {
      }
      %dma_wait3A_286 = arith.constant 0 : i32
      %dma_wait3A_287 = arith.constant 0 : i32
      %dma_wait3A_288 = tpu.memref_slice %arg7[%dma_wait3A_286, %dma_wait3A_287] : memref<32x16xi32, #tpu.memory_space<vmem>> -> memref<1x16xi32, #tpu.memory_space<vmem>>
      %dma_wait3A_289 = tpu.memref_squeeze %dma_wait3A_288 : memref<1x16xi32, #tpu.memory_space<vmem>> -> memref<16xi32, #tpu.memory_space<vmem>>
      %dma_wait3A_290 = arith.constant 0 : i32
      %dma_wait3A_291 = arith.constant 0 : i32
      %dma_wait3A_292 = tpu.memref_slice %arg4[%dma_wait3A_290, %dma_wait3A_291] : memref<1000000x64xf32, #tpu.memory_space<hbm>> -> memref<1000000x64xf32, #tpu.memory_space<hbm>>
      tpu.wait_indirect_dma semaphore(%arg15 : memref<!tpu.dma_semaphore, #tpu.memory_space<semaphore_mem>>) src(%dma_wait3A_292 : memref<1000000x64xf32, #tpu.memory_space<hbm>>) dst(%arg10 : memref<16x64xf32, #tpu.memory_space<vmem>>)
      %dma_wait3A_293 = arith.constant 0 : i32
      %dma_wait3A_294 = arith.constant 0 : i32
      %dma_wait3A_295 = arith.constant 0 : i32
      %dma_wait3A_296 = tpu.memref_slice %arg12[%dma_wait3A_294, %dma_wait3A_295] : memref<336x64xf32, #tpu.memory_space<vmem>> -> memref<128x64xf32, #tpu.memory_space<vmem>>
      %dma_wait3A_297 = arith.constant 0 : i32
      %dma_wait3A_298 = tpu.memref_slice %arg8[%dma_wait3A_293, %dma_wait3A_297] : memref<32x336xi32, #tpu.memory_space<vmem>> -> memref<1x128xi32, #tpu.memory_space<vmem>>
      %dma_wait3A_299 = tpu.memref_squeeze %dma_wait3A_298 : memref<1x128xi32, #tpu.memory_space<vmem>> -> memref<128xi32, #tpu.memory_space<vmem>>
      %dma_wait3A_300 = arith.constant 0 : i32
      %dma_wait3A_301 = arith.constant 0 : i32
      %dma_wait3A_302 = tpu.memref_slice %arg5[%dma_wait3A_300, %dma_wait3A_301] : memref<1000000x64xf32, #tpu.memory_space<hbm>> -> memref<1000000x64xf32, #tpu.memory_space<hbm>>
      tpu.wait_indirect_dma semaphore(%arg15 : memref<!tpu.dma_semaphore, #tpu.memory_space<semaphore_mem>>) src(%dma_wait3A_302 : memref<1000000x64xf32, #tpu.memory_space<hbm>>) dst(%dma_wait3A_296 : memref<128x64xf32, #tpu.memory_space<vmem>>)
      %dma_wait3A_303 = arith.constant 0 : i32
      %dma_wait3A_304 = arith.constant 128 : i32
      %dma_wait3A_305 = arith.constant 0 : i32
      %dma_wait3A_306 = tpu.memref_slice %arg12[%dma_wait3A_304, %dma_wait3A_305] : memref<336x64xf32, #tpu.memory_space<vmem>> -> memref<128x64xf32, #tpu.memory_space<vmem>>
      %dma_wait3A_307 = arith.constant 128 : i32
      %dma_wait3A_308 = tpu.memref_slice %arg8[%dma_wait3A_303, %dma_wait3A_307] : memref<32x336xi32, #tpu.memory_space<vmem>> -> memref<1x128xi32, #tpu.memory_space<vmem>>
      %dma_wait3A_309 = tpu.memref_squeeze %dma_wait3A_308 : memref<1x128xi32, #tpu.memory_space<vmem>> -> memref<128xi32, #tpu.memory_space<vmem>>
      %dma_wait3A_310 = arith.constant 0 : i32
      %dma_wait3A_311 = arith.constant 0 : i32
      %dma_wait3A_312 = tpu.memref_slice %arg5[%dma_wait3A_310, %dma_wait3A_311] : memref<1000000x64xf32, #tpu.memory_space<hbm>> -> memref<1000000x64xf32, #tpu.memory_space<hbm>>
      tpu.wait_indirect_dma semaphore(%arg15 : memref<!tpu.dma_semaphore, #tpu.memory_space<semaphore_mem>>) src(%dma_wait3A_312 : memref<1000000x64xf32, #tpu.memory_space<hbm>>) dst(%dma_wait3A_306 : memref<128x64xf32, #tpu.memory_space<vmem>>)
      %dma_wait3A_313 = arith.constant 0 : i32
      %dma_wait3A_314 = arith.constant 256 : i32
      %dma_wait3A_315 = arith.constant 0 : i32
      %dma_wait3A_316 = tpu.memref_slice %arg12[%dma_wait3A_314, %dma_wait3A_315] : memref<336x64xf32, #tpu.memory_space<vmem>> -> memref<80x64xf32, #tpu.memory_space<vmem>>
      %dma_wait3A_317 = arith.constant 256 : i32
      %dma_wait3A_318 = tpu.memref_slice %arg8[%dma_wait3A_313, %dma_wait3A_317] : memref<32x336xi32, #tpu.memory_space<vmem>> -> memref<1x80xi32, #tpu.memory_space<vmem>>
      %dma_wait3A_319 = tpu.memref_squeeze %dma_wait3A_318 : memref<1x80xi32, #tpu.memory_space<vmem>> -> memref<80xi32, #tpu.memory_space<vmem>>
      %dma_wait3A_320 = arith.constant 0 : i32
      %dma_wait3A_321 = arith.constant 0 : i32
      %dma_wait3A_322 = tpu.memref_slice %arg5[%dma_wait3A_320, %dma_wait3A_321] : memref<1000000x64xf32, #tpu.memory_space<hbm>> -> memref<1000000x64xf32, #tpu.memory_space<hbm>>
      tpu.wait_indirect_dma semaphore(%arg15 : memref<!tpu.dma_semaphore, #tpu.memory_space<semaphore_mem>>) src(%dma_wait3A_322 : memref<1000000x64xf32, #tpu.memory_space<hbm>>) dst(%dma_wait3A_316 : memref<80x64xf32, #tpu.memory_space<vmem>>)
      %add3A_323 = arith.constant 1 : i32
      %add3A_324 = arith.addi %mul3A_93, %add3A_323 : i32
      %scan3A_325 = arith.constant 0 : i32
      %scan3A_326 = arith.constant 16 : i32
      %scan3A_327 = arith.addi %scan3A_325, %scan3A_326 : i32
      %scan3A_328 = arith.constant 1 : i32
      %scan3A_329:21 = scf.for %scan3A_485 = %scan3A_325 to %scan3A_327 step %scan3A_328 iter_args(%scan3A_486 = %broadcast_in_dim3A_12, %scan3A_487 = %broadcast_in_dim3A_12, %scan3A_488 = %broadcast_in_dim3A_12, %scan3A_489 = %broadcast_in_dim3A_12, %scan3A_490 = %broadcast_in_dim3A_12, %scan3A_491 = %broadcast_in_dim3A_12, %scan3A_492 = %broadcast_in_dim3A_12, %scan3A_493 = %broadcast_in_dim3A_12, %scan3A_494 = %broadcast_in_dim3A_12, %scan3A_495 = %broadcast_in_dim3A_12, %scan3A_496 = %broadcast_in_dim3A_12, %scan3A_497 = %broadcast_in_dim3A_12, %scan3A_498 = %broadcast_in_dim3A_12, %scan3A_499 = %broadcast_in_dim3A_12, %scan3A_500 = %broadcast_in_dim3A_12, %scan3A_501 = %broadcast_in_dim3A_12, %scan3A_502 = %broadcast_in_dim3A_12, %scan3A_503 = %broadcast_in_dim3A_12, %scan3A_504 = %broadcast_in_dim3A_12, %scan3A_505 = %broadcast_in_dim3A_12, %scan3A_506 = %broadcast_in_dim3A_12) -> (vector<16xf32>, vector<16xf32>, vector<16xf32>, vector<16xf32>, vector<16xf32>, vector<16xf32>, vector<16xf32>, vector<16xf32>, vector<16xf32>, vector<16xf32>, vector<16xf32>, vector<16xf32>, vector<16xf32>, vector<16xf32>, vector<16xf32>, vector<16xf32>, vector<16xf32>, vector<16xf32>, vector<16xf32>, vector<16xf32>, vector<16xf32>)  : i32 {
        %get3A = arith.index_cast %scan3A_485 : i32 to index
        %get3A_507 = arith.constant 0 : index
        %get3A_508 = tpu.vector_load %arg12[%get3A, %get3A_507] {strides = array<i32>} : memref<336x64xf32, #tpu.memory_space<vmem>>, vector<1x16xf32>,
        %get3A_509 = vector.shape_cast %get3A_508 : vector<1x16xf32> to vector<16xf32>
        %get3A_510 = arith.index_cast %scan3A_485 : i32 to index
        %get3A_511 = arith.constant 16 : index
        %get3A_512 = tpu.vector_load %arg12[%get3A_510, %get3A_511] {strides = array<i32>} : memref<336x64xf32, #tpu.memory_space<vmem>>, vector<1x16xf32>,
        %get3A_513 = vector.shape_cast %get3A_512 : vector<1x16xf32> to vector<16xf32>
        %get3A_514 = arith.index_cast %scan3A_485 : i32 to index
        %get3A_515 = arith.constant 32 : index
        %get3A_516 = tpu.vector_load %arg12[%get3A_514, %get3A_515] {strides = array<i32>} : memref<336x64xf32, #tpu.memory_space<vmem>>, vector<1x16xf32>,
        %get3A_517 = vector.shape_cast %get3A_516 : vector<1x16xf32> to vector<16xf32>
        %get3A_518 = arith.index_cast %scan3A_485 : i32 to index
        %get3A_519 = arith.constant 48 : index
        %get3A_520 = tpu.vector_load %arg12[%get3A_518, %get3A_519] {strides = array<i32>} : memref<336x64xf32, #tpu.memory_space<vmem>>, vector<1x16xf32>,
        %get3A_521 = vector.shape_cast %get3A_520 : vector<1x16xf32> to vector<16xf32>
        %get3A_522 = arith.index_cast %scan3A_485 : i32 to index
        %get3A_523 = arith.constant 0 : index
        %get3A_524 = tpu.vector_load %arg10[%get3A_522, %get3A_523] {strides = array<i32>} : memref<16x64xf32, #tpu.memory_space<vmem>>, vector<1x16xf32>,
        %get3A_525 = vector.shape_cast %get3A_524 : vector<1x16xf32> to vector<16xf32>
        %mul3A_526 = arith.mulf %get3A_525, %get3A_509 : vector<16xf32>
        %get3A_527 = arith.index_cast %scan3A_485 : i32 to index
        %get3A_528 = arith.constant 16 : index
        %get3A_529 = tpu.vector_load %arg10[%get3A_527, %get3A_528] {strides = array<i32>} : memref<16x64xf32, #tpu.memory_space<vmem>>, vector<1x16xf32>,
        %get3A_530 = vector.shape_cast %get3A_529 : vector<1x16xf32> to vector<16xf32>
        %mul3A_531 = arith.mulf %get3A_530, %get3A_513 : vector<16xf32>
        %add3A_532 = arith.addf %mul3A_526, %mul3A_531 : vector<16xf32>
        %get3A_533 = arith.index_cast %scan3A_485 : i32 to index
        %get3A_534 = arith.constant 32 : index
        %get3A_535 = tpu.vector_load %arg10[%get3A_533, %get3A_534] {strides = array<i32>} : memref<16x64xf32, #tpu.memory_space<vmem>>, vector<1x16xf32>,
        %get3A_536 = vector.shape_cast %get3A_535 : vector<1x16xf32> to vector<16xf32>
        %mul3A_537 = arith.mulf %get3A_536, %get3A_517 : vector<16xf32>
        %add3A_538 = arith.addf %add3A_532, %mul3A_537 : vector<16xf32>
        %get3A_539 = arith.index_cast %scan3A_485 : i32 to index
        %get3A_540 = arith.constant 48 : index
        %get3A_541 = tpu.vector_load %arg10[%get3A_539, %get3A_540] {strides = array<i32>} : memref<16x64xf32, #tpu.memory_space<vmem>>, vector<1x16xf32>,
        %get3A_542 = vector.shape_cast %get3A_541 : vector<1x16xf32> to vector<16xf32>
        %mul3A_543 = arith.mulf %get3A_542, %get3A_521 : vector<16xf32>
        %add3A_544 = arith.addf %add3A_538, %mul3A_543 : vector<16xf32>
        %eq3A = vector.broadcast %scan3A_485 : i32 to vector<16xi32>
        %eq3A_545 = arith.cmpi eq, %iota3A, %eq3A : vector<16xi32>
        %lt3A_546 = arith.constant 0 : i32
        %lt3A_547 = vector.broadcast %lt3A_546 : i32 to vector<16xi32>
        %lt3A_548 = arith.cmpi slt, %xor3A_2, %lt3A_547 : vector<16xi32>
        %add3A_549 = arith.constant 16 : i32
        %add3A_550 = vector.broadcast %add3A_549 : i32 to vector<16xi32>
        %add3A_551 = arith.addi %xor3A_2, %add3A_550 : vector<16xi32>
        %select_n3A = arith.select %lt3A_548, %add3A_551, %xor3A_2 : vector<16xi1>, vector<16xi32>
        %broadcast_in_dim3A_552 = vector.shape_cast %select_n3A : vector<16xi32> to vector<16x1xi32>
        %gather3A = vector.shape_cast %broadcast_in_dim3A_552 : vector<16x1xi32> to vector<16xi32>
        %gather3A_553 = tpu.dynamic_gather %add3A_544[%gather3A] in [0] : vector<16xf32>, vector<16xi32> -> vector<16xf32>
        %add3A_554 = arith.addf %add3A_544, %gather3A_553 : vector<16xf32>
        %lt3A_555 = arith.constant 0 : i32
        %lt3A_556 = vector.broadcast %lt3A_555 : i32 to vector<16xi32>
        %lt3A_557 = arith.cmpi slt, %xor3A_5, %lt3A_556 : vector<16xi32>
        %add3A_558 = arith.constant 16 : i32
        %add3A_559 = vector.broadcast %add3A_558 : i32 to vector<16xi32>
        %add3A_560 = arith.addi %xor3A_5, %add3A_559 : vector<16xi32>
        %select_n3A_561 = arith.select %lt3A_557, %add3A_560, %xor3A_5 : vector<16xi1>, vector<16xi32>
        %broadcast_in_dim3A_562 = vector.shape_cast %select_n3A_561 : vector<16xi32> to vector<16x1xi32>
        %gather3A_563 = vector.shape_cast %broadcast_in_dim3A_562 : vector<16x1xi32> to vector<16xi32>
        %gather3A_564 = tpu.dynamic_gather %add3A_554[%gather3A_563] in [0] : vector<16xf32>, vector<16xi32> -> vector<16xf32>
        %add3A_565 = arith.addf %add3A_554, %gather3A_564 : vector<16xf32>
        %lt3A_566 = arith.constant 0 : i32
        %lt3A_567 = vector.broadcast %lt3A_566 : i32 to vector<16xi32>
        %lt3A_568 = arith.cmpi slt, %xor3A_8, %lt3A_567 : vector<16xi32>
        %add3A_569 = arith.constant 16 : i32
        %add3A_570 = vector.broadcast %add3A_569 : i32 to vector<16xi32>
        %add3A_571 = arith.addi %xor3A_8, %add3A_570 : vector<16xi32>
        %select_n3A_572 = arith.select %lt3A_568, %add3A_571, %xor3A_8 : vector<16xi1>, vector<16xi32>
        %broadcast_in_dim3A_573 = vector.shape_cast %select_n3A_572 : vector<16xi32> to vector<16x1xi32>
        %gather3A_574 = vector.shape_cast %broadcast_in_dim3A_573 : vector<16x1xi32> to vector<16xi32>
        %gather3A_575 = tpu.dynamic_gather %add3A_565[%gather3A_574] in [0] : vector<16xf32>, vector<16xi32> -> vector<16xf32>
        %add3A_576 = arith.addf %add3A_565, %gather3A_575 : vector<16xf32>
        %lt3A_577 = arith.constant 0 : i32
        %lt3A_578 = vector.broadcast %lt3A_577 : i32 to vector<16xi32>
        %lt3A_579 = arith.cmpi slt, %xor3A_11, %lt3A_578 : vector<16xi32>
        %add3A_580 = arith.constant 16 : i32
        %add3A_581 = vector.broadcast %add3A_580 : i32 to vector<16xi32>
        %add3A_582 = arith.addi %xor3A_11, %add3A_581 : vector<16xi32>
        %select_n3A_583 = arith.select %lt3A_579, %add3A_582, %xor3A_11 : vector<16xi1>, vector<16xi32>
        %broadcast_in_dim3A_584 = vector.shape_cast %select_n3A_583 : vector<16xi32> to vector<16x1xi32>
        %gather3A_585 = vector.shape_cast %broadcast_in_dim3A_584 : vector<16x1xi32> to vector<16xi32>
        %gather3A_586 = tpu.dynamic_gather %add3A_576[%gather3A_585] in [0] : vector<16xf32>, vector<16xi32> -> vector<16xf32>
        %add3A_587 = arith.addf %add3A_576, %gather3A_586 : vector<16xf32>
        %select_n3A_588 = arith.select %eq3A_545, %add3A_587, %scan3A_486 : vector<16xi1>, vector<16xf32>
        %mul3A_589 = arith.constant 20 : i32
        %mul3A_590 = arith.muli %scan3A_485, %mul3A_589 : i32
        %add3A_591 = arith.constant 16 : i32
        %add3A_592 = arith.addi %add3A_591, %mul3A_590 : i32
        %add3A_593 = arith.constant 0 : i32
        %add3A_594 = arith.addi %add3A_592, %add3A_593 : i32
        %get3A_595 = arith.index_cast %add3A_594 : i32 to index
        %get3A_596 = arith.constant 0 : index
        %get3A_597 = tpu.vector_load %arg12[%get3A_595, %get3A_596] {strides = array<i32>} : memref<336x64xf32, #tpu.memory_space<vmem>>, vector<1x16xf32>,
        %get3A_598 = vector.shape_cast %get3A_597 : vector<1x16xf32> to vector<16xf32>
        %mul3A_599 = arith.mulf %get3A_598, %get3A_509 : vector<16xf32>
        %get3A_600 = arith.index_cast %add3A_594 : i32 to index
        %get3A_601 = arith.constant 16 : index
        %get3A_602 = tpu.vector_load %arg12[%get3A_600, %get3A_601] {strides = array<i32>} : memref<336x64xf32, #tpu.memory_space<vmem>>, vector<1x16xf32>,
        %get3A_603 = vector.shape_cast %get3A_602 : vector<1x16xf32> to vector<16xf32>
        %mul3A_604 = arith.mulf %get3A_603, %get3A_513 : vector<16xf32>
        %add3A_605 = arith.addf %mul3A_599, %mul3A_604 : vector<16xf32>
        %get3A_606 = arith.index_cast %add3A_594 : i32 to index
        %get3A_607 = arith.constant 32 : index
        %get3A_608 = tpu.vector_load %arg12[%get3A_606, %get3A_607] {strides = array<i32>} : memref<336x64xf32, #tpu.memory_space<vmem>>, vector<1x16xf32>,
        %get3A_609 = vector.shape_cast %get3A_608 : vector<1x16xf32> to vector<16xf32>
        %mul3A_610 = arith.mulf %get3A_609, %get3A_517 : vector<16xf32>
        %add3A_611 = arith.addf %add3A_605, %mul3A_610 : vector<16xf32>
        %get3A_612 = arith.index_cast %add3A_594 : i32 to index
        %get3A_613 = arith.constant 48 : index
        %get3A_614 = tpu.vector_load %arg12[%get3A_612, %get3A_613] {strides = array<i32>} : memref<336x64xf32, #tpu.memory_space<vmem>>, vector<1x16xf32>,
        %get3A_615 = vector.shape_cast %get3A_614 : vector<1x16xf32> to vector<16xf32>
        %mul3A_616 = arith.mulf %get3A_615, %get3A_521 : vector<16xf32>
        %add3A_617 = arith.addf %add3A_611, %mul3A_616 : vector<16xf32>
        %lt3A_618 = arith.constant 0 : i32
        %lt3A_619 = vector.broadcast %lt3A_618 : i32 to vector<16xi32>
        %lt3A_620 = arith.cmpi slt, %xor3A_2, %lt3A_619 : vector<16xi32>
        %add3A_621 = arith.constant 16 : i32
        %add3A_622 = vector.broadcast %add3A_621 : i32 to vector<16xi32>
        %add3A_623 = arith.addi %xor3A_2, %add3A_622 : vector<16xi32>
        %select_n3A_624 = arith.select %lt3A_620, %add3A_623, %xor3A_2 : vector<16xi1>, vector<16xi32>
        %broadcast_in_dim3A_625 = vector.shape_cast %select_n3A_624 : vector<16xi32> to vector<16x1xi32>
        %gather3A_626 = vector.shape_cast %broadcast_in_dim3A_625 : vector<16x1xi32> to vector<16xi32>
        %gather3A_627 = tpu.dynamic_gather %add3A_617[%gather3A_626] in [0] : vector<16xf32>, vector<16xi32> -> vector<16xf32>
        %add3A_628 = arith.addf %add3A_617, %gather3A_627 : vector<16xf32>
        %lt3A_629 = arith.constant 0 : i32
        %lt3A_630 = vector.broadcast %lt3A_629 : i32 to vector<16xi32>
        %lt3A_631 = arith.cmpi slt, %xor3A_5, %lt3A_630 : vector<16xi32>
        %add3A_632 = arith.constant 16 : i32
        %add3A_633 = vector.broadcast %add3A_632 : i32 to vector<16xi32>
        %add3A_634 = arith.addi %xor3A_5, %add3A_633 : vector<16xi32>
        %select_n3A_635 = arith.select %lt3A_631, %add3A_634, %xor3A_5 : vector<16xi1>, vector<16xi32>
        %broadcast_in_dim3A_636 = vector.shape_cast %select_n3A_635 : vector<16xi32> to vector<16x1xi32>
        %gather3A_637 = vector.shape_cast %broadcast_in_dim3A_636 : vector<16x1xi32> to vector<16xi32>
        %gather3A_638 = tpu.dynamic_gather %add3A_628[%gather3A_637] in [0] : vector<16xf32>, vector<16xi32> -> vector<16xf32>
        %add3A_639 = arith.addf %add3A_628, %gather3A_638 : vector<16xf32>
        %lt3A_640 = arith.constant 0 : i32
        %lt3A_641 = vector.broadcast %lt3A_640 : i32 to vector<16xi32>
        %lt3A_642 = arith.cmpi slt, %xor3A_8, %lt3A_641 : vector<16xi32>
        %add3A_643 = arith.constant 16 : i32
        %add3A_644 = vector.broadcast %add3A_643 : i32 to vector<16xi32>
        %add3A_645 = arith.addi %xor3A_8, %add3A_644 : vector<16xi32>
        %select_n3A_646 = arith.select %lt3A_642, %add3A_645, %xor3A_8 : vector<16xi1>, vector<16xi32>
        %broadcast_in_dim3A_647 = vector.shape_cast %select_n3A_646 : vector<16xi32> to vector<16x1xi32>
        %gather3A_648 = vector.shape_cast %broadcast_in_dim3A_647 : vector<16x1xi32> to vector<16xi32>
        %gather3A_649 = tpu.dynamic_gather %add3A_639[%gather3A_648] in [0] : vector<16xf32>, vector<16xi32> -> vector<16xf32>
        %add3A_650 = arith.addf %add3A_639, %gather3A_649 : vector<16xf32>
        %lt3A_651 = arith.constant 0 : i32
        %lt3A_652 = vector.broadcast %lt3A_651 : i32 to vector<16xi32>
        %lt3A_653 = arith.cmpi slt, %xor3A_11, %lt3A_652 : vector<16xi32>
        %add3A_654 = arith.constant 16 : i32
        %add3A_655 = vector.broadcast %add3A_654 : i32 to vector<16xi32>
        %add3A_656 = arith.addi %xor3A_11, %add3A_655 : vector<16xi32>
        %select_n3A_657 = arith.select %lt3A_653, %add3A_656, %xor3A_11 : vector<16xi1>, vector<16xi32>
        %broadcast_in_dim3A_658 = vector.shape_cast %select_n3A_657 : vector<16xi32> to vector<16x1xi32>
        %gather3A_659 = vector.shape_cast %broadcast_in_dim3A_658 : vector<16x1xi32> to vector<16xi32>
        %gather3A_660 = tpu.dynamic_gather %add3A_650[%gather3A_659] in [0] : vector<16xf32>, vector<16xi32> -> vector<16xf32>
        %add3A_661 = arith.addf %add3A_650, %gather3A_660 : vector<16xf32>
        %neg3A = arith.constant 0.000000e+00 : f32
        %neg3A_662 = vector.broadcast %neg3A : f32 to vector<16xf32>
        %neg3A_663 = arith.subf %neg3A_662, %add3A_661 : vector<16xf32>
        %select_n3A_664 = arith.select %eq3A_545, %neg3A_663, %scan3A_487 : vector<16xi1>, vector<16xf32>
        %mul3A_665 = arith.constant 20 : i32
        %mul3A_666 = arith.muli %scan3A_485, %mul3A_665 : i32
        %add3A_667 = arith.constant 16 : i32
        %add3A_668 = arith.addi %add3A_667, %mul3A_666 : i32
        %add3A_669 = arith.constant 1 : i32
        %add3A_670 = arith.addi %add3A_668, %add3A_669 : i32
        %get3A_671 = arith.index_cast %add3A_670 : i32 to index
        %get3A_672 = arith.constant 0 : index
        %get3A_673 = tpu.vector_load %arg12[%get3A_671, %get3A_672] {strides = array<i32>} : memref<336x64xf32, #tpu.memory_space<vmem>>, vector<1x16xf32>,
        %get3A_674 = vector.shape_cast %get3A_673 : vector<1x16xf32> to vector<16xf32>
        %mul3A_675 = arith.mulf %get3A_674, %get3A_509 : vector<16xf32>
        %get3A_676 = arith.index_cast %add3A_670 : i32 to index
        %get3A_677 = arith.constant 16 : index
        %get3A_678 = tpu.vector_load %arg12[%get3A_676, %get3A_677] {strides = array<i32>} : memref<336x64xf32, #tpu.memory_space<vmem>>, vector<1x16xf32>,
        %get3A_679 = vector.shape_cast %get3A_678 : vector<1x16xf32> to vector<16xf32>
        %mul3A_680 = arith.mulf %get3A_679, %get3A_513 : vector<16xf32>
        %add3A_681 = arith.addf %mul3A_675, %mul3A_680 : vector<16xf32>
        %get3A_682 = arith.index_cast %add3A_670 : i32 to index
        %get3A_683 = arith.constant 32 : index
        %get3A_684 = tpu.vector_load %arg12[%get3A_682, %get3A_683] {strides = array<i32>} : memref<336x64xf32, #tpu.memory_space<vmem>>, vector<1x16xf32>,
        %get3A_685 = vector.shape_cast %get3A_684 : vector<1x16xf32> to vector<16xf32>
        %mul3A_686 = arith.mulf %get3A_685, %get3A_517 : vector<16xf32>
        %add3A_687 = arith.addf %add3A_681, %mul3A_686 : vector<16xf32>
        %get3A_688 = arith.index_cast %add3A_670 : i32 to index
        %get3A_689 = arith.constant 48 : index
        %get3A_690 = tpu.vector_load %arg12[%get3A_688, %get3A_689] {strides = array<i32>} : memref<336x64xf32, #tpu.memory_space<vmem>>, vector<1x16xf32>,
        %get3A_691 = vector.shape_cast %get3A_690 : vector<1x16xf32> to vector<16xf32>
        %mul3A_692 = arith.mulf %get3A_691, %get3A_521 : vector<16xf32>
        %add3A_693 = arith.addf %add3A_687, %mul3A_692 : vector<16xf32>
        %lt3A_694 = arith.constant 0 : i32
        %lt3A_695 = vector.broadcast %lt3A_694 : i32 to vector<16xi32>
        %lt3A_696 = arith.cmpi slt, %xor3A_2, %lt3A_695 : vector<16xi32>
        %add3A_697 = arith.constant 16 : i32
        %add3A_698 = vector.broadcast %add3A_697 : i32 to vector<16xi32>
        %add3A_699 = arith.addi %xor3A_2, %add3A_698 : vector<16xi32>
        %select_n3A_700 = arith.select %lt3A_696, %add3A_699, %xor3A_2 : vector<16xi1>, vector<16xi32>
        %broadcast_in_dim3A_701 = vector.shape_cast %select_n3A_700 : vector<16xi32> to vector<16x1xi32>
        %gather3A_702 = vector.shape_cast %broadcast_in_dim3A_701 : vector<16x1xi32> to vector<16xi32>
        %gather3A_703 = tpu.dynamic_gather %add3A_693[%gather3A_702] in [0] : vector<16xf32>, vector<16xi32> -> vector<16xf32>
        %add3A_704 = arith.addf %add3A_693, %gather3A_703 : vector<16xf32>
        %lt3A_705 = arith.constant 0 : i32
        %lt3A_706 = vector.broadcast %lt3A_705 : i32 to vector<16xi32>
        %lt3A_707 = arith.cmpi slt, %xor3A_5, %lt3A_706 : vector<16xi32>
        %add3A_708 = arith.constant 16 : i32
        %add3A_709 = vector.broadcast %add3A_708 : i32 to vector<16xi32>
        %add3A_710 = arith.addi %xor3A_5, %add3A_709 : vector<16xi32>
        %select_n3A_711 = arith.select %lt3A_707, %add3A_710, %xor3A_5 : vector<16xi1>, vector<16xi32>
        %broadcast_in_dim3A_712 = vector.shape_cast %select_n3A_711 : vector<16xi32> to vector<16x1xi32>
        %gather3A_713 = vector.shape_cast %broadcast_in_dim3A_712 : vector<16x1xi32> to vector<16xi32>
        %gather3A_714 = tpu.dynamic_gather %add3A_704[%gather3A_713] in [0] : vector<16xf32>, vector<16xi32> -> vector<16xf32>
        %add3A_715 = arith.addf %add3A_704, %gather3A_714 : vector<16xf32>
        %lt3A_716 = arith.constant 0 : i32
        %lt3A_717 = vector.broadcast %lt3A_716 : i32 to vector<16xi32>
        %lt3A_718 = arith.cmpi slt, %xor3A_8, %lt3A_717 : vector<16xi32>
        %add3A_719 = arith.constant 16 : i32
        %add3A_720 = vector.broadcast %add3A_719 : i32 to vector<16xi32>
        %add3A_721 = arith.addi %xor3A_8, %add3A_720 : vector<16xi32>
        %select_n3A_722 = arith.select %lt3A_718, %add3A_721, %xor3A_8 : vector<16xi1>, vector<16xi32>
        %broadcast_in_dim3A_723 = vector.shape_cast %select_n3A_722 : vector<16xi32> to vector<16x1xi32>
        %gather3A_724 = vector.shape_cast %broadcast_in_dim3A_723 : vector<16x1xi32> to vector<16xi32>
        %gather3A_725 = tpu.dynamic_gather %add3A_715[%gather3A_724] in [0] : vector<16xf32>, vector<16xi32> -> vector<16xf32>
        %add3A_726 = arith.addf %add3A_715, %gather3A_725 : vector<16xf32>
        %lt3A_727 = arith.constant 0 : i32
        %lt3A_728 = vector.broadcast %lt3A_727 : i32 to vector<16xi32>
        %lt3A_729 = arith.cmpi slt, %xor3A_11, %lt3A_728 : vector<16xi32>
        %add3A_730 = arith.constant 16 : i32
        %add3A_731 = vector.broadcast %add3A_730 : i32 to vector<16xi32>
        %add3A_732 = arith.addi %xor3A_11, %add3A_731 : vector<16xi32>
        %select_n3A_733 = arith.select %lt3A_729, %add3A_732, %xor3A_11 : vector<16xi1>, vector<16xi32>
        %broadcast_in_dim3A_734 = vector.shape_cast %select_n3A_733 : vector<16xi32> to vector<16x1xi32>
        %gather3A_735 = vector.shape_cast %broadcast_in_dim3A_734 : vector<16x1xi32> to vector<16xi32>
        %gather3A_736 = tpu.dynamic_gather %add3A_726[%gather3A_735] in [0] : vector<16xf32>, vector<16xi32> -> vector<16xf32>
        %add3A_737 = arith.addf %add3A_726, %gather3A_736 : vector<16xf32>
        %neg3A_738 = arith.constant 0.000000e+00 : f32
        %neg3A_739 = vector.broadcast %neg3A_738 : f32 to vector<16xf32>
        %neg3A_740 = arith.subf %neg3A_739, %add3A_737 : vector<16xf32>
        %select_n3A_741 = arith.select %eq3A_545, %neg3A_740, %scan3A_488 : vector<16xi1>, vector<16xf32>
        %mul3A_742 = arith.constant 20 : i32
        %mul3A_743 = arith.muli %scan3A_485, %mul3A_742 : i32
        %add3A_744 = arith.constant 16 : i32
        %add3A_745 = arith.addi %add3A_744, %mul3A_743 : i32
        %add3A_746 = arith.constant 2 : i32
        %add3A_747 = arith.addi %add3A_745, %add3A_746 : i32
        %get3A_748 = arith.index_cast %add3A_747 : i32 to index
        %get3A_749 = arith.constant 0 : index
        %get3A_750 = tpu.vector_load %arg12[%get3A_748, %get3A_749] {strides = array<i32>} : memref<336x64xf32, #tpu.memory_space<vmem>>, vector<1x16xf32>,
        %get3A_751 = vector.shape_cast %get3A_750 : vector<1x16xf32> to vector<16xf32>
        %mul3A_752 = arith.mulf %get3A_751, %get3A_509 : vector<16xf32>
        %get3A_753 = arith.index_cast %add3A_747 : i32 to index
        %get3A_754 = arith.constant 16 : index
        %get3A_755 = tpu.vector_load %arg12[%get3A_753, %get3A_754] {strides = array<i32>} : memref<336x64xf32, #tpu.memory_space<vmem>>, vector<1x16xf32>,
        %get3A_756 = vector.shape_cast %get3A_755 : vector<1x16xf32> to vector<16xf32>
        %mul3A_757 = arith.mulf %get3A_756, %get3A_513 : vector<16xf32>
        %add3A_758 = arith.addf %mul3A_752, %mul3A_757 : vector<16xf32>
        %get3A_759 = arith.index_cast %add3A_747 : i32 to index
        %get3A_760 = arith.constant 32 : index
        %get3A_761 = tpu.vector_load %arg12[%get3A_759, %get3A_760] {strides = array<i32>} : memref<336x64xf32, #tpu.memory_space<vmem>>, vector<1x16xf32>,
        %get3A_762 = vector.shape_cast %get3A_761 : vector<1x16xf32> to vector<16xf32>
        %mul3A_763 = arith.mulf %get3A_762, %get3A_517 : vector<16xf32>
        %add3A_764 = arith.addf %add3A_758, %mul3A_763 : vector<16xf32>
        %get3A_765 = arith.index_cast %add3A_747 : i32 to index
        %get3A_766 = arith.constant 48 : index
        %get3A_767 = tpu.vector_load %arg12[%get3A_765, %get3A_766] {strides = array<i32>} : memref<336x64xf32, #tpu.memory_space<vmem>>, vector<1x16xf32>,
        %get3A_768 = vector.shape_cast %get3A_767 : vector<1x16xf32> to vector<16xf32>
        %mul3A_769 = arith.mulf %get3A_768, %get3A_521 : vector<16xf32>
        %add3A_770 = arith.addf %add3A_764, %mul3A_769 : vector<16xf32>
        %lt3A_771 = arith.constant 0 : i32
        %lt3A_772 = vector.broadcast %lt3A_771 : i32 to vector<16xi32>
        %lt3A_773 = arith.cmpi slt, %xor3A_2, %lt3A_772 : vector<16xi32>
        %add3A_774 = arith.constant 16 : i32
        %add3A_775 = vector.broadcast %add3A_774 : i32 to vector<16xi32>
        %add3A_776 = arith.addi %xor3A_2, %add3A_775 : vector<16xi32>
        %select_n3A_777 = arith.select %lt3A_773, %add3A_776, %xor3A_2 : vector<16xi1>, vector<16xi32>
        %broadcast_in_dim3A_778 = vector.shape_cast %select_n3A_777 : vector<16xi32> to vector<16x1xi32>
        %gather3A_779 = vector.shape_cast %broadcast_in_dim3A_778 : vector<16x1xi32> to vector<16xi32>
        %gather3A_780 = tpu.dynamic_gather %add3A_770[%gather3A_779] in [0] : vector<16xf32>, vector<16xi32> -> vector<16xf32>
        %add3A_781 = arith.addf %add3A_770, %gather3A_780 : vector<16xf32>
        %lt3A_782 = arith.constant 0 : i32
        %lt3A_783 = vector.broadcast %lt3A_782 : i32 to vector<16xi32>
        %lt3A_784 = arith.cmpi slt, %xor3A_5, %lt3A_783 : vector<16xi32>
        %add3A_785 = arith.constant 16 : i32
        %add3A_786 = vector.broadcast %add3A_785 : i32 to vector<16xi32>
        %add3A_787 = arith.addi %xor3A_5, %add3A_786 : vector<16xi32>
        %select_n3A_788 = arith.select %lt3A_784, %add3A_787, %xor3A_5 : vector<16xi1>, vector<16xi32>
        %broadcast_in_dim3A_789 = vector.shape_cast %select_n3A_788 : vector<16xi32> to vector<16x1xi32>
        %gather3A_790 = vector.shape_cast %broadcast_in_dim3A_789 : vector<16x1xi32> to vector<16xi32>
        %gather3A_791 = tpu.dynamic_gather %add3A_781[%gather3A_790] in [0] : vector<16xf32>, vector<16xi32> -> vector<16xf32>
        %add3A_792 = arith.addf %add3A_781, %gather3A_791 : vector<16xf32>
        %lt3A_793 = arith.constant 0 : i32
        %lt3A_794 = vector.broadcast %lt3A_793 : i32 to vector<16xi32>
        %lt3A_795 = arith.cmpi slt, %xor3A_8, %lt3A_794 : vector<16xi32>
        %add3A_796 = arith.constant 16 : i32
        %add3A_797 = vector.broadcast %add3A_796 : i32 to vector<16xi32>
        %add3A_798 = arith.addi %xor3A_8, %add3A_797 : vector<16xi32>
        %select_n3A_799 = arith.select %lt3A_795, %add3A_798, %xor3A_8 : vector<16xi1>, vector<16xi32>
        %broadcast_in_dim3A_800 = vector.shape_cast %select_n3A_799 : vector<16xi32> to vector<16x1xi32>
        %gather3A_801 = vector.shape_cast %broadcast_in_dim3A_800 : vector<16x1xi32> to vector<16xi32>
        %gather3A_802 = tpu.dynamic_gather %add3A_792[%gather3A_801] in [0] : vector<16xf32>, vector<16xi32> -> vector<16xf32>
        %add3A_803 = arith.addf %add3A_792, %gather3A_802 : vector<16xf32>
        %lt3A_804 = arith.constant 0 : i32
        %lt3A_805 = vector.broadcast %lt3A_804 : i32 to vector<16xi32>
        %lt3A_806 = arith.cmpi slt, %xor3A_11, %lt3A_805 : vector<16xi32>
        %add3A_807 = arith.constant 16 : i32
        %add3A_808 = vector.broadcast %add3A_807 : i32 to vector<16xi32>
        %add3A_809 = arith.addi %xor3A_11, %add3A_808 : vector<16xi32>
        %select_n3A_810 = arith.select %lt3A_806, %add3A_809, %xor3A_11 : vector<16xi1>, vector<16xi32>
        %broadcast_in_dim3A_811 = vector.shape_cast %select_n3A_810 : vector<16xi32> to vector<16x1xi32>
        %gather3A_812 = vector.shape_cast %broadcast_in_dim3A_811 : vector<16x1xi32> to vector<16xi32>
        %gather3A_813 = tpu.dynamic_gather %add3A_803[%gather3A_812] in [0] : vector<16xf32>, vector<16xi32> -> vector<16xf32>
        %add3A_814 = arith.addf %add3A_803, %gather3A_813 : vector<16xf32>
        %neg3A_815 = arith.constant 0.000000e+00 : f32
        %neg3A_816 = vector.broadcast %neg3A_815 : f32 to vector<16xf32>
        %neg3A_817 = arith.subf %neg3A_816, %add3A_814 : vector<16xf32>
        %select_n3A_818 = arith.select %eq3A_545, %neg3A_817, %scan3A_489 : vector<16xi1>, vector<16xf32>
        %mul3A_819 = arith.constant 20 : i32
        %mul3A_820 = arith.muli %scan3A_485, %mul3A_819 : i32
        %add3A_821 = arith.constant 16 : i32
        %add3A_822 = arith.addi %add3A_821, %mul3A_820 : i32
        %add3A_823 = arith.constant 3 : i32
        %add3A_824 = arith.addi %add3A_822, %add3A_823 : i32
        %get3A_825 = arith.index_cast %add3A_824 : i32 to index
        %get3A_826 = arith.constant 0 : index
        %get3A_827 = tpu.vector_load %arg12[%get3A_825, %get3A_826] {strides = array<i32>} : memref<336x64xf32, #tpu.memory_space<vmem>>, vector<1x16xf32>,
        %get3A_828 = vector.shape_cast %get3A_827 : vector<1x16xf32> to vector<16xf32>
        %mul3A_829 = arith.mulf %get3A_828, %get3A_509 : vector<16xf32>
        %get3A_830 = arith.index_cast %add3A_824 : i32 to index
        %get3A_831 = arith.constant 16 : index
        %get3A_832 = tpu.vector_load %arg12[%get3A_830, %get3A_831] {strides = array<i32>} : memref<336x64xf32, #tpu.memory_space<vmem>>, vector<1x16xf32>,
        %get3A_833 = vector.shape_cast %get3A_832 : vector<1x16xf32> to vector<16xf32>
        %mul3A_834 = arith.mulf %get3A_833, %get3A_513 : vector<16xf32>
        %add3A_835 = arith.addf %mul3A_829, %mul3A_834 : vector<16xf32>
        %get3A_836 = arith.index_cast %add3A_824 : i32 to index
        %get3A_837 = arith.constant 32 : index
        %get3A_838 = tpu.vector_load %arg12[%get3A_836, %get3A_837] {strides = array<i32>} : memref<336x64xf32, #tpu.memory_space<vmem>>, vector<1x16xf32>,
        %get3A_839 = vector.shape_cast %get3A_838 : vector<1x16xf32> to vector<16xf32>
        %mul3A_840 = arith.mulf %get3A_839, %get3A_517 : vector<16xf32>
        %add3A_841 = arith.addf %add3A_835, %mul3A_840 : vector<16xf32>
        %get3A_842 = arith.index_cast %add3A_824 : i32 to index
        %get3A_843 = arith.constant 48 : index
        %get3A_844 = tpu.vector_load %arg12[%get3A_842, %get3A_843] {strides = array<i32>} : memref<336x64xf32, #tpu.memory_space<vmem>>, vector<1x16xf32>,
        %get3A_845 = vector.shape_cast %get3A_844 : vector<1x16xf32> to vector<16xf32>
        %mul3A_846 = arith.mulf %get3A_845, %get3A_521 : vector<16xf32>
        %add3A_847 = arith.addf %add3A_841, %mul3A_846 : vector<16xf32>
        %lt3A_848 = arith.constant 0 : i32
        %lt3A_849 = vector.broadcast %lt3A_848 : i32 to vector<16xi32>
        %lt3A_850 = arith.cmpi slt, %xor3A_2, %lt3A_849 : vector<16xi32>
        %add3A_851 = arith.constant 16 : i32
        %add3A_852 = vector.broadcast %add3A_851 : i32 to vector<16xi32>
        %add3A_853 = arith.addi %xor3A_2, %add3A_852 : vector<16xi32>
        %select_n3A_854 = arith.select %lt3A_850, %add3A_853, %xor3A_2 : vector<16xi1>, vector<16xi32>
        %broadcast_in_dim3A_855 = vector.shape_cast %select_n3A_854 : vector<16xi32> to vector<16x1xi32>
        %gather3A_856 = vector.shape_cast %broadcast_in_dim3A_855 : vector<16x1xi32> to vector<16xi32>
        %gather3A_857 = tpu.dynamic_gather %add3A_847[%gather3A_856] in [0] : vector<16xf32>, vector<16xi32> -> vector<16xf32>
        %add3A_858 = arith.addf %add3A_847, %gather3A_857 : vector<16xf32>
        %lt3A_859 = arith.constant 0 : i32
        %lt3A_860 = vector.broadcast %lt3A_859 : i32 to vector<16xi32>
        %lt3A_861 = arith.cmpi slt, %xor3A_5, %lt3A_860 : vector<16xi32>
        %add3A_862 = arith.constant 16 : i32
        %add3A_863 = vector.broadcast %add3A_862 : i32 to vector<16xi32>
        %add3A_864 = arith.addi %xor3A_5, %add3A_863 : vector<16xi32>
        %select_n3A_865 = arith.select %lt3A_861, %add3A_864, %xor3A_5 : vector<16xi1>, vector<16xi32>
        %broadcast_in_dim3A_866 = vector.shape_cast %select_n3A_865 : vector<16xi32> to vector<16x1xi32>
        %gather3A_867 = vector.shape_cast %broadcast_in_dim3A_866 : vector<16x1xi32> to vector<16xi32>
        %gather3A_868 = tpu.dynamic_gather %add3A_858[%gather3A_867] in [0] : vector<16xf32>, vector<16xi32> -> vector<16xf32>
        %add3A_869 = arith.addf %add3A_858, %gather3A_868 : vector<16xf32>
        %lt3A_870 = arith.constant 0 : i32
        %lt3A_871 = vector.broadcast %lt3A_870 : i32 to vector<16xi32>
        %lt3A_872 = arith.cmpi slt, %xor3A_8, %lt3A_871 : vector<16xi32>
        %add3A_873 = arith.constant 16 : i32
        %add3A_874 = vector.broadcast %add3A_873 : i32 to vector<16xi32>
        %add3A_875 = arith.addi %xor3A_8, %add3A_874 : vector<16xi32>
        %select_n3A_876 = arith.select %lt3A_872, %add3A_875, %xor3A_8 : vector<16xi1>, vector<16xi32>
        %broadcast_in_dim3A_877 = vector.shape_cast %select_n3A_876 : vector<16xi32> to vector<16x1xi32>
        %gather3A_878 = vector.shape_cast %broadcast_in_dim3A_877 : vector<16x1xi32> to vector<16xi32>
        %gather3A_879 = tpu.dynamic_gather %add3A_869[%gather3A_878] in [0] : vector<16xf32>, vector<16xi32> -> vector<16xf32>
        %add3A_880 = arith.addf %add3A_869, %gather3A_879 : vector<16xf32>
        %lt3A_881 = arith.constant 0 : i32
        %lt3A_882 = vector.broadcast %lt3A_881 : i32 to vector<16xi32>
        %lt3A_883 = arith.cmpi slt, %xor3A_11, %lt3A_882 : vector<16xi32>
        %add3A_884 = arith.constant 16 : i32
        %add3A_885 = vector.broadcast %add3A_884 : i32 to vector<16xi32>
        %add3A_886 = arith.addi %xor3A_11, %add3A_885 : vector<16xi32>
        %select_n3A_887 = arith.select %lt3A_883, %add3A_886, %xor3A_11 : vector<16xi1>, vector<16xi32>
        %broadcast_in_dim3A_888 = vector.shape_cast %select_n3A_887 : vector<16xi32> to vector<16x1xi32>
        %gather3A_889 = vector.shape_cast %broadcast_in_dim3A_888 : vector<16x1xi32> to vector<16xi32>
        %gather3A_890 = tpu.dynamic_gather %add3A_880[%gather3A_889] in [0] : vector<16xf32>, vector<16xi32> -> vector<16xf32>
        %add3A_891 = arith.addf %add3A_880, %gather3A_890 : vector<16xf32>
        %neg3A_892 = arith.constant 0.000000e+00 : f32
        %neg3A_893 = vector.broadcast %neg3A_892 : f32 to vector<16xf32>
        %neg3A_894 = arith.subf %neg3A_893, %add3A_891 : vector<16xf32>
        %select_n3A_895 = arith.select %eq3A_545, %neg3A_894, %scan3A_490 : vector<16xi1>, vector<16xf32>
        %mul3A_896 = arith.constant 20 : i32
        %mul3A_897 = arith.muli %scan3A_485, %mul3A_896 : i32
        %add3A_898 = arith.constant 16 : i32
        %add3A_899 = arith.addi %add3A_898, %mul3A_897 : i32
        %add3A_900 = arith.constant 4 : i32
        %add3A_901 = arith.addi %add3A_899, %add3A_900 : i32
        %get3A_902 = arith.index_cast %add3A_901 : i32 to index
        %get3A_903 = arith.constant 0 : index
        %get3A_904 = tpu.vector_load %arg12[%get3A_902, %get3A_903] {strides = array<i32>} : memref<336x64xf32, #tpu.memory_space<vmem>>, vector<1x16xf32>,
        %get3A_905 = vector.shape_cast %get3A_904 : vector<1x16xf32> to vector<16xf32>
        %mul3A_906 = arith.mulf %get3A_905, %get3A_509 : vector<16xf32>
        %get3A_907 = arith.index_cast %add3A_901 : i32 to index
        %get3A_908 = arith.constant 16 : index
        %get3A_909 = tpu.vector_load %arg12[%get3A_907, %get3A_908] {strides = array<i32>} : memref<336x64xf32, #tpu.memory_space<vmem>>, vector<1x16xf32>,
        %get3A_910 = vector.shape_cast %get3A_909 : vector<1x16xf32> to vector<16xf32>
        %mul3A_911 = arith.mulf %get3A_910, %get3A_513 : vector<16xf32>
        %add3A_912 = arith.addf %mul3A_906, %mul3A_911 : vector<16xf32>
        %get3A_913 = arith.index_cast %add3A_901 : i32 to index
        %get3A_914 = arith.constant 32 : index
        %get3A_915 = tpu.vector_load %arg12[%get3A_913, %get3A_914] {strides = array<i32>} : memref<336x64xf32, #tpu.memory_space<vmem>>, vector<1x16xf32>,
        %get3A_916 = vector.shape_cast %get3A_915 : vector<1x16xf32> to vector<16xf32>
        %mul3A_917 = arith.mulf %get3A_916, %get3A_517 : vector<16xf32>
        %add3A_918 = arith.addf %add3A_912, %mul3A_917 : vector<16xf32>
        %get3A_919 = arith.index_cast %add3A_901 : i32 to index
        %get3A_920 = arith.constant 48 : index
        %get3A_921 = tpu.vector_load %arg12[%get3A_919, %get3A_920] {strides = array<i32>} : memref<336x64xf32, #tpu.memory_space<vmem>>, vector<1x16xf32>,
        %get3A_922 = vector.shape_cast %get3A_921 : vector<1x16xf32> to vector<16xf32>
        %mul3A_923 = arith.mulf %get3A_922, %get3A_521 : vector<16xf32>
        %add3A_924 = arith.addf %add3A_918, %mul3A_923 : vector<16xf32>
        %lt3A_925 = arith.constant 0 : i32
        %lt3A_926 = vector.broadcast %lt3A_925 : i32 to vector<16xi32>
        %lt3A_927 = arith.cmpi slt, %xor3A_2, %lt3A_926 : vector<16xi32>
        %add3A_928 = arith.constant 16 : i32
        %add3A_929 = vector.broadcast %add3A_928 : i32 to vector<16xi32>
        %add3A_930 = arith.addi %xor3A_2, %add3A_929 : vector<16xi32>
        %select_n3A_931 = arith.select %lt3A_927, %add3A_930, %xor3A_2 : vector<16xi1>, vector<16xi32>
        %broadcast_in_dim3A_932 = vector.shape_cast %select_n3A_931 : vector<16xi32> to vector<16x1xi32>
        %gather3A_933 = vector.shape_cast %broadcast_in_dim3A_932 : vector<16x1xi32> to vector<16xi32>
        %gather3A_934 = tpu.dynamic_gather %add3A_924[%gather3A_933] in [0] : vector<16xf32>, vector<16xi32> -> vector<16xf32>
        %add3A_935 = arith.addf %add3A_924, %gather3A_934 : vector<16xf32>
        %lt3A_936 = arith.constant 0 : i32
        %lt3A_937 = vector.broadcast %lt3A_936 : i32 to vector<16xi32>
        %lt3A_938 = arith.cmpi slt, %xor3A_5, %lt3A_937 : vector<16xi32>
        %add3A_939 = arith.constant 16 : i32
        %add3A_940 = vector.broadcast %add3A_939 : i32 to vector<16xi32>
        %add3A_941 = arith.addi %xor3A_5, %add3A_940 : vector<16xi32>
        %select_n3A_942 = arith.select %lt3A_938, %add3A_941, %xor3A_5 : vector<16xi1>, vector<16xi32>
        %broadcast_in_dim3A_943 = vector.shape_cast %select_n3A_942 : vector<16xi32> to vector<16x1xi32>
        %gather3A_944 = vector.shape_cast %broadcast_in_dim3A_943 : vector<16x1xi32> to vector<16xi32>
        %gather3A_945 = tpu.dynamic_gather %add3A_935[%gather3A_944] in [0] : vector<16xf32>, vector<16xi32> -> vector<16xf32>
        %add3A_946 = arith.addf %add3A_935, %gather3A_945 : vector<16xf32>
        %lt3A_947 = arith.constant 0 : i32
        %lt3A_948 = vector.broadcast %lt3A_947 : i32 to vector<16xi32>
        %lt3A_949 = arith.cmpi slt, %xor3A_8, %lt3A_948 : vector<16xi32>
        %add3A_950 = arith.constant 16 : i32
        %add3A_951 = vector.broadcast %add3A_950 : i32 to vector<16xi32>
        %add3A_952 = arith.addi %xor3A_8, %add3A_951 : vector<16xi32>
        %select_n3A_953 = arith.select %lt3A_949, %add3A_952, %xor3A_8 : vector<16xi1>, vector<16xi32>
        %broadcast_in_dim3A_954 = vector.shape_cast %select_n3A_953 : vector<16xi32> to vector<16x1xi32>
        %gather3A_955 = vector.shape_cast %broadcast_in_dim3A_954 : vector<16x1xi32> to vector<16xi32>
        %gather3A_956 = tpu.dynamic_gather %add3A_946[%gather3A_955] in [0] : vector<16xf32>, vector<16xi32> -> vector<16xf32>
        %add3A_957 = arith.addf %add3A_946, %gather3A_956 : vector<16xf32>
        %lt3A_958 = arith.constant 0 : i32
        %lt3A_959 = vector.broadcast %lt3A_958 : i32 to vector<16xi32>
        %lt3A_960 = arith.cmpi slt, %xor3A_11, %lt3A_959 : vector<16xi32>
        %add3A_961 = arith.constant 16 : i32
        %add3A_962 = vector.broadcast %add3A_961 : i32 to vector<16xi32>
        %add3A_963 = arith.addi %xor3A_11, %add3A_962 : vector<16xi32>
        %select_n3A_964 = arith.select %lt3A_960, %add3A_963, %xor3A_11 : vector<16xi1>, vector<16xi32>
        %broadcast_in_dim3A_965 = vector.shape_cast %select_n3A_964 : vector<16xi32> to vector<16x1xi32>
        %gather3A_966 = vector.shape_cast %broadcast_in_dim3A_965 : vector<16x1xi32> to vector<16xi32>
        %gather3A_967 = tpu.dynamic_gather %add3A_957[%gather3A_966] in [0] : vector<16xf32>, vector<16xi32> -> vector<16xf32>
        %add3A_968 = arith.addf %add3A_957, %gather3A_967 : vector<16xf32>
        %neg3A_969 = arith.constant 0.000000e+00 : f32
        %neg3A_970 = vector.broadcast %neg3A_969 : f32 to vector<16xf32>
        %neg3A_971 = arith.subf %neg3A_970, %add3A_968 : vector<16xf32>
        %select_n3A_972 = arith.select %eq3A_545, %neg3A_971, %scan3A_491 : vector<16xi1>, vector<16xf32>
        %mul3A_973 = arith.constant 20 : i32
        %mul3A_974 = arith.muli %scan3A_485, %mul3A_973 : i32
        %add3A_975 = arith.constant 16 : i32
        %add3A_976 = arith.addi %add3A_975, %mul3A_974 : i32
        %add3A_977 = arith.constant 5 : i32
        %add3A_978 = arith.addi %add3A_976, %add3A_977 : i32
        %get3A_979 = arith.index_cast %add3A_978 : i32 to index
        %get3A_980 = arith.constant 0 : index
        %get3A_981 = tpu.vector_load %arg12[%get3A_979, %get3A_980] {strides = array<i32>} : memref<336x64xf32, #tpu.memory_space<vmem>>, vector<1x16xf32>,
        %get3A_982 = vector.shape_cast %get3A_981 : vector<1x16xf32> to vector<16xf32>
        %mul3A_983 = arith.mulf %get3A_982, %get3A_509 : vector<16xf32>
        %get3A_984 = arith.index_cast %add3A_978 : i32 to index
        %get3A_985 = arith.constant 16 : index
        %get3A_986 = tpu.vector_load %arg12[%get3A_984, %get3A_985] {strides = array<i32>} : memref<336x64xf32, #tpu.memory_space<vmem>>, vector<1x16xf32>,
        %get3A_987 = vector.shape_cast %get3A_986 : vector<1x16xf32> to vector<16xf32>
        %mul3A_988 = arith.mulf %get3A_987, %get3A_513 : vector<16xf32>
        %add3A_989 = arith.addf %mul3A_983, %mul3A_988 : vector<16xf32>
        %get3A_990 = arith.index_cast %add3A_978 : i32 to index
        %get3A_991 = arith.constant 32 : index
        %get3A_992 = tpu.vector_load %arg12[%get3A_990, %get3A_991] {strides = array<i32>} : memref<336x64xf32, #tpu.memory_space<vmem>>, vector<1x16xf32>,
        %get3A_993 = vector.shape_cast %get3A_992 : vector<1x16xf32> to vector<16xf32>
        %mul3A_994 = arith.mulf %get3A_993, %get3A_517 : vector<16xf32>
        %add3A_995 = arith.addf %add3A_989, %mul3A_994 : vector<16xf32>
        %get3A_996 = arith.index_cast %add3A_978 : i32 to index
        %get3A_997 = arith.constant 48 : index
        %get3A_998 = tpu.vector_load %arg12[%get3A_996, %get3A_997] {strides = array<i32>} : memref<336x64xf32, #tpu.memory_space<vmem>>, vector<1x16xf32>,
        %get3A_999 = vector.shape_cast %get3A_998 : vector<1x16xf32> to vector<16xf32>
        %mul3A_1000 = arith.mulf %get3A_999, %get3A_521 : vector<16xf32>
        %add3A_1001 = arith.addf %add3A_995, %mul3A_1000 : vector<16xf32>
        %lt3A_1002 = arith.constant 0 : i32
        %lt3A_1003 = vector.broadcast %lt3A_1002 : i32 to vector<16xi32>
        %lt3A_1004 = arith.cmpi slt, %xor3A_2, %lt3A_1003 : vector<16xi32>
        %add3A_1005 = arith.constant 16 : i32
        %add3A_1006 = vector.broadcast %add3A_1005 : i32 to vector<16xi32>
        %add3A_1007 = arith.addi %xor3A_2, %add3A_1006 : vector<16xi32>
        %select_n3A_1008 = arith.select %lt3A_1004, %add3A_1007, %xor3A_2 : vector<16xi1>, vector<16xi32>
        %broadcast_in_dim3A_1009 = vector.shape_cast %select_n3A_1008 : vector<16xi32> to vector<16x1xi32>
        %gather3A_1010 = vector.shape_cast %broadcast_in_dim3A_1009 : vector<16x1xi32> to vector<16xi32>
        %gather3A_1011 = tpu.dynamic_gather %add3A_1001[%gather3A_1010] in [0] : vector<16xf32>, vector<16xi32> -> vector<16xf32>
        %add3A_1012 = arith.addf %add3A_1001, %gather3A_1011 : vector<16xf32>
        %lt3A_1013 = arith.constant 0 : i32
        %lt3A_1014 = vector.broadcast %lt3A_1013 : i32 to vector<16xi32>
        %lt3A_1015 = arith.cmpi slt, %xor3A_5, %lt3A_1014 : vector<16xi32>
        %add3A_1016 = arith.constant 16 : i32
        %add3A_1017 = vector.broadcast %add3A_1016 : i32 to vector<16xi32>
        %add3A_1018 = arith.addi %xor3A_5, %add3A_1017 : vector<16xi32>
        %select_n3A_1019 = arith.select %lt3A_1015, %add3A_1018, %xor3A_5 : vector<16xi1>, vector<16xi32>
        %broadcast_in_dim3A_1020 = vector.shape_cast %select_n3A_1019 : vector<16xi32> to vector<16x1xi32>
        %gather3A_1021 = vector.shape_cast %broadcast_in_dim3A_1020 : vector<16x1xi32> to vector<16xi32>
        %gather3A_1022 = tpu.dynamic_gather %add3A_1012[%gather3A_1021] in [0] : vector<16xf32>, vector<16xi32> -> vector<16xf32>
        %add3A_1023 = arith.addf %add3A_1012, %gather3A_1022 : vector<16xf32>
        %lt3A_1024 = arith.constant 0 : i32
        %lt3A_1025 = vector.broadcast %lt3A_1024 : i32 to vector<16xi32>
        %lt3A_1026 = arith.cmpi slt, %xor3A_8, %lt3A_1025 : vector<16xi32>
        %add3A_1027 = arith.constant 16 : i32
        %add3A_1028 = vector.broadcast %add3A_1027 : i32 to vector<16xi32>
        %add3A_1029 = arith.addi %xor3A_8, %add3A_1028 : vector<16xi32>
        %select_n3A_1030 = arith.select %lt3A_1026, %add3A_1029, %xor3A_8 : vector<16xi1>, vector<16xi32>
        %broadcast_in_dim3A_1031 = vector.shape_cast %select_n3A_1030 : vector<16xi32> to vector<16x1xi32>
        %gather3A_1032 = vector.shape_cast %broadcast_in_dim3A_1031 : vector<16x1xi32> to vector<16xi32>
        %gather3A_1033 = tpu.dynamic_gather %add3A_1023[%gather3A_1032] in [0] : vector<16xf32>, vector<16xi32> -> vector<16xf32>
        %add3A_1034 = arith.addf %add3A_1023, %gather3A_1033 : vector<16xf32>
        %lt3A_1035 = arith.constant 0 : i32
        %lt3A_1036 = vector.broadcast %lt3A_1035 : i32 to vector<16xi32>
        %lt3A_1037 = arith.cmpi slt, %xor3A_11, %lt3A_1036 : vector<16xi32>
        %add3A_1038 = arith.constant 16 : i32
        %add3A_1039 = vector.broadcast %add3A_1038 : i32 to vector<16xi32>
        %add3A_1040 = arith.addi %xor3A_11, %add3A_1039 : vector<16xi32>
        %select_n3A_1041 = arith.select %lt3A_1037, %add3A_1040, %xor3A_11 : vector<16xi1>, vector<16xi32>
        %broadcast_in_dim3A_1042 = vector.shape_cast %select_n3A_1041 : vector<16xi32> to vector<16x1xi32>
        %gather3A_1043 = vector.shape_cast %broadcast_in_dim3A_1042 : vector<16x1xi32> to vector<16xi32>
        %gather3A_1044 = tpu.dynamic_gather %add3A_1034[%gather3A_1043] in [0] : vector<16xf32>, vector<16xi32> -> vector<16xf32>
        %add3A_1045 = arith.addf %add3A_1034, %gather3A_1044 : vector<16xf32>
        %neg3A_1046 = arith.constant 0.000000e+00 : f32
        %neg3A_1047 = vector.broadcast %neg3A_1046 : f32 to vector<16xf32>
        %neg3A_1048 = arith.subf %neg3A_1047, %add3A_1045 : vector<16xf32>
        %select_n3A_1049 = arith.select %eq3A_545, %neg3A_1048, %scan3A_492 : vector<16xi1>, vector<16xf32>
        %mul3A_1050 = arith.constant 20 : i32
        %mul3A_1051 = arith.muli %scan3A_485, %mul3A_1050 : i32
        %add3A_1052 = arith.constant 16 : i32
        %add3A_1053 = arith.addi %add3A_1052, %mul3A_1051 : i32
        %add3A_1054 = arith.constant 6 : i32
        %add3A_1055 = arith.addi %add3A_1053, %add3A_1054 : i32
        %get3A_1056 = arith.index_cast %add3A_1055 : i32 to index
        %get3A_1057 = arith.constant 0 : index
        %get3A_1058 = tpu.vector_load %arg12[%get3A_1056, %get3A_1057] {strides = array<i32>} : memref<336x64xf32, #tpu.memory_space<vmem>>, vector<1x16xf32>,
        %get3A_1059 = vector.shape_cast %get3A_1058 : vector<1x16xf32> to vector<16xf32>
        %mul3A_1060 = arith.mulf %get3A_1059, %get3A_509 : vector<16xf32>
        %get3A_1061 = arith.index_cast %add3A_1055 : i32 to index
        %get3A_1062 = arith.constant 16 : index
        %get3A_1063 = tpu.vector_load %arg12[%get3A_1061, %get3A_1062] {strides = array<i32>} : memref<336x64xf32, #tpu.memory_space<vmem>>, vector<1x16xf32>,
        %get3A_1064 = vector.shape_cast %get3A_1063 : vector<1x16xf32> to vector<16xf32>
        %mul3A_1065 = arith.mulf %get3A_1064, %get3A_513 : vector<16xf32>
        %add3A_1066 = arith.addf %mul3A_1060, %mul3A_1065 : vector<16xf32>
        %get3A_1067 = arith.index_cast %add3A_1055 : i32 to index
        %get3A_1068 = arith.constant 32 : index
        %get3A_1069 = tpu.vector_load %arg12[%get3A_1067, %get3A_1068] {strides = array<i32>} : memref<336x64xf32, #tpu.memory_space<vmem>>, vector<1x16xf32>,
        %get3A_1070 = vector.shape_cast %get3A_1069 : vector<1x16xf32> to vector<16xf32>
        %mul3A_1071 = arith.mulf %get3A_1070, %get3A_517 : vector<16xf32>
        %add3A_1072 = arith.addf %add3A_1066, %mul3A_1071 : vector<16xf32>
        %get3A_1073 = arith.index_cast %add3A_1055 : i32 to index
        %get3A_1074 = arith.constant 48 : index
        %get3A_1075 = tpu.vector_load %arg12[%get3A_1073, %get3A_1074] {strides = array<i32>} : memref<336x64xf32, #tpu.memory_space<vmem>>, vector<1x16xf32>,
        %get3A_1076 = vector.shape_cast %get3A_1075 : vector<1x16xf32> to vector<16xf32>
        %mul3A_1077 = arith.mulf %get3A_1076, %get3A_521 : vector<16xf32>
        %add3A_1078 = arith.addf %add3A_1072, %mul3A_1077 : vector<16xf32>
        %lt3A_1079 = arith.constant 0 : i32
        %lt3A_1080 = vector.broadcast %lt3A_1079 : i32 to vector<16xi32>
        %lt3A_1081 = arith.cmpi slt, %xor3A_2, %lt3A_1080 : vector<16xi32>
        %add3A_1082 = arith.constant 16 : i32
        %add3A_1083 = vector.broadcast %add3A_1082 : i32 to vector<16xi32>
        %add3A_1084 = arith.addi %xor3A_2, %add3A_1083 : vector<16xi32>
        %select_n3A_1085 = arith.select %lt3A_1081, %add3A_1084, %xor3A_2 : vector<16xi1>, vector<16xi32>
        %broadcast_in_dim3A_1086 = vector.shape_cast %select_n3A_1085 : vector<16xi32> to vector<16x1xi32>
        %gather3A_1087 = vector.shape_cast %broadcast_in_dim3A_1086 : vector<16x1xi32> to vector<16xi32>
        %gather3A_1088 = tpu.dynamic_gather %add3A_1078[%gather3A_1087] in [0] : vector<16xf32>, vector<16xi32> -> vector<16xf32>
        %add3A_1089 = arith.addf %add3A_1078, %gather3A_1088 : vector<16xf32>
        %lt3A_1090 = arith.constant 0 : i32
        %lt3A_1091 = vector.broadcast %lt3A_1090 : i32 to vector<16xi32>
        %lt3A_1092 = arith.cmpi slt, %xor3A_5, %lt3A_1091 : vector<16xi32>
        %add3A_1093 = arith.constant 16 : i32
        %add3A_1094 = vector.broadcast %add3A_1093 : i32 to vector<16xi32>
        %add3A_1095 = arith.addi %xor3A_5, %add3A_1094 : vector<16xi32>
        %select_n3A_1096 = arith.select %lt3A_1092, %add3A_1095, %xor3A_5 : vector<16xi1>, vector<16xi32>
        %broadcast_in_dim3A_1097 = vector.shape_cast %select_n3A_1096 : vector<16xi32> to vector<16x1xi32>
        %gather3A_1098 = vector.shape_cast %broadcast_in_dim3A_1097 : vector<16x1xi32> to vector<16xi32>
        %gather3A_1099 = tpu.dynamic_gather %add3A_1089[%gather3A_1098] in [0] : vector<16xf32>, vector<16xi32> -> vector<16xf32>
        %add3A_1100 = arith.addf %add3A_1089, %gather3A_1099 : vector<16xf32>
        %lt3A_1101 = arith.constant 0 : i32
        %lt3A_1102 = vector.broadcast %lt3A_1101 : i32 to vector<16xi32>
        %lt3A_1103 = arith.cmpi slt, %xor3A_8, %lt3A_1102 : vector<16xi32>
        %add3A_1104 = arith.constant 16 : i32
        %add3A_1105 = vector.broadcast %add3A_1104 : i32 to vector<16xi32>
        %add3A_1106 = arith.addi %xor3A_8, %add3A_1105 : vector<16xi32>
        %select_n3A_1107 = arith.select %lt3A_1103, %add3A_1106, %xor3A_8 : vector<16xi1>, vector<16xi32>
        %broadcast_in_dim3A_1108 = vector.shape_cast %select_n3A_1107 : vector<16xi32> to vector<16x1xi32>
        %gather3A_1109 = vector.shape_cast %broadcast_in_dim3A_1108 : vector<16x1xi32> to vector<16xi32>
        %gather3A_1110 = tpu.dynamic_gather %add3A_1100[%gather3A_1109] in [0] : vector<16xf32>, vector<16xi32> -> vector<16xf32>
        %add3A_1111 = arith.addf %add3A_1100, %gather3A_1110 : vector<16xf32>
        %lt3A_1112 = arith.constant 0 : i32
        %lt3A_1113 = vector.broadcast %lt3A_1112 : i32 to vector<16xi32>
        %lt3A_1114 = arith.cmpi slt, %xor3A_11, %lt3A_1113 : vector<16xi32>
        %add3A_1115 = arith.constant 16 : i32
        %add3A_1116 = vector.broadcast %add3A_1115 : i32 to vector<16xi32>
        %add3A_1117 = arith.addi %xor3A_11, %add3A_1116 : vector<16xi32>
        %select_n3A_1118 = arith.select %lt3A_1114, %add3A_1117, %xor3A_11 : vector<16xi1>, vector<16xi32>
        %broadcast_in_dim3A_1119 = vector.shape_cast %select_n3A_1118 : vector<16xi32> to vector<16x1xi32>
        %gather3A_1120 = vector.shape_cast %broadcast_in_dim3A_1119 : vector<16x1xi32> to vector<16xi32>
        %gather3A_1121 = tpu.dynamic_gather %add3A_1111[%gather3A_1120] in [0] : vector<16xf32>, vector<16xi32> -> vector<16xf32>
        %add3A_1122 = arith.addf %add3A_1111, %gather3A_1121 : vector<16xf32>
        %neg3A_1123 = arith.constant 0.000000e+00 : f32
        %neg3A_1124 = vector.broadcast %neg3A_1123 : f32 to vector<16xf32>
        %neg3A_1125 = arith.subf %neg3A_1124, %add3A_1122 : vector<16xf32>
        %select_n3A_1126 = arith.select %eq3A_545, %neg3A_1125, %scan3A_493 : vector<16xi1>, vector<16xf32>
        %mul3A_1127 = arith.constant 20 : i32
        %mul3A_1128 = arith.muli %scan3A_485, %mul3A_1127 : i32
        %add3A_1129 = arith.constant 16 : i32
        %add3A_1130 = arith.addi %add3A_1129, %mul3A_1128 : i32
        %add3A_1131 = arith.constant 7 : i32
        %add3A_1132 = arith.addi %add3A_1130, %add3A_1131 : i32
        %get3A_1133 = arith.index_cast %add3A_1132 : i32 to index
        %get3A_1134 = arith.constant 0 : index
        %get3A_1135 = tpu.vector_load %arg12[%get3A_1133, %get3A_1134] {strides = array<i32>} : memref<336x64xf32, #tpu.memory_space<vmem>>, vector<1x16xf32>,
        %get3A_1136 = vector.shape_cast %get3A_1135 : vector<1x16xf32> to vector<16xf32>
        %mul3A_1137 = arith.mulf %get3A_1136, %get3A_509 : vector<16xf32>
        %get3A_1138 = arith.index_cast %add3A_1132 : i32 to index
        %get3A_1139 = arith.constant 16 : index
        %get3A_1140 = tpu.vector_load %arg12[%get3A_1138, %get3A_1139] {strides = array<i32>} : memref<336x64xf32, #tpu.memory_space<vmem>>, vector<1x16xf32>,
        %get3A_1141 = vector.shape_cast %get3A_1140 : vector<1x16xf32> to vector<16xf32>
        %mul3A_1142 = arith.mulf %get3A_1141, %get3A_513 : vector<16xf32>
        %add3A_1143 = arith.addf %mul3A_1137, %mul3A_1142 : vector<16xf32>
        %get3A_1144 = arith.index_cast %add3A_1132 : i32 to index
        %get3A_1145 = arith.constant 32 : index
        %get3A_1146 = tpu.vector_load %arg12[%get3A_1144, %get3A_1145] {strides = array<i32>} : memref<336x64xf32, #tpu.memory_space<vmem>>, vector<1x16xf32>,
        %get3A_1147 = vector.shape_cast %get3A_1146 : vector<1x16xf32> to vector<16xf32>
        %mul3A_1148 = arith.mulf %get3A_1147, %get3A_517 : vector<16xf32>
        %add3A_1149 = arith.addf %add3A_1143, %mul3A_1148 : vector<16xf32>
        %get3A_1150 = arith.index_cast %add3A_1132 : i32 to index
        %get3A_1151 = arith.constant 48 : index
        %get3A_1152 = tpu.vector_load %arg12[%get3A_1150, %get3A_1151] {strides = array<i32>} : memref<336x64xf32, #tpu.memory_space<vmem>>, vector<1x16xf32>,
        %get3A_1153 = vector.shape_cast %get3A_1152 : vector<1x16xf32> to vector<16xf32>
        %mul3A_1154 = arith.mulf %get3A_1153, %get3A_521 : vector<16xf32>
        %add3A_1155 = arith.addf %add3A_1149, %mul3A_1154 : vector<16xf32>
        %lt3A_1156 = arith.constant 0 : i32
        %lt3A_1157 = vector.broadcast %lt3A_1156 : i32 to vector<16xi32>
        %lt3A_1158 = arith.cmpi slt, %xor3A_2, %lt3A_1157 : vector<16xi32>
        %add3A_1159 = arith.constant 16 : i32
        %add3A_1160 = vector.broadcast %add3A_1159 : i32 to vector<16xi32>
        %add3A_1161 = arith.addi %xor3A_2, %add3A_1160 : vector<16xi32>
        %select_n3A_1162 = arith.select %lt3A_1158, %add3A_1161, %xor3A_2 : vector<16xi1>, vector<16xi32>
        %broadcast_in_dim3A_1163 = vector.shape_cast %select_n3A_1162 : vector<16xi32> to vector<16x1xi32>
        %gather3A_1164 = vector.shape_cast %broadcast_in_dim3A_1163 : vector<16x1xi32> to vector<16xi32>
        %gather3A_1165 = tpu.dynamic_gather %add3A_1155[%gather3A_1164] in [0] : vector<16xf32>, vector<16xi32> -> vector<16xf32>
        %add3A_1166 = arith.addf %add3A_1155, %gather3A_1165 : vector<16xf32>
        %lt3A_1167 = arith.constant 0 : i32
        %lt3A_1168 = vector.broadcast %lt3A_1167 : i32 to vector<16xi32>
        %lt3A_1169 = arith.cmpi slt, %xor3A_5, %lt3A_1168 : vector<16xi32>
        %add3A_1170 = arith.constant 16 : i32
        %add3A_1171 = vector.broadcast %add3A_1170 : i32 to vector<16xi32>
        %add3A_1172 = arith.addi %xor3A_5, %add3A_1171 : vector<16xi32>
        %select_n3A_1173 = arith.select %lt3A_1169, %add3A_1172, %xor3A_5 : vector<16xi1>, vector<16xi32>
        %broadcast_in_dim3A_1174 = vector.shape_cast %select_n3A_1173 : vector<16xi32> to vector<16x1xi32>
        %gather3A_1175 = vector.shape_cast %broadcast_in_dim3A_1174 : vector<16x1xi32> to vector<16xi32>
        %gather3A_1176 = tpu.dynamic_gather %add3A_1166[%gather3A_1175] in [0] : vector<16xf32>, vector<16xi32> -> vector<16xf32>
        %add3A_1177 = arith.addf %add3A_1166, %gather3A_1176 : vector<16xf32>
        %lt3A_1178 = arith.constant 0 : i32
        %lt3A_1179 = vector.broadcast %lt3A_1178 : i32 to vector<16xi32>
        %lt3A_1180 = arith.cmpi slt, %xor3A_8, %lt3A_1179 : vector<16xi32>
        %add3A_1181 = arith.constant 16 : i32
        %add3A_1182 = vector.broadcast %add3A_1181 : i32 to vector<16xi32>
        %add3A_1183 = arith.addi %xor3A_8, %add3A_1182 : vector<16xi32>
        %select_n3A_1184 = arith.select %lt3A_1180, %add3A_1183, %xor3A_8 : vector<16xi1>, vector<16xi32>
        %broadcast_in_dim3A_1185 = vector.shape_cast %select_n3A_1184 : vector<16xi32> to vector<16x1xi32>
        %gather3A_1186 = vector.shape_cast %broadcast_in_dim3A_1185 : vector<16x1xi32> to vector<16xi32>
        %gather3A_1187 = tpu.dynamic_gather %add3A_1177[%gather3A_1186] in [0] : vector<16xf32>, vector<16xi32> -> vector<16xf32>
        %add3A_1188 = arith.addf %add3A_1177, %gather3A_1187 : vector<16xf32>
        %lt3A_1189 = arith.constant 0 : i32
        %lt3A_1190 = vector.broadcast %lt3A_1189 : i32 to vector<16xi32>
        %lt3A_1191 = arith.cmpi slt, %xor3A_11, %lt3A_1190 : vector<16xi32>
        %add3A_1192 = arith.constant 16 : i32
        %add3A_1193 = vector.broadcast %add3A_1192 : i32 to vector<16xi32>
        %add3A_1194 = arith.addi %xor3A_11, %add3A_1193 : vector<16xi32>
        %select_n3A_1195 = arith.select %lt3A_1191, %add3A_1194, %xor3A_11 : vector<16xi1>, vector<16xi32>
        %broadcast_in_dim3A_1196 = vector.shape_cast %select_n3A_1195 : vector<16xi32> to vector<16x1xi32>
        %gather3A_1197 = vector.shape_cast %broadcast_in_dim3A_1196 : vector<16x1xi32> to vector<16xi32>
        %gather3A_1198 = tpu.dynamic_gather %add3A_1188[%gather3A_1197] in [0] : vector<16xf32>, vector<16xi32> -> vector<16xf32>
        %add3A_1199 = arith.addf %add3A_1188, %gather3A_1198 : vector<16xf32>
        %neg3A_1200 = arith.constant 0.000000e+00 : f32
        %neg3A_1201 = vector.broadcast %neg3A_1200 : f32 to vector<16xf32>
        %neg3A_1202 = arith.subf %neg3A_1201, %add3A_1199 : vector<16xf32>
        %select_n3A_1203 = arith.select %eq3A_545, %neg3A_1202, %scan3A_494 : vector<16xi1>, vector<16xf32>
        %mul3A_1204 = arith.constant 20 : i32
        %mul3A_1205 = arith.muli %scan3A_485, %mul3A_1204 : i32
        %add3A_1206 = arith.constant 16 : i32
        %add3A_1207 = arith.addi %add3A_1206, %mul3A_1205 : i32
        %add3A_1208 = arith.constant 8 : i32
        %add3A_1209 = arith.addi %add3A_1207, %add3A_1208 : i32
        %get3A_1210 = arith.index_cast %add3A_1209 : i32 to index
        %get3A_1211 = arith.constant 0 : index
        %get3A_1212 = tpu.vector_load %arg12[%get3A_1210, %get3A_1211] {strides = array<i32>} : memref<336x64xf32, #tpu.memory_space<vmem>>, vector<1x16xf32>,
        %get3A_1213 = vector.shape_cast %get3A_1212 : vector<1x16xf32> to vector<16xf32>
        %mul3A_1214 = arith.mulf %get3A_1213, %get3A_509 : vector<16xf32>
        %get3A_1215 = arith.index_cast %add3A_1209 : i32 to index
        %get3A_1216 = arith.constant 16 : index
        %get3A_1217 = tpu.vector_load %arg12[%get3A_1215, %get3A_1216] {strides = array<i32>} : memref<336x64xf32, #tpu.memory_space<vmem>>, vector<1x16xf32>,
        %get3A_1218 = vector.shape_cast %get3A_1217 : vector<1x16xf32> to vector<16xf32>
        %mul3A_1219 = arith.mulf %get3A_1218, %get3A_513 : vector<16xf32>
        %add3A_1220 = arith.addf %mul3A_1214, %mul3A_1219 : vector<16xf32>
        %get3A_1221 = arith.index_cast %add3A_1209 : i32 to index
        %get3A_1222 = arith.constant 32 : index
        %get3A_1223 = tpu.vector_load %arg12[%get3A_1221, %get3A_1222] {strides = array<i32>} : memref<336x64xf32, #tpu.memory_space<vmem>>, vector<1x16xf32>,
        %get3A_1224 = vector.shape_cast %get3A_1223 : vector<1x16xf32> to vector<16xf32>
        %mul3A_1225 = arith.mulf %get3A_1224, %get3A_517 : vector<16xf32>
        %add3A_1226 = arith.addf %add3A_1220, %mul3A_1225 : vector<16xf32>
        %get3A_1227 = arith.index_cast %add3A_1209 : i32 to index
        %get3A_1228 = arith.constant 48 : index
        %get3A_1229 = tpu.vector_load %arg12[%get3A_1227, %get3A_1228] {strides = array<i32>} : memref<336x64xf32, #tpu.memory_space<vmem>>, vector<1x16xf32>,
        %get3A_1230 = vector.shape_cast %get3A_1229 : vector<1x16xf32> to vector<16xf32>
        %mul3A_1231 = arith.mulf %get3A_1230, %get3A_521 : vector<16xf32>
        %add3A_1232 = arith.addf %add3A_1226, %mul3A_1231 : vector<16xf32>
        %lt3A_1233 = arith.constant 0 : i32
        %lt3A_1234 = vector.broadcast %lt3A_1233 : i32 to vector<16xi32>
        %lt3A_1235 = arith.cmpi slt, %xor3A_2, %lt3A_1234 : vector<16xi32>
        %add3A_1236 = arith.constant 16 : i32
        %add3A_1237 = vector.broadcast %add3A_1236 : i32 to vector<16xi32>
        %add3A_1238 = arith.addi %xor3A_2, %add3A_1237 : vector<16xi32>
        %select_n3A_1239 = arith.select %lt3A_1235, %add3A_1238, %xor3A_2 : vector<16xi1>, vector<16xi32>
        %broadcast_in_dim3A_1240 = vector.shape_cast %select_n3A_1239 : vector<16xi32> to vector<16x1xi32>
        %gather3A_1241 = vector.shape_cast %broadcast_in_dim3A_1240 : vector<16x1xi32> to vector<16xi32>
        %gather3A_1242 = tpu.dynamic_gather %add3A_1232[%gather3A_1241] in [0] : vector<16xf32>, vector<16xi32> -> vector<16xf32>
        %add3A_1243 = arith.addf %add3A_1232, %gather3A_1242 : vector<16xf32>
        %lt3A_1244 = arith.constant 0 : i32
        %lt3A_1245 = vector.broadcast %lt3A_1244 : i32 to vector<16xi32>
        %lt3A_1246 = arith.cmpi slt, %xor3A_5, %lt3A_1245 : vector<16xi32>
        %add3A_1247 = arith.constant 16 : i32
        %add3A_1248 = vector.broadcast %add3A_1247 : i32 to vector<16xi32>
        %add3A_1249 = arith.addi %xor3A_5, %add3A_1248 : vector<16xi32>
        %select_n3A_1250 = arith.select %lt3A_1246, %add3A_1249, %xor3A_5 : vector<16xi1>, vector<16xi32>
        %broadcast_in_dim3A_1251 = vector.shape_cast %select_n3A_1250 : vector<16xi32> to vector<16x1xi32>
        %gather3A_1252 = vector.shape_cast %broadcast_in_dim3A_1251 : vector<16x1xi32> to vector<16xi32>
        %gather3A_1253 = tpu.dynamic_gather %add3A_1243[%gather3A_1252] in [0] : vector<16xf32>, vector<16xi32> -> vector<16xf32>
        %add3A_1254 = arith.addf %add3A_1243, %gather3A_1253 : vector<16xf32>
        %lt3A_1255 = arith.constant 0 : i32
        %lt3A_1256 = vector.broadcast %lt3A_1255 : i32 to vector<16xi32>
        %lt3A_1257 = arith.cmpi slt, %xor3A_8, %lt3A_1256 : vector<16xi32>
        %add3A_1258 = arith.constant 16 : i32
        %add3A_1259 = vector.broadcast %add3A_1258 : i32 to vector<16xi32>
        %add3A_1260 = arith.addi %xor3A_8, %add3A_1259 : vector<16xi32>
        %select_n3A_1261 = arith.select %lt3A_1257, %add3A_1260, %xor3A_8 : vector<16xi1>, vector<16xi32>
        %broadcast_in_dim3A_1262 = vector.shape_cast %select_n3A_1261 : vector<16xi32> to vector<16x1xi32>
        %gather3A_1263 = vector.shape_cast %broadcast_in_dim3A_1262 : vector<16x1xi32> to vector<16xi32>
        %gather3A_1264 = tpu.dynamic_gather %add3A_1254[%gather3A_1263] in [0] : vector<16xf32>, vector<16xi32> -> vector<16xf32>
        %add3A_1265 = arith.addf %add3A_1254, %gather3A_1264 : vector<16xf32>
        %lt3A_1266 = arith.constant 0 : i32
        %lt3A_1267 = vector.broadcast %lt3A_1266 : i32 to vector<16xi32>
        %lt3A_1268 = arith.cmpi slt, %xor3A_11, %lt3A_1267 : vector<16xi32>
        %add3A_1269 = arith.constant 16 : i32
        %add3A_1270 = vector.broadcast %add3A_1269 : i32 to vector<16xi32>
        %add3A_1271 = arith.addi %xor3A_11, %add3A_1270 : vector<16xi32>
        %select_n3A_1272 = arith.select %lt3A_1268, %add3A_1271, %xor3A_11 : vector<16xi1>, vector<16xi32>
        %broadcast_in_dim3A_1273 = vector.shape_cast %select_n3A_1272 : vector<16xi32> to vector<16x1xi32>
        %gather3A_1274 = vector.shape_cast %broadcast_in_dim3A_1273 : vector<16x1xi32> to vector<16xi32>
        %gather3A_1275 = tpu.dynamic_gather %add3A_1265[%gather3A_1274] in [0] : vector<16xf32>, vector<16xi32> -> vector<16xf32>
        %add3A_1276 = arith.addf %add3A_1265, %gather3A_1275 : vector<16xf32>
        %neg3A_1277 = arith.constant 0.000000e+00 : f32
        %neg3A_1278 = vector.broadcast %neg3A_1277 : f32 to vector<16xf32>
        %neg3A_1279 = arith.subf %neg3A_1278, %add3A_1276 : vector<16xf32>
        %select_n3A_1280 = arith.select %eq3A_545, %neg3A_1279, %scan3A_495 : vector<16xi1>, vector<16xf32>
        %mul3A_1281 = arith.constant 20 : i32
        %mul3A_1282 = arith.muli %scan3A_485, %mul3A_1281 : i32
        %add3A_1283 = arith.constant 16 : i32
        %add3A_1284 = arith.addi %add3A_1283, %mul3A_1282 : i32
        %add3A_1285 = arith.constant 9 : i32
        %add3A_1286 = arith.addi %add3A_1284, %add3A_1285 : i32
        %get3A_1287 = arith.index_cast %add3A_1286 : i32 to index
        %get3A_1288 = arith.constant 0 : index
        %get3A_1289 = tpu.vector_load %arg12[%get3A_1287, %get3A_1288] {strides = array<i32>} : memref<336x64xf32, #tpu.memory_space<vmem>>, vector<1x16xf32>,
        %get3A_1290 = vector.shape_cast %get3A_1289 : vector<1x16xf32> to vector<16xf32>
        %mul3A_1291 = arith.mulf %get3A_1290, %get3A_509 : vector<16xf32>
        %get3A_1292 = arith.index_cast %add3A_1286 : i32 to index
        %get3A_1293 = arith.constant 16 : index
        %get3A_1294 = tpu.vector_load %arg12[%get3A_1292, %get3A_1293] {strides = array<i32>} : memref<336x64xf32, #tpu.memory_space<vmem>>, vector<1x16xf32>,
        %get3A_1295 = vector.shape_cast %get3A_1294 : vector<1x16xf32> to vector<16xf32>
        %mul3A_1296 = arith.mulf %get3A_1295, %get3A_513 : vector<16xf32>
        %add3A_1297 = arith.addf %mul3A_1291, %mul3A_1296 : vector<16xf32>
        %get3A_1298 = arith.index_cast %add3A_1286 : i32 to index
        %get3A_1299 = arith.constant 32 : index
        %get3A_1300 = tpu.vector_load %arg12[%get3A_1298, %get3A_1299] {strides = array<i32>} : memref<336x64xf32, #tpu.memory_space<vmem>>, vector<1x16xf32>,
        %get3A_1301 = vector.shape_cast %get3A_1300 : vector<1x16xf32> to vector<16xf32>
        %mul3A_1302 = arith.mulf %get3A_1301, %get3A_517 : vector<16xf32>
        %add3A_1303 = arith.addf %add3A_1297, %mul3A_1302 : vector<16xf32>
        %get3A_1304 = arith.index_cast %add3A_1286 : i32 to index
        %get3A_1305 = arith.constant 48 : index
        %get3A_1306 = tpu.vector_load %arg12[%get3A_1304, %get3A_1305] {strides = array<i32>} : memref<336x64xf32, #tpu.memory_space<vmem>>, vector<1x16xf32>,
        %get3A_1307 = vector.shape_cast %get3A_1306 : vector<1x16xf32> to vector<16xf32>
        %mul3A_1308 = arith.mulf %get3A_1307, %get3A_521 : vector<16xf32>
        %add3A_1309 = arith.addf %add3A_1303, %mul3A_1308 : vector<16xf32>
        %lt3A_1310 = arith.constant 0 : i32
        %lt3A_1311 = vector.broadcast %lt3A_1310 : i32 to vector<16xi32>
        %lt3A_1312 = arith.cmpi slt, %xor3A_2, %lt3A_1311 : vector<16xi32>
        %add3A_1313 = arith.constant 16 : i32
        %add3A_1314 = vector.broadcast %add3A_1313 : i32 to vector<16xi32>
        %add3A_1315 = arith.addi %xor3A_2, %add3A_1314 : vector<16xi32>
        %select_n3A_1316 = arith.select %lt3A_1312, %add3A_1315, %xor3A_2 : vector<16xi1>, vector<16xi32>
        %broadcast_in_dim3A_1317 = vector.shape_cast %select_n3A_1316 : vector<16xi32> to vector<16x1xi32>
        %gather3A_1318 = vector.shape_cast %broadcast_in_dim3A_1317 : vector<16x1xi32> to vector<16xi32>
        %gather3A_1319 = tpu.dynamic_gather %add3A_1309[%gather3A_1318] in [0] : vector<16xf32>, vector<16xi32> -> vector<16xf32>
        %add3A_1320 = arith.addf %add3A_1309, %gather3A_1319 : vector<16xf32>
        %lt3A_1321 = arith.constant 0 : i32
        %lt3A_1322 = vector.broadcast %lt3A_1321 : i32 to vector<16xi32>
        %lt3A_1323 = arith.cmpi slt, %xor3A_5, %lt3A_1322 : vector<16xi32>
        %add3A_1324 = arith.constant 16 : i32
        %add3A_1325 = vector.broadcast %add3A_1324 : i32 to vector<16xi32>
        %add3A_1326 = arith.addi %xor3A_5, %add3A_1325 : vector<16xi32>
        %select_n3A_1327 = arith.select %lt3A_1323, %add3A_1326, %xor3A_5 : vector<16xi1>, vector<16xi32>
        %broadcast_in_dim3A_1328 = vector.shape_cast %select_n3A_1327 : vector<16xi32> to vector<16x1xi32>
        %gather3A_1329 = vector.shape_cast %broadcast_in_dim3A_1328 : vector<16x1xi32> to vector<16xi32>
        %gather3A_1330 = tpu.dynamic_gather %add3A_1320[%gather3A_1329] in [0] : vector<16xf32>, vector<16xi32> -> vector<16xf32>
        %add3A_1331 = arith.addf %add3A_1320, %gather3A_1330 : vector<16xf32>
        %lt3A_1332 = arith.constant 0 : i32
        %lt3A_1333 = vector.broadcast %lt3A_1332 : i32 to vector<16xi32>
        %lt3A_1334 = arith.cmpi slt, %xor3A_8, %lt3A_1333 : vector<16xi32>
        %add3A_1335 = arith.constant 16 : i32
        %add3A_1336 = vector.broadcast %add3A_1335 : i32 to vector<16xi32>
        %add3A_1337 = arith.addi %xor3A_8, %add3A_1336 : vector<16xi32>
        %select_n3A_1338 = arith.select %lt3A_1334, %add3A_1337, %xor3A_8 : vector<16xi1>, vector<16xi32>
        %broadcast_in_dim3A_1339 = vector.shape_cast %select_n3A_1338 : vector<16xi32> to vector<16x1xi32>
        %gather3A_1340 = vector.shape_cast %broadcast_in_dim3A_1339 : vector<16x1xi32> to vector<16xi32>
        %gather3A_1341 = tpu.dynamic_gather %add3A_1331[%gather3A_1340] in [0] : vector<16xf32>, vector<16xi32> -> vector<16xf32>
        %add3A_1342 = arith.addf %add3A_1331, %gather3A_1341 : vector<16xf32>
        %lt3A_1343 = arith.constant 0 : i32
        %lt3A_1344 = vector.broadcast %lt3A_1343 : i32 to vector<16xi32>
        %lt3A_1345 = arith.cmpi slt, %xor3A_11, %lt3A_1344 : vector<16xi32>
        %add3A_1346 = arith.constant 16 : i32
        %add3A_1347 = vector.broadcast %add3A_1346 : i32 to vector<16xi32>
        %add3A_1348 = arith.addi %xor3A_11, %add3A_1347 : vector<16xi32>
        %select_n3A_1349 = arith.select %lt3A_1345, %add3A_1348, %xor3A_11 : vector<16xi1>, vector<16xi32>
        %broadcast_in_dim3A_1350 = vector.shape_cast %select_n3A_1349 : vector<16xi32> to vector<16x1xi32>
        %gather3A_1351 = vector.shape_cast %broadcast_in_dim3A_1350 : vector<16x1xi32> to vector<16xi32>
        %gather3A_1352 = tpu.dynamic_gather %add3A_1342[%gather3A_1351] in [0] : vector<16xf32>, vector<16xi32> -> vector<16xf32>
        %add3A_1353 = arith.addf %add3A_1342, %gather3A_1352 : vector<16xf32>
        %neg3A_1354 = arith.constant 0.000000e+00 : f32
        %neg3A_1355 = vector.broadcast %neg3A_1354 : f32 to vector<16xf32>
        %neg3A_1356 = arith.subf %neg3A_1355, %add3A_1353 : vector<16xf32>
        %select_n3A_1357 = arith.select %eq3A_545, %neg3A_1356, %scan3A_496 : vector<16xi1>, vector<16xf32>
        %mul3A_1358 = arith.constant 20 : i32
        %mul3A_1359 = arith.muli %scan3A_485, %mul3A_1358 : i32
        %add3A_1360 = arith.constant 16 : i32
        %add3A_1361 = arith.addi %add3A_1360, %mul3A_1359 : i32
        %add3A_1362 = arith.constant 10 : i32
        %add3A_1363 = arith.addi %add3A_1361, %add3A_1362 : i32
        %get3A_1364 = arith.index_cast %add3A_1363 : i32 to index
        %get3A_1365 = arith.constant 0 : index
        %get3A_1366 = tpu.vector_load %arg12[%get3A_1364, %get3A_1365] {strides = array<i32>} : memref<336x64xf32, #tpu.memory_space<vmem>>, vector<1x16xf32>,
        %get3A_1367 = vector.shape_cast %get3A_1366 : vector<1x16xf32> to vector<16xf32>
        %mul3A_1368 = arith.mulf %get3A_1367, %get3A_509 : vector<16xf32>
        %get3A_1369 = arith.index_cast %add3A_1363 : i32 to index
        %get3A_1370 = arith.constant 16 : index
        %get3A_1371 = tpu.vector_load %arg12[%get3A_1369, %get3A_1370] {strides = array<i32>} : memref<336x64xf32, #tpu.memory_space<vmem>>, vector<1x16xf32>,
        %get3A_1372 = vector.shape_cast %get3A_1371 : vector<1x16xf32> to vector<16xf32>
        %mul3A_1373 = arith.mulf %get3A_1372, %get3A_513 : vector<16xf32>
        %add3A_1374 = arith.addf %mul3A_1368, %mul3A_1373 : vector<16xf32>
        %get3A_1375 = arith.index_cast %add3A_1363 : i32 to index
        %get3A_1376 = arith.constant 32 : index
        %get3A_1377 = tpu.vector_load %arg12[%get3A_1375, %get3A_1376] {strides = array<i32>} : memref<336x64xf32, #tpu.memory_space<vmem>>, vector<1x16xf32>,
        %get3A_1378 = vector.shape_cast %get3A_1377 : vector<1x16xf32> to vector<16xf32>
        %mul3A_1379 = arith.mulf %get3A_1378, %get3A_517 : vector<16xf32>
        %add3A_1380 = arith.addf %add3A_1374, %mul3A_1379 : vector<16xf32>
        %get3A_1381 = arith.index_cast %add3A_1363 : i32 to index
        %get3A_1382 = arith.constant 48 : index
        %get3A_1383 = tpu.vector_load %arg12[%get3A_1381, %get3A_1382] {strides = array<i32>} : memref<336x64xf32, #tpu.memory_space<vmem>>, vector<1x16xf32>,
        %get3A_1384 = vector.shape_cast %get3A_1383 : vector<1x16xf32> to vector<16xf32>
        %mul3A_1385 = arith.mulf %get3A_1384, %get3A_521 : vector<16xf32>
        %add3A_1386 = arith.addf %add3A_1380, %mul3A_1385 : vector<16xf32>
        %lt3A_1387 = arith.constant 0 : i32
        %lt3A_1388 = vector.broadcast %lt3A_1387 : i32 to vector<16xi32>
        %lt3A_1389 = arith.cmpi slt, %xor3A_2, %lt3A_1388 : vector<16xi32>
        %add3A_1390 = arith.constant 16 : i32
        %add3A_1391 = vector.broadcast %add3A_1390 : i32 to vector<16xi32>
        %add3A_1392 = arith.addi %xor3A_2, %add3A_1391 : vector<16xi32>
        %select_n3A_1393 = arith.select %lt3A_1389, %add3A_1392, %xor3A_2 : vector<16xi1>, vector<16xi32>
        %broadcast_in_dim3A_1394 = vector.shape_cast %select_n3A_1393 : vector<16xi32> to vector<16x1xi32>
        %gather3A_1395 = vector.shape_cast %broadcast_in_dim3A_1394 : vector<16x1xi32> to vector<16xi32>
        %gather3A_1396 = tpu.dynamic_gather %add3A_1386[%gather3A_1395] in [0] : vector<16xf32>, vector<16xi32> -> vector<16xf32>
        %add3A_1397 = arith.addf %add3A_1386, %gather3A_1396 : vector<16xf32>
        %lt3A_1398 = arith.constant 0 : i32
        %lt3A_1399 = vector.broadcast %lt3A_1398 : i32 to vector<16xi32>
        %lt3A_1400 = arith.cmpi slt, %xor3A_5, %lt3A_1399 : vector<16xi32>
        %add3A_1401 = arith.constant 16 : i32
        %add3A_1402 = vector.broadcast %add3A_1401 : i32 to vector<16xi32>
        %add3A_1403 = arith.addi %xor3A_5, %add3A_1402 : vector<16xi32>
        %select_n3A_1404 = arith.select %lt3A_1400, %add3A_1403, %xor3A_5 : vector<16xi1>, vector<16xi32>
        %broadcast_in_dim3A_1405 = vector.shape_cast %select_n3A_1404 : vector<16xi32> to vector<16x1xi32>
        %gather3A_1406 = vector.shape_cast %broadcast_in_dim3A_1405 : vector<16x1xi32> to vector<16xi32>
        %gather3A_1407 = tpu.dynamic_gather %add3A_1397[%gather3A_1406] in [0] : vector<16xf32>, vector<16xi32> -> vector<16xf32>
        %add3A_1408 = arith.addf %add3A_1397, %gather3A_1407 : vector<16xf32>
        %lt3A_1409 = arith.constant 0 : i32
        %lt3A_1410 = vector.broadcast %lt3A_1409 : i32 to vector<16xi32>
        %lt3A_1411 = arith.cmpi slt, %xor3A_8, %lt3A_1410 : vector<16xi32>
        %add3A_1412 = arith.constant 16 : i32
        %add3A_1413 = vector.broadcast %add3A_1412 : i32 to vector<16xi32>
        %add3A_1414 = arith.addi %xor3A_8, %add3A_1413 : vector<16xi32>
        %select_n3A_1415 = arith.select %lt3A_1411, %add3A_1414, %xor3A_8 : vector<16xi1>, vector<16xi32>
        %broadcast_in_dim3A_1416 = vector.shape_cast %select_n3A_1415 : vector<16xi32> to vector<16x1xi32>
        %gather3A_1417 = vector.shape_cast %broadcast_in_dim3A_1416 : vector<16x1xi32> to vector<16xi32>
        %gather3A_1418 = tpu.dynamic_gather %add3A_1408[%gather3A_1417] in [0] : vector<16xf32>, vector<16xi32> -> vector<16xf32>
        %add3A_1419 = arith.addf %add3A_1408, %gather3A_1418 : vector<16xf32>
        %lt3A_1420 = arith.constant 0 : i32
        %lt3A_1421 = vector.broadcast %lt3A_1420 : i32 to vector<16xi32>
        %lt3A_1422 = arith.cmpi slt, %xor3A_11, %lt3A_1421 : vector<16xi32>
        %add3A_1423 = arith.constant 16 : i32
        %add3A_1424 = vector.broadcast %add3A_1423 : i32 to vector<16xi32>
        %add3A_1425 = arith.addi %xor3A_11, %add3A_1424 : vector<16xi32>
        %select_n3A_1426 = arith.select %lt3A_1422, %add3A_1425, %xor3A_11 : vector<16xi1>, vector<16xi32>
        %broadcast_in_dim3A_1427 = vector.shape_cast %select_n3A_1426 : vector<16xi32> to vector<16x1xi32>
        %gather3A_1428 = vector.shape_cast %broadcast_in_dim3A_1427 : vector<16x1xi32> to vector<16xi32>
        %gather3A_1429 = tpu.dynamic_gather %add3A_1419[%gather3A_1428] in [0] : vector<16xf32>, vector<16xi32> -> vector<16xf32>
        %add3A_1430 = arith.addf %add3A_1419, %gather3A_1429 : vector<16xf32>
        %neg3A_1431 = arith.constant 0.000000e+00 : f32
        %neg3A_1432 = vector.broadcast %neg3A_1431 : f32 to vector<16xf32>
        %neg3A_1433 = arith.subf %neg3A_1432, %add3A_1430 : vector<16xf32>
        %select_n3A_1434 = arith.select %eq3A_545, %neg3A_1433, %scan3A_497 : vector<16xi1>, vector<16xf32>
        %mul3A_1435 = arith.constant 20 : i32
        %mul3A_1436 = arith.muli %scan3A_485, %mul3A_1435 : i32
        %add3A_1437 = arith.constant 16 : i32
        %add3A_1438 = arith.addi %add3A_1437, %mul3A_1436 : i32
        %add3A_1439 = arith.constant 11 : i32
        %add3A_1440 = arith.addi %add3A_1438, %add3A_1439 : i32
        %get3A_1441 = arith.index_cast %add3A_1440 : i32 to index
        %get3A_1442 = arith.constant 0 : index
        %get3A_1443 = tpu.vector_load %arg12[%get3A_1441, %get3A_1442] {strides = array<i32>} : memref<336x64xf32, #tpu.memory_space<vmem>>, vector<1x16xf32>,
        %get3A_1444 = vector.shape_cast %get3A_1443 : vector<1x16xf32> to vector<16xf32>
        %mul3A_1445 = arith.mulf %get3A_1444, %get3A_509 : vector<16xf32>
        %get3A_1446 = arith.index_cast %add3A_1440 : i32 to index
        %get3A_1447 = arith.constant 16 : index
        %get3A_1448 = tpu.vector_load %arg12[%get3A_1446, %get3A_1447] {strides = array<i32>} : memref<336x64xf32, #tpu.memory_space<vmem>>, vector<1x16xf32>,
        %get3A_1449 = vector.shape_cast %get3A_1448 : vector<1x16xf32> to vector<16xf32>
        %mul3A_1450 = arith.mulf %get3A_1449, %get3A_513 : vector<16xf32>
        %add3A_1451 = arith.addf %mul3A_1445, %mul3A_1450 : vector<16xf32>
        %get3A_1452 = arith.index_cast %add3A_1440 : i32 to index
        %get3A_1453 = arith.constant 32 : index
        %get3A_1454 = tpu.vector_load %arg12[%get3A_1452, %get3A_1453] {strides = array<i32>} : memref<336x64xf32, #tpu.memory_space<vmem>>, vector<1x16xf32>,
        %get3A_1455 = vector.shape_cast %get3A_1454 : vector<1x16xf32> to vector<16xf32>
        %mul3A_1456 = arith.mulf %get3A_1455, %get3A_517 : vector<16xf32>
        %add3A_1457 = arith.addf %add3A_1451, %mul3A_1456 : vector<16xf32>
        %get3A_1458 = arith.index_cast %add3A_1440 : i32 to index
        %get3A_1459 = arith.constant 48 : index
        %get3A_1460 = tpu.vector_load %arg12[%get3A_1458, %get3A_1459] {strides = array<i32>} : memref<336x64xf32, #tpu.memory_space<vmem>>, vector<1x16xf32>,
        %get3A_1461 = vector.shape_cast %get3A_1460 : vector<1x16xf32> to vector<16xf32>
        %mul3A_1462 = arith.mulf %get3A_1461, %get3A_521 : vector<16xf32>
        %add3A_1463 = arith.addf %add3A_1457, %mul3A_1462 : vector<16xf32>
        %lt3A_1464 = arith.constant 0 : i32
        %lt3A_1465 = vector.broadcast %lt3A_1464 : i32 to vector<16xi32>
        %lt3A_1466 = arith.cmpi slt, %xor3A_2, %lt3A_1465 : vector<16xi32>
        %add3A_1467 = arith.constant 16 : i32
        %add3A_1468 = vector.broadcast %add3A_1467 : i32 to vector<16xi32>
        %add3A_1469 = arith.addi %xor3A_2, %add3A_1468 : vector<16xi32>
        %select_n3A_1470 = arith.select %lt3A_1466, %add3A_1469, %xor3A_2 : vector<16xi1>, vector<16xi32>
        %broadcast_in_dim3A_1471 = vector.shape_cast %select_n3A_1470 : vector<16xi32> to vector<16x1xi32>
        %gather3A_1472 = vector.shape_cast %broadcast_in_dim3A_1471 : vector<16x1xi32> to vector<16xi32>
        %gather3A_1473 = tpu.dynamic_gather %add3A_1463[%gather3A_1472] in [0] : vector<16xf32>, vector<16xi32> -> vector<16xf32>
        %add3A_1474 = arith.addf %add3A_1463, %gather3A_1473 : vector<16xf32>
        %lt3A_1475 = arith.constant 0 : i32
        %lt3A_1476 = vector.broadcast %lt3A_1475 : i32 to vector<16xi32>
        %lt3A_1477 = arith.cmpi slt, %xor3A_5, %lt3A_1476 : vector<16xi32>
        %add3A_1478 = arith.constant 16 : i32
        %add3A_1479 = vector.broadcast %add3A_1478 : i32 to vector<16xi32>
        %add3A_1480 = arith.addi %xor3A_5, %add3A_1479 : vector<16xi32>
        %select_n3A_1481 = arith.select %lt3A_1477, %add3A_1480, %xor3A_5 : vector<16xi1>, vector<16xi32>
        %broadcast_in_dim3A_1482 = vector.shape_cast %select_n3A_1481 : vector<16xi32> to vector<16x1xi32>
        %gather3A_1483 = vector.shape_cast %broadcast_in_dim3A_1482 : vector<16x1xi32> to vector<16xi32>
        %gather3A_1484 = tpu.dynamic_gather %add3A_1474[%gather3A_1483] in [0] : vector<16xf32>, vector<16xi32> -> vector<16xf32>
        %add3A_1485 = arith.addf %add3A_1474, %gather3A_1484 : vector<16xf32>
        %lt3A_1486 = arith.constant 0 : i32
        %lt3A_1487 = vector.broadcast %lt3A_1486 : i32 to vector<16xi32>
        %lt3A_1488 = arith.cmpi slt, %xor3A_8, %lt3A_1487 : vector<16xi32>
        %add3A_1489 = arith.constant 16 : i32
        %add3A_1490 = vector.broadcast %add3A_1489 : i32 to vector<16xi32>
        %add3A_1491 = arith.addi %xor3A_8, %add3A_1490 : vector<16xi32>
        %select_n3A_1492 = arith.select %lt3A_1488, %add3A_1491, %xor3A_8 : vector<16xi1>, vector<16xi32>
        %broadcast_in_dim3A_1493 = vector.shape_cast %select_n3A_1492 : vector<16xi32> to vector<16x1xi32>
        %gather3A_1494 = vector.shape_cast %broadcast_in_dim3A_1493 : vector<16x1xi32> to vector<16xi32>
        %gather3A_1495 = tpu.dynamic_gather %add3A_1485[%gather3A_1494] in [0] : vector<16xf32>, vector<16xi32> -> vector<16xf32>
        %add3A_1496 = arith.addf %add3A_1485, %gather3A_1495 : vector<16xf32>
        %lt3A_1497 = arith.constant 0 : i32
        %lt3A_1498 = vector.broadcast %lt3A_1497 : i32 to vector<16xi32>
        %lt3A_1499 = arith.cmpi slt, %xor3A_11, %lt3A_1498 : vector<16xi32>
        %add3A_1500 = arith.constant 16 : i32
        %add3A_1501 = vector.broadcast %add3A_1500 : i32 to vector<16xi32>
        %add3A_1502 = arith.addi %xor3A_11, %add3A_1501 : vector<16xi32>
        %select_n3A_1503 = arith.select %lt3A_1499, %add3A_1502, %xor3A_11 : vector<16xi1>, vector<16xi32>
        %broadcast_in_dim3A_1504 = vector.shape_cast %select_n3A_1503 : vector<16xi32> to vector<16x1xi32>
        %gather3A_1505 = vector.shape_cast %broadcast_in_dim3A_1504 : vector<16x1xi32> to vector<16xi32>
        %gather3A_1506 = tpu.dynamic_gather %add3A_1496[%gather3A_1505] in [0] : vector<16xf32>, vector<16xi32> -> vector<16xf32>
        %add3A_1507 = arith.addf %add3A_1496, %gather3A_1506 : vector<16xf32>
        %neg3A_1508 = arith.constant 0.000000e+00 : f32
        %neg3A_1509 = vector.broadcast %neg3A_1508 : f32 to vector<16xf32>
        %neg3A_1510 = arith.subf %neg3A_1509, %add3A_1507 : vector<16xf32>
        %select_n3A_1511 = arith.select %eq3A_545, %neg3A_1510, %scan3A_498 : vector<16xi1>, vector<16xf32>
        %mul3A_1512 = arith.constant 20 : i32
        %mul3A_1513 = arith.muli %scan3A_485, %mul3A_1512 : i32
        %add3A_1514 = arith.constant 16 : i32
        %add3A_1515 = arith.addi %add3A_1514, %mul3A_1513 : i32
        %add3A_1516 = arith.constant 12 : i32
        %add3A_1517 = arith.addi %add3A_1515, %add3A_1516 : i32
        %get3A_1518 = arith.index_cast %add3A_1517 : i32 to index
        %get3A_1519 = arith.constant 0 : index
        %get3A_1520 = tpu.vector_load %arg12[%get3A_1518, %get3A_1519] {strides = array<i32>} : memref<336x64xf32, #tpu.memory_space<vmem>>, vector<1x16xf32>,
        %get3A_1521 = vector.shape_cast %get3A_1520 : vector<1x16xf32> to vector<16xf32>
        %mul3A_1522 = arith.mulf %get3A_1521, %get3A_509 : vector<16xf32>
        %get3A_1523 = arith.index_cast %add3A_1517 : i32 to index
        %get3A_1524 = arith.constant 16 : index
        %get3A_1525 = tpu.vector_load %arg12[%get3A_1523, %get3A_1524] {strides = array<i32>} : memref<336x64xf32, #tpu.memory_space<vmem>>, vector<1x16xf32>,
        %get3A_1526 = vector.shape_cast %get3A_1525 : vector<1x16xf32> to vector<16xf32>
        %mul3A_1527 = arith.mulf %get3A_1526, %get3A_513 : vector<16xf32>
        %add3A_1528 = arith.addf %mul3A_1522, %mul3A_1527 : vector<16xf32>
        %get3A_1529 = arith.index_cast %add3A_1517 : i32 to index
        %get3A_1530 = arith.constant 32 : index
        %get3A_1531 = tpu.vector_load %arg12[%get3A_1529, %get3A_1530] {strides = array<i32>} : memref<336x64xf32, #tpu.memory_space<vmem>>, vector<1x16xf32>,
        %get3A_1532 = vector.shape_cast %get3A_1531 : vector<1x16xf32> to vector<16xf32>
        %mul3A_1533 = arith.mulf %get3A_1532, %get3A_517 : vector<16xf32>
        %add3A_1534 = arith.addf %add3A_1528, %mul3A_1533 : vector<16xf32>
        %get3A_1535 = arith.index_cast %add3A_1517 : i32 to index
        %get3A_1536 = arith.constant 48 : index
        %get3A_1537 = tpu.vector_load %arg12[%get3A_1535, %get3A_1536] {strides = array<i32>} : memref<336x64xf32, #tpu.memory_space<vmem>>, vector<1x16xf32>,
        %get3A_1538 = vector.shape_cast %get3A_1537 : vector<1x16xf32> to vector<16xf32>
        %mul3A_1539 = arith.mulf %get3A_1538, %get3A_521 : vector<16xf32>
        %add3A_1540 = arith.addf %add3A_1534, %mul3A_1539 : vector<16xf32>
        %lt3A_1541 = arith.constant 0 : i32
        %lt3A_1542 = vector.broadcast %lt3A_1541 : i32 to vector<16xi32>
        %lt3A_1543 = arith.cmpi slt, %xor3A_2, %lt3A_1542 : vector<16xi32>
        %add3A_1544 = arith.constant 16 : i32
        %add3A_1545 = vector.broadcast %add3A_1544 : i32 to vector<16xi32>
        %add3A_1546 = arith.addi %xor3A_2, %add3A_1545 : vector<16xi32>
        %select_n3A_1547 = arith.select %lt3A_1543, %add3A_1546, %xor3A_2 : vector<16xi1>, vector<16xi32>
        %broadcast_in_dim3A_1548 = vector.shape_cast %select_n3A_1547 : vector<16xi32> to vector<16x1xi32>
        %gather3A_1549 = vector.shape_cast %broadcast_in_dim3A_1548 : vector<16x1xi32> to vector<16xi32>
        %gather3A_1550 = tpu.dynamic_gather %add3A_1540[%gather3A_1549] in [0] : vector<16xf32>, vector<16xi32> -> vector<16xf32>
        %add3A_1551 = arith.addf %add3A_1540, %gather3A_1550 : vector<16xf32>
        %lt3A_1552 = arith.constant 0 : i32
        %lt3A_1553 = vector.broadcast %lt3A_1552 : i32 to vector<16xi32>
        %lt3A_1554 = arith.cmpi slt, %xor3A_5, %lt3A_1553 : vector<16xi32>
        %add3A_1555 = arith.constant 16 : i32
        %add3A_1556 = vector.broadcast %add3A_1555 : i32 to vector<16xi32>
        %add3A_1557 = arith.addi %xor3A_5, %add3A_1556 : vector<16xi32>
        %select_n3A_1558 = arith.select %lt3A_1554, %add3A_1557, %xor3A_5 : vector<16xi1>, vector<16xi32>
        %broadcast_in_dim3A_1559 = vector.shape_cast %select_n3A_1558 : vector<16xi32> to vector<16x1xi32>
        %gather3A_1560 = vector.shape_cast %broadcast_in_dim3A_1559 : vector<16x1xi32> to vector<16xi32>
        %gather3A_1561 = tpu.dynamic_gather %add3A_1551[%gather3A_1560] in [0] : vector<16xf32>, vector<16xi32> -> vector<16xf32>
        %add3A_1562 = arith.addf %add3A_1551, %gather3A_1561 : vector<16xf32>
        %lt3A_1563 = arith.constant 0 : i32
        %lt3A_1564 = vector.broadcast %lt3A_1563 : i32 to vector<16xi32>
        %lt3A_1565 = arith.cmpi slt, %xor3A_8, %lt3A_1564 : vector<16xi32>
        %add3A_1566 = arith.constant 16 : i32
        %add3A_1567 = vector.broadcast %add3A_1566 : i32 to vector<16xi32>
        %add3A_1568 = arith.addi %xor3A_8, %add3A_1567 : vector<16xi32>
        %select_n3A_1569 = arith.select %lt3A_1565, %add3A_1568, %xor3A_8 : vector<16xi1>, vector<16xi32>
        %broadcast_in_dim3A_1570 = vector.shape_cast %select_n3A_1569 : vector<16xi32> to vector<16x1xi32>
        %gather3A_1571 = vector.shape_cast %broadcast_in_dim3A_1570 : vector<16x1xi32> to vector<16xi32>
        %gather3A_1572 = tpu.dynamic_gather %add3A_1562[%gather3A_1571] in [0] : vector<16xf32>, vector<16xi32> -> vector<16xf32>
        %add3A_1573 = arith.addf %add3A_1562, %gather3A_1572 : vector<16xf32>
        %lt3A_1574 = arith.constant 0 : i32
        %lt3A_1575 = vector.broadcast %lt3A_1574 : i32 to vector<16xi32>
        %lt3A_1576 = arith.cmpi slt, %xor3A_11, %lt3A_1575 : vector<16xi32>
        %add3A_1577 = arith.constant 16 : i32
        %add3A_1578 = vector.broadcast %add3A_1577 : i32 to vector<16xi32>
        %add3A_1579 = arith.addi %xor3A_11, %add3A_1578 : vector<16xi32>
        %select_n3A_1580 = arith.select %lt3A_1576, %add3A_1579, %xor3A_11 : vector<16xi1>, vector<16xi32>
        %broadcast_in_dim3A_1581 = vector.shape_cast %select_n3A_1580 : vector<16xi32> to vector<16x1xi32>
        %gather3A_1582 = vector.shape_cast %broadcast_in_dim3A_1581 : vector<16x1xi32> to vector<16xi32>
        %gather3A_1583 = tpu.dynamic_gather %add3A_1573[%gather3A_1582] in [0] : vector<16xf32>, vector<16xi32> -> vector<16xf32>
        %add3A_1584 = arith.addf %add3A_1573, %gather3A_1583 : vector<16xf32>
        %neg3A_1585 = arith.constant 0.000000e+00 : f32
        %neg3A_1586 = vector.broadcast %neg3A_1585 : f32 to vector<16xf32>
        %neg3A_1587 = arith.subf %neg3A_1586, %add3A_1584 : vector<16xf32>
        %select_n3A_1588 = arith.select %eq3A_545, %neg3A_1587, %scan3A_499 : vector<16xi1>, vector<16xf32>
        %mul3A_1589 = arith.constant 20 : i32
        %mul3A_1590 = arith.muli %scan3A_485, %mul3A_1589 : i32
        %add3A_1591 = arith.constant 16 : i32
        %add3A_1592 = arith.addi %add3A_1591, %mul3A_1590 : i32
        %add3A_1593 = arith.constant 13 : i32
        %add3A_1594 = arith.addi %add3A_1592, %add3A_1593 : i32
        %get3A_1595 = arith.index_cast %add3A_1594 : i32 to index
        %get3A_1596 = arith.constant 0 : index
        %get3A_1597 = tpu.vector_load %arg12[%get3A_1595, %get3A_1596] {strides = array<i32>} : memref<336x64xf32, #tpu.memory_space<vmem>>, vector<1x16xf32>,
        %get3A_1598 = vector.shape_cast %get3A_1597 : vector<1x16xf32> to vector<16xf32>
        %mul3A_1599 = arith.mulf %get3A_1598, %get3A_509 : vector<16xf32>
        %get3A_1600 = arith.index_cast %add3A_1594 : i32 to index
        %get3A_1601 = arith.constant 16 : index
        %get3A_1602 = tpu.vector_load %arg12[%get3A_1600, %get3A_1601] {strides = array<i32>} : memref<336x64xf32, #tpu.memory_space<vmem>>, vector<1x16xf32>,
        %get3A_1603 = vector.shape_cast %get3A_1602 : vector<1x16xf32> to vector<16xf32>
        %mul3A_1604 = arith.mulf %get3A_1603, %get3A_513 : vector<16xf32>
        %add3A_1605 = arith.addf %mul3A_1599, %mul3A_1604 : vector<16xf32>
        %get3A_1606 = arith.index_cast %add3A_1594 : i32 to index
        %get3A_1607 = arith.constant 32 : index
        %get3A_1608 = tpu.vector_load %arg12[%get3A_1606, %get3A_1607] {strides = array<i32>} : memref<336x64xf32, #tpu.memory_space<vmem>>, vector<1x16xf32>,
        %get3A_1609 = vector.shape_cast %get3A_1608 : vector<1x16xf32> to vector<16xf32>
        %mul3A_1610 = arith.mulf %get3A_1609, %get3A_517 : vector<16xf32>
        %add3A_1611 = arith.addf %add3A_1605, %mul3A_1610 : vector<16xf32>
        %get3A_1612 = arith.index_cast %add3A_1594 : i32 to index
        %get3A_1613 = arith.constant 48 : index
        %get3A_1614 = tpu.vector_load %arg12[%get3A_1612, %get3A_1613] {strides = array<i32>} : memref<336x64xf32, #tpu.memory_space<vmem>>, vector<1x16xf32>,
        %get3A_1615 = vector.shape_cast %get3A_1614 : vector<1x16xf32> to vector<16xf32>
        %mul3A_1616 = arith.mulf %get3A_1615, %get3A_521 : vector<16xf32>
        %add3A_1617 = arith.addf %add3A_1611, %mul3A_1616 : vector<16xf32>
        %lt3A_1618 = arith.constant 0 : i32
        %lt3A_1619 = vector.broadcast %lt3A_1618 : i32 to vector<16xi32>
        %lt3A_1620 = arith.cmpi slt, %xor3A_2, %lt3A_1619 : vector<16xi32>
        %add3A_1621 = arith.constant 16 : i32
        %add3A_1622 = vector.broadcast %add3A_1621 : i32 to vector<16xi32>
        %add3A_1623 = arith.addi %xor3A_2, %add3A_1622 : vector<16xi32>
        %select_n3A_1624 = arith.select %lt3A_1620, %add3A_1623, %xor3A_2 : vector<16xi1>, vector<16xi32>
        %broadcast_in_dim3A_1625 = vector.shape_cast %select_n3A_1624 : vector<16xi32> to vector<16x1xi32>
        %gather3A_1626 = vector.shape_cast %broadcast_in_dim3A_1625 : vector<16x1xi32> to vector<16xi32>
        %gather3A_1627 = tpu.dynamic_gather %add3A_1617[%gather3A_1626] in [0] : vector<16xf32>, vector<16xi32> -> vector<16xf32>
        %add3A_1628 = arith.addf %add3A_1617, %gather3A_1627 : vector<16xf32>
        %lt3A_1629 = arith.constant 0 : i32
        %lt3A_1630 = vector.broadcast %lt3A_1629 : i32 to vector<16xi32>
        %lt3A_1631 = arith.cmpi slt, %xor3A_5, %lt3A_1630 : vector<16xi32>
        %add3A_1632 = arith.constant 16 : i32
        %add3A_1633 = vector.broadcast %add3A_1632 : i32 to vector<16xi32>
        %add3A_1634 = arith.addi %xor3A_5, %add3A_1633 : vector<16xi32>
        %select_n3A_1635 = arith.select %lt3A_1631, %add3A_1634, %xor3A_5 : vector<16xi1>, vector<16xi32>
        %broadcast_in_dim3A_1636 = vector.shape_cast %select_n3A_1635 : vector<16xi32> to vector<16x1xi32>
        %gather3A_1637 = vector.shape_cast %broadcast_in_dim3A_1636 : vector<16x1xi32> to vector<16xi32>
        %gather3A_1638 = tpu.dynamic_gather %add3A_1628[%gather3A_1637] in [0] : vector<16xf32>, vector<16xi32> -> vector<16xf32>
        %add3A_1639 = arith.addf %add3A_1628, %gather3A_1638 : vector<16xf32>
        %lt3A_1640 = arith.constant 0 : i32
        %lt3A_1641 = vector.broadcast %lt3A_1640 : i32 to vector<16xi32>
        %lt3A_1642 = arith.cmpi slt, %xor3A_8, %lt3A_1641 : vector<16xi32>
        %add3A_1643 = arith.constant 16 : i32
        %add3A_1644 = vector.broadcast %add3A_1643 : i32 to vector<16xi32>
        %add3A_1645 = arith.addi %xor3A_8, %add3A_1644 : vector<16xi32>
        %select_n3A_1646 = arith.select %lt3A_1642, %add3A_1645, %xor3A_8 : vector<16xi1>, vector<16xi32>
        %broadcast_in_dim3A_1647 = vector.shape_cast %select_n3A_1646 : vector<16xi32> to vector<16x1xi32>
        %gather3A_1648 = vector.shape_cast %broadcast_in_dim3A_1647 : vector<16x1xi32> to vector<16xi32>
        %gather3A_1649 = tpu.dynamic_gather %add3A_1639[%gather3A_1648] in [0] : vector<16xf32>, vector<16xi32> -> vector<16xf32>
        %add3A_1650 = arith.addf %add3A_1639, %gather3A_1649 : vector<16xf32>
        %lt3A_1651 = arith.constant 0 : i32
        %lt3A_1652 = vector.broadcast %lt3A_1651 : i32 to vector<16xi32>
        %lt3A_1653 = arith.cmpi slt, %xor3A_11, %lt3A_1652 : vector<16xi32>
        %add3A_1654 = arith.constant 16 : i32
        %add3A_1655 = vector.broadcast %add3A_1654 : i32 to vector<16xi32>
        %add3A_1656 = arith.addi %xor3A_11, %add3A_1655 : vector<16xi32>
        %select_n3A_1657 = arith.select %lt3A_1653, %add3A_1656, %xor3A_11 : vector<16xi1>, vector<16xi32>
        %broadcast_in_dim3A_1658 = vector.shape_cast %select_n3A_1657 : vector<16xi32> to vector<16x1xi32>
        %gather3A_1659 = vector.shape_cast %broadcast_in_dim3A_1658 : vector<16x1xi32> to vector<16xi32>
        %gather3A_1660 = tpu.dynamic_gather %add3A_1650[%gather3A_1659] in [0] : vector<16xf32>, vector<16xi32> -> vector<16xf32>
        %add3A_1661 = arith.addf %add3A_1650, %gather3A_1660 : vector<16xf32>
        %neg3A_1662 = arith.constant 0.000000e+00 : f32
        %neg3A_1663 = vector.broadcast %neg3A_1662 : f32 to vector<16xf32>
        %neg3A_1664 = arith.subf %neg3A_1663, %add3A_1661 : vector<16xf32>
        %select_n3A_1665 = arith.select %eq3A_545, %neg3A_1664, %scan3A_500 : vector<16xi1>, vector<16xf32>
        %mul3A_1666 = arith.constant 20 : i32
        %mul3A_1667 = arith.muli %scan3A_485, %mul3A_1666 : i32
        %add3A_1668 = arith.constant 16 : i32
        %add3A_1669 = arith.addi %add3A_1668, %mul3A_1667 : i32
        %add3A_1670 = arith.constant 14 : i32
        %add3A_1671 = arith.addi %add3A_1669, %add3A_1670 : i32
        %get3A_1672 = arith.index_cast %add3A_1671 : i32 to index
        %get3A_1673 = arith.constant 0 : index
        %get3A_1674 = tpu.vector_load %arg12[%get3A_1672, %get3A_1673] {strides = array<i32>} : memref<336x64xf32, #tpu.memory_space<vmem>>, vector<1x16xf32>,
        %get3A_1675 = vector.shape_cast %get3A_1674 : vector<1x16xf32> to vector<16xf32>
        %mul3A_1676 = arith.mulf %get3A_1675, %get3A_509 : vector<16xf32>
        %get3A_1677 = arith.index_cast %add3A_1671 : i32 to index
        %get3A_1678 = arith.constant 16 : index
        %get3A_1679 = tpu.vector_load %arg12[%get3A_1677, %get3A_1678] {strides = array<i32>} : memref<336x64xf32, #tpu.memory_space<vmem>>, vector<1x16xf32>,
        %get3A_1680 = vector.shape_cast %get3A_1679 : vector<1x16xf32> to vector<16xf32>
        %mul3A_1681 = arith.mulf %get3A_1680, %get3A_513 : vector<16xf32>
        %add3A_1682 = arith.addf %mul3A_1676, %mul3A_1681 : vector<16xf32>
        %get3A_1683 = arith.index_cast %add3A_1671 : i32 to index
        %get3A_1684 = arith.constant 32 : index
        %get3A_1685 = tpu.vector_load %arg12[%get3A_1683, %get3A_1684] {strides = array<i32>} : memref<336x64xf32, #tpu.memory_space<vmem>>, vector<1x16xf32>,
        %get3A_1686 = vector.shape_cast %get3A_1685 : vector<1x16xf32> to vector<16xf32>
        %mul3A_1687 = arith.mulf %get3A_1686, %get3A_517 : vector<16xf32>
        %add3A_1688 = arith.addf %add3A_1682, %mul3A_1687 : vector<16xf32>
        %get3A_1689 = arith.index_cast %add3A_1671 : i32 to index
        %get3A_1690 = arith.constant 48 : index
        %get3A_1691 = tpu.vector_load %arg12[%get3A_1689, %get3A_1690] {strides = array<i32>} : memref<336x64xf32, #tpu.memory_space<vmem>>, vector<1x16xf32>,
        %get3A_1692 = vector.shape_cast %get3A_1691 : vector<1x16xf32> to vector<16xf32>
        %mul3A_1693 = arith.mulf %get3A_1692, %get3A_521 : vector<16xf32>
        %add3A_1694 = arith.addf %add3A_1688, %mul3A_1693 : vector<16xf32>
        %lt3A_1695 = arith.constant 0 : i32
        %lt3A_1696 = vector.broadcast %lt3A_1695 : i32 to vector<16xi32>
        %lt3A_1697 = arith.cmpi slt, %xor3A_2, %lt3A_1696 : vector<16xi32>
        %add3A_1698 = arith.constant 16 : i32
        %add3A_1699 = vector.broadcast %add3A_1698 : i32 to vector<16xi32>
        %add3A_1700 = arith.addi %xor3A_2, %add3A_1699 : vector<16xi32>
        %select_n3A_1701 = arith.select %lt3A_1697, %add3A_1700, %xor3A_2 : vector<16xi1>, vector<16xi32>
        %broadcast_in_dim3A_1702 = vector.shape_cast %select_n3A_1701 : vector<16xi32> to vector<16x1xi32>
        %gather3A_1703 = vector.shape_cast %broadcast_in_dim3A_1702 : vector<16x1xi32> to vector<16xi32>
        %gather3A_1704 = tpu.dynamic_gather %add3A_1694[%gather3A_1703] in [0] : vector<16xf32>, vector<16xi32> -> vector<16xf32>
        %add3A_1705 = arith.addf %add3A_1694, %gather3A_1704 : vector<16xf32>
        %lt3A_1706 = arith.constant 0 : i32
        %lt3A_1707 = vector.broadcast %lt3A_1706 : i32 to vector<16xi32>
        %lt3A_1708 = arith.cmpi slt, %xor3A_5, %lt3A_1707 : vector<16xi32>
        %add3A_1709 = arith.constant 16 : i32
        %add3A_1710 = vector.broadcast %add3A_1709 : i32 to vector<16xi32>
        %add3A_1711 = arith.addi %xor3A_5, %add3A_1710 : vector<16xi32>
        %select_n3A_1712 = arith.select %lt3A_1708, %add3A_1711, %xor3A_5 : vector<16xi1>, vector<16xi32>
        %broadcast_in_dim3A_1713 = vector.shape_cast %select_n3A_1712 : vector<16xi32> to vector<16x1xi32>
        %gather3A_1714 = vector.shape_cast %broadcast_in_dim3A_1713 : vector<16x1xi32> to vector<16xi32>
        %gather3A_1715 = tpu.dynamic_gather %add3A_1705[%gather3A_1714] in [0] : vector<16xf32>, vector<16xi32> -> vector<16xf32>
        %add3A_1716 = arith.addf %add3A_1705, %gather3A_1715 : vector<16xf32>
        %lt3A_1717 = arith.constant 0 : i32
        %lt3A_1718 = vector.broadcast %lt3A_1717 : i32 to vector<16xi32>
        %lt3A_1719 = arith.cmpi slt, %xor3A_8, %lt3A_1718 : vector<16xi32>
        %add3A_1720 = arith.constant 16 : i32
        %add3A_1721 = vector.broadcast %add3A_1720 : i32 to vector<16xi32>
        %add3A_1722 = arith.addi %xor3A_8, %add3A_1721 : vector<16xi32>
        %select_n3A_1723 = arith.select %lt3A_1719, %add3A_1722, %xor3A_8 : vector<16xi1>, vector<16xi32>
        %broadcast_in_dim3A_1724 = vector.shape_cast %select_n3A_1723 : vector<16xi32> to vector<16x1xi32>
        %gather3A_1725 = vector.shape_cast %broadcast_in_dim3A_1724 : vector<16x1xi32> to vector<16xi32>
        %gather3A_1726 = tpu.dynamic_gather %add3A_1716[%gather3A_1725] in [0] : vector<16xf32>, vector<16xi32> -> vector<16xf32>
        %add3A_1727 = arith.addf %add3A_1716, %gather3A_1726 : vector<16xf32>
        %lt3A_1728 = arith.constant 0 : i32
        %lt3A_1729 = vector.broadcast %lt3A_1728 : i32 to vector<16xi32>
        %lt3A_1730 = arith.cmpi slt, %xor3A_11, %lt3A_1729 : vector<16xi32>
        %add3A_1731 = arith.constant 16 : i32
        %add3A_1732 = vector.broadcast %add3A_1731 : i32 to vector<16xi32>
        %add3A_1733 = arith.addi %xor3A_11, %add3A_1732 : vector<16xi32>
        %select_n3A_1734 = arith.select %lt3A_1730, %add3A_1733, %xor3A_11 : vector<16xi1>, vector<16xi32>
        %broadcast_in_dim3A_1735 = vector.shape_cast %select_n3A_1734 : vector<16xi32> to vector<16x1xi32>
        %gather3A_1736 = vector.shape_cast %broadcast_in_dim3A_1735 : vector<16x1xi32> to vector<16xi32>
        %gather3A_1737 = tpu.dynamic_gather %add3A_1727[%gather3A_1736] in [0] : vector<16xf32>, vector<16xi32> -> vector<16xf32>
        %add3A_1738 = arith.addf %add3A_1727, %gather3A_1737 : vector<16xf32>
        %neg3A_1739 = arith.constant 0.000000e+00 : f32
        %neg3A_1740 = vector.broadcast %neg3A_1739 : f32 to vector<16xf32>
        %neg3A_1741 = arith.subf %neg3A_1740, %add3A_1738 : vector<16xf32>
        %select_n3A_1742 = arith.select %eq3A_545, %neg3A_1741, %scan3A_501 : vector<16xi1>, vector<16xf32>
        %mul3A_1743 = arith.constant 20 : i32
        %mul3A_1744 = arith.muli %scan3A_485, %mul3A_1743 : i32
        %add3A_1745 = arith.constant 16 : i32
        %add3A_1746 = arith.addi %add3A_1745, %mul3A_1744 : i32
        %add3A_1747 = arith.constant 15 : i32
        %add3A_1748 = arith.addi %add3A_1746, %add3A_1747 : i32
        %get3A_1749 = arith.index_cast %add3A_1748 : i32 to index
        %get3A_1750 = arith.constant 0 : index
        %get3A_1751 = tpu.vector_load %arg12[%get3A_1749, %get3A_1750] {strides = array<i32>} : memref<336x64xf32, #tpu.memory_space<vmem>>, vector<1x16xf32>,
        %get3A_1752 = vector.shape_cast %get3A_1751 : vector<1x16xf32> to vector<16xf32>
        %mul3A_1753 = arith.mulf %get3A_1752, %get3A_509 : vector<16xf32>
        %get3A_1754 = arith.index_cast %add3A_1748 : i32 to index
        %get3A_1755 = arith.constant 16 : index
        %get3A_1756 = tpu.vector_load %arg12[%get3A_1754, %get3A_1755] {strides = array<i32>} : memref<336x64xf32, #tpu.memory_space<vmem>>, vector<1x16xf32>,
        %get3A_1757 = vector.shape_cast %get3A_1756 : vector<1x16xf32> to vector<16xf32>
        %mul3A_1758 = arith.mulf %get3A_1757, %get3A_513 : vector<16xf32>
        %add3A_1759 = arith.addf %mul3A_1753, %mul3A_1758 : vector<16xf32>
        %get3A_1760 = arith.index_cast %add3A_1748 : i32 to index
        %get3A_1761 = arith.constant 32 : index
        %get3A_1762 = tpu.vector_load %arg12[%get3A_1760, %get3A_1761] {strides = array<i32>} : memref<336x64xf32, #tpu.memory_space<vmem>>, vector<1x16xf32>,
        %get3A_1763 = vector.shape_cast %get3A_1762 : vector<1x16xf32> to vector<16xf32>
        %mul3A_1764 = arith.mulf %get3A_1763, %get3A_517 : vector<16xf32>
        %add3A_1765 = arith.addf %add3A_1759, %mul3A_1764 : vector<16xf32>
        %get3A_1766 = arith.index_cast %add3A_1748 : i32 to index
        %get3A_1767 = arith.constant 48 : index
        %get3A_1768 = tpu.vector_load %arg12[%get3A_1766, %get3A_1767] {strides = array<i32>} : memref<336x64xf32, #tpu.memory_space<vmem>>, vector<1x16xf32>,
        %get3A_1769 = vector.shape_cast %get3A_1768 : vector<1x16xf32> to vector<16xf32>
        %mul3A_1770 = arith.mulf %get3A_1769, %get3A_521 : vector<16xf32>
        %add3A_1771 = arith.addf %add3A_1765, %mul3A_1770 : vector<16xf32>
        %lt3A_1772 = arith.constant 0 : i32
        %lt3A_1773 = vector.broadcast %lt3A_1772 : i32 to vector<16xi32>
        %lt3A_1774 = arith.cmpi slt, %xor3A_2, %lt3A_1773 : vector<16xi32>
        %add3A_1775 = arith.constant 16 : i32
        %add3A_1776 = vector.broadcast %add3A_1775 : i32 to vector<16xi32>
        %add3A_1777 = arith.addi %xor3A_2, %add3A_1776 : vector<16xi32>
        %select_n3A_1778 = arith.select %lt3A_1774, %add3A_1777, %xor3A_2 : vector<16xi1>, vector<16xi32>
        %broadcast_in_dim3A_1779 = vector.shape_cast %select_n3A_1778 : vector<16xi32> to vector<16x1xi32>
        %gather3A_1780 = vector.shape_cast %broadcast_in_dim3A_1779 : vector<16x1xi32> to vector<16xi32>
        %gather3A_1781 = tpu.dynamic_gather %add3A_1771[%gather3A_1780] in [0] : vector<16xf32>, vector<16xi32> -> vector<16xf32>
        %add3A_1782 = arith.addf %add3A_1771, %gather3A_1781 : vector<16xf32>
        %lt3A_1783 = arith.constant 0 : i32
        %lt3A_1784 = vector.broadcast %lt3A_1783 : i32 to vector<16xi32>
        %lt3A_1785 = arith.cmpi slt, %xor3A_5, %lt3A_1784 : vector<16xi32>
        %add3A_1786 = arith.constant 16 : i32
        %add3A_1787 = vector.broadcast %add3A_1786 : i32 to vector<16xi32>
        %add3A_1788 = arith.addi %xor3A_5, %add3A_1787 : vector<16xi32>
        %select_n3A_1789 = arith.select %lt3A_1785, %add3A_1788, %xor3A_5 : vector<16xi1>, vector<16xi32>
        %broadcast_in_dim3A_1790 = vector.shape_cast %select_n3A_1789 : vector<16xi32> to vector<16x1xi32>
        %gather3A_1791 = vector.shape_cast %broadcast_in_dim3A_1790 : vector<16x1xi32> to vector<16xi32>
        %gather3A_1792 = tpu.dynamic_gather %add3A_1782[%gather3A_1791] in [0] : vector<16xf32>, vector<16xi32> -> vector<16xf32>
        %add3A_1793 = arith.addf %add3A_1782, %gather3A_1792 : vector<16xf32>
        %lt3A_1794 = arith.constant 0 : i32
        %lt3A_1795 = vector.broadcast %lt3A_1794 : i32 to vector<16xi32>
        %lt3A_1796 = arith.cmpi slt, %xor3A_8, %lt3A_1795 : vector<16xi32>
        %add3A_1797 = arith.constant 16 : i32
        %add3A_1798 = vector.broadcast %add3A_1797 : i32 to vector<16xi32>
        %add3A_1799 = arith.addi %xor3A_8, %add3A_1798 : vector<16xi32>
        %select_n3A_1800 = arith.select %lt3A_1796, %add3A_1799, %xor3A_8 : vector<16xi1>, vector<16xi32>
        %broadcast_in_dim3A_1801 = vector.shape_cast %select_n3A_1800 : vector<16xi32> to vector<16x1xi32>
        %gather3A_1802 = vector.shape_cast %broadcast_in_dim3A_1801 : vector<16x1xi32> to vector<16xi32>
        %gather3A_1803 = tpu.dynamic_gather %add3A_1793[%gather3A_1802] in [0] : vector<16xf32>, vector<16xi32> -> vector<16xf32>
        %add3A_1804 = arith.addf %add3A_1793, %gather3A_1803 : vector<16xf32>
        %lt3A_1805 = arith.constant 0 : i32
        %lt3A_1806 = vector.broadcast %lt3A_1805 : i32 to vector<16xi32>
        %lt3A_1807 = arith.cmpi slt, %xor3A_11, %lt3A_1806 : vector<16xi32>
        %add3A_1808 = arith.constant 16 : i32
        %add3A_1809 = vector.broadcast %add3A_1808 : i32 to vector<16xi32>
        %add3A_1810 = arith.addi %xor3A_11, %add3A_1809 : vector<16xi32>
        %select_n3A_1811 = arith.select %lt3A_1807, %add3A_1810, %xor3A_11 : vector<16xi1>, vector<16xi32>
        %broadcast_in_dim3A_1812 = vector.shape_cast %select_n3A_1811 : vector<16xi32> to vector<16x1xi32>
        %gather3A_1813 = vector.shape_cast %broadcast_in_dim3A_1812 : vector<16x1xi32> to vector<16xi32>
        %gather3A_1814 = tpu.dynamic_gather %add3A_1804[%gather3A_1813] in [0] : vector<16xf32>, vector<16xi32> -> vector<16xf32>
        %add3A_1815 = arith.addf %add3A_1804, %gather3A_1814 : vector<16xf32>
        %neg3A_1816 = arith.constant 0.000000e+00 : f32
        %neg3A_1817 = vector.broadcast %neg3A_1816 : f32 to vector<16xf32>
        %neg3A_1818 = arith.subf %neg3A_1817, %add3A_1815 : vector<16xf32>
        %select_n3A_1819 = arith.select %eq3A_545, %neg3A_1818, %scan3A_502 : vector<16xi1>, vector<16xf32>
        %mul3A_1820 = arith.constant 20 : i32
        %mul3A_1821 = arith.muli %scan3A_485, %mul3A_1820 : i32
        %add3A_1822 = arith.constant 16 : i32
        %add3A_1823 = arith.addi %add3A_1822, %mul3A_1821 : i32
        %add3A_1824 = arith.constant 16 : i32
        %add3A_1825 = arith.addi %add3A_1823, %add3A_1824 : i32
        %get3A_1826 = arith.index_cast %add3A_1825 : i32 to index
        %get3A_1827 = arith.constant 0 : index
        %get3A_1828 = tpu.vector_load %arg12[%get3A_1826, %get3A_1827] {strides = array<i32>} : memref<336x64xf32, #tpu.memory_space<vmem>>, vector<1x16xf32>,
        %get3A_1829 = vector.shape_cast %get3A_1828 : vector<1x16xf32> to vector<16xf32>
        %mul3A_1830 = arith.mulf %get3A_1829, %get3A_509 : vector<16xf32>
        %get3A_1831 = arith.index_cast %add3A_1825 : i32 to index
        %get3A_1832 = arith.constant 16 : index
        %get3A_1833 = tpu.vector_load %arg12[%get3A_1831, %get3A_1832] {strides = array<i32>} : memref<336x64xf32, #tpu.memory_space<vmem>>, vector<1x16xf32>,
        %get3A_1834 = vector.shape_cast %get3A_1833 : vector<1x16xf32> to vector<16xf32>
        %mul3A_1835 = arith.mulf %get3A_1834, %get3A_513 : vector<16xf32>
        %add3A_1836 = arith.addf %mul3A_1830, %mul3A_1835 : vector<16xf32>
        %get3A_1837 = arith.index_cast %add3A_1825 : i32 to index
        %get3A_1838 = arith.constant 32 : index
        %get3A_1839 = tpu.vector_load %arg12[%get3A_1837, %get3A_1838] {strides = array<i32>} : memref<336x64xf32, #tpu.memory_space<vmem>>, vector<1x16xf32>,
        %get3A_1840 = vector.shape_cast %get3A_1839 : vector<1x16xf32> to vector<16xf32>
        %mul3A_1841 = arith.mulf %get3A_1840, %get3A_517 : vector<16xf32>
        %add3A_1842 = arith.addf %add3A_1836, %mul3A_1841 : vector<16xf32>
        %get3A_1843 = arith.index_cast %add3A_1825 : i32 to index
        %get3A_1844 = arith.constant 48 : index
        %get3A_1845 = tpu.vector_load %arg12[%get3A_1843, %get3A_1844] {strides = array<i32>} : memref<336x64xf32, #tpu.memory_space<vmem>>, vector<1x16xf32>,
        %get3A_1846 = vector.shape_cast %get3A_1845 : vector<1x16xf32> to vector<16xf32>
        %mul3A_1847 = arith.mulf %get3A_1846, %get3A_521 : vector<16xf32>
        %add3A_1848 = arith.addf %add3A_1842, %mul3A_1847 : vector<16xf32>
        %lt3A_1849 = arith.constant 0 : i32
        %lt3A_1850 = vector.broadcast %lt3A_1849 : i32 to vector<16xi32>
        %lt3A_1851 = arith.cmpi slt, %xor3A_2, %lt3A_1850 : vector<16xi32>
        %add3A_1852 = arith.constant 16 : i32
        %add3A_1853 = vector.broadcast %add3A_1852 : i32 to vector<16xi32>
        %add3A_1854 = arith.addi %xor3A_2, %add3A_1853 : vector<16xi32>
        %select_n3A_1855 = arith.select %lt3A_1851, %add3A_1854, %xor3A_2 : vector<16xi1>, vector<16xi32>
        %broadcast_in_dim3A_1856 = vector.shape_cast %select_n3A_1855 : vector<16xi32> to vector<16x1xi32>
        %gather3A_1857 = vector.shape_cast %broadcast_in_dim3A_1856 : vector<16x1xi32> to vector<16xi32>
        %gather3A_1858 = tpu.dynamic_gather %add3A_1848[%gather3A_1857] in [0] : vector<16xf32>, vector<16xi32> -> vector<16xf32>
        %add3A_1859 = arith.addf %add3A_1848, %gather3A_1858 : vector<16xf32>
        %lt3A_1860 = arith.constant 0 : i32
        %lt3A_1861 = vector.broadcast %lt3A_1860 : i32 to vector<16xi32>
        %lt3A_1862 = arith.cmpi slt, %xor3A_5, %lt3A_1861 : vector<16xi32>
        %add3A_1863 = arith.constant 16 : i32
        %add3A_1864 = vector.broadcast %add3A_1863 : i32 to vector<16xi32>
        %add3A_1865 = arith.addi %xor3A_5, %add3A_1864 : vector<16xi32>
        %select_n3A_1866 = arith.select %lt3A_1862, %add3A_1865, %xor3A_5 : vector<16xi1>, vector<16xi32>
        %broadcast_in_dim3A_1867 = vector.shape_cast %select_n3A_1866 : vector<16xi32> to vector<16x1xi32>
        %gather3A_1868 = vector.shape_cast %broadcast_in_dim3A_1867 : vector<16x1xi32> to vector<16xi32>
        %gather3A_1869 = tpu.dynamic_gather %add3A_1859[%gather3A_1868] in [0] : vector<16xf32>, vector<16xi32> -> vector<16xf32>
        %add3A_1870 = arith.addf %add3A_1859, %gather3A_1869 : vector<16xf32>
        %lt3A_1871 = arith.constant 0 : i32
        %lt3A_1872 = vector.broadcast %lt3A_1871 : i32 to vector<16xi32>
        %lt3A_1873 = arith.cmpi slt, %xor3A_8, %lt3A_1872 : vector<16xi32>
        %add3A_1874 = arith.constant 16 : i32
        %add3A_1875 = vector.broadcast %add3A_1874 : i32 to vector<16xi32>
        %add3A_1876 = arith.addi %xor3A_8, %add3A_1875 : vector<16xi32>
        %select_n3A_1877 = arith.select %lt3A_1873, %add3A_1876, %xor3A_8 : vector<16xi1>, vector<16xi32>
        %broadcast_in_dim3A_1878 = vector.shape_cast %select_n3A_1877 : vector<16xi32> to vector<16x1xi32>
        %gather3A_1879 = vector.shape_cast %broadcast_in_dim3A_1878 : vector<16x1xi32> to vector<16xi32>
        %gather3A_1880 = tpu.dynamic_gather %add3A_1870[%gather3A_1879] in [0] : vector<16xf32>, vector<16xi32> -> vector<16xf32>
        %add3A_1881 = arith.addf %add3A_1870, %gather3A_1880 : vector<16xf32>
        %lt3A_1882 = arith.constant 0 : i32
        %lt3A_1883 = vector.broadcast %lt3A_1882 : i32 to vector<16xi32>
        %lt3A_1884 = arith.cmpi slt, %xor3A_11, %lt3A_1883 : vector<16xi32>
        %add3A_1885 = arith.constant 16 : i32
        %add3A_1886 = vector.broadcast %add3A_1885 : i32 to vector<16xi32>
        %add3A_1887 = arith.addi %xor3A_11, %add3A_1886 : vector<16xi32>
        %select_n3A_1888 = arith.select %lt3A_1884, %add3A_1887, %xor3A_11 : vector<16xi1>, vector<16xi32>
        %broadcast_in_dim3A_1889 = vector.shape_cast %select_n3A_1888 : vector<16xi32> to vector<16x1xi32>
        %gather3A_1890 = vector.shape_cast %broadcast_in_dim3A_1889 : vector<16x1xi32> to vector<16xi32>
        %gather3A_1891 = tpu.dynamic_gather %add3A_1881[%gather3A_1890] in [0] : vector<16xf32>, vector<16xi32> -> vector<16xf32>
        %add3A_1892 = arith.addf %add3A_1881, %gather3A_1891 : vector<16xf32>
        %neg3A_1893 = arith.constant 0.000000e+00 : f32
        %neg3A_1894 = vector.broadcast %neg3A_1893 : f32 to vector<16xf32>
        %neg3A_1895 = arith.subf %neg3A_1894, %add3A_1892 : vector<16xf32>
        %select_n3A_1896 = arith.select %eq3A_545, %neg3A_1895, %scan3A_503 : vector<16xi1>, vector<16xf32>
        %mul3A_1897 = arith.constant 20 : i32
        %mul3A_1898 = arith.muli %scan3A_485, %mul3A_1897 : i32
        %add3A_1899 = arith.constant 16 : i32
        %add3A_1900 = arith.addi %add3A_1899, %mul3A_1898 : i32
        %add3A_1901 = arith.constant 17 : i32
        %add3A_1902 = arith.addi %add3A_1900, %add3A_1901 : i32
        %get3A_1903 = arith.index_cast %add3A_1902 : i32 to index
        %get3A_1904 = arith.constant 0 : index
        %get3A_1905 = tpu.vector_load %arg12[%get3A_1903, %get3A_1904] {strides = array<i32>} : memref<336x64xf32, #tpu.memory_space<vmem>>, vector<1x16xf32>,
        %get3A_1906 = vector.shape_cast %get3A_1905 : vector<1x16xf32> to vector<16xf32>
        %mul3A_1907 = arith.mulf %get3A_1906, %get3A_509 : vector<16xf32>
        %get3A_1908 = arith.index_cast %add3A_1902 : i32 to index
        %get3A_1909 = arith.constant 16 : index
        %get3A_1910 = tpu.vector_load %arg12[%get3A_1908, %get3A_1909] {strides = array<i32>} : memref<336x64xf32, #tpu.memory_space<vmem>>, vector<1x16xf32>,
        %get3A_1911 = vector.shape_cast %get3A_1910 : vector<1x16xf32> to vector<16xf32>
        %mul3A_1912 = arith.mulf %get3A_1911, %get3A_513 : vector<16xf32>
        %add3A_1913 = arith.addf %mul3A_1907, %mul3A_1912 : vector<16xf32>
        %get3A_1914 = arith.index_cast %add3A_1902 : i32 to index
        %get3A_1915 = arith.constant 32 : index
        %get3A_1916 = tpu.vector_load %arg12[%get3A_1914, %get3A_1915] {strides = array<i32>} : memref<336x64xf32, #tpu.memory_space<vmem>>, vector<1x16xf32>,
        %get3A_1917 = vector.shape_cast %get3A_1916 : vector<1x16xf32> to vector<16xf32>
        %mul3A_1918 = arith.mulf %get3A_1917, %get3A_517 : vector<16xf32>
        %add3A_1919 = arith.addf %add3A_1913, %mul3A_1918 : vector<16xf32>
        %get3A_1920 = arith.index_cast %add3A_1902 : i32 to index
        %get3A_1921 = arith.constant 48 : index
        %get3A_1922 = tpu.vector_load %arg12[%get3A_1920, %get3A_1921] {strides = array<i32>} : memref<336x64xf32, #tpu.memory_space<vmem>>, vector<1x16xf32>,
        %get3A_1923 = vector.shape_cast %get3A_1922 : vector<1x16xf32> to vector<16xf32>
        %mul3A_1924 = arith.mulf %get3A_1923, %get3A_521 : vector<16xf32>
        %add3A_1925 = arith.addf %add3A_1919, %mul3A_1924 : vector<16xf32>
        %lt3A_1926 = arith.constant 0 : i32
        %lt3A_1927 = vector.broadcast %lt3A_1926 : i32 to vector<16xi32>
        %lt3A_1928 = arith.cmpi slt, %xor3A_2, %lt3A_1927 : vector<16xi32>
        %add3A_1929 = arith.constant 16 : i32
        %add3A_1930 = vector.broadcast %add3A_1929 : i32 to vector<16xi32>
        %add3A_1931 = arith.addi %xor3A_2, %add3A_1930 : vector<16xi32>
        %select_n3A_1932 = arith.select %lt3A_1928, %add3A_1931, %xor3A_2 : vector<16xi1>, vector<16xi32>
        %broadcast_in_dim3A_1933 = vector.shape_cast %select_n3A_1932 : vector<16xi32> to vector<16x1xi32>
        %gather3A_1934 = vector.shape_cast %broadcast_in_dim3A_1933 : vector<16x1xi32> to vector<16xi32>
        %gather3A_1935 = tpu.dynamic_gather %add3A_1925[%gather3A_1934] in [0] : vector<16xf32>, vector<16xi32> -> vector<16xf32>
        %add3A_1936 = arith.addf %add3A_1925, %gather3A_1935 : vector<16xf32>
        %lt3A_1937 = arith.constant 0 : i32
        %lt3A_1938 = vector.broadcast %lt3A_1937 : i32 to vector<16xi32>
        %lt3A_1939 = arith.cmpi slt, %xor3A_5, %lt3A_1938 : vector<16xi32>
        %add3A_1940 = arith.constant 16 : i32
        %add3A_1941 = vector.broadcast %add3A_1940 : i32 to vector<16xi32>
        %add3A_1942 = arith.addi %xor3A_5, %add3A_1941 : vector<16xi32>
        %select_n3A_1943 = arith.select %lt3A_1939, %add3A_1942, %xor3A_5 : vector<16xi1>, vector<16xi32>
        %broadcast_in_dim3A_1944 = vector.shape_cast %select_n3A_1943 : vector<16xi32> to vector<16x1xi32>
        %gather3A_1945 = vector.shape_cast %broadcast_in_dim3A_1944 : vector<16x1xi32> to vector<16xi32>
        %gather3A_1946 = tpu.dynamic_gather %add3A_1936[%gather3A_1945] in [0] : vector<16xf32>, vector<16xi32> -> vector<16xf32>
        %add3A_1947 = arith.addf %add3A_1936, %gather3A_1946 : vector<16xf32>
        %lt3A_1948 = arith.constant 0 : i32
        %lt3A_1949 = vector.broadcast %lt3A_1948 : i32 to vector<16xi32>
        %lt3A_1950 = arith.cmpi slt, %xor3A_8, %lt3A_1949 : vector<16xi32>
        %add3A_1951 = arith.constant 16 : i32
        %add3A_1952 = vector.broadcast %add3A_1951 : i32 to vector<16xi32>
        %add3A_1953 = arith.addi %xor3A_8, %add3A_1952 : vector<16xi32>
        %select_n3A_1954 = arith.select %lt3A_1950, %add3A_1953, %xor3A_8 : vector<16xi1>, vector<16xi32>
        %broadcast_in_dim3A_1955 = vector.shape_cast %select_n3A_1954 : vector<16xi32> to vector<16x1xi32>
        %gather3A_1956 = vector.shape_cast %broadcast_in_dim3A_1955 : vector<16x1xi32> to vector<16xi32>
        %gather3A_1957 = tpu.dynamic_gather %add3A_1947[%gather3A_1956] in [0] : vector<16xf32>, vector<16xi32> -> vector<16xf32>
        %add3A_1958 = arith.addf %add3A_1947, %gather3A_1957 : vector<16xf32>
        %lt3A_1959 = arith.constant 0 : i32
        %lt3A_1960 = vector.broadcast %lt3A_1959 : i32 to vector<16xi32>
        %lt3A_1961 = arith.cmpi slt, %xor3A_11, %lt3A_1960 : vector<16xi32>
        %add3A_1962 = arith.constant 16 : i32
        %add3A_1963 = vector.broadcast %add3A_1962 : i32 to vector<16xi32>
        %add3A_1964 = arith.addi %xor3A_11, %add3A_1963 : vector<16xi32>
        %select_n3A_1965 = arith.select %lt3A_1961, %add3A_1964, %xor3A_11 : vector<16xi1>, vector<16xi32>
        %broadcast_in_dim3A_1966 = vector.shape_cast %select_n3A_1965 : vector<16xi32> to vector<16x1xi32>
        %gather3A_1967 = vector.shape_cast %broadcast_in_dim3A_1966 : vector<16x1xi32> to vector<16xi32>
        %gather3A_1968 = tpu.dynamic_gather %add3A_1958[%gather3A_1967] in [0] : vector<16xf32>, vector<16xi32> -> vector<16xf32>
        %add3A_1969 = arith.addf %add3A_1958, %gather3A_1968 : vector<16xf32>
        %neg3A_1970 = arith.constant 0.000000e+00 : f32
        %neg3A_1971 = vector.broadcast %neg3A_1970 : f32 to vector<16xf32>
        %neg3A_1972 = arith.subf %neg3A_1971, %add3A_1969 : vector<16xf32>
        %select_n3A_1973 = arith.select %eq3A_545, %neg3A_1972, %scan3A_504 : vector<16xi1>, vector<16xf32>
        %mul3A_1974 = arith.constant 20 : i32
        %mul3A_1975 = arith.muli %scan3A_485, %mul3A_1974 : i32
        %add3A_1976 = arith.constant 16 : i32
        %add3A_1977 = arith.addi %add3A_1976, %mul3A_1975 : i32
        %add3A_1978 = arith.constant 18 : i32
        %add3A_1979 = arith.addi %add3A_1977, %add3A_1978 : i32
        %get3A_1980 = arith.index_cast %add3A_1979 : i32 to index
        %get3A_1981 = arith.constant 0 : index
        %get3A_1982 = tpu.vector_load %arg12[%get3A_1980, %get3A_1981] {strides = array<i32>} : memref<336x64xf32, #tpu.memory_space<vmem>>, vector<1x16xf32>,
        %get3A_1983 = vector.shape_cast %get3A_1982 : vector<1x16xf32> to vector<16xf32>
        %mul3A_1984 = arith.mulf %get3A_1983, %get3A_509 : vector<16xf32>
        %get3A_1985 = arith.index_cast %add3A_1979 : i32 to index
        %get3A_1986 = arith.constant 16 : index
        %get3A_1987 = tpu.vector_load %arg12[%get3A_1985, %get3A_1986] {strides = array<i32>} : memref<336x64xf32, #tpu.memory_space<vmem>>, vector<1x16xf32>,
        %get3A_1988 = vector.shape_cast %get3A_1987 : vector<1x16xf32> to vector<16xf32>
        %mul3A_1989 = arith.mulf %get3A_1988, %get3A_513 : vector<16xf32>
        %add3A_1990 = arith.addf %mul3A_1984, %mul3A_1989 : vector<16xf32>
        %get3A_1991 = arith.index_cast %add3A_1979 : i32 to index
        %get3A_1992 = arith.constant 32 : index
        %get3A_1993 = tpu.vector_load %arg12[%get3A_1991, %get3A_1992] {strides = array<i32>} : memref<336x64xf32, #tpu.memory_space<vmem>>, vector<1x16xf32>,
        %get3A_1994 = vector.shape_cast %get3A_1993 : vector<1x16xf32> to vector<16xf32>
        %mul3A_1995 = arith.mulf %get3A_1994, %get3A_517 : vector<16xf32>
        %add3A_1996 = arith.addf %add3A_1990, %mul3A_1995 : vector<16xf32>
        %get3A_1997 = arith.index_cast %add3A_1979 : i32 to index
        %get3A_1998 = arith.constant 48 : index
        %get3A_1999 = tpu.vector_load %arg12[%get3A_1997, %get3A_1998] {strides = array<i32>} : memref<336x64xf32, #tpu.memory_space<vmem>>, vector<1x16xf32>,
        %get3A_2000 = vector.shape_cast %get3A_1999 : vector<1x16xf32> to vector<16xf32>
        %mul3A_2001 = arith.mulf %get3A_2000, %get3A_521 : vector<16xf32>
        %add3A_2002 = arith.addf %add3A_1996, %mul3A_2001 : vector<16xf32>
        %lt3A_2003 = arith.constant 0 : i32
        %lt3A_2004 = vector.broadcast %lt3A_2003 : i32 to vector<16xi32>
        %lt3A_2005 = arith.cmpi slt, %xor3A_2, %lt3A_2004 : vector<16xi32>
        %add3A_2006 = arith.constant 16 : i32
        %add3A_2007 = vector.broadcast %add3A_2006 : i32 to vector<16xi32>
        %add3A_2008 = arith.addi %xor3A_2, %add3A_2007 : vector<16xi32>
        %select_n3A_2009 = arith.select %lt3A_2005, %add3A_2008, %xor3A_2 : vector<16xi1>, vector<16xi32>
        %broadcast_in_dim3A_2010 = vector.shape_cast %select_n3A_2009 : vector<16xi32> to vector<16x1xi32>
        %gather3A_2011 = vector.shape_cast %broadcast_in_dim3A_2010 : vector<16x1xi32> to vector<16xi32>
        %gather3A_2012 = tpu.dynamic_gather %add3A_2002[%gather3A_2011] in [0] : vector<16xf32>, vector<16xi32> -> vector<16xf32>
        %add3A_2013 = arith.addf %add3A_2002, %gather3A_2012 : vector<16xf32>
        %lt3A_2014 = arith.constant 0 : i32
        %lt3A_2015 = vector.broadcast %lt3A_2014 : i32 to vector<16xi32>
        %lt3A_2016 = arith.cmpi slt, %xor3A_5, %lt3A_2015 : vector<16xi32>
        %add3A_2017 = arith.constant 16 : i32
        %add3A_2018 = vector.broadcast %add3A_2017 : i32 to vector<16xi32>
        %add3A_2019 = arith.addi %xor3A_5, %add3A_2018 : vector<16xi32>
        %select_n3A_2020 = arith.select %lt3A_2016, %add3A_2019, %xor3A_5 : vector<16xi1>, vector<16xi32>
        %broadcast_in_dim3A_2021 = vector.shape_cast %select_n3A_2020 : vector<16xi32> to vector<16x1xi32>
        %gather3A_2022 = vector.shape_cast %broadcast_in_dim3A_2021 : vector<16x1xi32> to vector<16xi32>
        %gather3A_2023 = tpu.dynamic_gather %add3A_2013[%gather3A_2022] in [0] : vector<16xf32>, vector<16xi32> -> vector<16xf32>
        %add3A_2024 = arith.addf %add3A_2013, %gather3A_2023 : vector<16xf32>
        %lt3A_2025 = arith.constant 0 : i32
        %lt3A_2026 = vector.broadcast %lt3A_2025 : i32 to vector<16xi32>
        %lt3A_2027 = arith.cmpi slt, %xor3A_8, %lt3A_2026 : vector<16xi32>
        %add3A_2028 = arith.constant 16 : i32
        %add3A_2029 = vector.broadcast %add3A_2028 : i32 to vector<16xi32>
        %add3A_2030 = arith.addi %xor3A_8, %add3A_2029 : vector<16xi32>
        %select_n3A_2031 = arith.select %lt3A_2027, %add3A_2030, %xor3A_8 : vector<16xi1>, vector<16xi32>
        %broadcast_in_dim3A_2032 = vector.shape_cast %select_n3A_2031 : vector<16xi32> to vector<16x1xi32>
        %gather3A_2033 = vector.shape_cast %broadcast_in_dim3A_2032 : vector<16x1xi32> to vector<16xi32>
        %gather3A_2034 = tpu.dynamic_gather %add3A_2024[%gather3A_2033] in [0] : vector<16xf32>, vector<16xi32> -> vector<16xf32>
        %add3A_2035 = arith.addf %add3A_2024, %gather3A_2034 : vector<16xf32>
        %lt3A_2036 = arith.constant 0 : i32
        %lt3A_2037 = vector.broadcast %lt3A_2036 : i32 to vector<16xi32>
        %lt3A_2038 = arith.cmpi slt, %xor3A_11, %lt3A_2037 : vector<16xi32>
        %add3A_2039 = arith.constant 16 : i32
        %add3A_2040 = vector.broadcast %add3A_2039 : i32 to vector<16xi32>
        %add3A_2041 = arith.addi %xor3A_11, %add3A_2040 : vector<16xi32>
        %select_n3A_2042 = arith.select %lt3A_2038, %add3A_2041, %xor3A_11 : vector<16xi1>, vector<16xi32>
        %broadcast_in_dim3A_2043 = vector.shape_cast %select_n3A_2042 : vector<16xi32> to vector<16x1xi32>
        %gather3A_2044 = vector.shape_cast %broadcast_in_dim3A_2043 : vector<16x1xi32> to vector<16xi32>
        %gather3A_2045 = tpu.dynamic_gather %add3A_2035[%gather3A_2044] in [0] : vector<16xf32>, vector<16xi32> -> vector<16xf32>
        %add3A_2046 = arith.addf %add3A_2035, %gather3A_2045 : vector<16xf32>
        %neg3A_2047 = arith.constant 0.000000e+00 : f32
        %neg3A_2048 = vector.broadcast %neg3A_2047 : f32 to vector<16xf32>
        %neg3A_2049 = arith.subf %neg3A_2048, %add3A_2046 : vector<16xf32>
        %select_n3A_2050 = arith.select %eq3A_545, %neg3A_2049, %scan3A_505 : vector<16xi1>, vector<16xf32>
        %mul3A_2051 = arith.constant 20 : i32
        %mul3A_2052 = arith.muli %scan3A_485, %mul3A_2051 : i32
        %add3A_2053 = arith.constant 16 : i32
        %add3A_2054 = arith.addi %add3A_2053, %mul3A_2052 : i32
        %add3A_2055 = arith.constant 19 : i32
        %add3A_2056 = arith.addi %add3A_2054, %add3A_2055 : i32
        %get3A_2057 = arith.index_cast %add3A_2056 : i32 to index
        %get3A_2058 = arith.constant 0 : index
        %get3A_2059 = tpu.vector_load %arg12[%get3A_2057, %get3A_2058] {strides = array<i32>} : memref<336x64xf32, #tpu.memory_space<vmem>>, vector<1x16xf32>,
        %get3A_2060 = vector.shape_cast %get3A_2059 : vector<1x16xf32> to vector<16xf32>
        %mul3A_2061 = arith.mulf %get3A_2060, %get3A_509 : vector<16xf32>
        %get3A_2062 = arith.index_cast %add3A_2056 : i32 to index
        %get3A_2063 = arith.constant 16 : index
        %get3A_2064 = tpu.vector_load %arg12[%get3A_2062, %get3A_2063] {strides = array<i32>} : memref<336x64xf32, #tpu.memory_space<vmem>>, vector<1x16xf32>,
        %get3A_2065 = vector.shape_cast %get3A_2064 : vector<1x16xf32> to vector<16xf32>
        %mul3A_2066 = arith.mulf %get3A_2065, %get3A_513 : vector<16xf32>
        %add3A_2067 = arith.addf %mul3A_2061, %mul3A_2066 : vector<16xf32>
        %get3A_2068 = arith.index_cast %add3A_2056 : i32 to index
        %get3A_2069 = arith.constant 32 : index
        %get3A_2070 = tpu.vector_load %arg12[%get3A_2068, %get3A_2069] {strides = array<i32>} : memref<336x64xf32, #tpu.memory_space<vmem>>, vector<1x16xf32>,
        %get3A_2071 = vector.shape_cast %get3A_2070 : vector<1x16xf32> to vector<16xf32>
        %mul3A_2072 = arith.mulf %get3A_2071, %get3A_517 : vector<16xf32>
        %add3A_2073 = arith.addf %add3A_2067, %mul3A_2072 : vector<16xf32>
        %get3A_2074 = arith.index_cast %add3A_2056 : i32 to index
        %get3A_2075 = arith.constant 48 : index
        %get3A_2076 = tpu.vector_load %arg12[%get3A_2074, %get3A_2075] {strides = array<i32>} : memref<336x64xf32, #tpu.memory_space<vmem>>, vector<1x16xf32>,
        %get3A_2077 = vector.shape_cast %get3A_2076 : vector<1x16xf32> to vector<16xf32>
        %mul3A_2078 = arith.mulf %get3A_2077, %get3A_521 : vector<16xf32>
        %add3A_2079 = arith.addf %add3A_2073, %mul3A_2078 : vector<16xf32>
        %lt3A_2080 = arith.constant 0 : i32
        %lt3A_2081 = vector.broadcast %lt3A_2080 : i32 to vector<16xi32>
        %lt3A_2082 = arith.cmpi slt, %xor3A_2, %lt3A_2081 : vector<16xi32>
        %add3A_2083 = arith.constant 16 : i32
        %add3A_2084 = vector.broadcast %add3A_2083 : i32 to vector<16xi32>
        %add3A_2085 = arith.addi %xor3A_2, %add3A_2084 : vector<16xi32>
        %select_n3A_2086 = arith.select %lt3A_2082, %add3A_2085, %xor3A_2 : vector<16xi1>, vector<16xi32>
        %broadcast_in_dim3A_2087 = vector.shape_cast %select_n3A_2086 : vector<16xi32> to vector<16x1xi32>
        %gather3A_2088 = vector.shape_cast %broadcast_in_dim3A_2087 : vector<16x1xi32> to vector<16xi32>
        %gather3A_2089 = tpu.dynamic_gather %add3A_2079[%gather3A_2088] in [0] : vector<16xf32>, vector<16xi32> -> vector<16xf32>
        %add3A_2090 = arith.addf %add3A_2079, %gather3A_2089 : vector<16xf32>
        %lt3A_2091 = arith.constant 0 : i32
        %lt3A_2092 = vector.broadcast %lt3A_2091 : i32 to vector<16xi32>
        %lt3A_2093 = arith.cmpi slt, %xor3A_5, %lt3A_2092 : vector<16xi32>
        %add3A_2094 = arith.constant 16 : i32
        %add3A_2095 = vector.broadcast %add3A_2094 : i32 to vector<16xi32>
        %add3A_2096 = arith.addi %xor3A_5, %add3A_2095 : vector<16xi32>
        %select_n3A_2097 = arith.select %lt3A_2093, %add3A_2096, %xor3A_5 : vector<16xi1>, vector<16xi32>
        %broadcast_in_dim3A_2098 = vector.shape_cast %select_n3A_2097 : vector<16xi32> to vector<16x1xi32>
        %gather3A_2099 = vector.shape_cast %broadcast_in_dim3A_2098 : vector<16x1xi32> to vector<16xi32>
        %gather3A_2100 = tpu.dynamic_gather %add3A_2090[%gather3A_2099] in [0] : vector<16xf32>, vector<16xi32> -> vector<16xf32>
        %add3A_2101 = arith.addf %add3A_2090, %gather3A_2100 : vector<16xf32>
        %lt3A_2102 = arith.constant 0 : i32
        %lt3A_2103 = vector.broadcast %lt3A_2102 : i32 to vector<16xi32>
        %lt3A_2104 = arith.cmpi slt, %xor3A_8, %lt3A_2103 : vector<16xi32>
        %add3A_2105 = arith.constant 16 : i32
        %add3A_2106 = vector.broadcast %add3A_2105 : i32 to vector<16xi32>
        %add3A_2107 = arith.addi %xor3A_8, %add3A_2106 : vector<16xi32>
        %select_n3A_2108 = arith.select %lt3A_2104, %add3A_2107, %xor3A_8 : vector<16xi1>, vector<16xi32>
        %broadcast_in_dim3A_2109 = vector.shape_cast %select_n3A_2108 : vector<16xi32> to vector<16x1xi32>
        %gather3A_2110 = vector.shape_cast %broadcast_in_dim3A_2109 : vector<16x1xi32> to vector<16xi32>
        %gather3A_2111 = tpu.dynamic_gather %add3A_2101[%gather3A_2110] in [0] : vector<16xf32>, vector<16xi32> -> vector<16xf32>
        %add3A_2112 = arith.addf %add3A_2101, %gather3A_2111 : vector<16xf32>
        %lt3A_2113 = arith.constant 0 : i32
        %lt3A_2114 = vector.broadcast %lt3A_2113 : i32 to vector<16xi32>
        %lt3A_2115 = arith.cmpi slt, %xor3A_11, %lt3A_2114 : vector<16xi32>
        %add3A_2116 = arith.constant 16 : i32
        %add3A_2117 = vector.broadcast %add3A_2116 : i32 to vector<16xi32>
        %add3A_2118 = arith.addi %xor3A_11, %add3A_2117 : vector<16xi32>
        %select_n3A_2119 = arith.select %lt3A_2115, %add3A_2118, %xor3A_11 : vector<16xi1>, vector<16xi32>
        %broadcast_in_dim3A_2120 = vector.shape_cast %select_n3A_2119 : vector<16xi32> to vector<16x1xi32>
        %gather3A_2121 = vector.shape_cast %broadcast_in_dim3A_2120 : vector<16x1xi32> to vector<16xi32>
        %gather3A_2122 = tpu.dynamic_gather %add3A_2112[%gather3A_2121] in [0] : vector<16xf32>, vector<16xi32> -> vector<16xf32>
        %add3A_2123 = arith.addf %add3A_2112, %gather3A_2122 : vector<16xf32>
        %neg3A_2124 = arith.constant 0.000000e+00 : f32
        %neg3A_2125 = vector.broadcast %neg3A_2124 : f32 to vector<16xf32>
        %neg3A_2126 = arith.subf %neg3A_2125, %add3A_2123 : vector<16xf32>
        %select_n3A_2127 = arith.select %eq3A_545, %neg3A_2126, %scan3A_506 : vector<16xi1>, vector<16xf32>
        scf.yield %select_n3A_588, %select_n3A_664, %select_n3A_741, %select_n3A_818, %select_n3A_895, %select_n3A_972, %select_n3A_1049, %select_n3A_1126, %select_n3A_1203, %select_n3A_1280, %select_n3A_1357, %select_n3A_1434, %select_n3A_1511, %select_n3A_1588, %select_n3A_1665, %select_n3A_1742, %select_n3A_1819, %select_n3A_1896, %select_n3A_1973, %select_n3A_2050, %select_n3A_2127 : vector<16xf32>, vector<16xf32>, vector<16xf32>, vector<16xf32>, vector<16xf32>, vector<16xf32>, vector<16xf32>, vector<16xf32>, vector<16xf32>, vector<16xf32>, vector<16xf32>, vector<16xf32>, vector<16xf32>, vector<16xf32>, vector<16xf32>, vector<16xf32>, vector<16xf32>, vector<16xf32>, vector<16xf32>, vector<16xf32>, vector<16xf32>
      }
      %scan3A_330 = arith.constant 16 : i32
      %swap3A_331 = arith.constant 0 : i32
      %swap3A_332 = arith.index_cast %swap3A_331 : i32 to index
      %swap3A_333 = arith.index_cast %add3A_324 : i32 to index
      %swap3A_334 = arith.constant 0 : index
      %swap3A_335 = tpu.vector_load %arg13[%swap3A_332, %swap3A_333, %swap3A_334] {strides = array<i32>} : memref<21x32x16xf32, #tpu.memory_space<vmem>>, vector<1x1x16xf32>,
      %swap3A_336 = vector.shape_cast %swap3A_335 : vector<1x1x16xf32> to vector<16xf32>
      %swap3A_337 = vector.shape_cast %scan3A_329#0 : vector<16xf32> to vector<1x1x16xf32>
      tpu.vector_store %arg13[%swap3A_332, %swap3A_333, %swap3A_334], %swap3A_337 {strides = array<i32>} : memref<21x32x16xf32, #tpu.memory_space<vmem>>, vector<1x1x16xf32>,
      %swap3A_338 = arith.constant 1 : i32
      %swap3A_339 = arith.index_cast %swap3A_338 : i32 to index
      %swap3A_340 = arith.index_cast %add3A_324 : i32 to index
      %swap3A_341 = arith.constant 0 : index
      %swap3A_342 = tpu.vector_load %arg13[%swap3A_339, %swap3A_340, %swap3A_341] {strides = array<i32>} : memref<21x32x16xf32, #tpu.memory_space<vmem>>, vector<1x1x16xf32>,
      %swap3A_343 = vector.shape_cast %swap3A_342 : vector<1x1x16xf32> to vector<16xf32>
      %swap3A_344 = vector.shape_cast %scan3A_329#1 : vector<16xf32> to vector<1x1x16xf32>
      tpu.vector_store %arg13[%swap3A_339, %swap3A_340, %swap3A_341], %swap3A_344 {strides = array<i32>} : memref<21x32x16xf32, #tpu.memory_space<vmem>>, vector<1x1x16xf32>,
      %swap3A_345 = arith.constant 2 : i32
      %swap3A_346 = arith.index_cast %swap3A_345 : i32 to index
      %swap3A_347 = arith.index_cast %add3A_324 : i32 to index
      %swap3A_348 = arith.constant 0 : index
      %swap3A_349 = tpu.vector_load %arg13[%swap3A_346, %swap3A_347, %swap3A_348] {strides = array<i32>} : memref<21x32x16xf32, #tpu.memory_space<vmem>>, vector<1x1x16xf32>,
      %swap3A_350 = vector.shape_cast %swap3A_349 : vector<1x1x16xf32> to vector<16xf32>
      %swap3A_351 = vector.shape_cast %scan3A_329#2 : vector<16xf32> to vector<1x1x16xf32>
      tpu.vector_store %arg13[%swap3A_346, %swap3A_347, %swap3A_348], %swap3A_351 {strides = array<i32>} : memref<21x32x16xf32, #tpu.memory_space<vmem>>, vector<1x1x16xf32>,
      %swap3A_352 = arith.constant 3 : i32
      %swap3A_353 = arith.index_cast %swap3A_352 : i32 to index
      %swap3A_354 = arith.index_cast %add3A_324 : i32 to index
      %swap3A_355 = arith.constant 0 : index
      %swap3A_356 = tpu.vector_load %arg13[%swap3A_353, %swap3A_354, %swap3A_355] {strides = array<i32>} : memref<21x32x16xf32, #tpu.memory_space<vmem>>, vector<1x1x16xf32>,
      %swap3A_357 = vector.shape_cast %swap3A_356 : vector<1x1x16xf32> to vector<16xf32>
      %swap3A_358 = vector.shape_cast %scan3A_329#3 : vector<16xf32> to vector<1x1x16xf32>
      tpu.vector_store %arg13[%swap3A_353, %swap3A_354, %swap3A_355], %swap3A_358 {strides = array<i32>} : memref<21x32x16xf32, #tpu.memory_space<vmem>>, vector<1x1x16xf32>,
      %swap3A_359 = arith.constant 4 : i32
      %swap3A_360 = arith.index_cast %swap3A_359 : i32 to index
      %swap3A_361 = arith.index_cast %add3A_324 : i32 to index
      %swap3A_362 = arith.constant 0 : index
      %swap3A_363 = tpu.vector_load %arg13[%swap3A_360, %swap3A_361, %swap3A_362] {strides = array<i32>} : memref<21x32x16xf32, #tpu.memory_space<vmem>>, vector<1x1x16xf32>,
      %swap3A_364 = vector.shape_cast %swap3A_363 : vector<1x1x16xf32> to vector<16xf32>
      %swap3A_365 = vector.shape_cast %scan3A_329#4 : vector<16xf32> to vector<1x1x16xf32>
      tpu.vector_store %arg13[%swap3A_360, %swap3A_361, %swap3A_362], %swap3A_365 {strides = array<i32>} : memref<21x32x16xf32, #tpu.memory_space<vmem>>, vector<1x1x16xf32>,
      %swap3A_366 = arith.constant 5 : i32
      %swap3A_367 = arith.index_cast %swap3A_366 : i32 to index
      %swap3A_368 = arith.index_cast %add3A_324 : i32 to index
      %swap3A_369 = arith.constant 0 : index
      %swap3A_370 = tpu.vector_load %arg13[%swap3A_367, %swap3A_368, %swap3A_369] {strides = array<i32>} : memref<21x32x16xf32, #tpu.memory_space<vmem>>, vector<1x1x16xf32>,
      %swap3A_371 = vector.shape_cast %swap3A_370 : vector<1x1x16xf32> to vector<16xf32>
      %swap3A_372 = vector.shape_cast %scan3A_329#5 : vector<16xf32> to vector<1x1x16xf32>
      tpu.vector_store %arg13[%swap3A_367, %swap3A_368, %swap3A_369], %swap3A_372 {strides = array<i32>} : memref<21x32x16xf32, #tpu.memory_space<vmem>>, vector<1x1x16xf32>,
      %swap3A_373 = arith.constant 6 : i32
      %swap3A_374 = arith.index_cast %swap3A_373 : i32 to index
      %swap3A_375 = arith.index_cast %add3A_324 : i32 to index
      %swap3A_376 = arith.constant 0 : index
      %swap3A_377 = tpu.vector_load %arg13[%swap3A_374, %swap3A_375, %swap3A_376] {strides = array<i32>} : memref<21x32x16xf32, #tpu.memory_space<vmem>>, vector<1x1x16xf32>,
      %swap3A_378 = vector.shape_cast %swap3A_377 : vector<1x1x16xf32> to vector<16xf32>
      %swap3A_379 = vector.shape_cast %scan3A_329#6 : vector<16xf32> to vector<1x1x16xf32>
      tpu.vector_store %arg13[%swap3A_374, %swap3A_375, %swap3A_376], %swap3A_379 {strides = array<i32>} : memref<21x32x16xf32, #tpu.memory_space<vmem>>, vector<1x1x16xf32>,
      %swap3A_380 = arith.constant 7 : i32
      %swap3A_381 = arith.index_cast %swap3A_380 : i32 to index
      %swap3A_382 = arith.index_cast %add3A_324 : i32 to index
      %swap3A_383 = arith.constant 0 : index
      %swap3A_384 = tpu.vector_load %arg13[%swap3A_381, %swap3A_382, %swap3A_383] {strides = array<i32>} : memref<21x32x16xf32, #tpu.memory_space<vmem>>, vector<1x1x16xf32>,
      %swap3A_385 = vector.shape_cast %swap3A_384 : vector<1x1x16xf32> to vector<16xf32>
      %swap3A_386 = vector.shape_cast %scan3A_329#7 : vector<16xf32> to vector<1x1x16xf32>
      tpu.vector_store %arg13[%swap3A_381, %swap3A_382, %swap3A_383], %swap3A_386 {strides = array<i32>} : memref<21x32x16xf32, #tpu.memory_space<vmem>>, vector<1x1x16xf32>,
      %swap3A_387 = arith.constant 8 : i32
      %swap3A_388 = arith.index_cast %swap3A_387 : i32 to index
      %swap3A_389 = arith.index_cast %add3A_324 : i32 to index
      %swap3A_390 = arith.constant 0 : index
      %swap3A_391 = tpu.vector_load %arg13[%swap3A_388, %swap3A_389, %swap3A_390] {strides = array<i32>} : memref<21x32x16xf32, #tpu.memory_space<vmem>>, vector<1x1x16xf32>,
      %swap3A_392 = vector.shape_cast %swap3A_391 : vector<1x1x16xf32> to vector<16xf32>
      %swap3A_393 = vector.shape_cast %scan3A_329#8 : vector<16xf32> to vector<1x1x16xf32>
      tpu.vector_store %arg13[%swap3A_388, %swap3A_389, %swap3A_390], %swap3A_393 {strides = array<i32>} : memref<21x32x16xf32, #tpu.memory_space<vmem>>, vector<1x1x16xf32>,
      %swap3A_394 = arith.constant 9 : i32
      %swap3A_395 = arith.index_cast %swap3A_394 : i32 to index
      %swap3A_396 = arith.index_cast %add3A_324 : i32 to index
      %swap3A_397 = arith.constant 0 : index
      %swap3A_398 = tpu.vector_load %arg13[%swap3A_395, %swap3A_396, %swap3A_397] {strides = array<i32>} : memref<21x32x16xf32, #tpu.memory_space<vmem>>, vector<1x1x16xf32>,
      %swap3A_399 = vector.shape_cast %swap3A_398 : vector<1x1x16xf32> to vector<16xf32>
      %swap3A_400 = vector.shape_cast %scan3A_329#9 : vector<16xf32> to vector<1x1x16xf32>
      tpu.vector_store %arg13[%swap3A_395, %swap3A_396, %swap3A_397], %swap3A_400 {strides = array<i32>} : memref<21x32x16xf32, #tpu.memory_space<vmem>>, vector<1x1x16xf32>,
      %swap3A_401 = arith.constant 10 : i32
      %swap3A_402 = arith.index_cast %swap3A_401 : i32 to index
      %swap3A_403 = arith.index_cast %add3A_324 : i32 to index
      %swap3A_404 = arith.constant 0 : index
      %swap3A_405 = tpu.vector_load %arg13[%swap3A_402, %swap3A_403, %swap3A_404] {strides = array<i32>} : memref<21x32x16xf32, #tpu.memory_space<vmem>>, vector<1x1x16xf32>,
      %swap3A_406 = vector.shape_cast %swap3A_405 : vector<1x1x16xf32> to vector<16xf32>
      %swap3A_407 = vector.shape_cast %scan3A_329#10 : vector<16xf32> to vector<1x1x16xf32>
      tpu.vector_store %arg13[%swap3A_402, %swap3A_403, %swap3A_404], %swap3A_407 {strides = array<i32>} : memref<21x32x16xf32, #tpu.memory_space<vmem>>, vector<1x1x16xf32>,
      %swap3A_408 = arith.constant 11 : i32
      %swap3A_409 = arith.index_cast %swap3A_408 : i32 to index
      %swap3A_410 = arith.index_cast %add3A_324 : i32 to index
      %swap3A_411 = arith.constant 0 : index
      %swap3A_412 = tpu.vector_load %arg13[%swap3A_409, %swap3A_410, %swap3A_411] {strides = array<i32>} : memref<21x32x16xf32, #tpu.memory_space<vmem>>, vector<1x1x16xf32>,
      %swap3A_413 = vector.shape_cast %swap3A_412 : vector<1x1x16xf32> to vector<16xf32>
      %swap3A_414 = vector.shape_cast %scan3A_329#11 : vector<16xf32> to vector<1x1x16xf32>
      tpu.vector_store %arg13[%swap3A_409, %swap3A_410, %swap3A_411], %swap3A_414 {strides = array<i32>} : memref<21x32x16xf32, #tpu.memory_space<vmem>>, vector<1x1x16xf32>,
      %swap3A_415 = arith.constant 12 : i32
      %swap3A_416 = arith.index_cast %swap3A_415 : i32 to index
      %swap3A_417 = arith.index_cast %add3A_324 : i32 to index
      %swap3A_418 = arith.constant 0 : index
      %swap3A_419 = tpu.vector_load %arg13[%swap3A_416, %swap3A_417, %swap3A_418] {strides = array<i32>} : memref<21x32x16xf32, #tpu.memory_space<vmem>>, vector<1x1x16xf32>,
      %swap3A_420 = vector.shape_cast %swap3A_419 : vector<1x1x16xf32> to vector<16xf32>
      %swap3A_421 = vector.shape_cast %scan3A_329#12 : vector<16xf32> to vector<1x1x16xf32>
      tpu.vector_store %arg13[%swap3A_416, %swap3A_417, %swap3A_418], %swap3A_421 {strides = array<i32>} : memref<21x32x16xf32, #tpu.memory_space<vmem>>, vector<1x1x16xf32>,
      %swap3A_422 = arith.constant 13 : i32
      %swap3A_423 = arith.index_cast %swap3A_422 : i32 to index
      %swap3A_424 = arith.index_cast %add3A_324 : i32 to index
      %swap3A_425 = arith.constant 0 : index
      %swap3A_426 = tpu.vector_load %arg13[%swap3A_423, %swap3A_424, %swap3A_425] {strides = array<i32>} : memref<21x32x16xf32, #tpu.memory_space<vmem>>, vector<1x1x16xf32>,
      %swap3A_427 = vector.shape_cast %swap3A_426 : vector<1x1x16xf32> to vector<16xf32>
      %swap3A_428 = vector.shape_cast %scan3A_329#13 : vector<16xf32> to vector<1x1x16xf32>
      tpu.vector_store %arg13[%swap3A_423, %swap3A_424, %swap3A_425], %swap3A_428 {strides = array<i32>} : memref<21x32x16xf32, #tpu.memory_space<vmem>>, vector<1x1x16xf32>,
      %swap3A_429 = arith.constant 14 : i32
      %swap3A_430 = arith.index_cast %swap3A_429 : i32 to index
      %swap3A_431 = arith.index_cast %add3A_324 : i32 to index
      %swap3A_432 = arith.constant 0 : index
      %swap3A_433 = tpu.vector_load %arg13[%swap3A_430, %swap3A_431, %swap3A_432] {strides = array<i32>} : memref<21x32x16xf32, #tpu.memory_space<vmem>>, vector<1x1x16xf32>,
      %swap3A_434 = vector.shape_cast %swap3A_433 : vector<1x1x16xf32> to vector<16xf32>
      %swap3A_435 = vector.shape_cast %scan3A_329#14 : vector<16xf32> to vector<1x1x16xf32>
      tpu.vector_store %arg13[%swap3A_430, %swap3A_431, %swap3A_432], %swap3A_435 {strides = array<i32>} : memref<21x32x16xf32, #tpu.memory_space<vmem>>, vector<1x1x16xf32>,
      %swap3A_436 = arith.constant 15 : i32
      %swap3A_437 = arith.index_cast %swap3A_436 : i32 to index
      %swap3A_438 = arith.index_cast %add3A_324 : i32 to index
      %swap3A_439 = arith.constant 0 : index
      %swap3A_440 = tpu.vector_load %arg13[%swap3A_437, %swap3A_438, %swap3A_439] {strides = array<i32>} : memref<21x32x16xf32, #tpu.memory_space<vmem>>, vector<1x1x16xf32>,
      %swap3A_441 = vector.shape_cast %swap3A_440 : vector<1x1x16xf32> to vector<16xf32>
      %swap3A_442 = vector.shape_cast %scan3A_329#15 : vector<16xf32> to vector<1x1x16xf32>
      tpu.vector_store %arg13[%swap3A_437, %swap3A_438, %swap3A_439], %swap3A_442 {strides = array<i32>} : memref<21x32x16xf32, #tpu.memory_space<vmem>>, vector<1x1x16xf32>,
      %swap3A_443 = arith.constant 16 : i32
      %swap3A_444 = arith.index_cast %swap3A_443 : i32 to index
      %swap3A_445 = arith.index_cast %add3A_324 : i32 to index
      %swap3A_446 = arith.constant 0 : index
      %swap3A_447 = tpu.vector_load %arg13[%swap3A_444, %swap3A_445, %swap3A_446] {strides = array<i32>} : memref<21x32x16xf32, #tpu.memory_space<vmem>>, vector<1x1x16xf32>,
      %swap3A_448 = vector.shape_cast %swap3A_447 : vector<1x1x16xf32> to vector<16xf32>
      %swap3A_449 = vector.shape_cast %scan3A_329#16 : vector<16xf32> to vector<1x1x16xf32>
      tpu.vector_store %arg13[%swap3A_444, %swap3A_445, %swap3A_446], %swap3A_449 {strides = array<i32>} : memref<21x32x16xf32, #tpu.memory_space<vmem>>, vector<1x1x16xf32>,
      %swap3A_450 = arith.constant 17 : i32
      %swap3A_451 = arith.index_cast %swap3A_450 : i32 to index
      %swap3A_452 = arith.index_cast %add3A_324 : i32 to index
      %swap3A_453 = arith.constant 0 : index
      %swap3A_454 = tpu.vector_load %arg13[%swap3A_451, %swap3A_452, %swap3A_453] {strides = array<i32>} : memref<21x32x16xf32, #tpu.memory_space<vmem>>, vector<1x1x16xf32>,
      %swap3A_455 = vector.shape_cast %swap3A_454 : vector<1x1x16xf32> to vector<16xf32>
      %swap3A_456 = vector.shape_cast %scan3A_329#17 : vector<16xf32> to vector<1x1x16xf32>
      tpu.vector_store %arg13[%swap3A_451, %swap3A_452, %swap3A_453], %swap3A_456 {strides = array<i32>} : memref<21x32x16xf32, #tpu.memory_space<vmem>>, vector<1x1x16xf32>,
      %swap3A_457 = arith.constant 18 : i32
      %swap3A_458 = arith.index_cast %swap3A_457 : i32 to index
      %swap3A_459 = arith.index_cast %add3A_324 : i32 to index
      %swap3A_460 = arith.constant 0 : index
      %swap3A_461 = tpu.vector_load %arg13[%swap3A_458, %swap3A_459, %swap3A_460] {strides = array<i32>} : memref<21x32x16xf32, #tpu.memory_space<vmem>>, vector<1x1x16xf32>,
      %swap3A_462 = vector.shape_cast %swap3A_461 : vector<1x1x16xf32> to vector<16xf32>
      %swap3A_463 = vector.shape_cast %scan3A_329#18 : vector<16xf32> to vector<1x1x16xf32>
      tpu.vector_store %arg13[%swap3A_458, %swap3A_459, %swap3A_460], %swap3A_463 {strides = array<i32>} : memref<21x32x16xf32, #tpu.memory_space<vmem>>, vector<1x1x16xf32>,
      %swap3A_464 = arith.constant 19 : i32
      %swap3A_465 = arith.index_cast %swap3A_464 : i32 to index
      %swap3A_466 = arith.index_cast %add3A_324 : i32 to index
      %swap3A_467 = arith.constant 0 : index
      %swap3A_468 = tpu.vector_load %arg13[%swap3A_465, %swap3A_466, %swap3A_467] {strides = array<i32>} : memref<21x32x16xf32, #tpu.memory_space<vmem>>, vector<1x1x16xf32>,
      %swap3A_469 = vector.shape_cast %swap3A_468 : vector<1x1x16xf32> to vector<16xf32>
      %swap3A_470 = vector.shape_cast %scan3A_329#19 : vector<16xf32> to vector<1x1x16xf32>
      tpu.vector_store %arg13[%swap3A_465, %swap3A_466, %swap3A_467], %swap3A_470 {strides = array<i32>} : memref<21x32x16xf32, #tpu.memory_space<vmem>>, vector<1x1x16xf32>,
      %swap3A_471 = arith.constant 20 : i32
      %swap3A_472 = arith.index_cast %swap3A_471 : i32 to index
      %swap3A_473 = arith.index_cast %add3A_324 : i32 to index
      %swap3A_474 = arith.constant 0 : index
      %swap3A_475 = tpu.vector_load %arg13[%swap3A_472, %swap3A_473, %swap3A_474] {strides = array<i32>} : memref<21x32x16xf32, #tpu.memory_space<vmem>>, vector<1x1x16xf32>,
      %swap3A_476 = vector.shape_cast %swap3A_475 : vector<1x1x16xf32> to vector<16xf32>
      %swap3A_477 = vector.shape_cast %scan3A_329#20 : vector<16xf32> to vector<1x1x16xf32>
      tpu.vector_store %arg13[%swap3A_472, %swap3A_473, %swap3A_474], %swap3A_477 {strides = array<i32>} : memref<21x32x16xf32, #tpu.memory_space<vmem>>, vector<1x1x16xf32>,
      %add3A_478 = arith.constant 3 : i32
      %add3A_479 = arith.addi %mul3A_93, %add3A_478 : i32
      %lt3A_480 = arith.constant 32 : i32
      %lt3A_481 = arith.cmpi slt, %add3A_479, %lt3A_480 : i32
      %convert_element_type3A_482 = arith.extui %lt3A_481 : i1 to i32
      %cond3A_483 = arith.constant 0 : i32
      %cond3A_484 = arith.cmpi ne, %convert_element_type3A_482, %cond3A_483 : i32
      scf.if %cond3A_484 {
        %add3A_485 = arith.constant 3 : i32
        %add3A_486 = arith.addi %mul3A_93, %add3A_485 : i32
        %dma_start3A_487 = arith.constant 0 : i32
        %dma_start3A_488 = tpu.memref_slice %arg7[%add3A_486, %dma_start3A_487] : memref<32x16xi32, #tpu.memory_space<vmem>> -> memref<1x16xi32, #tpu.memory_space<vmem>>
        %dma_start3A_489 = tpu.memref_squeeze %dma_start3A_488 : memref<1x16xi32, #tpu.memory_space<vmem>> -> memref<16xi32, #tpu.memory_space<vmem>>
        %dma_start3A_490 = arith.constant 0 : i32
        %dma_start3A_491 = arith.constant 0 : i32
        %dma_start3A_492 = tpu.memref_slice %arg4[%dma_start3A_490, %dma_start3A_491] : memref<1000000x64xf32, #tpu.memory_space<hbm>> -> memref<1000000x64xf32, #tpu.memory_space<hbm>>
        tpu.enqueue_indirect_dma source(%dma_start3A_492 : memref<1000000x64xf32, #tpu.memory_space<hbm>>) target(%arg10 : memref<16x64xf32, #tpu.memory_space<vmem>>) offsets(%dma_start3A_489 : memref<16xi32, #tpu.memory_space<vmem>>) semaphore(%arg15 : memref<!tpu.dma_semaphore, #tpu.memory_space<semaphore_mem>>)
        %dma_start3A_493 = arith.constant 0 : i32
        %dma_start3A_494 = arith.constant 0 : i32
        %dma_start3A_495 = tpu.memref_slice %arg12[%dma_start3A_493, %dma_start3A_494] : memref<336x64xf32, #tpu.memory_space<vmem>> -> memref<128x64xf32, #tpu.memory_space<vmem>>
        %dma_start3A_496 = arith.constant 0 : i32
        %dma_start3A_497 = tpu.memref_slice %arg8[%add3A_486, %dma_start3A_496] : memref<32x336xi32, #tpu.memory_space<vmem>> -> memref<1x128xi32, #tpu.memory_space<vmem>>
        %dma_start3A_498 = tpu.memref_squeeze %dma_start3A_497 : memref<1x128xi32, #tpu.memory_space<vmem>> -> memref<128xi32, #tpu.memory_space<vmem>>
        %dma_start3A_499 = arith.constant 0 : i32
        %dma_start3A_500 = arith.constant 0 : i32
        %dma_start3A_501 = tpu.memref_slice %arg5[%dma_start3A_499, %dma_start3A_500] : memref<1000000x64xf32, #tpu.memory_space<hbm>> -> memref<1000000x64xf32, #tpu.memory_space<hbm>>
        tpu.enqueue_indirect_dma source(%dma_start3A_501 : memref<1000000x64xf32, #tpu.memory_space<hbm>>) target(%dma_start3A_495 : memref<128x64xf32, #tpu.memory_space<vmem>>) offsets(%dma_start3A_498 : memref<128xi32, #tpu.memory_space<vmem>>) semaphore(%arg15 : memref<!tpu.dma_semaphore, #tpu.memory_space<semaphore_mem>>)
        %dma_start3A_502 = arith.constant 128 : i32
        %dma_start3A_503 = arith.constant 0 : i32
        %dma_start3A_504 = tpu.memref_slice %arg12[%dma_start3A_502, %dma_start3A_503] : memref<336x64xf32, #tpu.memory_space<vmem>> -> memref<128x64xf32, #tpu.memory_space<vmem>>
        %dma_start3A_505 = arith.constant 128 : i32
        %dma_start3A_506 = tpu.memref_slice %arg8[%add3A_486, %dma_start3A_505] : memref<32x336xi32, #tpu.memory_space<vmem>> -> memref<1x128xi32, #tpu.memory_space<vmem>>
        %dma_start3A_507 = tpu.memref_squeeze %dma_start3A_506 : memref<1x128xi32, #tpu.memory_space<vmem>> -> memref<128xi32, #tpu.memory_space<vmem>>
        %dma_start3A_508 = arith.constant 0 : i32
        %dma_start3A_509 = arith.constant 0 : i32
        %dma_start3A_510 = tpu.memref_slice %arg5[%dma_start3A_508, %dma_start3A_509] : memref<1000000x64xf32, #tpu.memory_space<hbm>> -> memref<1000000x64xf32, #tpu.memory_space<hbm>>
        tpu.enqueue_indirect_dma source(%dma_start3A_510 : memref<1000000x64xf32, #tpu.memory_space<hbm>>) target(%dma_start3A_504 : memref<128x64xf32, #tpu.memory_space<vmem>>) offsets(%dma_start3A_507 : memref<128xi32, #tpu.memory_space<vmem>>) semaphore(%arg15 : memref<!tpu.dma_semaphore, #tpu.memory_space<semaphore_mem>>)
        %dma_start3A_511 = arith.constant 256 : i32
        %dma_start3A_512 = arith.constant 0 : i32
        %dma_start3A_513 = tpu.memref_slice %arg12[%dma_start3A_511, %dma_start3A_512] : memref<336x64xf32, #tpu.memory_space<vmem>> -> memref<80x64xf32, #tpu.memory_space<vmem>>
        %dma_start3A_514 = arith.constant 256 : i32
        %dma_start3A_515 = tpu.memref_slice %arg8[%add3A_486, %dma_start3A_514] : memref<32x336xi32, #tpu.memory_space<vmem>> -> memref<1x80xi32, #tpu.memory_space<vmem>>
        %dma_start3A_516 = tpu.memref_squeeze %dma_start3A_515 : memref<1x80xi32, #tpu.memory_space<vmem>> -> memref<80xi32, #tpu.memory_space<vmem>>
        %dma_start3A_517 = arith.constant 0 : i32
        %dma_start3A_518 = arith.constant 0 : i32
        %dma_start3A_519 = tpu.memref_slice %arg5[%dma_start3A_517, %dma_start3A_518] : memref<1000000x64xf32, #tpu.memory_space<hbm>> -> memref<1000000x64xf32, #tpu.memory_space<hbm>>
        tpu.enqueue_indirect_dma source(%dma_start3A_519 : memref<1000000x64xf32, #tpu.memory_space<hbm>>) target(%dma_start3A_513 : memref<80x64xf32, #tpu.memory_space<vmem>>) offsets(%dma_start3A_516 : memref<80xi32, #tpu.memory_space<vmem>>) semaphore(%arg15 : memref<!tpu.dma_semaphore, #tpu.memory_space<semaphore_mem>>)
      } else {
      }
    }
    %scan3A_90 = arith.constant 16 : i32
    "tpu.region"() ({
      %run_scoped3A = tpu.sem_alloc : memref<!tpu.dma_semaphore, #tpu.memory_space<semaphore_mem>>
      %dma_start3A_91 = arith.constant 0 : i32
      %dma_start3A_92 = arith.constant 0 : i32
      %dma_start3A_93 = arith.constant 0 : i32
      %dma_start3A_94 = tpu.memref_slice %arg6[%dma_start3A_91, %add3A, %dma_start3A_92, %dma_start3A_93] : memref<21x32x32x16xf32, #tpu.memory_space<hbm>> -> memref<21x1x32x16xf32, #tpu.memory_space<hbm>>
      %dma_start3A_95 = tpu.memref_squeeze %dma_start3A_94 : memref<21x1x32x16xf32, #tpu.memory_space<hbm>> -> memref<21x32x16xf32, #tpu.memory_space<hbm>>
      %dma_start3A_96 = arith.constant 0 : i32
      %dma_start3A_97 = arith.constant 0 : i32
      %dma_start3A_98 = arith.constant 0 : i32
      %dma_start3A_99 = tpu.memref_slice %arg6[%dma_start3A_96, %add3A, %dma_start3A_97, %dma_start3A_98] : memref<21x32x32x16xf32, #tpu.memory_space<hbm>> -> memref<21x1x32x16xf32, #tpu.memory_space<hbm>>
      %dma_start3A_100 = tpu.memref_squeeze %dma_start3A_99 : memref<21x1x32x16xf32, #tpu.memory_space<hbm>> -> memref<21x32x16xf32, #tpu.memory_space<hbm>>
      tpu.enqueue_dma source(%arg13 : memref<21x32x16xf32, #tpu.memory_space<vmem>>) target(%dma_start3A_100 : memref<21x32x16xf32, #tpu.memory_space<hbm>>) target_semaphore(%run_scoped3A : memref<!tpu.dma_semaphore, #tpu.memory_space<semaphore_mem>>)
      %dma_wait3A = arith.constant 0 : i32
      %dma_wait3A_101 = arith.constant 0 : i32
      %dma_wait3A_102 = arith.constant 0 : i32
      %dma_wait3A_103 = tpu.memref_slice %arg6[%dma_wait3A, %add3A, %dma_wait3A_101, %dma_wait3A_102] : memref<21x32x32x16xf32, #tpu.memory_space<hbm>> -> memref<21x1x32x16xf32, #tpu.memory_space<hbm>>
      %dma_wait3A_104 = tpu.memref_squeeze %dma_wait3A_103 : memref<21x1x32x16xf32, #tpu.memory_space<hbm>> -> memref<21x32x16xf32, #tpu.memory_space<hbm>>
      %dma_wait3A_105 = arith.constant 0 : i32
      %dma_wait3A_106 = arith.constant 0 : i32
      %dma_wait3A_107 = arith.constant 0 : i32
      %dma_wait3A_108 = tpu.memref_slice %arg6[%dma_wait3A_105, %add3A, %dma_wait3A_106, %dma_wait3A_107] : memref<21x32x32x16xf32, #tpu.memory_space<hbm>> -> memref<21x1x32x16xf32, #tpu.memory_space<hbm>>
      %dma_wait3A_109 = tpu.memref_squeeze %dma_wait3A_108 : memref<21x1x32x16xf32, #tpu.memory_space<hbm>> -> memref<21x32x16xf32, #tpu.memory_space<hbm>>
      tpu.wait_dma2 semaphore(%run_scoped3A : memref<!tpu.dma_semaphore, #tpu.memory_space<semaphore_mem>>) src(%arg13 : memref<21x32x16xf32, #tpu.memory_space<vmem>>) dst(%dma_wait3A_109 : memref<21x32x16xf32, #tpu.memory_space<hbm>>)
      tpu.yield
    }) : () -> ()
    return
  }
}

module attributes {stable_mosaic.version = 14 : i64} {
  func.func @_loss_body(%arg0: memref<21x16384xf32, #tpu.memory_space<vmem>>, %arg1: memref<1x1xf32, #tpu.memory_space<smem>>) attributes {dimension_semantics = [], scalar_prefetch = 0 : i64, scratch_operands = 0 : i64, tpu.core_type = #tpu.core_type<tc>} {
    %get3A = arith.constant 0 : index
    %get3A_0 = arith.constant 0 : index
    %get3A_1 = vector.load %arg0[%get3A, %get3A_0] : memref<21x16384xf32, #tpu.memory_space<vmem>>, vector<21x16384xf32>
    %min3A = arith.constant 0.000000e+00 : f32
    %min3A_2 = vector.broadcast %min3A : f32 to vector<21x16384xf32>
    %min3A_3 = arith.minimumf %get3A_1, %min3A_2 : vector<21x16384xf32>
    %abs3A = math.absf %get3A_1 : vector<21x16384xf32>
    %neg3A = arith.constant 0.000000e+00 : f32
    %neg3A_4 = vector.broadcast %neg3A : f32 to vector<21x16384xf32>
    %neg3A_5 = arith.subf %neg3A_4, %abs3A : vector<21x16384xf32>
    %exp3A = math.exp %neg3A_5 : vector<21x16384xf32>
    %log1p3A = math.log1p %exp3A : vector<21x16384xf32>
    %sub3A = arith.subf %min3A_3, %log1p3A : vector<21x16384xf32>
    %reduce_sum3A = vector.shape_cast %sub3A : vector<21x16384xf32> to vector<1x21x16384xf32>
    %reduce_sum3A_6 = arith.constant dense<0.000000e+00> : vector<1xf32>
    %reduce_sum3A_7 = vector.multi_reduction <add>, %reduce_sum3A, %reduce_sum3A_6 [1, 2] : vector<1x21x16384xf32> to vector<1xf32>
    %reduce_sum3A_8 = vector.shape_cast %reduce_sum3A_7 : vector<1xf32> to vector<1x1x1xf32>
    %reduce_sum3A_9 = vector.extract %reduce_sum3A_8[0, 0, 0] : f32 from vector<1x1x1xf32>
    %neg3A_10 = arith.constant 0.000000e+00 : f32
    %neg3A_11 = arith.subf %neg3A_10, %reduce_sum3A_9 : f32
    %swap3A = arith.constant 0 : index
    %swap3A_12 = arith.constant 0 : index
    %swap3A_13 = memref.load %arg1[%swap3A, %swap3A_12] : memref<1x1xf32, #tpu.memory_space<smem>>
    memref.store %neg3A_11, %arg1[%swap3A, %swap3A_12] : memref<1x1xf32, #tpu.memory_space<smem>>
    return
  }
}

</mosaic_0001>

<sc_bundles>
// kernel: kernel.4.cloned.1.call-start
scs
__scs_entry_jumppad:
0x0: {  	(pc) =	sbr.rel $0x88, $3  }
0x1: {  	(tag) =	ssettag $0x0;
	lr =	simm.s32 $0x1  }
0x2: {  	[smem:$0x3F9C] =	sst lr;
	_ =	strace $0xD0000000  }
0x3: {  	_ = 	snop  }
0x4: {  	_ = 	snop  }
0x5: {  	_ = 	snop  }
0x6: {  	_ = 	snop  }
0x7: {  	_ = 	snop  }
__scs_overlays_trampoline_lowered:
0x8: {  	[smem:$0x3FAB] =	sst s0  }
0x9: {  	[smem:$0x3FAC] =	sst s1  }
0xa: {  	[smem:$0x3FAD] =	sst s2  }
0xb: {  	[smem:$0x3FAE] =	sst s3  }
0xc: {  	[smem:$0x3FAF] =	sst s4  }
0xd: {  	[smem:$0x3FB0] =	sst s5  }
0xe: {  	[smem:$0x3FB1] =	sst s6  }
0xf: {  	[smem:$0x3FB2] =	sst s7  }
0x10: {  	[smem:$0x3FB3] =	sst s8  }
0x11: {  	[smem:$0x3FB4] =	sst s9;
	s0 =	simm.s32 @!p0 $0x0  }
0x12: {  	s1 =	sld [smem:$0x3F9A];
	s0 =	simm.s32 @p0 $0x1  }
0x13: {  	[smem:$0x3FB5] =	sst s0;
	s0 =	simm.s32 @!p1 $0x0  }
0x14: {  	s2 =	sld [smem:$0x3F99];
	s0 =	simm.s32 @p1 $0x1  }
0x15: {  	[smem:$0x3FB6] =	sst s0;
	s0 =	simm.s32 @!p2 $0x0  }
0x16: {  	s3 =	sld [smem:$0x3FDB];
	s0 =	simm.s32 @p2 $0x1  }
0x17: {  	s4 =	simm.s32 $0x1BF5;
	[smem:$0x3FB8] =	sst s0  }
0x18: {  	s0 =	sld [smem:$0x3F9B];
	_ =	swait.ge [sflag:s4], $0x0  }
0x19: {  	s7 =	sld [smem:$0x3F9C]  }
0x1a: {  	s8 =	sadd.s32 $0xFFFFE003, lr  }
0x1b: {  	s9 =	sadd.s32 $0xFFFFFEF7, lr;
	s5 =	simm.s32 $0xFFFFFFFF;
	p2 =	slt.u32 s8, $0xFFFFF086  }
0x1c: {  	p1 =	slt.u32 s9, $0xF7A;
	s5 =	simm.s32 @!p2 $0x0  }
0x1d: {  	s5 =	simm.s32 @p1 $0x1;
	p0 =	seq.s32 s7, s2  }
0x1e: {  	s7 =	smul.u32 @!p0 $0xF7A, s2;
	p2 =	seq.s32 @!p0 s5, $0x0  }
0x1f: {  	s9 =	smul.u32 $0xF7A, s1;
	s8 =	simm.s32 @!p0 $0x1BF5;
	p2 =	por !p2, p0  }
0x20: {  	[sflag:s8] =	ssyncset.s32 @!p0 $0xFFFFF086;
	s6 =	sadd.s32 @!p0 s3, s7;
	s7 =	simm.s32 @!p0 $0x108  }
0x21: {  	s3 =	sadd.s32 s3, s9;
	s6 =	sadd.s32 @!p0 $0x88, s6;
	s7 =	simm.s32 @p2 $0x1082  }
0x22: {  	[simem:s7], [sflag:s8] =	dma.local @!p0 [hbm:s6], $0xF7A  }
0x23: {  	s9 =	sor.u32 $0xD0000000, s2;
	s6 =	simm.s32 $0x108;
	_ =	swait.ge @!p0 [sflag:s8], $0x0  }
0x24: {  	s3 =	sadd.s32 $0x88, s3;
	s6 =	simm.s32 @!p1 $0x1082;
	[sflag:s4] =	ssyncset.s32 $0xFFFFF086  }
0x25: {  	[simem:s6], [sflag:s4] =	dma.local [hbm:s3], $0xF7A  }
0x26: {  	[smem:$0x3F9C] =	sst s1;
	(tag) =	ssettag s2;
	_ =	strace s9  }
0x27: {  	s1 =	sld [smem:$0x3FAC]  }
0x28: {  	s2 =	sld [smem:$0x3FAD]  }
0x29: {  	s4 =	sld [smem:$0x3FAF]  }
0x2a: {  	p0 =	seq.s32 s5, $0x0;
	s5 =	sld [smem:$0x3FB0]  }
0x2b: {  	s6 =	sld [smem:$0x3FB1]  }
0x2c: {  	s7 =	sld [smem:$0x3FB2]  }
0x2d: {  	s3 =	simm.s32 $0x108;
	s8 =	sld [smem:$0x3FB3]  }
0x2e: {  	s3 =	simm.s32 @!p0 $0x1082;
	s9 =	sld [smem:$0x3FB4]  }
0x2f: {  	lr =	sadd.s32 s0, s3;
	s0 =	sld [smem:$0x3FAB]  }
0x30: {  	s3 =	sld [smem:$0x3FAE]  }
0x31: {  	[smem:$0x3FB7] =	sst s10  }
0x32: {  	s10 =	sld [smem:$0x3FB5];
	_ =	sdelay $0x3  }
0x33: {  	p0 =	seq.s32 s10, $0x1;
	s10 =	sld [smem:$0x3FB7];
	_ =	sdelay $0x3  }
0x34: {  	[smem:$0x3FB7] =	sst s10  }
0x35: {  	s10 =	sld [smem:$0x3FB6];
	_ =	sdelay $0x3  }
0x36: {  	p1 =	seq.s32 s10, $0x1;
	s10 =	sld [smem:$0x3FB7];
	_ =	sdelay $0x3  }
0x37: {  	[smem:$0x3FB7] =	sst s10  }
0x38: {  	s10 =	sld [smem:$0x3FB8]  }
0x39: {  	_ = 	snop;
	(pc) =	sbr.ind lr, $3  }
0x3a: {  	_ = 	snop  }
0x3b: {  	_ = 	snop  }
0x3c: {  	p2 =	seq.s32 s10, $0x1;
	s10 =	sld [smem:$0x3FB7]  }
0x3d: {  	_ =	shalt  }
0x3e: {  	_ =	shalt  }
0x3f: {  	_ =	shalt  }
0x40: {  	_ =	shalt  }
0x41: {  	_ =	shalt  }
0x42: {  	_ =	shalt  }
0x43: {  	_ =	shalt  }
0x44: {  	_ =	shalt  }
0x45: {  	_ =	shalt  }
0x46: {  	_ =	shalt  }
0x47: {  	_ =	shalt  }
0x48: {  	_ =	shalt  }
0x49: {  	_ =	shalt  }
0x4a: {  	_ =	shalt  }
0x4b: {  	_ =	shalt  }
0x4c: {  	_ =	shalt  }
0x4d: {  	_ =	shalt  }
0x4e: {  	_ =	shalt  }
0x4f: {  	_ =	shalt  }
0x50: {  	_ =	shalt  }
0x51: {  	_ =	shalt  }
0x52: {  	_ =	shalt  }
0x53: {  	_ =	shalt  }
0x54: {  	_ =	shalt  }
0x55: {  	_ =	shalt  }
0x56: {  	_ =	shalt  }
0x57: {  	_ =	shalt  }
0x58: {  	_ =	shalt  }
0x59: {  	_ =	shalt  }
0x5a: {  	_ =	shalt  }
0x5b: {  	_ =	shalt  }
0x5c: {  	_ =	shalt  }
0x5d: {  	_ =	shalt  }
0x5e: {  	_ =	shalt  }
0x5f: {  	_ =	shalt  }
0x60: {  	_ =	shalt  }
0x61: {  	_ =	shalt  }
0x62: {  	_ =	shalt  }
0x63: {  	_ =	shalt  }
0x64: {  	_ =	shalt  }
0x65: {  	_ =	shalt  }
0x66: {  	_ =	shalt  }
0x67: {  	_ =	shalt  }
0x68: {  	_ =	shalt  }
0x69: {  	_ =	shalt  }
0x6a: {  	_ =	shalt  }
0x6b: {  	_ =	shalt  }
0x6c: {  	_ =	shalt  }
0x6d: {  	_ =	shalt  }
0x6e: {  	_ =	shalt  }
0x6f: {  	_ =	shalt  }
0x70: {  	_ =	shalt  }
0x71: {  	_ =	shalt  }
0x72: {  	_ =	shalt  }
0x73: {  	_ =	shalt  }
0x74: {  	_ =	shalt  }
0x75: {  	_ =	shalt  }
0x76: {  	_ =	shalt  }
0x77: {  	_ =	shalt  }
0x78: {  	_ =	shalt  }
0x79: {  	_ =	shalt  }
0x7a: {  	_ =	shalt  }
0x7b: {  	_ =	shalt  }
0x7c: {  	_ =	shalt  }
0x7d: {  	_ =	shalt  }
0x7e: {  	_ =	shalt  }
0x7f: {  	_ =	shalt  }
0x80: {  	_ =	shalt  }
0x81: {  	_ =	shalt  }
0x82: {  	_ =	shalt  }
0x83: {  	_ =	shalt  }
0x84: {  	_ =	shalt  }
0x85: {  	_ =	shalt  }
0x86: {  	_ =	shalt  }
0x87: {  	_ =	shalt  }
.Lfunc_end0:
.L_simem_size_0:
called_computation_lowered:
.L_overlay_start_0:
0x88: {  	s2 =	sld [smem:$0x3FD9]  }
0x89: {  	s3 =	sld [smem:$0x3FFE];
	_ =	sdelay $0x1  }
0x8a: {  	s1 =	srdreg.scid  }
0x8b: {  	s0 =	sand.u32 $0x1, s1  }
0x8c: {  	s17 =	sshll.u32 s0, $0xA;
	s2 =	sadd.s32 s3, s2  }
0x8d: {  	s2 =	sadd.s32 s2, s17  }
0x8e: {  	[smem:$0x3FC3] =	sst s2  }
0x8f: {  	_ = 	snop  }
0x90: {  	s2 =	sld [smem:$0x3FC9];
	(tm) =	ssettm $0x1  }
0x91: {  	s18 =	sld [smem:$0x3FFB];
	_ =	sdelay $0x3  }
0x92: {  	_ =	strace s18  }
0x93: {  	s3 =	sld [smem:$0x3FFC];
	_ =	sdelay $0x3  }
0x94: {  	_ =	strace s3  }
0x95: {  	s3 =	sld [smem:$0x3FFD];
	_ =	sdelay $0x3  }
0x96: {  	_ =	strace s3  }
0x97: {  	_ =	strace $0x8FFFFFFF  }
0x98: {  	s19 =	sld [smem:$0x3FDB];
	_ =	sdelay $0x1  }
0x99: {  	s4 =	simm.s32 $_scs_section_size  }
0x9a: {  	s5 =	simm.s32 $_size__tile_overlayer_lowered;
	s6 =	simm.s32 $_tile_overlayer_lowered  }
0x9b: {  	s22 =	simm.s32 $0x1BFF;
	s21 =	sshll.u32 s6, $0x1;
	s3 =	sadd.s32 s4, s19  }
0x9c: {  	s7 =	simm.s32 $0x0;
	s20 =	sshll.u32 s5, $0x1;
	s5 =	sadd.s32 s21, s3  }
0x9d: {  	[timem:s7], [sflag:s22] =	dma.local [hbm:s5], s20  }
0x9e: {  	_ =	swait.ge [sflag:s22], s20  }
0x9f: {  	s4 =	ssub.s32 $0x0, s20;
	[sflag:s22] =	ssyncset.done $0x0  }
0xa0: {  	[sflag:s22] =	ssyncadd.s32 s4;
	_ =	sdelay $0x1  }
0xa1: {  	s23 =	simm.s32 $0x1B8B  }
0xa2: {  	_ =	swait.ge [sflag:s23], $0x1  }
0xa3: {  	[sflag:s23] =	ssyncset.done $0x0  }
0xa4: {  	s25 =	simm.s32 $0x1B8E;
	s24 =	sld [smem:$0x3FFE];
	[sflag:s23] =	ssyncadd.s32 $0xFFFFFFFF  }
0xa5: {  	s26 =	simm.s32 $execute0_lowered;
	[smem:$0x3FD2] =	sst s25  }
0xa6: {  	s5 =	sshll.u32 s26, $0x1;
	_ =	strace $0x80000046;
	[dreg:$0x1] =	wrdreg $0xFFFFFFFF  }
0xa7: {  	s28 =	simm.s32 $_size_execute0_lowered;
	s3 =	sadd.s32 s3, s5;
	[dreg:$0x0] =	wrdreg $0x0  }
0xa8: {  	s5 =	sshll.u32 s28, $0x1;
	[dreg:$0x2] =	wrdreg s3  }
0xa9: {  	[dreg:$0x3] =	wrdreg s5  }
0xaa: {  	[dreg:$0x4] =	wrdreg $0xC0  }
0xab: {  	_ =	task [dreg:s7], $0x5FFFF  }
0xac: {  	[dreg:$0x1] =	wrdreg $0xFFFFFFFF  }
0xad: {  	[dreg:$0x0] =	wrdreg $0x60  }
0xae: {  	[dreg:$0x2] =	wrdreg s2  }
0xaf: {  	[dreg:$0x3] =	wrdreg s24  }
0xb0: {  	[dreg:$0x4] =	wrdreg $0x9  }
0xb1: {  	_ =	task.clear_ibuf [dreg:s7], $0x5FFFF;
	_ =	strace $0x90000046  }
0xb2: {  	s29 =	simm.s32 $0x9;
	_ =	strace $0x80000048  }
0xb3: {  	_ =	swait.ge [sflag:s29], $0x1  }
0xb4: {  	[sflag:s29] =	ssyncadd.s32 $0xFFFFFFFF  }
0xb5: {  	_ =	strace $0x90000048  }
0xb6: {  	_ =	sfence  }
0xb7: {  	s30 =	sld [smem:$0x0];
	_ =	sdelay $0x2  }
0xb8: {  	s31 =	sshll.u32 s1, $0xD;
	s1 =	sshrl.u32 s1, $0x2  }
0xb9: {  	s3 =	sand.u32 $0x4000, s31;
	s1 =	sadd.s32 s1, s30  }
0xba: {  	s0 =	sor.u32 s3, s0;
	s1 =	sshll.u32 s1, $0x11  }
0xbb: {  	s0 =	sor.u32 s1, s0  }
0xbc: {  	s0 =	sadd.s32 $0x8F2B, s0  }
0xbd: {  	[sflag:s0] =	ssyncadd.remote.s32 $0x1  }
0xbe: {  	_ =	sfence.sel $0xFFFF  }
0xbf: {  	[dreg:$0x0] =	wrdreg $0xFFFFFFFF;
	(pc) =	sbr.abs _section_cstart, $3  }
0xc0: {  	[dreg:$0x1] =	wrdreg $0xFFFFFFFF  }
0xc1: {  	_ =	task.clear_ibuf [dreg:s7], $0x2FFFF;
	_ =	strace $0x9FFFFFFF  }
0xc2: {  	(tm) =	ssettm $0x7FFFFFFF  }
0xc3: {  	_ =	shalt  }
tec
execute0_lowered:
.L_overlay_start_1:
0x0: {  	(tag) =	ssettag $0x1  }
0x1: {  	s0 =	rddreg [dreg:$0x0]  }
0x2: {  	s1 =	rddreg [dreg:$0x1];
	s2 =	simm.s32 $0x0;
	s3 =	srdreg.scid;
	v0 =	vimm.s32 $0xFEDCBA98;
	v1 =	vimm.s32 $0x76543210  }
0x3: {  	s5 =	stileid.u32;
	v2 =	vimm.s32 $0xBA98FEDC;
	v3 =	vimm.s32 $0x32107654;
	v4 =	vimm.s32 $0xDCFE98BA;
	s10 =	simm.s32 $0x3;
	s11 =	simm.s32 $0x10  }
0x4: {  	v5 =	vimm.s32 $0x54761032;
	v6 =	vimm.s32 $0xEFCDAB89;
	s13 =	simm.s32 $0x80;
	s17 =	simm.s32 $0x50;
	s20 =	simm.s32 $0x3000  }
0x5: {  	v7 =	vimm.s32 $0x67452301;
	s22 =	simm.s32 $0x8800;
	s23 =	simm.s32 $0x3D0;
	s24 =	simm.s32 $0xA800  }
0x6: {  	s28 =	simm.s32 $0x1;
	s29 =	simm.s32 $0x2;
	s30 =	simm.s32 $0x4000;
	v0 =	vunpack.c.l.s4.s8 v0;
	v1 =	vunpack.c.l.s4.s8 v1;
	v2 =	vunpack.c.l.s4.s8 v2  }
0x7: {  	s31 =	simm.s32 $0xDC00;
	s4 =	sand.u32 $0x1, s3;
	s25 =	sshll.u32 s5, $0x1;
	v3 =	vunpack.c.l.s4.s8 v3;
	v4 =	vunpack.c.l.s4.s8 v4;
	v5 =	vunpack.c.l.s4.s8 v5  }
0x8: {  	[smem:$0x7FF] =	sst s2;
	s3 =	sadd.s32 $0x16E3E00, s1;
	v6 =	vunpack.c.l.s4.s8 v6;
	v7 =	vunpack.c.l.s4.s8 v7;
	s5 =	sor.u32 s4, s25;
	v0 =	vunpack.c.0.s8.s32 v0  }
0x9: {  	_ =	strace $0x80000047;
	s7 =	ssub.s32 $0x2, s4;
	s6 =	smul.u32 $0x540, s5;
	v2 =	vunpack.c.0.s8.s32 v2;
	v3 =	vunpack.c.0.s8.s32 v3;
	v4 =	vunpack.c.0.s8.s32 v4  }
.Ltmp0:
0xa: {  	s4 =	sadd.s32 $0xF42C00, s1;
	s26 =	sshrl.u32 s7, $0x1;
	v5 =	vunpack.c.0.s8.s32 v5;
	v6 =	vunpack.c.0.s8.s32 v6;
	v7 =	vunpack.c.0.s8.s32 v7;
	(pc) =	sbr.rel .LBB2_1-.Ltmp0, $4  }
0xb: {  	s25 =	simm.s32 $0x450;
	s8 =	sshll.u32 s5, $0x6;
	v1 =	vunpack.c.0.s8.s32 v1;
	s9 =	ssub.s32 s7, s26;
	v2 =	vcombine.low v3, v2  }
0xc: {  	s7 =	simm.s32 $0x200;
	s26 =	simm.s32 $0xC800;
	s6 =	sadd.s32 s6, s1;
	v3 =	vcombine.low v5, v4;
	v4 =	vand.u32 $0xF, v0;
	v5 =	vcombine.low v7, v6  }
0xd: {  	s1 =	sadd.s32 s8, s1;
	s8 =	sadd.s32 s0, s8;
	s9 =	smax.u32 s9, $0x1;
	v0 =	vlaneseq.u32;
	v1 =	vcombine.low v4, v1  }
0xe: {  	s0 =	simm.s32 $0x0;
	s5 =	sadd.s32 $0x800, s6;
	s6 =	sadd.s32 $0xB000, s1;
	v2 =	vand.u32 $0xF, v2;
	v3 =	vand.u32 $0xF, v3;
	v4 =	vand.u32 $0xF, v5  }
.LBB2_8:
0xf: {  	s0 =	sadd.s32 $0x1, s0  }
0x10: {  	p0 =	sne.s32 s0, s9  }
.Ltmp1:
0x11: {  	_ = 	snop;
	(pc) =	sbr.rel @!p0 .LBB2_9-.Ltmp1, $4  }
0x12: {  	[hbm4b:s6+s7] =	stream.strided.scatter [tilespmem:s31], [sflag:$0x3], $0x2A00, s30, s7, $0x38;
	[tilespmem:$0x10600] =	vst v63  }
0x13: {  	_ =	swait.ge [sflag:s10], $0x2A00  }
0x14: {  	[sflag:s10] =	ssyncset.done $0x0  }
0x15: {  	[sflag:s10] =	ssyncadd.s32 $0xFFFFD600  }
.LBB2_1:
0x16: {  	[tilespmem:s2], [sflag:$0x3] =	stream.linear.gather [hbm4b:s8+s2], $0x200, $0x38;
	[tilespmem:$0x10600] =	vst v63  }
0x17: {  	_ =	swait.ge [sflag:s10], $0x200  }
0x18: {  	[sflag:s10] =	ssyncset.done $0x0  }
0x19: {  	[sflag:s10] =	ssyncadd.s32 $0xFFFFFE00  }
0x1a: {  	[tilespmem:s7], [sflag:$0x3] =	stream.linear.gather [hbm4b:s5+s2], $0x2A00, $0x38;
	[tilespmem:$0x10600] =	vst v63  }
0x1b: {  	_ =	swait.ge [sflag:s10], $0x2A00  }
0x1c: {  	[sflag:s10] =	ssyncset.done $0x0  }
0x1d: {  	s1 =	simm.s32 $0x2C00;
	[sflag:s10] =	ssyncadd.s32 $0xFFFFD600  }
0x1e: {  	[tilespmem:s1], [sflag:$0x1] =	stream.indirect.gather [hbm4b:s3+s11], $0x40, s2, s11, $0xb8;
	[tilespmem:$0x10600] =	vst v63  }
0x1f: {  	s15 =	simm.s32 $0x3400  }
0x20: {  	[tilespmem:s15], [sflag:$0x1] =	stream.indirect.gather [hbm4b:s4+s13], $0x40, s7, s13, $0xb8;
	[tilespmem:$0x10600] =	vst v63  }
0x21: {  	s16 =	simm.s32 $0x280;
	s12 =	simm.s32 $0x5400  }
0x22: {  	[tilespmem:s12], [sflag:$0x1] =	stream.indirect.gather [hbm4b:s4+s13], $0x40, s16, s13, $0xb8;
	[tilespmem:$0x10600] =	vst v63  }
0x23: {  	s18 =	simm.s32 $0x300;
	s19 =	simm.s32 $0x7400  }
0x24: {  	[tilespmem:s19], [sflag:$0x1] =	stream.indirect.gather [hbm4b:s4+s17], $0x40, s18, s17, $0xb8;
	[tilespmem:$0x10600] =	vst v63  }
0x25: {  	_ = 	snop  }
0x26: {  	[tilespmem:s20], [sflag:$0x2] =	stream.indirect.gather [hbm4b:s3+s11], $0x40, s11, s11, $0xb8;
	[tilespmem:$0x10600] =	vst v63  }
0x27: {  	s21 =	simm.s32 $0x350  }
0x28: {  	[tilespmem:s22], [sflag:$0x2] =	stream.indirect.gather [hbm4b:s4+s13], $0x40, s21, s13, $0xb8;
	[tilespmem:$0x10600] =	vst v63  }
0x29: {  	_ = 	snop  }
0x2a: {  	[tilespmem:s24], [sflag:$0x2] =	stream.indirect.gather [hbm4b:s4+s13], $0x40, s23, s13, $0xb8;
	[tilespmem:$0x10600] =	vst v63  }
0x2b: {  	s1 =	simm.s32 $0x0  }
0x2c: {  	[tilespmem:s26], [sflag:$0x2] =	stream.indirect.gather [hbm4b:s4+s17], $0x40, s25, s17, $0xb8;
	[tilespmem:$0x10600] =	vst v63  }
.LBB2_2:
0x2d: {  	_ =	swait.ge [sflag:s28], $0x400  }
0x2e: {  	[sflag:s28] =	ssyncset.done $0x0  }
0x2f: {  	[sflag:s28] =	ssyncadd.s32 $0xFFFFFC00  }
0x30: {  	_ =	swait.ge [sflag:s28], $0x2000  }
0x31: {  	[sflag:s28] =	ssyncset.done $0x0  }
0x32: {  	[sflag:s28] =	ssyncadd.s32 $0xFFFFE000  }
0x33: {  	_ =	swait.ge [sflag:s28], $0x2000  }
0x34: {  	[sflag:s28] =	ssyncset.done $0x0  }
0x35: {  	[sflag:s28] =	ssyncadd.s32 $0xFFFFE000  }
0x36: {  	_ =	swait.ge [sflag:s28], $0x1400  }
0x37: {  	[sflag:s28] =	ssyncset.done $0x0  }
0x38: {  	s12 =	simm.s32 $0x2C20;
	[sflag:s28] =	ssyncadd.s32 $0xFFFFEC00  }
0x39: {  	v5 =	vld [tilespmem:s12+$0x10]  }
0x3a: {  	v9 =	vld [tilespmem:s12+$0x0]  }
0x3b: {  	v11 =	vld [tilespmem:s12+$0xFFFFFFE0]  }
0x3c: {  	s14 =	simm.s32 $0x3420;
	v12 =	vld [tilespmem:s12+$0xFFFFFFF0]  }
0x3d: {  	v8 =	vld [tilespmem:s14+$0xFFFFFFE0]  }
0x3e: {  	s19 =	simm.s32 $0x3880;
	v10 =	vld [tilespmem:s14+$0xFFFFFFF0]  }
0x3f: {  	v13 =	vld [tilespmem:s19+$0x440]  }
0x40: {  	v14 =	vld [tilespmem:s19+$0x450]  }
0x41: {  	v7 =	vld [tilespmem:s14+$0x0]  }
0x42: {  	v15 =	vld [tilespmem:s19+$0x460]  }
0x43: {  	v6 =	vld [tilespmem:s14+$0x10]  }
0x44: {  	v16 =	vld [tilespmem:s19+$0x470]  }
0x45: {  	v17 =	vld [tilespmem:s19+$0xFFFFFF80]  }
0x46: {  	v18 =	vld [tilespmem:s19+$0xFFFFFF90]  }
0x47: {  	v19 =	vld [tilespmem:s19+$0xFFFFFFC0]  }
0x48: {  	v20 =	vld [tilespmem:s19+$0xFFFFFFD0]  }
0x49: {  	v21 =	vld [tilespmem:s19+$0x0]  }
0x4a: {  	v22 =	vld [tilespmem:s19+$0x10]  }
0x4b: {  	v23 =	vld [tilespmem:s19+$0x40]  }
0x4c: {  	v24 =	vld [tilespmem:s19+$0x50]  }
0x4d: {  	v25 =	vld [tilespmem:s19+$0x80]  }
0x4e: {  	v26 =	vld [tilespmem:s19+$0x90]  }
0x4f: {  	v27 =	vld [tilespmem:s19+$0xC0]  }
0x50: {  	v28 =	vld [tilespmem:s19+$0xD0]  }
0x51: {  	v29 =	vld [tilespmem:s19+$0x100]  }
0x52: {  	v30 =	vld [tilespmem:s19+$0x110]  }
0x53: {  	v31 =	vld [tilespmem:s19+$0x140]  }
0x54: {  	v32 =	vld [tilespmem:s19+$0x150];
	v13 =	vmul.f32 v13, v8  }
0x55: {  	v62 =	vld [tilespmem:s19+$0x190];
	v14 =	vmul.f32 v14, v10;
	v11 =	vmul.f32 v11, v8  }
0x56: {  	v63 =	vld [tilespmem:s19+$0x1C0];
	v12 =	vmul.f32 v12, v10;
	v61 =	vmul.f32 v15, v7  }
0x57: {  	v35 =	vld [tilespmem:s19+$0x250];
	v9 =	vmul.f32 v9, v7;
	v45 =	vmul.f32 v16, v6  }
0x58: {  	v37 =	vld [tilespmem:s19+$0x280];
	v5 =	vmul.f32 v5, v6;
	v17 =	vmul.f32 v17, v8  }
0x59: {  	v50 =	vld [tilespmem:s19+$0x2C0];
	v18 =	vmul.f32 v18, v10;
	v19 =	vmul.f32 v19, v8  }
0x5a: {  	v38 =	vld [tilespmem:s19+$0x2D0];
	v20 =	vmul.f32 v20, v10;
	v21 =	vmul.f32 v21, v8  }
0x5b: {  	v39 =	vld [tilespmem:s19+$0x300];
	v22 =	vmul.f32 v22, v10;
	v23 =	vmul.f32 v23, v8  }
0x5c: {  	v43 =	vld [tilespmem:s19+$0x3D0];
	v24 =	vmul.f32 v24, v10;
	v27 =	vmul.f32 v27, v8  }
0x5d: {  	s21 =	simm.s32 $0x0;
	v46 =	vld [tilespmem:s19+$0x200];
	v28 =	vmul.f32 v28, v10;
	v29 =	vmul.f32 v29, v8  }
0x5e: {  	v52 =	vmov s21;
	v47 =	vld [tilespmem:s19+$0x210];
	v15 =	vmul.f32 v62, v10;
	v54 =	vmul.f32 v35, v10  }
0x5f: {  	vm0 =	veq.s32 v52, v0;
	v41 =	vld [tilespmem:s19+$0x380];
	v37 =	vmul.f32 v37, v8;
	v56 =	vmul.f32 v50, v8  }
0x60: {  	v40 =	vld [tilespmem:s19+$0x350];
	v57 =	vmul.f32 v38, v10;
	v13 =	vadd.f32 v14, v13;
	v11 =	vadd.f32 v12, v11  }
0x61: {  	v34 =	vld [tilespmem:s19+$0x240];
	v59 =	vmul.f32 v39, v8;
	v50 =	vmul.f32 v43, v10;
	v21 =	vadd.f32 v22, v21  }
0x62: {  	v16 =	vld [tilespmem:s19+$0x1D0];
	v22 =	vmul.f32 v26, v10;
	v13 =	vadd.f32 v61, v13;
	v9 =	vadd.f32 v9, v11  }
0x63: {  	v58 =	vld [tilespmem:s19+$0xE0];
	v17 =	vadd.f32 v18, v17;
	v12 =	vmul.f32 v63, v8;
	v14 =	vmul.f32 v47, v10  }
0x64: {  	v62 =	vld [tilespmem:s19+$0x160];
	v63 =	vmul.f32 v41, v8;
	v13 =	vadd.f32 v45, v13;
	v5 =	vadd.f32 v5, v9  }
0x65: {  	v33 =	vld [tilespmem:s19+$0x180];
	v19 =	vadd.f32 v20, v19;
	v11 =	vmul.f32 v46, v8;
	v61 =	vmul.f32 v40, v10  }
0x66: {  	v49 =	vld [tilespmem:s19+$0x290];
	v27 =	vadd.f32 v28, v27;
	v48 =	vperm.xlane v13, v1;
	v36 =	vperm.xlane v5, v1  }
0x67: {  	v42 =	vld [tilespmem:s19+$0x390];
	v16 =	vmul.f32 v16, v10;
	v11 =	vadd.f32 v14, v11;
	v14 =	vadd.f32 v57, v56  }
0x68: {  	v56 =	vld [tilespmem:s19+$0x320];
	v57 =	vmul.f32 v58, v7;
	v9 =	vadd.f32 v13, v48;
	v5 =	vadd.f32 v5, v36  }
0x69: {  	v53 =	vld [tilespmem:s19+$0xFFFFFFE0];
	v58 =	vmul.f32 v62, v7;
	v12 =	vadd.f32 v16, v12;
	v16 =	vmul.f32 v34, v8  }
0x6a: {  	v55 =	vld [tilespmem:s19+$0x60];
	v23 =	vadd.f32 v24, v23;
	v18 =	vperm.xlane v9, v2;
	v20 =	vperm.xlane v5, v2  }
0x6b: {  	v44 =	vld [tilespmem:s19+$0xA0];
	v27 =	vadd.f32 v57, v27;
	v16 =	vadd.f32 v54, v16;
	v13 =	vmul.f32 v49, v10  }
0x6c: {  	v48 =	vmul.f32 v42, v10;
	v9 =	vadd.f32 v9, v18;
	v18 =	vld [tilespmem:s19+$0x310];
	v5 =	vadd.f32 v5, v20  }
0x6d: {  	v42 =	vmul.f32 v56, v7;
	v13 =	vadd.f32 v13, v37;
	v20 =	vmul.f32 v25, v8;
	v25 =	vld [tilespmem:s19+$0x340]  }
0x6e: {  	v60 =	vld [tilespmem:s19+$0x120];
	v36 =	vadd.f32 v48, v63;
	v26 =	vperm.xlane v9, v3;
	v24 =	vperm.xlane v5, v3  }
0x6f: {  	v28 =	vld [tilespmem:s19+$0x400];
	v20 =	vadd.f32 v22, v20;
	v22 =	vmul.f32 v30, v10;
	v30 =	vmul.f32 v31, v8  }
0x70: {  	v31 =	vld [tilespmem:s19+$0x3C0];
	v26 =	vadd.f32 v9, v26;
	v24 =	vadd.f32 v5, v24;
	v5 =	vmul.f32 v32, v10  }
0x71: {  	v62 =	vld [tilespmem:s19+$0x3E0];
	v22 =	vadd.f32 v22, v29;
	v29 =	vmul.f32 v33, v8;
	v32 =	vmul.f32 v53, v7  }
0x72: {  	v9 =	vimm.f32 $0.0e+00;
	v33 =	vld [tilespmem:s19+$0xFFFFFFA0];
	v18 =	vmul.f32 v18, v10;
	v25 =	vmul.f32 v25, v8  }
0x73: {  	v51 =	vperm.xlane v26, v4;
	v30 =	vadd.f32 v5, v30;
	v15 =	vadd.f32 v15, v29;
	v29 =	vld [tilespmem:s19+$0x20]  }
0x74: {  	v52 =	vld [tilespmem:s19+$0x220];
	v45 =	vperm.xlane v24, v4;
	v19 =	vadd.f32 v32, v19;
	v18 =	vadd.f32 v18, v59  }
0x75: {  	v41 =	vld [tilespmem:s19+$0xFFFFFFF0];
	v31 =	vmul.f32 v31, v8;
	v25 =	vadd.f32 v61, v25;
	v5 =	vadd.f32 v26, v51  }
0x76: {  	v8 =	vmul.f32 v28, v8;
	v26 =	vld [tilespmem:s19+$0x410];
	v24 =	vadd.f32 v24, v45;
	v30 =	vadd.f32 v58, v30  }
0x77: {  	v49 =	vld [tilespmem:s19+$0x1A0];
	v45 =	vmul.f32 v62, v7;
	v28 =	vadd.f32 v50, v31;
	v31 =	vmul.f32 v33, v7  }
0x78: {  	v51 =	vld [tilespmem:s19+$0x1E0];
	v18 =	vadd.f32 v42, v18;
	v5 =	vsub.f32 $0.0e+00, v5;
	v54 =	vmul.f32 v29, v7  }
0x79: {  	v46 =	vld [tilespmem:s19+$0xF0];
	v29 =	vmul.f32 v55, v7;
	v17 =	vadd.f32 v31, v17;
	v31 =	vmul.f32 v44, v7  }
0x7a: {  	v53 =	vld [tilespmem:s19+$0x2A0];
	v28 =	vadd.f32 v45, v28;
	v0 =	vsel vm0, v5, v9;
	v21 =	vadd.f32 v54, v21  }
0x7b: {  	v55 =	vld [tilespmem:s19+$0x2E0];
	v10 =	vmul.f32 v26, v10;
	v23 =	vadd.f32 v29, v23;
	v20 =	vadd.f32 v31, v20  }
0x7c: {  	v44 =	vld [tilespmem:s19+$0x70];
	[tilespmem:$0x1FF30] =	vst v0;
	v31 =	vmul.f32 v60, v7;
	v60 =	vmul.f32 v49, v7;
	v0 =	vimm.f32 $0.0e+00  }
0x7d: {  	v26 =	vld [tilespmem:s19+$0x260];
	v61 =	vmul.f32 v51, v7;
	[tilespmem:$0x1FF40] =	vst v0;
	v0 =	vsel vm0, v24, v9;
	v24 =	vmul.f32 v41, v6  }
0x7e: {  	v29 =	vld [tilespmem:s19+$0x360];
	vm0 =	vmmov vm0;
	v8 =	vadd.f32 v10, v8;
	v22 =	vadd.f32 v31, v22  }
0x7f: {  	v63 =	vld [tilespmem:s19+$0x420];
	v31 =	vmul.f32 v52, v7;
	v15 =	vadd.f32 v60, v15;
	v12 =	vadd.f32 v61, v12  }
0x80: {  	v59 =	vld [tilespmem:s19+$0x3A0];
	[tilespmem:$0x1FF50] =	vst v0;
	v0 =	vimm.f32 $0.0e+00;
	v39 =	vmul.f32 v55, v7;
	v19 =	vadd.f32 v24, v19  }
0x81: {  	v24 =	vmul.f32 v44, v6;
	[tilespmem:$0x1FF60] =	vst v0;
	v0 =	vimm.f32 $0.0e+00;
	v11 =	vadd.f32 v31, v11  }
0x82: {  	v31 =	vmul.f32 v53, v7;
	[tilespmem:$0x1FF70] =	vst v0;
	v0 =	vimm.f32 $0.0e+00;
	v37 =	vmul.f32 v26, v7;
	v26 =	vld [tilespmem:s19+$0xFFFFFFB0]  }
0x83: {  	v29 =	vmul.f32 v29, v7;
	v14 =	vadd.f32 v39, v14;
	v23 =	vadd.f32 v24, v23  }
0x84: {  	v43 =	vld [tilespmem:s19+$0x30];
	v24 =	vmul.f32 v46, v6;
	[tilespmem:$0x1FF80] =	vst v0;
	v0 =	vimm.f32 $0.0e+00;
	v13 =	vadd.f32 v31, v13  }
0x85: {  	v31 =	vmul.f32 v59, v7;
	v7 =	vmul.f32 v63, v7;
	[tilespmem:$0x1FF90] =	vst v0;
	v0 =	vimm.f32 $0.0e+00  }
0x86: {  	v16 =	vadd.f32 v37, v16;
	v25 =	vadd.f32 v29, v25;
	v29 =	vld [tilespmem:s19+$0xB0];
	v52 =	vperm.xlane v23, v1  }
0x87: {  	v24 =	vadd.f32 v24, v27;
	[tilespmem:$0x1FFA0] =	vst v0;
	v0 =	vimm.f32 $0.0e+00;
	v26 =	vmul.f32 v26, v6  }
0x88: {  	v47 =	vld [tilespmem:s19+$0x130];
	v31 =	vadd.f32 v31, v36;
	v7 =	vadd.f32 v7, v8;
	v36 =	vperm.xlane v19, v1  }
0x89: {  	[tilespmem:$0x1FFB0] =	vst v0;
	v0 =	vimm.f32 $0.0e+00;
	v8 =	vadd.f32 v26, v17;
	v17 =	vmul.f32 v43, v6;
	v26 =	vld [tilespmem:s19+$0x170]  }
0x8a: {  	v48 =	vld [tilespmem:s19+$0x1B0];
	v55 =	vperm.xlane v24, v1;
	[tilespmem:$0x1FFC0] =	vst v0;
	v0 =	vimm.f32 $0.0e+00;
	v19 =	vadd.f32 v19, v36  }
0x8b: {  	[tilespmem:$0x1FFD0] =	vst v0;
	v0 =	vimm.f32 $0.0e+00;
	v17 =	vadd.f32 v17, v21;
	v21 =	vmul.f32 v29, v6  }
0x8c: {  	v24 =	vadd.f32 v24, v55;
	v36 =	vperm.xlane v19, v2;
	v33 =	vperm.xlane v8, v1;
	v29 =	vld [tilespmem:s19+$0x1F0]  }
0x8d: {  	v49 =	vld [tilespmem:s19+$0x230];
	[tilespmem:$0x1FFE0] =	vst v0;
	v0 =	vimm.f32 $0.0e+00;
	v20 =	vadd.f32 v21, v20;
	v21 =	vmul.f32 v47, v6  }
0x8e: {  	v51 =	vld [tilespmem:s19+$0x270];
	v19 =	vadd.f32 v19, v36;
	v8 =	vadd.f32 v8, v33;
	v26 =	vmul.f32 v26, v6  }
0x8f: {  	v27 =	vld [tilespmem:s19+$0x2B0];
	v50 =	vperm.xlane v17, v1;
	v21 =	vadd.f32 v21, v22;
	v22 =	vmul.f32 v48, v6  }
0x90: {  	v53 =	vperm.xlane v20, v1;
	v33 =	vperm.xlane v8, v2;
	v26 =	vadd.f32 v26, v30  }
0x91: {  	v54 =	vld [tilespmem:s19+$0x2F0];
	v29 =	vmul.f32 v29, v6;
	v56 =	vperm.xlane v21, v1;
	v15 =	vadd.f32 v22, v15  }
0x92: {  	v30 =	vld [tilespmem:s19+$0x330];
	v22 =	vmul.f32 v49, v6;
	v20 =	vadd.f32 v20, v53;
	v8 =	vadd.f32 v8, v33  }
0x93: {  	v57 =	vld [tilespmem:s19+$0x370];
	v58 =	vperm.xlane v26, v1;
	v12 =	vadd.f32 v29, v12;
	v29 =	vmul.f32 v51, v6  }
0x94: {  	v62 =	vld [tilespmem:s19+$0x430];
	v60 =	vperm.xlane v15, v1;
	v11 =	vadd.f32 v22, v11;
	v22 =	vmul.f32 v27, v6  }
0x95: {  	v59 =	vld [tilespmem:s19+$0x3B0];
	v21 =	vadd.f32 v21, v56;
	v61 =	vperm.xlane v12, v1;
	v16 =	vadd.f32 v29, v16  }
0x96: {  	v27 =	vld [tilespmem:s19+$0x3F0];
	v29 =	vmul.f32 v54, v6;
	v26 =	vadd.f32 v26, v58;
	v63 =	vperm.xlane v11, v1  }
0x97: {  	v13 =	vadd.f32 v22, v13;
	v22 =	vmul.f32 v30, v6;
	v15 =	vadd.f32 v15, v60  }
0x98: {  	v30 =	vperm.xlane v16, v1;
	v14 =	vadd.f32 v29, v14;
	v29 =	vmul.f32 v57, v6  }
0x99: {  	v12 =	vadd.f32 v12, v61;
	v47 =	vperm.xlane v13, v1;
	v18 =	vadd.f32 v22, v18  }
0x9a: {  	v22 =	vmul.f32 v59, v6;
	v11 =	vadd.f32 v11, v63;
	v48 =	vperm.xlane v14, v1  }
0x9b: {  	v25 =	vadd.f32 v29, v25;
	v27 =	vmul.f32 v27, v6;
	v6 =	vmul.f32 v62, v6  }
0x9c: {  	v16 =	vadd.f32 v16, v30;
	v51 =	vperm.xlane v12, v2;
	v22 =	vadd.f32 v22, v31  }
0x9d: {  	v29 =	vperm.xlane v18, v1;
	v13 =	vadd.f32 v13, v47;
	v27 =	vadd.f32 v27, v28  }
0x9e: {  	v31 =	vperm.xlane v25, v1;
	v6 =	vadd.f32 v6, v7;
	v7 =	vadd.f32 v17, v50  }
0x9f: {  	v17 =	vadd.f32 v23, v52;
	v50 =	vperm.xlane v20, v2;
	v52 =	vperm.xlane v11, v2  }
0xa0: {  	v14 =	vadd.f32 v14, v48;
	v53 =	vperm.xlane v16, v2;
	v28 =	vperm.xlane v22, v1  }
0xa1: {  	v18 =	vadd.f32 v18, v29;
	v29 =	vperm.xlane v24, v2;
	v54 =	vperm.xlane v13, v2  }
0xa2: {  	v12 =	vadd.f32 v12, v51;
	v23 =	vperm.xlane v27, v1;
	v49 =	vperm.xlane v6, v1  }
0xa3: {  	v37 =	vperm.xlane v7, v2;
	v30 =	vperm.xlane v17, v2;
	v25 =	vadd.f32 v25, v31  }
0xa4: {  	v31 =	vperm.xlane v15, v2;
	v20 =	vadd.f32 v20, v50;
	v11 =	vadd.f32 v11, v52  }
0xa5: {  	v55 =	vperm.xlane v14, v2;
	v16 =	vadd.f32 v16, v53;
	v22 =	vadd.f32 v22, v28  }
0xa6: {  	v28 =	vperm.xlane v26, v2;
	v24 =	vadd.f32 v24, v29;
	v13 =	vadd.f32 v13, v54  }
0xa7: {  	v29 =	vperm.xlane v8, v3;
	v23 =	vadd.f32 v27, v23;
	v6 =	vadd.f32 v6, v49  }
0xa8: {  	v27 =	vperm.xlane v21, v2;
	v7 =	vadd.f32 v7, v37;
	v17 =	vadd.f32 v17, v30  }
0xa9: {  	v30 =	vperm.xlane v18, v2;
	v56 =	vperm.xlane v25, v2;
	v15 =	vadd.f32 v15, v31  }
0xaa: {  	v31 =	vperm.xlane v19, v3;
	v57 =	vperm.xlane v22, v2;
	v26 =	vadd.f32 v26, v28  }
0xab: {  	v61 =	vperm.xlane v24, v3;
	v28 =	vadd.f32 v8, v29;
	v29 =	vperm.xlane v16, v3  }
0xac: {  	v58 =	vperm.xlane v23, v2;
	v21 =	vadd.f32 v21, v27;
	v27 =	vperm.xlane v6, v2  }
0xad: {  	v14 =	vadd.f32 v14, v55;
	v59 =	vperm.xlane v7, v3;
	v60 =	vperm.xlane v17, v3  }
0xae: {  	v18 =	vadd.f32 v18, v30;
	v30 =	vperm.xlane v20, v3;
	v25 =	vadd.f32 v25, v56  }
0xaf: {  	v47 =	vadd.f32 v19, v31;
	v19 =	vperm.xlane v15, v3;
	v31 =	vperm.xlane v14, v3  }
0xb0: {  	v22 =	vadd.f32 v22, v57;
	v62 =	vperm.xlane v26, v3;
	v43 =	vadd.f32 v24, v61  }
0xb1: {  	v48 =	vperm.xlane v28, v4;
	v36 =	vadd.f32 v16, v29;
	v23 =	vadd.f32 v23, v58  }
0xb2: {  	v46 =	vadd.f32 v6, v27;
	v6 =	vperm.xlane v21, v3;
	v27 =	vperm.xlane v12, v3  }
0xb3: {  	v50 =	vadd.f32 v7, v59;
	v7 =	vperm.xlane v11, v3;
	v45 =	vadd.f32 v17, v60  }
0xb4: {  	v17 =	vperm.xlane v13, v3;
	v44 =	vadd.f32 v20, v30;
	v20 =	vperm.xlane v18, v3  }
0xb5: {  	s15 =	simm.s32 $0x2C60;
	v30 =	vperm.xlane v25, v3;
	v38 =	vadd.f32 v15, v19;
	v55 =	vperm.xlane v47, v4  }
0xb6: {  	v51 =	vld [tilespmem:s15+$0x10];
	v35 =	vadd.f32 v14, v31;
	v19 =	vimm.f32 $0.0e+00;
	v24 =	vperm.xlane v22, v3  }
0xb7: {  	v54 =	vld [tilespmem:s15+$0x0];
	v40 =	vadd.f32 v26, v62;
	v63 =	vperm.xlane v23, v3;
	v42 =	vadd.f32 v21, v6  }
0xb8: {  	v57 =	vld [tilespmem:s15+$0xFFFFFFE0];
	v49 =	vperm.xlane v46, v3;
	v39 =	vadd.f32 v12, v27;
	v37 =	vadd.f32 v11, v7  }
0xb9: {  	s12 =	simm.s32 $0x3D80;
	v58 =	vld [tilespmem:s15+$0xFFFFFFF0];
	v56 =	vperm.xlane v50, v4;
	v34 =	vadd.f32 v13, v17;
	v53 =	vperm.xlane v45, v4  }
0xba: {  	v59 =	vld [tilespmem:s12+$0x440];
	v33 =	vadd.f32 v18, v20;
	v32 =	vadd.f32 v25, v30;
	v52 =	vperm.xlane v44, v4  }
0xbb: {  	s16 =	simm.s32 $0x3460;
	v60 =	vld [tilespmem:s12+$0x450];
	v25 =	vimm.f32 $0.0e+00;
	v21 =	vimm.f32 $0.0e+00;
	v20 =	vimm.f32 $0.0e+00  }
0xbc: {  	v26 =	vld [tilespmem:s16+$0xFFFFFFE0];
	v18 =	vimm.f32 $0.0e+00;
	v30 =	vadd.f32 v22, v24;
	v24 =	vimm.f32 $0.0e+00  }
0xbd: {  	s18 =	simm.s32 $0x2;
	s14 =	simm.s32 $0x1;
	[tilespmem:$0x1FFF0] =	vst v0;
	v27 =	vld [tilespmem:s16+$0xFFFFFFF0];
	v22 =	vimm.f32 $0.0e+00;
	v29 =	vadd.f32 v23, v63;
	v23 =	vimm.f32 $0.0e+00  }
.LBB2_3:
0xbe: {  	v31 =	vld [tilespmem:s16+$0x0]  }
0xbf: {  	v13 =	vld [tilespmem:s12+$0x460]  }
0xc0: {  	v0 =	vld [tilespmem:s12+$0x470]  }
0xc1: {  	v14 =	vld [tilespmem:s12+$0xFFFFFF80];
	v61 =	vperm.xlane v43, v4;
	v62 =	vperm.xlane v42, v4  }
0xc2: {  	v6 =	vld [tilespmem:s12+$0xFFFFFF90];
	v49 =	vadd.f32 v46, v49;
	v46 =	vadd.f32 v28, v48;
	v63 =	vperm.xlane v40, v4  }
0xc3: {  	v15 =	vld [tilespmem:s12+$0xFFFFFFC0];
	v48 =	vadd.f32 v47, v55;
	v55 =	vperm.xlane v38, v4;
	v47 =	vadd.f32 v50, v56  }
0xc4: {  	v8 =	vld [tilespmem:s12+$0x0];
	v56 =	vperm.xlane v39, v4;
	v5 =	vperm.xlane v37, v4;
	v50 =	vadd.f32 v45, v53  }
0xc5: {  	v28 =	vld [tilespmem:s16+$0x10];
	v53 =	vperm.xlane v36, v4;
	v52 =	vadd.f32 v44, v52;
	v61 =	vadd.f32 v43, v61  }
0xc6: {  	v10 =	vld [tilespmem:s12+$0x40];
	v62 =	vadd.f32 v42, v62;
	v41 =	vmul.f32 v57, v26;
	v58 =	vmul.f32 v58, v27  }
0xc7: {  	v12 =	vld [tilespmem:s12+$0x50];
	v55 =	vadd.f32 v38, v55;
	v39 =	vadd.f32 v39, v56;
	v59 =	vmul.f32 v59, v26  }
0xc8: {  	v17 =	vld [tilespmem:s12+$0x150];
	v60 =	vmul.f32 v60, v27;
	v54 =	vmul.f32 v54, v31;
	v41 =	vadd.f32 v58, v41  }
0xc9: {  	v56 =	vld [tilespmem:s12+$0x210];
	v5 =	vadd.f32 v37, v5;
	v37 =	vadd.f32 v36, v53;
	v57 =	vmul.f32 v13, v31  }
0xca: {  	v59 =	vadd.f32 v60, v59;
	v51 =	vmul.f32 v51, v28;
	v41 =	vadd.f32 v54, v41;
	v54 =	vld [tilespmem:s12+$0xFFFFFFD0]  }
0xcb: {  	v47 =	vsub.f32 $0.0e+00, v47;
	v52 =	vsub.f32 $0.0e+00, v52;
	v45 =	vmul.f32 v15, v26;
	v15 =	vld [tilespmem:s12+$0xD0]  }
0xcc: {  	v0 =	vmul.f32 v0, v28;
	v58 =	vld [tilespmem:s12+$0x10];
	v57 =	vadd.f32 v57, v59;
	v51 =	vadd.f32 v51, v41  }
0xcd: {  	v6 =	vmul.f32 v6, v27;
	v24 =	vsel vm0, v47, v24;
	v47 =	vld [tilespmem:s12+$0x2A0];
	v41 =	vmul.f32 v14, v26  }
0xce: {  	v22 =	vsel vm0, v52, v22;
	v52 =	vld [tilespmem:s12+$0x2E0];
	v0 =	vadd.f32 v0, v57;
	v11 =	vperm.xlane v51, v1  }
0xcf: {  	v50 =	vsub.f32 $0.0e+00, v50;
	v41 =	vadd.f32 v6, v41;
	v6 =	vmul.f32 v54, v27;
	v54 =	vld [tilespmem:s12+$0x80]  }
0xd0: {  	v8 =	vmul.f32 v8, v26;
	v13 =	vperm.xlane v0, v1;
	v11 =	vadd.f32 v51, v11;
	v51 =	vld [tilespmem:s12+$0x90]  }
0xd1: {  	v23 =	vsel vm0, v50, v23;
	v50 =	vld [tilespmem:$0x1FF80];
	v44 =	vadd.f32 v6, v45;
	v6 =	vmul.f32 v58, v27  }
0xd2: {  	v10 =	vmul.f32 v10, v26;
	v0 =	vadd.f32 v0, v13;
	v58 =	vld [tilespmem:s12+$0xC0];
	v45 =	vperm.xlane v11, v2  }
0xd3: {  	v55 =	vsub.f32 $0.0e+00, v55;
	v43 =	vadd.f32 v6, v8;
	v6 =	vmul.f32 v12, v27;
	v8 =	vld [tilespmem:s12+$0x100]  }
0xd4: {  	v12 =	vperm.xlane v0, v2;
	v11 =	vadd.f32 v11, v45;
	v13 =	vmul.f32 v54, v26;
	v54 =	vld [tilespmem:s12+$0x110]  }
0xd5: {  	v18 =	vsel vm0, v55, v18;
	v55 =	vld [tilespmem:s12+$0xFFFFFFB0];
	v45 =	vadd.f32 v6, v10;
	v6 =	vmul.f32 v51, v27  }
0xd6: {  	v0 =	vadd.f32 v0, v12;
	v12 =	vadd.f32 v40, v63;
	v63 =	vld [tilespmem:s12+$0x1D0];
	v51 =	vperm.xlane v11, v3  }
0xd7: {  	v10 =	vld [tilespmem:s12+$0x140];
	v58 =	vmul.f32 v58, v26;
	v42 =	vadd.f32 v6, v13;
	v6 =	vmul.f32 v15, v27  }
0xd8: {  	v60 =	vperm.xlane v34, v4;
	v13 =	vld [tilespmem:s12+$0x180];
	v15 =	vperm.xlane v0, v3;
	v51 =	vadd.f32 v11, v51  }
0xd9: {  	v8 =	vmul.f32 v8, v26;
	v11 =	vld [tilespmem:s12+$0x190];
	v40 =	vadd.f32 v6, v58;
	v6 =	vmul.f32 v54, v27  }
0xda: {  	v53 =	vadd.f32 v34, v60;
	v60 =	vmov s14;
	v54 =	vld [tilespmem:s12+$0x1C0];
	v0 =	vadd.f32 v0, v15  }
0xdb: {  	v15 =	vmul.f32 v63, v27;
	v63 =	vlaneseq.u32;
	v38 =	vadd.f32 v6, v8;
	v8 =	vld [tilespmem:s12+$0x200]  }
0xdc: {  	v10 =	vmul.f32 v10, v26;
	v6 =	vmul.f32 v17, v27;
	vm1 =	veq.s32 v60, v63;
	v60 =	vld [tilespmem:s12+$0x2C0]  }
0xdd: {  	v17 =	vperm.xlane v0, v4;
	v63 =	vld [tilespmem:$0x1FF30]  }
0xde: {  	v7 =	vperm.xlane v35, v4;
	v36 =	vadd.f32 v6, v10;
	v10 =	vld [tilespmem:s12+$0x240]  }
0xdf: {  	v13 =	vmul.f32 v13, v26;
	v6 =	vmul.f32 v11, v27;
	v0 =	vadd.f32 v0, v17;
	v17 =	vld [tilespmem:s12+$0x250]  }
0xe0: {  	v58 =	vmul.f32 v54, v26;
	v54 =	vld [tilespmem:s12+$0x280]  }
0xe1: {  	v7 =	vadd.f32 v35, v7;
	v35 =	vadd.f32 v6, v13;
	v13 =	vld [tilespmem:s12+$0x400]  }
0xe2: {  	v0 =	vsub.f32 $0.0e+00, v0;
	v6 =	vmul.f32 v8, v26;
	v8 =	vld [tilespmem:s12+$0x290]  }
0xe3: {  	v9 =	vperm.xlane v32, v4;
	v34 =	vadd.f32 v15, v58;
	v58 =	vmul.f32 v56, v27;
	v56 =	vld [tilespmem:s12+$0x2D0]  }
0xe4: {  	v59 =	vperm.xlane v33, v4;
	v15 =	vsel vm1, v0, v63;
	v63 =	vld [tilespmem:s12+$0x350]  }
0xe5: {  	v9 =	vadd.f32 v32, v9;
	v32 =	vadd.f32 v58, v6;
	v58 =	vld [tilespmem:s12+$0x300]  }
0xe6: {  	v57 =	vperm.xlane v30, v4;
	[tilespmem:$0x1FF30] =	vst v15;
	v15 =	vadd.f32 v33, v59;
	v59 =	vld [tilespmem:s12+$0x310]  }
0xe7: {  	v14 =	vperm.xlane v29, v4;
	v33 =	vld [tilespmem:s12+$0x3C0]  }
0xe8: {  	v0 =	vmul.f32 v10, v26;
	v6 =	vmul.f32 v17, v27;
	v17 =	vadd.f32 v30, v57;
	v57 =	vld [tilespmem:s12+$0x3D0]  }
0xe9: {  	v30 =	vmul.f32 v54, v26;
	v54 =	vld [tilespmem:s12+$0x390]  }
0xea: {  	v14 =	vadd.f32 v29, v14;
	v29 =	vadd.f32 v6, v0;
	v6 =	vld [tilespmem:s12+$0x340];
	v0 =	vmul.f32 v8, v27  }
0xeb: {  	v60 =	vmul.f32 v60, v26;
	v10 =	vmul.f32 v56, v27;
	v56 =	vsub.f32 $0.0e+00, v61;
	v61 =	vld [tilespmem:s12+$0x20]  }
0xec: {  	v0 =	vadd.f32 v0, v30;
	v30 =	vld [tilespmem:s12+$0x380];
	v11 =	vmul.f32 v58, v26  }
0xed: {  	v8 =	vadd.f32 v10, v60;
	v60 =	vmul.f32 v59, v27;
	v58 =	vsub.f32 $0.0e+00, v62;
	v62 =	vld [tilespmem:s12+$0x60]  }
0xee: {  	v21 =	vsel vm0, v56, v21;
	v56 =	vld [tilespmem:s12+$0x320]  }
0xef: {  	v10 =	vadd.f32 v60, v11;
	v60 =	vld [tilespmem:s12+$0xFFFFFFA0]  }
0xf0: {  	v59 =	vld [tilespmem:s12+$0x410];
	v6 =	vmul.f32 v6, v26;
	v11 =	vmul.f32 v63, v27  }
0xf1: {  	v16 =	vperm.xlane v49, v4;
	v13 =	vmul.f32 v13, v26;
	v20 =	vsel vm0, v58, v20;
	v58 =	vld [tilespmem:s12+$0x360]  }
0xf2: {  	v33 =	vmul.f32 v33, v26;
	v6 =	vadd.f32 v11, v6;
	v11 =	vmul.f32 v54, v27;
	v54 =	vld [tilespmem:s12+$0xFFFFFFE0]  }
0xf3: {  	v30 =	vmul.f32 v30, v26;
	v26 =	vld [tilespmem:s12+$0xA0];
	v62 =	vmul.f32 v62, v31  }
0xf4: {  	v56 =	vmul.f32 v56, v31;
	v63 =	vmul.f32 v60, v31;
	v60 =	vld [tilespmem:s12+$0xE0]  }
0xf5: {  	v11 =	vadd.f32 v11, v30;
	v30 =	vmul.f32 v57, v27;
	v27 =	vmul.f32 v59, v27;
	v59 =	vld [tilespmem:s12+$0x120]  }
0xf6: {  	v16 =	vadd.f32 v49, v16;
	v49 =	vperm.xlane v51, v4;
	v45 =	vadd.f32 v62, v45;
	v62 =	vld [tilespmem:s12+$0x260]  }
0xf7: {  	v10 =	vadd.f32 v56, v10;
	v54 =	vmul.f32 v54, v31;
	v13 =	vadd.f32 v27, v13;
	v27 =	vld [tilespmem:$0x1FF40]  }
0xf8: {  	v56 =	vld [tilespmem:s12+$0x330];
	v30 =	vadd.f32 v30, v33;
	v33 =	vadd.f32 v51, v49;
	v51 =	vmul.f32 v52, v31  }
0xf9: {  	v44 =	vadd.f32 v54, v44;
	v54 =	vld [tilespmem:s12+$0x1E0]  }
0xfa: {  	v46 =	vsub.f32 $0.0e+00, v46;
	v8 =	vadd.f32 v51, v8;
	v51 =	vld [tilespmem:$0x1FFF0]  }
0xfb: {  	v61 =	vmul.f32 v61, v31;
	v57 =	vmul.f32 v60, v31;
	v60 =	vld [tilespmem:s12+$0x220]  }
0xfc: {  	v27 =	vsel vm0, v46, v27;
	v46 =	vld [tilespmem:s12+$0x160]  }
0xfd: {  	[tilespmem:$0x1FF40] =	vst v27;
	v27 =	vadd.f32 v63, v41;
	v63 =	vld [tilespmem:s12+$0x1A0];
	v41 =	vadd.f32 v61, v43;
	v61 =	vmul.f32 v59, v31  }
0xfe: {  	v48 =	vsub.f32 $0.0e+00, v48;
	v59 =	vld [tilespmem:$0x1FF60]  }
0xff: {  	v39 =	vsub.f32 $0.0e+00, v39;
	v54 =	vmul.f32 v54, v31;
	v38 =	vadd.f32 v61, v38;
	v61 =	vld [tilespmem:s12+$0x3A0]  }
0x100: {  	v40 =	vadd.f32 v57, v40;
	v57 =	vmul.f32 v60, v31;
	v60 =	vmul.f32 v62, v31;
	v62 =	vld [tilespmem:$0x1FF70]  }
0x101: {  	v5 =	vsub.f32 $0.0e+00, v5;
	v34 =	vadd.f32 v54, v34;
	v54 =	vld [tilespmem:$0x1FF90]  }
0x102: {  	v12 =	vsub.f32 $0.0e+00, v12;
	v46 =	vmul.f32 v46, v31;
	v29 =	vadd.f32 v60, v29;
	v60 =	vld [tilespmem:s12+$0x30]  }
0x103: {  	v25 =	vsel vm0, v48, v25;
	v16 =	vsub.f32 $0.0e+00, v16;
	v48 =	vsel vm0, v39, v59;
	v59 =	vld [tilespmem:$0x1FFB0]  }
0x104: {  	v37 =	vsub.f32 $0.0e+00, v37;
	v19 =	vsel vm0, v12, v19;
	v12 =	vadd.f32 v46, v36;
	v46 =	vld [tilespmem:$0x1FFD0]  }
0x105: {  	v7 =	vsub.f32 $0.0e+00, v7;
	v63 =	vmul.f32 v63, v31;
	v36 =	vsel vm0, v16, v51;
	v16 =	vld [tilespmem:$0x1FF50]  }
0x106: {  	v53 =	vsub.f32 $0.0e+00, v53;
	[tilespmem:$0x1FF60] =	vst v48;
	v48 =	vsel vm0, v5, v62;
	v5 =	vadd.f32 v57, v32;
	v57 =	vld [tilespmem:$0x1FFA0]  }
0x107: {  	v35 =	vadd.f32 v63, v35;
	v63 =	vmul.f32 v47, v31;
	v47 =	vsel vm0, v37, v50;
	v62 =	vld [tilespmem:$0x1FFC0]  }
0x108: {  	v9 =	vsub.f32 $0.0e+00, v9;
	v58 =	vmul.f32 v58, v31;
	[tilespmem:$0x1FF80] =	vst v47;
	v47 =	vsel vm0, v53, v54;
	v53 =	vld [tilespmem:s12+$0x230]  }
0x109: {  	v14 =	vsub.f32 $0.0e+00, v14;
	v15 =	vsub.f32 $0.0e+00, v15;
	v54 =	vld [tilespmem:s12+$0x2B0]  }
0x10a: {  	v17 =	vsub.f32 $0.0e+00, v17;
	v6 =	vadd.f32 v58, v6;
	v26 =	vmul.f32 v26, v31;
	[tilespmem:$0x1FF70] =	vst v48;
	v48 =	vld [tilespmem:s12+$0x3E0]  }
0x10b: {  	v49 =	vmul.f32 v55, v28;
	v0 =	vadd.f32 v63, v0;
	v63 =	vld [tilespmem:s12+$0x70];
	v16 =	vsel vm1, v33, v16  }
0x10c: {  	v52 =	vld [tilespmem:s12+$0x420];
	v26 =	vadd.f32 v26, v42;
	v61 =	vmul.f32 v61, v31;
	v43 =	vsel vm0, v7, v57;
	[tilespmem:$0x1FF50] =	vst v16  }
0x10d: {  	v7 =	vld [tilespmem:s12+$0xFFFFFFF0];
	v39 =	vsel vm0, v9, v62;
	[tilespmem:$0x1FFA0] =	vst v43;
	v43 =	vsel vm0, v15, v59;
	v15 =	vmul.f32 v60, v28  }
0x10e: {  	v11 =	vadd.f32 v61, v11;
	v16 =	vld [tilespmem:s12+$0x130];
	[tilespmem:$0x1FFC0] =	vst v39;
	v57 =	vmul.f32 v53, v28;
	v60 =	vmul.f32 v54, v28  }
0x10f: {  	v39 =	vsel vm0, v17, v46;
	v17 =	vld [tilespmem:s12+$0xB0];
	v53 =	vmul.f32 v56, v28;
	[tilespmem:$0x1FFB0] =	vst v43;
	v43 =	vmul.f32 v48, v31  }
0x110: {  	v48 =	vld [tilespmem:$0x1FFE0];
	v9 =	vmul.f32 v63, v28;
	v15 =	vadd.f32 v15, v41;
	v5 =	vadd.f32 v57, v5  }
0x111: {  	v31 =	vmul.f32 v52, v31;
	v0 =	vadd.f32 v60, v0;
	v10 =	vadd.f32 v53, v10  }
0x112: {  	v50 =	vld [tilespmem:s12+$0xF0];
	v9 =	vadd.f32 v9, v45;
	v7 =	vmul.f32 v7, v28;
	v41 =	vperm.xlane v15, v1  }
0x113: {  	v13 =	vadd.f32 v31, v13;
	v31 =	vld [tilespmem:s12+$0x1B0];
	v16 =	vmul.f32 v16, v28;
	v57 =	vperm.xlane v10, v1  }
0x114: {  	v30 =	vadd.f32 v43, v30;
	v17 =	vmul.f32 v17, v28;
	v42 =	vperm.xlane v9, v1  }
0x115: {  	v32 =	vsel vm0, v14, v48;
	v14 =	vadd.f32 v49, v27;
	v7 =	vadd.f32 v7, v44  }
0x116: {  	vm0 =	vmmov vm1;
	v16 =	vadd.f32 v16, v38;
	v15 =	vadd.f32 v15, v41  }
0x117: {  	v27 =	vld [tilespmem:s12+$0x170];
	v10 =	vadd.f32 v10, v57;
	[tilespmem:$0x1FFE0] =	vst v32;
	v32 =	vmul.f32 v50, v28;
	v33 =	vperm.xlane v14, v1  }
0x118: {  	v17 =	vadd.f32 v17, v26;
	v26 =	vld [tilespmem:s12+$0x270];
	v37 =	vperm.xlane v7, v1;
	v31 =	vmul.f32 v31, v28  }
0x119: {  	v9 =	vadd.f32 v9, v42;
	v45 =	vperm.xlane v16, v1;
	v41 =	vperm.xlane v15, v2  }
0x11a: {  	v52 =	vld [tilespmem:s12+$0x1F0];
	v57 =	vperm.xlane v10, v2;
	v32 =	vadd.f32 v32, v40;
	v31 =	vadd.f32 v31, v35  }
0x11b: {  	v55 =	vld [tilespmem:s12+$0x2F0];
	v43 =	vperm.xlane v17, v1;
	v14 =	vadd.f32 v14, v33;
	v7 =	vadd.f32 v7, v37  }
0x11c: {  	v16 =	vadd.f32 v16, v45;
	v15 =	vadd.f32 v15, v41;
	v27 =	vmul.f32 v27, v28  }
0x11d: {  	v59 =	vld [tilespmem:s12+$0x3B0];
	v10 =	vadd.f32 v10, v57;
	v44 =	vperm.xlane v32, v1;
	v26 =	vmul.f32 v26, v28  }
0x11e: {  	[tilespmem:$0x1FF90] =	vst v47;
	v17 =	vadd.f32 v17, v43;
	v47 =	vperm.xlane v31, v1;
	v60 =	vperm.xlane v14, v2  }
0x11f: {  	v58 =	vld [tilespmem:s12+$0x370];
	v12 =	vadd.f32 v27, v12;
	v27 =	vmul.f32 v52, v28;
	v52 =	vperm.xlane v5, v1  }
0x120: {  	v32 =	vadd.f32 v32, v44;
	v26 =	vadd.f32 v26, v29;
	v29 =	vmul.f32 v55, v28  }
0x121: {  	v55 =	vperm.xlane v0, v1;
	v31 =	vadd.f32 v31, v47;
	v14 =	vadd.f32 v14, v60  }
0x122: {  	v61 =	vld [tilespmem:s12+$0x3F0];
	v46 =	vperm.xlane v12, v1;
	v27 =	vadd.f32 v27, v34;
	v34 =	vmul.f32 v59, v28  }
0x123: {  	v63 =	vld [tilespmem:s12+$0x430];
	v5 =	vadd.f32 v5, v52;
	v45 =	vperm.xlane v32, v2;
	v54 =	vperm.xlane v26, v1  }
0x124: {  	v8 =	vadd.f32 v29, v8;
	v29 =	vmul.f32 v58, v28;
	v0 =	vadd.f32 v0, v55  }
0x125: {  	v62 =	vperm.xlane v27, v1;
	v11 =	vadd.f32 v34, v11;
	v12 =	vadd.f32 v12, v46  }
0x126: {  	v46 =	vperm.xlane v31, v2;
	v48 =	vperm.xlane v5, v2;
	v32 =	vadd.f32 v32, v45  }
0x127: {  	v56 =	vperm.xlane v8, v1;
	v6 =	vadd.f32 v29, v6;
	v29 =	vmul.f32 v61, v28  }
0x128: {  	v28 =	vmul.f32 v63, v28;
	v61 =	vperm.xlane v7, v2;
	v26 =	vadd.f32 v26, v54  }
0x129: {  	v63 =	vperm.xlane v17, v2;
	v50 =	vperm.xlane v0, v2;
	v27 =	vadd.f32 v27, v62  }
0x12a: {  	v62 =	vperm.xlane v9, v2;
	v5 =	vadd.f32 v5, v48;
	v37 =	vperm.xlane v32, v3  }
0x12b: {  	v58 =	vperm.xlane v6, v1;
	v29 =	vadd.f32 v29, v30;
	v13 =	vadd.f32 v28, v13  }
0x12c: {  	v30 =	vperm.xlane v11, v1;
	v8 =	vadd.f32 v8, v56;
	v7 =	vadd.f32 v7, v61  }
0x12d: {  	v49 =	vperm.xlane v26, v2;
	v17 =	vadd.f32 v17, v63;
	v61 =	vperm.xlane v14, v3  }
0x12e: {  	v0 =	vadd.f32 v0, v50;
	v47 =	vperm.xlane v27, v2;
	v9 =	vadd.f32 v9, v62  }
0x12f: {  	v62 =	vperm.xlane v15, v3;
	v43 =	vadd.f32 v32, v37;
	v28 =	vperm.xlane v29, v1  }
0x130: {  	v59 =	vperm.xlane v13, v1;
	v6 =	vadd.f32 v6, v58;
	v11 =	vadd.f32 v11, v30  }
0x131: {  	v30 =	vperm.xlane v12, v2;
	v56 =	vperm.xlane v8, v2;
	v52 =	vadd.f32 v26, v49  }
0x132: {  	v63 =	vperm.xlane v17, v3;
	v27 =	vadd.f32 v27, v47;
	v26 =	vperm.xlane v9, v3  }
0x133: {  	v50 =	vadd.f32 v15, v62;
	v15 =	vperm.xlane v5, v3;
	v28 =	vadd.f32 v29, v28  }
0x134: {  	v29 =	vperm.xlane v16, v2;
	v13 =	vadd.f32 v13, v59;
	v58 =	vperm.xlane v6, v2  }
0x135: {  	v59 =	vperm.xlane v11, v2;
	v12 =	vadd.f32 v12, v30;
	v30 =	vadd.f32 v31, v46  }
0x136: {  	v31 =	vperm.xlane v7, v3;
	v8 =	vadd.f32 v8, v56;
	v44 =	vadd.f32 v17, v63  }
0x137: {  	v17 =	vperm.xlane v10, v3;
	v45 =	vadd.f32 v9, v26;
	v9 =	vperm.xlane v0, v3  }
0x138: {  	v37 =	vadd.f32 v5, v15;
	v56 =	vperm.xlane v50, v4;
	v60 =	vperm.xlane v28, v2  }
0x139: {  	v16 =	vadd.f32 v16, v29;
	v29 =	vperm.xlane v13, v2;
	v6 =	vadd.f32 v6, v58  }
0x13a: {  	[tilespmem:$0x1FFD0] =	vst v39;
	v39 =	vperm.xlane v12, v3;
	v47 =	vadd.f32 v7, v31;
	v7 =	vperm.xlane v30, v3  }
0x13b: {  	s15 =	sadd.s32 $0x40, s15;
	v11 =	vadd.f32 v11, v59;
	v31 =	vperm.xlane v52, v3;
	v33 =	vperm.xlane v8, v3  }
0x13c: {  	v51 =	vld [tilespmem:s15+$0x10];
	v34 =	vadd.f32 v0, v9;
	v53 =	vperm.xlane v45, v4;
	v41 =	vadd.f32 v28, v60  }
0x13d: {  	v57 =	vld [tilespmem:s15+$0xFFFFFFE0];
	v46 =	vadd.f32 v13, v29;
	v38 =	vperm.xlane v16, v3;
	v29 =	vperm.xlane v27, v3  }
0x13e: {  	p0 =	sne.s32 s18, $0xF;
	s16 =	sadd.s32 $0x40, s16;
	v54 =	vld [tilespmem:s15+$0x0];
	v28 =	vadd.f32 v14, v61;
	v60 =	vperm.xlane v6, v3;
	v61 =	vperm.xlane v11, v3  }
.Ltmp2:
0x13f: {  	[tilespmem:$0x1FFF0] =	vst v36;
	v26 =	vld [tilespmem:s16+$0xFFFFFFE0];
	v40 =	vadd.f32 v12, v39;
	v55 =	vperm.xlane v47, v4;
	v36 =	vadd.f32 v52, v31;
	(pc) =	sbr.rel @p0 .LBB2_3-.Ltmp2, $4  }
0x140: {  	s12 =	sadd.s32 $0x500, s12;
	v58 =	vld [tilespmem:s15+$0xFFFFFFF0];
	v35 =	vadd.f32 v8, v33;
	v33 =	vadd.f32 v10, v17;
	v52 =	vperm.xlane v44, v4  }
0x141: {  	v59 =	vld [tilespmem:s12+$0x440];
	v62 =	vperm.xlane v41, v3;
	v42 =	vadd.f32 v16, v38;
	v38 =	vadd.f32 v30, v7  }
0x142: {  	v49 =	vperm.xlane v46, v3;
	v39 =	vadd.f32 v27, v29;
	v27 =	vld [tilespmem:s16+$0xFFFFFFF0];
	v32 =	vadd.f32 v6, v60  }
0x143: {  	s14 =	smov.u32 s18;
	s18 =	sadd.s32 $0x1, s18;
	v48 =	vperm.xlane v28, v4;
	v60 =	vld [tilespmem:s12+$0x450];
	v30 =	vadd.f32 v11, v61;
	v29 =	vadd.f32 v41, v62  }
0x144: {  	v41 =	vld [tilespmem:s16+$0x0]  }
0x145: {  	v0 =	vld [tilespmem:s12+$0x460]  }
0x146: {  	v31 =	vld [tilespmem:s16+$0x10]  }
0x147: {  	v5 =	vld [tilespmem:s12+$0x470]  }
0x148: {  	v6 =	vld [tilespmem:s12+$0xFFFFFF80]  }
0x149: {  	v7 =	vld [tilespmem:s12+$0xFFFFFF90]  }
0x14a: {  	v10 =	vld [tilespmem:s12+$0xFFFFFFC0]  }
0x14b: {  	v13 =	vld [tilespmem:s12+$0xFFFFFFD0]  }
0x14c: {  	v8 =	vmul.f32 v57, v26;
	v14 =	vld [tilespmem:s12+$0x0];
	v15 =	vperm.xlane v43, v4  }
0x14d: {  	v16 =	vperm.xlane v42, v4;
	v62 =	vld [tilespmem:s12+$0x10];
	v48 =	vadd.f32 v28, v48;
	v28 =	vperm.xlane v40, v4  }
0x14e: {  	v17 =	vld [tilespmem:s12+$0x40];
	v47 =	vadd.f32 v47, v55;
	v11 =	vmul.f32 v59, v26;
	v9 =	vmul.f32 v58, v27  }
0x14f: {  	v57 =	vld [tilespmem:s12+$0x50];
	v43 =	vadd.f32 v43, v15;
	v12 =	vmul.f32 v60, v27;
	v61 =	vmul.f32 v54, v41  }
0x150: {  	v59 =	vld [tilespmem:s12+$0xC0];
	v16 =	vadd.f32 v42, v16;
	v0 =	vmul.f32 v0, v41;
	v63 =	vmul.f32 v51, v31  }
0x151: {  	v42 =	vld [tilespmem:s12+$0x1D0];
	v8 =	vadd.f32 v9, v8;
	v5 =	vmul.f32 v5, v31;
	v6 =	vmul.f32 v6, v26  }
0x152: {  	v58 =	vld [tilespmem:s12+$0x90];
	v51 =	vadd.f32 v46, v49;
	v7 =	vmul.f32 v7, v27;
	v10 =	vmul.f32 v10, v26  }
0x153: {  	v60 =	vld [tilespmem:s12+$0xD0];
	v46 =	vadd.f32 v50, v56;
	v13 =	vmul.f32 v13, v27;
	v17 =	vmul.f32 v17, v26  }
0x154: {  	v9 =	vld [tilespmem:s12+$0x80];
	v56 =	vmul.f32 v57, v27;
	v11 =	vadd.f32 v12, v11;
	v8 =	vadd.f32 v61, v8  }
0x155: {  	v12 =	vmul.f32 v62, v27;
	v6 =	vadd.f32 v7, v6;
	v49 =	vadd.f32 v13, v10;
	v10 =	vld [tilespmem:s12+$0x110]  }
0x156: {  	v7 =	vmul.f32 v14, v26;
	v13 =	vld [tilespmem:s12+$0x180];
	v15 =	vadd.f32 v56, v17;
	v50 =	vmul.f32 v59, v26  }
0x157: {  	v17 =	vld [tilespmem:s12+$0x190];
	v42 =	vmul.f32 v42, v27;
	v0 =	vadd.f32 v0, v11;
	v11 =	vmul.f32 v58, v27  }
0x158: {  	v56 =	vld [tilespmem:s12+$0x250];
	v8 =	vadd.f32 v63, v8;
	v7 =	vadd.f32 v12, v7;
	v59 =	vmul.f32 v60, v27  }
0x159: {  	v63 =	vld [tilespmem:s12+$0x140];
	v12 =	vadd.f32 v40, v28;
	v28 =	vperm.xlane v38, v4;
	v0 =	vadd.f32 v5, v0  }
0x15a: {  	v45 =	vadd.f32 v45, v53;
	v9 =	vmul.f32 v9, v26;
	v5 =	vperm.xlane v8, v1  }
0x15b: {  	v44 =	vadd.f32 v44, v52;
	v61 =	vperm.xlane v0, v1;
	v10 =	vmul.f32 v10, v27  }
0x15c: {  	v52 =	vld [tilespmem:s12+$0x150];
	v11 =	vadd.f32 v11, v9;
	v13 =	vmul.f32 v13, v26;
	v17 =	vmul.f32 v17, v27  }
0x15d: {  	v9 =	vmul.f32 v56, v27;
	v5 =	vadd.f32 v8, v5;
	v8 =	vld [tilespmem:s12+$0x100];
	v0 =	vadd.f32 v0, v61  }
0x15e: {  	v55 =	vld [tilespmem:s12+$0x210];
	v50 =	vadd.f32 v59, v50;
	v61 =	vperm.xlane v39, v4;
	v63 =	vmul.f32 v63, v26  }
0x15f: {  	v53 =	vld [tilespmem:s12+$0x240];
	v12 =	vsub.f32 $0.0e+00, v12;
	v62 =	vperm.xlane v5, v2;
	v57 =	vperm.xlane v0, v2  }
0x160: {  	v54 =	vld [tilespmem:s12+$0x1C0];
	v13 =	vadd.f32 v17, v13;
	v17 =	vperm.xlane v32, v4;
	v39 =	vadd.f32 v39, v61  }
0x161: {  	v40 =	vld [tilespmem:s12+$0x200];
	v61 =	vmul.f32 v52, v27;
	v5 =	vadd.f32 v5, v62;
	v0 =	vadd.f32 v0, v57  }
0x162: {  	v38 =	vadd.f32 v38, v28;
	v59 =	vld [tilespmem:s12+$0x2D0];
	v62 =	vperm.xlane v37, v4;
	v8 =	vmul.f32 v8, v26  }
0x163: {  	v56 =	vld [tilespmem:s12+$0x390];
	v19 =	vsel vm0, v12, v19;
	v58 =	vperm.xlane v5, v3;
	v60 =	vperm.xlane v0, v3  }
0x164: {  	v12 =	vld [tilespmem:s12+$0x320];
	v37 =	vadd.f32 v37, v62;
	v62 =	vperm.xlane v34, v4;
	v8 =	vadd.f32 v10, v8  }
0x165: {  	v52 =	vld [tilespmem:s12+$0x290];
	v10 =	vadd.f32 v61, v63;
	v63 =	vperm.xlane v35, v4;
	v0 =	vadd.f32 v0, v60  }
0x166: {  	v57 =	vld [tilespmem:s12+$0x280];
	v61 =	vmul.f32 v40, v26;
	v5 =	vadd.f32 v5, v58;
	v60 =	vperm.xlane v36, v4  }
0x167: {  	v34 =	vadd.f32 v34, v62;
	v58 =	vld [tilespmem:s12+$0x310];
	v62 =	vmul.f32 v55, v27;
	v28 =	vperm.xlane v0, v4  }
0x168: {  	v55 =	vadd.f32 v32, v17;
	v17 =	vmul.f32 v53, v26;
	v53 =	vld [tilespmem:s12+$0x380];
	v14 =	vadd.f32 v36, v60  }
0x169: {  	v36 =	vld [tilespmem:s12+$0x2C0];
	v60 =	vperm.xlane v33, v4;
	v28 =	vadd.f32 v0, v28;
	v0 =	vmul.f32 v54, v26  }
0x16a: {  	v32 =	vperm.xlane v30, v4;
	v35 =	vadd.f32 v35, v63;
	v61 =	vadd.f32 v62, v61;
	v54 =	vld [tilespmem:s12+$0x300]  }
0x16b: {  	v60 =	vadd.f32 v33, v60;
	v33 =	vperm.xlane v29, v4;
	v0 =	vadd.f32 v42, v0;
	v42 =	vld [tilespmem:s12+$0x340]  }
0x16c: {  	v63 =	vld [tilespmem:s12+$0x3C0];
	v30 =	vadd.f32 v30, v32;
	v57 =	vmul.f32 v57, v26;
	v62 =	vperm.xlane v51, v4  }
0x16d: {  	v40 =	vld [tilespmem:s12+$0x350];
	v53 =	vmul.f32 v53, v26;
	v32 =	vadd.f32 v29, v33;
	v29 =	vmul.f32 v52, v27  }
0x16e: {  	v52 =	vld [tilespmem:s12+$0x3D0];
	v33 =	vadd.f32 v51, v62;
	v51 =	vmul.f32 v59, v27;
	v36 =	vmul.f32 v36, v26  }
0x16f: {  	v59 =	vld [tilespmem:s12+$0x400];
	v62 =	vadd.f32 v9, v17;
	v9 =	vmul.f32 v58, v27;
	v54 =	vmul.f32 v54, v26  }
0x170: {  	v36 =	vadd.f32 v51, v36;
	v51 =	vmul.f32 v56, v27;
	v17 =	vmul.f32 v42, v26;
	v42 =	vld [tilespmem:s12+$0x410]  }
0x171: {  	v29 =	vadd.f32 v29, v57;
	v57 =	vld [tilespmem:s12+$0xFFFFFFA0];
	v56 =	vmul.f32 v63, v26;
	v63 =	vperm.xlane v5, v4  }
0x172: {  	v45 =	vsub.f32 $0.0e+00, v45;
	v40 =	vmul.f32 v40, v27;
	v51 =	vadd.f32 v51, v53;
	v53 =	vld [tilespmem:s12+$0x20]  }
0x173: {  	v58 =	vld [tilespmem:s12+$0xFFFFFFE0];
	v54 =	vadd.f32 v9, v54;
	v9 =	vmul.f32 v52, v27;
	v5 =	vadd.f32 v5, v63  }
0x174: {  	v63 =	vmov s14;
	v52 =	vsub.f32 $0.0e+00, v47;
	v47 =	vld [tilespmem:s12+$0xE0];
	v40 =	vadd.f32 v40, v17  }
0x175: {  	v17 =	vmul.f32 v59, v26;
	v56 =	vadd.f32 v9, v56;
	v9 =	vmul.f32 v42, v27;
	v27 =	vld [tilespmem:s12+$0x60]  }
0x176: {  	v26 =	vsub.f32 $0.0e+00, v48;
	v59 =	vlaneseq.u32;
	v42 =	vmul.f32 v57, v41;
	v57 =	vld [tilespmem:$0x1FF40]  }
0x177: {  	vm1 =	veq.s32 v63, v59;
	v63 =	vmul.f32 v53, v41;
	v48 =	vadd.f32 v9, v17;
	v17 =	vld [tilespmem:s12+$0xA0]  }
0x178: {  	v9 =	vsel vm0, v52, v25;
	v25 =	vsub.f32 $0.0e+00, v46;
	v52 =	vld [tilespmem:s12+$0x120]  }
0x179: {  	v23 =	vsel vm0, v45, v23;
	v7 =	vadd.f32 v63, v7;
	v63 =	vsub.f32 $0.0e+00, v16;
	v16 =	vld [tilespmem:s12+$0x260]  }
0x17a: {  	v58 =	vmul.f32 v58, v41;
	v24 =	vsel vm0, v25, v24;
	v25 =	vsub.f32 $0.0e+00, v44;
	v44 =	vld [tilespmem:s12+$0x1A0]  }
0x17b: {  	v6 =	vadd.f32 v42, v6;
	v26 =	vsel vm0, v26, v57;
	v27 =	vmul.f32 v27, v41;
	v57 =	vld [tilespmem:s12+$0x160]  }
0x17c: {  	v42 =	vadd.f32 v58, v49;
	v22 =	vsel vm0, v25, v22;
	v25 =	vsub.f32 $0.0e+00, v43;
	v43 =	vld [tilespmem:s12+$0x220]  }
0x17d: {  	v45 =	vadd.f32 v27, v15;
	v58 =	vmul.f32 v17, v41;
	v17 =	vld [tilespmem:s12+$0x1E0];
	v27 =	vmul.f32 v47, v41  }
0x17e: {  	v21 =	vsel vm0, v25, v21;
	v25 =	vld [tilespmem:s12+$0x2A0]  }
0x17f: {  	v47 =	vadd.f32 v27, v50;
	v27 =	vld [tilespmem:s12+$0x2E0]  }
0x180: {  	v46 =	vadd.f32 v58, v11;
	v11 =	vld [tilespmem:s12+$0x360]  }
0x181: {  	v52 =	vmul.f32 v52, v41;
	v50 =	vld [tilespmem:$0x1FF60]  }
0x182: {  	v58 =	vmul.f32 v44, v41;
	v53 =	vmul.f32 v57, v41;
	v57 =	vsub.f32 $0.0e+00, v38;
	v38 =	vld [tilespmem:s12+$0x3A0]  }
0x183: {  	v8 =	vadd.f32 v52, v8;
	v52 =	vmul.f32 v43, v41;
	v43 =	vld [tilespmem:s12+$0x420]  }
0x184: {  	v49 =	vsub.f32 $0.0e+00, v37;
	v37 =	vadd.f32 v58, v13;
	v58 =	vld [tilespmem:$0x1FF80]  }
0x185: {  	v44 =	vadd.f32 v53, v10;
	v10 =	vld [tilespmem:s12+$0x3E0]  }
0x186: {  	v39 =	vsub.f32 $0.0e+00, v39;
	v20 =	vsel vm0, v63, v20;
	v53 =	vmul.f32 v16, v41;
	v16 =	vld [tilespmem:$0x1FF70]  }
0x187: {  	v63 =	vmul.f32 v17, v41;
	v18 =	vsel vm0, v57, v18;
	v57 =	vmul.f32 v25, v41;
	v25 =	vld [tilespmem:s12+$0xFFFFFFB0]  }
0x188: {  	v17 =	vsel vm0, v39, v50;
	v50 =	vld [tilespmem:s12+$0xFFFFFFF0]  }
0x189: {  	v0 =	vadd.f32 v63, v0;
	v39 =	vadd.f32 v53, v62;
	v62 =	vmul.f32 v12, v41;
	v63 =	vld [tilespmem:$0x1FFA0]  }
0x18a: {  	v12 =	vld [tilespmem:$0x1FFB0]  }
0x18b: {  	v14 =	vsub.f32 $0.0e+00, v14;
	v27 =	vmul.f32 v27, v41;
	v53 =	vadd.f32 v62, v54;
	v54 =	vld [tilespmem:$0x1FFC0]  }
0x18c: {  	v35 =	vsub.f32 $0.0e+00, v35;
	v16 =	vsel vm0, v49, v16;
	v49 =	vadd.f32 v52, v61;
	v61 =	vld [tilespmem:$0x1FF90]  }
0x18d: {  	v15 =	vsel vm0, v14, v58;
	v36 =	vadd.f32 v27, v36;
	v27 =	vmul.f32 v11, v41;
	v58 =	vld [tilespmem:s12+$0x130]  }
0x18e: {  	v34 =	vsub.f32 $0.0e+00, v34;
	v55 =	vsub.f32 $0.0e+00, v55;
	v52 =	vld [tilespmem:s12+$0x30];
	v10 =	vmul.f32 v10, v41  }
0x18f: {  	v40 =	vadd.f32 v27, v40;
	v27 =	vmul.f32 v43, v41;
	v13 =	vsel vm0, v35, v63;
	v35 =	vld [tilespmem:s12+$0x70]  }
0x190: {  	v25 =	vmul.f32 v25, v31;
	v43 =	vadd.f32 v10, v56;
	v63 =	vld [tilespmem:s12+$0x1F0];
	v10 =	vsub.f32 $0.0e+00, v33  }
0x191: {  	v48 =	vadd.f32 v27, v48;
	v14 =	vsel vm0, v34, v61;
	v34 =	vadd.f32 v57, v29;
	v57 =	vld [tilespmem:s12+$0xB0]  }
0x192: {  	vm2 =	vmmov vm1;
	v6 =	vadd.f32 v25, v6;
	v29 =	vsub.f32 $0.0e+00, v60;
	v60 =	vld [tilespmem:$0x1FF50]  }
0x193: {  	v25 =	vsub.f32 $0.0e+00, v30;
	v58 =	vmul.f32 v58, v31;
	v61 =	vld [tilespmem:s12+$0x1B0];
	v62 =	vmul.f32 v52, v31  }
0x194: {  	v52 =	vperm.xlane v6, v1;
	v12 =	vsel vm0, v29, v12;
	v29 =	vmul.f32 v38, v41;
	v38 =	vld [tilespmem:s12+$0xF0]  }
0x195: {  	v27 =	vsub.f32 $0.0e+00, v32;
	v8 =	vadd.f32 v58, v8;
	v41 =	vld [tilespmem:s12+$0x170];
	v63 =	vmul.f32 v63, v31  }
0x196: {  	v30 =	vmul.f32 v35, v31;
	v35 =	vld [tilespmem:s12+$0x230];
	v7 =	vadd.f32 v62, v7;
	v6 =	vadd.f32 v6, v52  }
0x197: {  	v11 =	vsel vm0, v55, v54;
	v62 =	vld [tilespmem:s12+$0x330];
	v51 =	vadd.f32 v29, v51;
	v0 =	vadd.f32 v63, v0  }
0x198: {  	v63 =	vperm.xlane v8, v1;
	v29 =	vsel vm1, v5, v60;
	v5 =	vmul.f32 v50, v31  }
0x199: {  	v58 =	vld [tilespmem:s12+$0x3F0];
	v30 =	vadd.f32 v30, v45;
	v56 =	vmul.f32 v57, v31;
	v61 =	vmul.f32 v61, v31  }
0x19a: {  	v60 =	vld [tilespmem:s12+$0x2F0];
	v50 =	vperm.xlane v7, v1;
	v8 =	vadd.f32 v8, v63;
	v5 =	vadd.f32 v5, v42  }
0x19b: {  	v42 =	vld [tilespmem:s12+$0x270];
	v57 =	vmul.f32 v38, v31;
	v32 =	vadd.f32 v56, v46;
	v41 =	vmul.f32 v41, v31  }
0x19c: {  	v38 =	vld [tilespmem:s12+$0x2B0];
	v37 =	vadd.f32 v61, v37;
	v35 =	vmul.f32 v35, v31;
	v61 =	vmul.f32 v62, v31  }
0x19d: {  	v56 =	vld [tilespmem:s12+$0x370];
	v33 =	vadd.f32 v57, v47;
	v41 =	vadd.f32 v41, v44;
	v44 =	vperm.xlane v5, v1  }
0x19e: {  	v35 =	vadd.f32 v35, v49;
	v49 =	vmul.f32 v58, v31;
	v58 =	vperm.xlane v0, v1  }
0x19f: {  	v7 =	vadd.f32 v7, v50;
	v46 =	vmul.f32 v60, v31;
	v62 =	vperm.xlane v33, v1  }
0x1a0: {  	v57 =	vld [tilespmem:s12+$0x3B0];
	v43 =	vadd.f32 v49, v43;
	v0 =	vadd.f32 v0, v58;
	v58 =	vperm.xlane v6, v2  }
0x1a1: {  	v5 =	vadd.f32 v5, v44;
	v42 =	vmul.f32 v42, v31;
	v38 =	vmul.f32 v38, v31  }
0x1a2: {  	v60 =	vld [tilespmem:s12+$0x430];
	v36 =	vadd.f32 v46, v36;
	v45 =	vmul.f32 v56, v31;
	v33 =	vadd.f32 v33, v62  }
0x1a3: {  	v46 =	vperm.xlane v30, v1;
	v6 =	vadd.f32 v6, v58;
	v39 =	vadd.f32 v42, v39  }
0x1a4: {  	v56 =	vperm.xlane v41, v1;
	v34 =	vadd.f32 v38, v34;
	v38 =	vadd.f32 v61, v53  }
0x1a5: {  	v47 =	vmul.f32 v57, v31;
	v53 =	vperm.xlane v32, v1;
	v40 =	vadd.f32 v45, v40  }
0x1a6: {  	v57 =	vperm.xlane v37, v1;
	v30 =	vadd.f32 v30, v46;
	v46 =	vperm.xlane v36, v1  }
0x1a7: {  	v41 =	vadd.f32 v41, v56;
	v56 =	vperm.xlane v43, v1;
	v31 =	vmul.f32 v60, v31  }
0x1a8: {  	v60 =	vperm.xlane v35, v1;
	v45 =	vperm.xlane v33, v2;
	v47 =	vadd.f32 v47, v51  }
0x1a9: {  	v61 =	vperm.xlane v39, v1;
	v50 =	vperm.xlane v34, v1;
	v32 =	vadd.f32 v32, v53  }
0x1aa: {  	v53 =	vperm.xlane v38, v1;
	v37 =	vadd.f32 v37, v57;
	v36 =	vadd.f32 v36, v46  }
0x1ab: {  	v62 =	vperm.xlane v40, v1;
	v42 =	vadd.f32 v43, v56;
	v31 =	vadd.f32 v31, v48  }
0x1ac: {  	v35 =	vadd.f32 v35, v60;
	v60 =	vperm.xlane v5, v2;
	v33 =	vadd.f32 v33, v45  }
0x1ad: {  	v63 =	vperm.xlane v47, v1;
	v39 =	vadd.f32 v39, v61;
	v61 =	vperm.xlane v7, v2  }
0x1ae: {  	v34 =	vadd.f32 v34, v50;
	v50 =	vperm.xlane v30, v2;
	v46 =	vperm.xlane v32, v2  }
0x1af: {  	v38 =	vadd.f32 v38, v53;
	v40 =	vadd.f32 v40, v62;
	v62 =	vperm.xlane v8, v2  }
0x1b0: {  	v56 =	vperm.xlane v37, v2;
	v57 =	vperm.xlane v31, v1;
	v5 =	vadd.f32 v5, v60  }
0x1b1: {  	v58 =	vperm.xlane v35, v2;
	v47 =	vadd.f32 v47, v63;
	v63 =	vperm.xlane v41, v2  }
0x1b2: {  	v60 =	vperm.xlane v39, v2;
	v7 =	vadd.f32 v7, v61;
	v61 =	vperm.xlane v34, v2  }
0x1b3: {  	v30 =	vadd.f32 v30, v50;
	v50 =	vperm.xlane v36, v2;
	v32 =	vadd.f32 v32, v46  }
0x1b4: {  	v46 =	vperm.xlane v38, v2;
	v45 =	vperm.xlane v40, v2;
	v8 =	vadd.f32 v8, v62  }
0x1b5: {  	v37 =	vadd.f32 v37, v56;
	v31 =	vadd.f32 v31, v57;
	v57 =	vperm.xlane v0, v2  }
0x1b6: {  	v35 =	vadd.f32 v35, v58;
	v58 =	vperm.xlane v5, v3;
	v62 =	vperm.xlane v47, v2  }
0x1b7: {  	v41 =	vadd.f32 v41, v63;
	v63 =	vperm.xlane v42, v2;
	v39 =	vadd.f32 v39, v60  }
0x1b8: {  	v60 =	vperm.xlane v7, v3;
	v34 =	vadd.f32 v34, v61;
	v61 =	vperm.xlane v30, v3  }
0x1b9: {  	v36 =	vadd.f32 v36, v50;
	v38 =	vadd.f32 v38, v46;
	v46 =	vperm.xlane v32, v3  }
0x1ba: {  	v40 =	vadd.f32 v40, v45;
	v56 =	vperm.xlane v31, v2;
	v0 =	vadd.f32 v0, v57  }
0x1bb: {  	v57 =	vperm.xlane v6, v3;
	v5 =	vadd.f32 v5, v58;
	v58 =	vperm.xlane v35, v3  }
0x1bc: {  	v43 =	vadd.f32 v47, v62;
	v62 =	vperm.xlane v33, v3;
	v42 =	vadd.f32 v42, v63  }
0x1bd: {  	v47 =	vperm.xlane v8, v3;
	v63 =	vperm.xlane v41, v3;
	v7 =	vadd.f32 v7, v60  }
0x1be: {  	v60 =	vperm.xlane v39, v3;
	v30 =	vadd.f32 v30, v61;
	v48 =	vperm.xlane v34, v3  }
0x1bf: {  	v61 =	vperm.xlane v36, v3;
	v32 =	vadd.f32 v32, v46;
	v46 =	vperm.xlane v38, v3  }
0x1c0: {  	v31 =	vadd.f32 v31, v56;
	v6 =	vadd.f32 v6, v57;
	v56 =	vperm.xlane v37, v3  }
0x1c1: {  	v57 =	vperm.xlane v0, v3;
	v35 =	vadd.f32 v35, v58;
	v58 =	vperm.xlane v5, v4  }
0x1c2: {  	v33 =	vadd.f32 v33, v62;
	v62 =	vperm.xlane v40, v3;
	v8 =	vadd.f32 v8, v47  }
0x1c3: {  	v47 =	vperm.xlane v43, v3;
	v41 =	vadd.f32 v41, v63;
	v63 =	vperm.xlane v42, v3  }
0x1c4: {  	v39 =	vadd.f32 v39, v60;
	v60 =	vperm.xlane v7, v4;
	v34 =	vadd.f32 v34, v48  }
0x1c5: {  	v36 =	vadd.f32 v36, v61;
	v61 =	vperm.xlane v30, v4;
	v38 =	vadd.f32 v38, v46  }
0x1c6: {  	v37 =	vadd.f32 v37, v56;
	v56 =	vperm.xlane v31, v3;
	v0 =	vadd.f32 v0, v57  }
0x1c7: {  	v57 =	vperm.xlane v6, v4;
	v5 =	vadd.f32 v5, v58;
	v40 =	vadd.f32 v40, v62  }
0x1c8: {  	v62 =	vperm.xlane v32, v4;
	v42 =	vadd.f32 v42, v63;
	v63 =	vperm.xlane v33, v4  }
0x1c9: {  	v43 =	vadd.f32 v43, v47;
	v47 =	vperm.xlane v8, v4;
	v44 =	vperm.xlane v41, v4  }
0x1ca: {  	v7 =	vadd.f32 v7, v60;
	v58 =	vperm.xlane v39, v4;
	v5 =	vsub.f32 $0.0e+00, v5  }
0x1cb: {  	s15 =	sshll.u32 s1, $0x5;
	v30 =	vadd.f32 v30, v61;
	v60 =	vperm.xlane v34, v4;
	v53 =	vperm.xlane v36, v4  }
0x1cc: {  	s12 =	sand.u32 $0x3FFFFFE0, s15;
	v61 =	vperm.xlane v38, v4;
	v31 =	vadd.f32 v31, v56;
	v5 =	vsel vm2, v5, v9  }
0x1cd: {  	v6 =	vadd.f32 v6, v57;
	v49 =	vperm.xlane v37, v4;
	[tilespmem:s12+$0xE000] =	vst v5;
	v5 =	vadd.f32 v41, v44  }
0x1ce: {  	v56 =	vperm.xlane v0, v4;
	v32 =	vadd.f32 v32, v62;
	v7 =	vsub.f32 $0.0e+00, v7  }
0x1cf: {  	v57 =	vperm.xlane v35, v4;
	v33 =	vadd.f32 v33, v63;
	v5 =	vsub.f32 $0.0e+00, v5  }
0x1d0: {  	[tilespmem:s12+$0xDC00] =	vst v29;
	v6 =	vsub.f32 $0.0e+00, v6;
	v0 =	vadd.f32 v0, v56;
	v7 =	vsel vm2, v7, v24  }
0x1d1: {  	v32 =	vsub.f32 $0.0e+00, v32;
	[tilespmem:s12+$0xE200] =	vst v7;
	v7 =	vadd.f32 v37, v49;
	v5 =	vsel vm2, v5, v19  }
0x1d2: {  	v6 =	vsel vm2, v6, v26;
	v0 =	vsub.f32 $0.0e+00, v0;
	[tilespmem:s12+$0xEC00] =	vst v5;
	v5 =	vadd.f32 v36, v53  }
0x1d3: {  	[tilespmem:s12+$0xDE00] =	vst v6;
	v6 =	vadd.f32 v8, v47;
	v8 =	vsel vm2, v32, v22;
	v7 =	vsub.f32 $0.0e+00, v7  }
0x1d4: {  	v62 =	vperm.xlane v40, v4;
	[tilespmem:s12+$0xE600] =	vst v8;
	v0 =	vsel vm2, v0, v17;
	v5 =	vsub.f32 $0.0e+00, v5  }
0x1d5: {  	v37 =	vadd.f32 v35, v57;
	v6 =	vsub.f32 $0.0e+00, v6;
	[tilespmem:s12+$0xF000] =	vst v0;
	v7 =	vsel vm2, v7, v18  }
0x1d6: {  	v26 =	vperm.xlane v43, v4;
	v0 =	vadd.f32 v40, v62;
	[tilespmem:s12+$0xEE00] =	vst v7;
	v5 =	vsel vm2, v5, v13  }
0x1d7: {  	v8 =	vsub.f32 $0.0e+00, v37;
	v6 =	vsel vm2, v6, v20;
	v7 =	vadd.f32 v38, v61;
	[tilespmem:s12+$0xF800] =	vst v5;
	v5 =	vld [tilespmem:$0x1FFD0]  }
0x1d8: {  	v29 =	vperm.xlane v42, v4;
	v0 =	vsub.f32 $0.0e+00, v0;
	[tilespmem:s12+$0xEA00] =	vst v6;
	v6 =	vadd.f32 v34, v60  }
0x1d9: {  	v41 =	vadd.f32 v43, v26;
	v8 =	vsel vm2, v8, v16;
	v7 =	vsub.f32 $0.0e+00, v7  }
0x1da: {  	v30 =	vsub.f32 $0.0e+00, v30;
	[tilespmem:s12+$0xF200] =	vst v8;
	v0 =	vsel vm2, v0, v11;
	v6 =	vsub.f32 $0.0e+00, v6  }
0x1db: {  	v63 =	vperm.xlane v31, v4;
	v8 =	vsub.f32 $0.0e+00, v41;
	[tilespmem:s12+$0xFC00] =	vst v0;
	v0 =	vld [tilespmem:$0x1FFF0];
	v7 =	vsel vm2, v7, v12  }
0x1dc: {  	v20 =	vadd.f32 v39, v58;
	v6 =	vsel vm2, v6, v14;
	[tilespmem:s12+$0xFA00] =	vst v7;
	v7 =	vld [tilespmem:$0x1FFE0];
	v5 =	vsel vm0, v25, v5  }
0x1dd: {  	v24 =	vsub.f32 $0.0e+00, v33;
	[tilespmem:s12+$0xF600] =	vst v6;
	v6 =	vadd.f32 v31, v63;
	v5 =	vsel vm2, v8, v5  }
0x1de: {  	v23 =	vsel vm2, v30, v23;
	v43 =	vadd.f32 v42, v29;
	v18 =	vsub.f32 $0.0e+00, v20;
	[tilespmem:s12+$0xFE00] =	vst v5;
	v5 =	vld [tilespmem:$0x1FF30]  }
0x1df: {  	[tilespmem:s12+$0xE400] =	vst v23;
	v21 =	vsel vm2, v24, v21;
	v6 =	vsub.f32 $0.0e+00, v6  }
0x1e0: {  	p0 =	seq.s32 s1, $0xF;
	s14 =	sshll.u32 s1, $0x1;
	[tilespmem:s12+$0xE800] =	vst v21;
	v44 =	vsub.f32 $0.0e+00, v43;
	v15 =	vsel vm2, v18, v15;
	v0 =	vsel vm0, v10, v0  }
0x1e1: {  	s15 =	sadd.s32 @!p0 $0x2, s14;
	v45 =	vsub.f32 $0.0e+00, v28;
	[tilespmem:s12+$0xF400] =	vst v15;
	v7 =	vsel vm0, v27, v7;
	v0 =	vsel vm2, v6, v0  }
0x1e2: {  	s16 =	sshll.u32 @!p0 s15, $0x4;
	s15 =	smul.u32 @!p0 $0x540, s15;
	v7 =	vsel vm2, v44, v7;
	[tilespmem:s12+$0x10200] =	vst v0  }
0x1e3: {  	s18 =	simm.s32 @!p0 $0x10;
	[tilespmem:s12+$0x10000] =	vst v7;
	v5 =	vsel vm1, v45, v5  }
0x1e4: {  	s19 =	simm.s32 @!p0 $0x2C00;
	s16 =	sand.u32 @!p0 $0x3FFFFFF0, s16;
	s15 =	sshra.s32 @!p0 s15, $0x2;
	[tilespmem:s12+$0x10400] =	vst v5  }
0x1e5: {  	[tilespmem:s19], [sflag:$0x1] =	stream.indirect.gather @!p0 [hbm4b:s3+s18], $0x40, s16, s18, $0xb8;
	[tilespmem:$0x10600] =	vst v63  }
0x1e6: {  	s16 =	sadd.s32 @!p0 $0x200, s15;
	s18 =	simm.s32 @!p0 $0x80;
	s19 =	simm.s32 @!p0 $0x3400  }
0x1e7: {  	[tilespmem:s19], [sflag:$0x1] =	stream.indirect.gather @!p0 [hbm4b:s4+s18], $0x40, s16, s18, $0xb8;
	[tilespmem:$0x10600] =	vst v63  }
0x1e8: {  	s16 =	sadd.s32 @!p0 $0x280, s15;
	s19 =	simm.s32 @!p0 $0x5400  }
0x1e9: {  	[tilespmem:s19], [sflag:$0x1] =	stream.indirect.gather @!p0 [hbm4b:s4+s18], $0x40, s16, s18, $0xb8;
	[tilespmem:$0x10600] =	vst v63  }
0x1ea: {  	s15 =	sadd.s32 @!p0 $0x300, s15;
	s16 =	simm.s32 @!p0 $0x50;
	s18 =	simm.s32 @!p0 $0x7400  }
0x1eb: {  	[tilespmem:s18], [sflag:$0x1] =	stream.indirect.gather @!p0 [hbm4b:s4+s16], $0x40, s15, s16, $0xb8;
	[tilespmem:$0x10600] =	vst v63  }
0x1ec: {  	_ =	swait.ge [sflag:s29], $0x400  }
0x1ed: {  	[sflag:s29] =	ssyncset.done $0x0  }
0x1ee: {  	[sflag:s29] =	ssyncadd.s32 $0xFFFFFC00  }
0x1ef: {  	_ =	swait.ge [sflag:s29], $0x2000  }
0x1f0: {  	[sflag:s29] =	ssyncset.done $0x0  }
0x1f1: {  	[sflag:s29] =	ssyncadd.s32 $0xFFFFE000  }
0x1f2: {  	_ =	swait.ge [sflag:s29], $0x2000  }
0x1f3: {  	[sflag:s29] =	ssyncset.done $0x0  }
0x1f4: {  	[sflag:s29] =	ssyncadd.s32 $0xFFFFE000  }
0x1f5: {  	_ =	swait.ge [sflag:s29], $0x1400  }
0x1f6: {  	[sflag:s29] =	ssyncset.done $0x0  }
0x1f7: {  	s16 =	simm.s32 $0x3020;
	[sflag:s29] =	ssyncadd.s32 $0xFFFFEC00  }
0x1f8: {  	v0 =	vld [tilespmem:s16+$0x10]  }
0x1f9: {  	v5 =	vld [tilespmem:s16+$0x0]  }
0x1fa: {  	v46 =	vld [tilespmem:s16+$0xFFFFFFE0]  }
0x1fb: {  	s18 =	simm.s32 $0x8820;
	v47 =	vld [tilespmem:s16+$0xFFFFFFF0]  }
0x1fc: {  	v9 =	vld [tilespmem:s18+$0xFFFFFFE0]  }
0x1fd: {  	s19 =	simm.s32 $0x8C80;
	v10 =	vld [tilespmem:s18+$0xFFFFFFF0]  }
0x1fe: {  	v48 =	vld [tilespmem:s19+$0x440]  }
0x1ff: {  	v49 =	vld [tilespmem:s19+$0x450]  }
0x200: {  	v7 =	vld [tilespmem:s18+$0x0]  }
0x201: {  	v50 =	vld [tilespmem:s19+$0x460]  }
0x202: {  	v6 =	vld [tilespmem:s18+$0x10]  }
0x203: {  	v51 =	vld [tilespmem:s19+$0x470]  }
0x204: {  	v16 =	vld [tilespmem:s19+$0xFFFFFF80]  }
0x205: {  	v17 =	vld [tilespmem:s19+$0xFFFFFF90]  }
0x206: {  	v18 =	vld [tilespmem:s19+$0xFFFFFFC0]  }
0x207: {  	v19 =	vld [tilespmem:s19+$0xFFFFFFD0]  }
0x208: {  	v20 =	vld [tilespmem:s19+$0x0]  }
0x209: {  	v21 =	vld [tilespmem:s19+$0x10]  }
0x20a: {  	v22 =	vld [tilespmem:s19+$0x40]  }
0x20b: {  	v23 =	vld [tilespmem:s19+$0x50]  }
0x20c: {  	v24 =	vld [tilespmem:s19+$0x80]  }
0x20d: {  	v25 =	vld [tilespmem:s19+$0x90]  }
0x20e: {  	v26 =	vld [tilespmem:s19+$0xC0]  }
0x20f: {  	v27 =	vld [tilespmem:s19+$0xD0]  }
0x210: {  	v28 =	vld [tilespmem:s19+$0x100]  }
0x211: {  	v29 =	vld [tilespmem:s19+$0x110]  }
0x212: {  	v30 =	vld [tilespmem:s19+$0x140]  }
0x213: {  	v31 =	vld [tilespmem:s19+$0x150]  }
0x214: {  	v32 =	vld [tilespmem:s19+$0x180]  }
0x215: {  	v53 =	vld [tilespmem:s19+$0x190];
	v12 =	vmul.f32 v48, v9  }
0x216: {  	v54 =	vld [tilespmem:s19+$0x1C0];
	v13 =	vmul.f32 v49, v10;
	v8 =	vmul.f32 v46, v9  }
0x217: {  	v56 =	vld [tilespmem:s19+$0x1D0];
	v11 =	vmul.f32 v47, v10;
	v52 =	vmul.f32 v50, v7  }
0x218: {  	v57 =	vld [tilespmem:s19+$0x200];
	v5 =	vmul.f32 v5, v7;
	v55 =	vmul.f32 v51, v6  }
0x219: {  	v60 =	vld [tilespmem:s19+$0x210];
	v0 =	vmul.f32 v0, v6;
	v16 =	vmul.f32 v16, v9  }
0x21a: {  	v61 =	vld [tilespmem:s19+$0x250];
	v17 =	vmul.f32 v17, v10;
	v18 =	vmul.f32 v18, v9  }
0x21b: {  	v63 =	vld [tilespmem:s19+$0x280];
	v19 =	vmul.f32 v19, v10;
	v20 =	vmul.f32 v20, v9  }
0x21c: {  	v45 =	vld [tilespmem:s19+$0x290];
	v21 =	vmul.f32 v21, v10;
	v12 =	vadd.f32 v13, v12;
	v8 =	vadd.f32 v11, v8  }
0x21d: {  	v36 =	vld [tilespmem:s19+$0xA0];
	v22 =	vmul.f32 v22, v9;
	v23 =	vmul.f32 v23, v10  }
0x21e: {  	v42 =	vld [tilespmem:s19+$0x420];
	v26 =	vmul.f32 v26, v9;
	v12 =	vadd.f32 v52, v12;
	v5 =	vadd.f32 v5, v8  }
0x21f: {  	v46 =	vld [tilespmem:s19+$0x2C0];
	v27 =	vmul.f32 v27, v10;
	v28 =	vmul.f32 v28, v9  }
0x220: {  	v11 =	vmul.f32 v54, v9;
	v54 =	vld [tilespmem:s19+$0x20];
	v58 =	vadd.f32 v55, v12;
	v0 =	vadd.f32 v0, v5  }
0x221: {  	v47 =	vld [tilespmem:s19+$0x2D0];
	v14 =	vmul.f32 v53, v10;
	v15 =	vmul.f32 v56, v10  }
0x222: {  	v16 =	vadd.f32 v17, v16;
	v5 =	vld [tilespmem:s19+$0x240];
	v13 =	vperm.xlane v58, v1;
	v62 =	vperm.xlane v0, v1  }
0x223: {  	v50 =	vld [tilespmem:s19+$0x380];
	v34 =	vmul.f32 v61, v10;
	v18 =	vadd.f32 v19, v18;
	v20 =	vadd.f32 v21, v20  }
0x224: {  	v56 =	vld [tilespmem:s19+$0x60];
	v21 =	vmul.f32 v25, v10;
	v8 =	vadd.f32 v58, v13;
	v0 =	vadd.f32 v0, v62  }
0x225: {  	v48 =	vld [tilespmem:s19+$0x300];
	v22 =	vadd.f32 v23, v22;
	v12 =	vmul.f32 v60, v10;
	v54 =	vmul.f32 v54, v7  }
0x226: {  	v49 =	vld [tilespmem:s19+$0x350];
	v26 =	vadd.f32 v27, v26;
	v17 =	vperm.xlane v8, v2;
	v19 =	vperm.xlane v0, v2  }
0x227: {  	v51 =	vld [tilespmem:s19+$0x390];
	v11 =	vadd.f32 v15, v11;
	v13 =	vmul.f32 v45, v10;
	v55 =	vmul.f32 v5, v9  }
0x228: {  	v53 =	vld [tilespmem:s19+$0xFFFFFFA0];
	v62 =	vmul.f32 v50, v9;
	v8 =	vadd.f32 v8, v17;
	v0 =	vadd.f32 v0, v19  }
0x229: {  	v15 =	vadd.f32 v34, v55;
	v55 =	vmul.f32 v56, v7;
	v56 =	vld [tilespmem:s19+$0x2E0];
	v19 =	vmul.f32 v24, v9  }
0x22a: {  	v20 =	vadd.f32 v54, v20;
	v17 =	vld [tilespmem:s19+$0x310];
	v25 =	vperm.xlane v8, v3;
	v23 =	vperm.xlane v0, v3  }
0x22b: {  	v24 =	vld [tilespmem:s19+$0x340];
	v22 =	vadd.f32 v55, v22;
	v19 =	vadd.f32 v21, v19;
	v21 =	vmul.f32 v29, v10  }
0x22c: {  	v61 =	vld [tilespmem:s19+$0x160];
	v29 =	vmul.f32 v30, v9;
	v25 =	vadd.f32 v8, v25;
	v0 =	vadd.f32 v0, v23  }
0x22d: {  	v27 =	vld [tilespmem:s19+$0x400];
	v23 =	vmul.f32 v31, v10;
	v21 =	vadd.f32 v21, v28;
	v28 =	vmul.f32 v32, v9  }
0x22e: {  	v30 =	vld [tilespmem:s19+$0x3C0];
	v8 =	vimm.f32 $0.0e+00;
	v44 =	vmul.f32 v56, v7;
	v31 =	vperm.xlane v25, v4  }
0x22f: {  	v58 =	vld [tilespmem:s19+$0xE0];
	v17 =	vmul.f32 v17, v10;
	v14 =	vadd.f32 v14, v28;
	v28 =	vmul.f32 v57, v9  }
0x230: {  	s21 =	simm.s32 $0x0;
	v52 =	vld [tilespmem:s19+$0x3D0];
	v24 =	vmul.f32 v24, v9;
	v57 =	vmul.f32 v47, v10;
	v25 =	vadd.f32 v25, v31  }
0x231: {  	v60 =	vld [tilespmem:s19+$0x120];
	v31 =	vmov s21;
	v12 =	vadd.f32 v12, v28;
	v28 =	vmul.f32 v46, v9  }
0x232: {  	v50 =	vld [tilespmem:s19+$0x1E0];
	v23 =	vadd.f32 v23, v29;
	vm0 =	veq.s32 v31, v59;
	v59 =	vmul.f32 v48, v9  }
0x233: {  	v29 =	vld [tilespmem:s19+$0x410];
	v30 =	vmul.f32 v30, v9;
	v25 =	vsub.f32 $0.0e+00, v25;
	v28 =	vadd.f32 v57, v28  }
0x234: {  	v31 =	vld [tilespmem:s19+$0xFFFFFFE0];
	v57 =	vmul.f32 v58, v7;
	v17 =	vadd.f32 v17, v59;
	v59 =	vmul.f32 v61, v7  }
0x235: {  	v45 =	vld [tilespmem:s19+$0xFFFFFFF0];
	v5 =	vsel vm0, v25, v8;
	v25 =	vmul.f32 v63, v9;
	v63 =	vmul.f32 v51, v10  }
0x236: {  	v48 =	vld [tilespmem:s19+$0x1A0];
	v51 =	vperm.xlane v0, v4;
	v9 =	vmul.f32 v27, v9;
	v26 =	vadd.f32 v57, v26  }
0x237: {  	v58 =	vld [tilespmem:s19+$0x360];
	v13 =	vadd.f32 v13, v25;
	v25 =	vmul.f32 v49, v10;
	v49 =	vmul.f32 v52, v10  }
0x238: {  	v28 =	vadd.f32 v44, v28;
	v23 =	vadd.f32 v59, v23;
	v10 =	vmul.f32 v29, v10;
	v29 =	vld [tilespmem:s19+$0x260]  }
0x239: {  	v52 =	vld [tilespmem:s19+$0x220];
	v31 =	vmul.f32 v31, v7;
	v27 =	vadd.f32 v49, v30;
	v30 =	vmul.f32 v53, v7  }
0x23a: {  	[tilespmem:$0x1FE60] =	vst v5;
	v5 =	vimm.f32 $0.0e+00;
	v0 =	vadd.f32 v0, v51;
	v24 =	vadd.f32 v25, v24;
	v53 =	vld [tilespmem:s19+$0x2A0]  }
0x23b: {  	v18 =	vadd.f32 v31, v18;
	v31 =	vld [tilespmem:s19+$0x320];
	v16 =	vadd.f32 v30, v16;
	v30 =	vmul.f32 v36, v7  }
0x23c: {  	v61 =	vmul.f32 v48, v7;
	v25 =	vadd.f32 v63, v62;
	v10 =	vadd.f32 v10, v9;
	v63 =	vld [tilespmem:s19+$0x3E0]  }
0x23d: {  	v43 =	vmul.f32 v29, v7;
	v29 =	vld [tilespmem:s19+$0xFFFFFFB0];
	v19 =	vadd.f32 v30, v19;
	v30 =	vmul.f32 v60, v7  }
0x23e: {  	v62 =	vmul.f32 v50, v7;
	v14 =	vadd.f32 v61, v14;
	v0 =	vsel vm0, v0, v8;
	v60 =	vld [tilespmem:s19+$0x3A0]  }
0x23f: {  	v48 =	vld [tilespmem:s19+$0x70];
	[tilespmem:$0x1FE80] =	vst v0;
	v0 =	vmul.f32 v45, v6;
	v21 =	vadd.f32 v30, v21;
	v30 =	vmul.f32 v52, v7  }
0x240: {  	v47 =	vld [tilespmem:s19+$0x30];
	vm0 =	vmmov vm0;
	v46 =	vmul.f32 v31, v7;
	v31 =	vmul.f32 v58, v7  }
0x241: {  	v11 =	vadd.f32 v62, v11;
	v12 =	vadd.f32 v30, v12;
	v30 =	vmul.f32 v53, v7  }
0x242: {  	v49 =	vmul.f32 v63, v7;
	v24 =	vadd.f32 v31, v24;
	v31 =	vld [tilespmem:s19+$0xB0];
	v29 =	vmul.f32 v29, v6  }
0x243: {  	v13 =	vadd.f32 v30, v13;
	v30 =	vmul.f32 v60, v7;
	v7 =	vmul.f32 v42, v7  }
0x244: {  	v50 =	vld [tilespmem:s19+$0x130];
	v0 =	vadd.f32 v0, v18;
	v18 =	vmul.f32 v48, v6;
	v15 =	vadd.f32 v43, v15  }
0x245: {  	v51 =	vld [tilespmem:s19+$0x1B0];
	v7 =	vadd.f32 v7, v10;
	v10 =	vadd.f32 v29, v16;
	v16 =	vmul.f32 v47, v6  }
0x246: {  	v18 =	vadd.f32 v18, v22;
	v53 =	vperm.xlane v0, v1;
	v25 =	vadd.f32 v30, v25;
	v30 =	vld [tilespmem:s19+$0xF0]  }
0x247: {  	v17 =	vadd.f32 v46, v17;
	v16 =	vadd.f32 v16, v20;
	v20 =	vmul.f32 v31, v6  }
0x248: {  	v27 =	vadd.f32 v49, v27;
	v0 =	vadd.f32 v0, v53;
	v29 =	vld [tilespmem:s19+$0x170];
	v52 =	vperm.xlane v10, v1  }
0x249: {  	v56 =	vperm.xlane v18, v1;
	v19 =	vadd.f32 v20, v19;
	v20 =	vmul.f32 v50, v6  }
0x24a: {  	v35 =	vperm.xlane v0, v2;
	v31 =	vld [tilespmem:s19+$0x1F0];
	v54 =	vperm.xlane v16, v1;
	v10 =	vadd.f32 v10, v52  }
0x24b: {  	v22 =	vmul.f32 v30, v6;
	v30 =	vld [tilespmem:s19+$0x230];
	v20 =	vadd.f32 v20, v21;
	v21 =	vmul.f32 v51, v6  }
0x24c: {  	v55 =	vld [tilespmem:s19+$0x270];
	v0 =	vadd.f32 v0, v35;
	v57 =	vperm.xlane v19, v1;
	v33 =	vperm.xlane v10, v2  }
0x24d: {  	v22 =	vadd.f32 v22, v26;
	v26 =	vmul.f32 v29, v6;
	v29 =	vld [tilespmem:s19+$0x2B0];
	v14 =	vadd.f32 v21, v14  }
0x24e: {  	v60 =	vperm.xlane v20, v1;
	v19 =	vadd.f32 v19, v57;
	v10 =	vadd.f32 v10, v33  }
0x24f: {  	v58 =	vld [tilespmem:s19+$0x2F0];
	v59 =	vperm.xlane v22, v1;
	v23 =	vadd.f32 v26, v23;
	v26 =	vmul.f32 v31, v6  }
0x250: {  	v31 =	vld [tilespmem:s19+$0x330];
	v21 =	vmul.f32 v30, v6;
	v63 =	vperm.xlane v14, v1;
	v20 =	vadd.f32 v20, v60  }
0x251: {  	v30 =	vld [tilespmem:s19+$0x370];
	v61 =	vperm.xlane v23, v1;
	v11 =	vadd.f32 v26, v11;
	v26 =	vmul.f32 v55, v6  }
0x252: {  	v62 =	vld [tilespmem:s19+$0x3B0];
	v22 =	vadd.f32 v22, v59;
	v12 =	vadd.f32 v21, v12;
	v21 =	vmul.f32 v29, v6  }
0x253: {  	v49 =	vld [tilespmem:s19+$0x430];
	v14 =	vadd.f32 v14, v63;
	v48 =	vperm.xlane v11, v1;
	v15 =	vadd.f32 v26, v15  }
0x254: {  	v29 =	vld [tilespmem:s19+$0x3F0];
	v26 =	vmul.f32 v58, v6;
	v23 =	vadd.f32 v23, v61;
	v50 =	vperm.xlane v12, v1  }
0x255: {  	v13 =	vadd.f32 v21, v13;
	v21 =	vmul.f32 v31, v6;
	v31 =	vperm.xlane v15, v1  }
0x256: {  	v26 =	vadd.f32 v26, v28;
	v28 =	vmul.f32 v30, v6;
	v11 =	vadd.f32 v11, v48  }
0x257: {  	v30 =	vperm.xlane v13, v1;
	v17 =	vadd.f32 v21, v17;
	v21 =	vmul.f32 v62, v6  }
0x258: {  	v12 =	vadd.f32 v12, v50;
	v51 =	vperm.xlane v26, v1;
	v24 =	vadd.f32 v28, v24  }
0x259: {  	v28 =	vmul.f32 v29, v6;
	v6 =	vmul.f32 v49, v6;
	v15 =	vadd.f32 v15, v31  }
0x25a: {  	v53 =	vperm.xlane v11, v2;
	v29 =	vperm.xlane v17, v1;
	v21 =	vadd.f32 v21, v25  }
0x25b: {  	v13 =	vadd.f32 v13, v30;
	v30 =	vperm.xlane v19, v2;
	v27 =	vadd.f32 v28, v27  }
0x25c: {  	v25 =	vperm.xlane v24, v1;
	v6 =	vadd.f32 v6, v7;
	v7 =	vadd.f32 v16, v54  }
0x25d: {  	v16 =	vadd.f32 v18, v56;
	v26 =	vadd.f32 v26, v51;
	v54 =	vperm.xlane v12, v2  }
0x25e: {  	v55 =	vperm.xlane v15, v2;
	v11 =	vadd.f32 v11, v53;
	v28 =	vperm.xlane v21, v1  }
0x25f: {  	v17 =	vadd.f32 v17, v29;
	v29 =	vperm.xlane v14, v2;
	v56 =	vperm.xlane v13, v2  }
0x260: {  	v19 =	vadd.f32 v19, v30;
	v18 =	vperm.xlane v27, v1;
	v52 =	vperm.xlane v6, v1  }
0x261: {  	v36 =	vperm.xlane v7, v2;
	v31 =	vperm.xlane v16, v2;
	v24 =	vadd.f32 v24, v25  }
0x262: {  	v25 =	vperm.xlane v22, v2;
	v57 =	vperm.xlane v26, v2;
	v12 =	vadd.f32 v12, v54  }
0x263: {  	v15 =	vadd.f32 v15, v55;
	v21 =	vadd.f32 v21, v28;
	v28 =	vperm.xlane v23, v2  }
0x264: {  	v14 =	vadd.f32 v14, v29;
	v29 =	vperm.xlane v0, v3;
	v13 =	vadd.f32 v13, v56  }
0x265: {  	v18 =	vadd.f32 v27, v18;
	v27 =	vperm.xlane v20, v2;
	v6 =	vadd.f32 v6, v52  }
0x266: {  	v7 =	vadd.f32 v7, v36;
	v16 =	vadd.f32 v16, v31;
	v31 =	vperm.xlane v17, v2  }
0x267: {  	v58 =	vperm.xlane v24, v2;
	v22 =	vadd.f32 v22, v25;
	v26 =	vadd.f32 v26, v57  }
0x268: {  	v30 =	vperm.xlane v21, v2;
	v47 =	vadd.f32 v0, v29;
	v0 =	vperm.xlane v14, v3  }
0x269: {  	v23 =	vadd.f32 v23, v28;
	v59 =	vperm.xlane v18, v2;
	v25 =	vperm.xlane v6, v2  }
0x26a: {  	v20 =	vadd.f32 v20, v27;
	v27 =	vperm.xlane v10, v3;
	v60 =	vperm.xlane v7, v3  }
0x26b: {  	v61 =	vperm.xlane v16, v3;
	v17 =	vadd.f32 v17, v31;
	v31 =	vperm.xlane v19, v3  }
0x26c: {  	v24 =	vadd.f32 v24, v58;
	v29 =	vperm.xlane v26, v3;
	v21 =	vadd.f32 v21, v30  }
0x26d: {  	v30 =	vperm.xlane v22, v3;
	v62 =	vperm.xlane v23, v3;
	v38 =	vadd.f32 v14, v0  }
0x26e: {  	v55 =	vperm.xlane v47, v4;
	v0 =	vimm.f32 $0.0e+00;
	v18 =	vadd.f32 v18, v59  }
0x26f: {  	v46 =	vadd.f32 v6, v25;
	v28 =	vadd.f32 v10, v27;
	v6 =	vperm.xlane v20, v3  }
0x270: {  	v25 =	vperm.xlane v11, v3;
	v50 =	vadd.f32 v7, v60;
	v7 =	vperm.xlane v12, v3  }
0x271: {  	v27 =	vperm.xlane v15, v3;
	v45 =	vadd.f32 v16, v61;
	v16 =	vperm.xlane v13, v3  }
0x272: {  	v44 =	vadd.f32 v19, v31;
	v19 =	vperm.xlane v17, v3;
	v31 =	vperm.xlane v24, v3  }
0x273: {  	v35 =	vadd.f32 v26, v29;
	[tilespmem:$0x1FE90] =	vst v0;
	v0 =	vimm.f32 $0.0e+00;
	v43 =	vadd.f32 v22, v30  }
0x274: {  	v22 =	vperm.xlane v21, v3;
	v40 =	vadd.f32 v23, v62;
	v23 =	vimm.f32 $0.0e+00  }
0x275: {  	[tilespmem:$0x1FEA0] =	vst v0;
	v0 =	vimm.f32 $0.0e+00;
	v63 =	vperm.xlane v18, v3;
	v42 =	vadd.f32 v20, v6  }
0x276: {  	s18 =	simm.s32 $0x3060;
	[tilespmem:$0x1FE70] =	vst v5;
	v49 =	vperm.xlane v46, v3;
	v48 =	vperm.xlane v28, v4;
	v39 =	vadd.f32 v11, v25  }
0x277: {  	v51 =	vld [tilespmem:s18+$0x10];
	v37 =	vadd.f32 v12, v7;
	v36 =	vadd.f32 v15, v27;
	[tilespmem:$0x1FEB0] =	vst v0;
	v0 =	vimm.f32 $0.0e+00  }
0x278: {  	v54 =	vld [tilespmem:s18+$0x0];
	v56 =	vperm.xlane v50, v4;
	v34 =	vadd.f32 v13, v16;
	[tilespmem:$0x1FEC0] =	vst v0;
	v0 =	vimm.f32 $0.0e+00  }
0x279: {  	v57 =	vld [tilespmem:s18+$0xFFFFFFE0];
	v53 =	vperm.xlane v45, v4;
	v33 =	vadd.f32 v17, v19;
	[tilespmem:$0x1FED0] =	vst v0;
	v0 =	vimm.f32 $0.0e+00  }
0x27a: {  	s19 =	simm.s32 $0x8860;
	v58 =	vld [tilespmem:s18+$0xFFFFFFF0];
	v32 =	vadd.f32 v24, v31;
	v52 =	vperm.xlane v44, v4;
	[tilespmem:$0x1FEE0] =	vst v0;
	v0 =	vimm.f32 $0.0e+00  }
0x27b: {  	s15 =	simm.s32 $0x9180;
	v26 =	vld [tilespmem:s19+$0xFFFFFFE0];
	v25 =	vimm.f32 $0.0e+00;
	v24 =	vimm.f32 $0.0e+00;
	[tilespmem:$0x1FEF0] =	vst v0;
	v0 =	vimm.f32 $0.0e+00  }
0x27c: {  	v59 =	vld [tilespmem:s15+$0x440];
	v20 =	vimm.f32 $0.0e+00;
	v19 =	vimm.f32 $0.0e+00;
	[tilespmem:$0x1FF00] =	vst v0;
	v0 =	vimm.f32 $0.0e+00  }
0x27d: {  	v60 =	vld [tilespmem:s15+$0x450];
	v30 =	vadd.f32 v21, v22;
	v22 =	vimm.f32 $0.0e+00;
	[tilespmem:$0x1FF10] =	vst v0;
	v0 =	vimm.f32 $0.0e+00  }
0x27e: {  	s16 =	simm.s32 $0x1;
	s21 =	simm.s32 $0x2;
	v27 =	vld [tilespmem:s19+$0xFFFFFFF0];
	v21 =	vimm.f32 $0.0e+00;
	v29 =	vadd.f32 v18, v63;
	v18 =	vimm.f32 $0.0e+00;
	[tilespmem:$0x1FF20] =	vst v0  }
.LBB2_5:
0x27f: {  	v31 =	vld [tilespmem:s19+$0x0]  }
0x280: {  	v12 =	vld [tilespmem:s15+$0x460]  }
0x281: {  	v63 =	vld [tilespmem:s15+$0x470]  }
0x282: {  	v0 =	vperm.xlane v43, v4;
	v13 =	vld [tilespmem:s15+$0xFFFFFF80];
	v61 =	vperm.xlane v42, v4  }
0x283: {  	v6 =	vld [tilespmem:s15+$0xFFFFFF90];
	v49 =	vadd.f32 v46, v49;
	v46 =	vadd.f32 v28, v48;
	v62 =	vperm.xlane v40, v4  }
0x284: {  	v14 =	vld [tilespmem:s15+$0xFFFFFFC0];
	v48 =	vadd.f32 v47, v55;
	v55 =	vperm.xlane v38, v4;
	v47 =	vadd.f32 v50, v56  }
0x285: {  	v8 =	vld [tilespmem:s15+$0x0];
	v56 =	vperm.xlane v39, v4;
	v5 =	vperm.xlane v37, v4;
	v50 =	vadd.f32 v45, v53  }
0x286: {  	v28 =	vld [tilespmem:s19+$0x10];
	v53 =	vperm.xlane v36, v4;
	v52 =	vadd.f32 v44, v52;
	v0 =	vadd.f32 v43, v0  }
0x287: {  	v10 =	vld [tilespmem:s15+$0x40];
	v61 =	vadd.f32 v42, v61;
	v41 =	vmul.f32 v57, v26;
	v58 =	vmul.f32 v58, v27  }
0x288: {  	v17 =	vld [tilespmem:s15+$0x150];
	v39 =	vadd.f32 v39, v56;
	v59 =	vmul.f32 v59, v26;
	v60 =	vmul.f32 v60, v27  }
0x289: {  	v56 =	vld [tilespmem:s15+$0x210];
	v5 =	vadd.f32 v37, v5;
	v54 =	vmul.f32 v54, v31;
	v41 =	vadd.f32 v58, v41  }
0x28a: {  	v37 =	vadd.f32 v36, v53;
	v53 =	vld [tilespmem:s15+$0x400];
	v57 =	vmul.f32 v12, v31;
	v59 =	vadd.f32 v60, v59  }
0x28b: {  	v55 =	vadd.f32 v38, v55;
	v51 =	vmul.f32 v51, v28;
	v41 =	vadd.f32 v54, v41;
	v54 =	vld [tilespmem:s15+$0xFFFFFFD0]  }
0x28c: {  	v52 =	vsub.f32 $0.0e+00, v52;
	v12 =	vld [tilespmem:s15+$0x50];
	v15 =	vmul.f32 v63, v28;
	v57 =	vadd.f32 v57, v59  }
0x28d: {  	v47 =	vsub.f32 $0.0e+00, v47;
	v6 =	vmul.f32 v6, v27;
	v58 =	vld [tilespmem:s15+$0x10];
	v51 =	vadd.f32 v51, v41  }
0x28e: {  	v22 =	vsel vm0, v52, v22;
	v52 =	vld [tilespmem:$0x1FEB0];
	v41 =	vmul.f32 v13, v26;
	v57 =	vadd.f32 v15, v57  }
0x28f: {  	v45 =	vmul.f32 v14, v26;
	v24 =	vsel vm0, v47, v24;
	v47 =	vld [tilespmem:$0x1FF00];
	v11 =	vperm.xlane v51, v1  }
0x290: {  	v41 =	vadd.f32 v6, v41;
	v13 =	vperm.xlane v57, v1;
	v6 =	vmul.f32 v54, v27;
	v54 =	vld [tilespmem:s15+$0x80]  }
0x291: {  	v48 =	vsub.f32 $0.0e+00, v48;
	v8 =	vmul.f32 v8, v26;
	v11 =	vadd.f32 v51, v11;
	v51 =	vld [tilespmem:s15+$0x90]  }
0x292: {  	v13 =	vadd.f32 v57, v13;
	v44 =	vadd.f32 v6, v45;
	v6 =	vmul.f32 v58, v27;
	v58 =	vld [tilespmem:s15+$0xC0]  }
0x293: {  	v10 =	vmul.f32 v10, v26;
	v55 =	vsub.f32 $0.0e+00, v55;
	v57 =	vld [tilespmem:s15+$0xD0];
	v45 =	vperm.xlane v11, v2  }
0x294: {  	v43 =	vadd.f32 v6, v8;
	v6 =	vmul.f32 v12, v27;
	v8 =	vld [tilespmem:s15+$0x100];
	v12 =	vperm.xlane v13, v2  }
0x295: {  	v25 =	vsel vm0, v48, v25;
	v15 =	vld [tilespmem:s15+$0x110];
	v11 =	vadd.f32 v11, v45;
	v54 =	vmul.f32 v54, v26  }
0x296: {  	v45 =	vadd.f32 v6, v10;
	v6 =	vmul.f32 v51, v27;
	v10 =	vld [tilespmem:s15+$0x140];
	v12 =	vadd.f32 v13, v12  }
0x297: {  	v48 =	vld [tilespmem:s15+$0xB0];
	v18 =	vsel vm0, v55, v18;
	v51 =	vperm.xlane v11, v3;
	v58 =	vmul.f32 v58, v26  }
0x298: {  	v55 =	vld [tilespmem:$0x1FEC0];
	v42 =	vadd.f32 v6, v54;
	v6 =	vmul.f32 v57, v27;
	v57 =	vperm.xlane v12, v3  }
0x299: {  	v13 =	vadd.f32 v40, v62;
	v54 =	vld [tilespmem:s15+$0x180];
	v51 =	vadd.f32 v11, v51;
	v8 =	vmul.f32 v8, v26  }
0x29a: {  	v11 =	vld [tilespmem:s15+$0x190];
	v40 =	vadd.f32 v6, v58;
	v6 =	vmul.f32 v15, v27;
	v12 =	vadd.f32 v12, v57  }
0x29b: {  	v15 =	vld [tilespmem:s15+$0x1C0];
	v10 =	vmul.f32 v10, v26  }
0x29c: {  	v57 =	vld [tilespmem:s15+$0x1D0];
	v38 =	vadd.f32 v6, v8;
	v6 =	vmul.f32 v17, v27;
	v17 =	vperm.xlane v12, v4  }
0x29d: {  	v60 =	vperm.xlane v34, v4;
	v58 =	vmul.f32 v56, v27;
	v56 =	vld [tilespmem:s15+$0x390]  }
0x29e: {  	v8 =	vld [tilespmem:s15+$0x200];
	v36 =	vadd.f32 v6, v10;
	v62 =	vadd.f32 v12, v17  }
0x29f: {  	v6 =	vmul.f32 v11, v27;
	v10 =	vld [tilespmem:s15+$0x240];
	v17 =	vadd.f32 v34, v60;
	v34 =	vmov s16  }
0x2a0: {  	v12 =	vmul.f32 v15, v26;
	v15 =	vld [tilespmem:s15+$0x250];
	v11 =	vsub.f32 $0.0e+00, v62;
	v62 =	vlaneseq.u32  }
0x2a1: {  	v7 =	vperm.xlane v35, v4;
	v54 =	vmul.f32 v54, v26;
	vm1 =	veq.s32 v34, v62;
	v62 =	vld [tilespmem:$0x1FE60]  }
0x2a2: {  	v9 =	vperm.xlane v32, v4;
	v60 =	vmul.f32 v57, v27;
	v57 =	vld [tilespmem:s15+$0x280]  }
0x2a3: {  	v7 =	vadd.f32 v35, v7;
	v35 =	vadd.f32 v6, v54;
	v6 =	vmul.f32 v8, v26;
	v8 =	vld [tilespmem:s15+$0x290]  }
0x2a4: {  	v9 =	vadd.f32 v32, v9;
	v34 =	vadd.f32 v60, v12;
	v60 =	vld [tilespmem:s15+$0x2C0]  }
0x2a5: {  	v14 =	vperm.xlane v29, v4;
	v63 =	vperm.xlane v33, v4;
	v32 =	vadd.f32 v58, v6;
	v58 =	vld [tilespmem:s15+$0x300]  }
0x2a6: {  	v10 =	vmul.f32 v10, v26;
	v6 =	vmul.f32 v15, v27;
	v54 =	vsel vm1, v11, v62;
	v11 =	vld [tilespmem:s15+$0x2D0]  }
0x2a7: {  	v16 =	vperm.xlane v49, v4;
	v14 =	vadd.f32 v29, v14;
	v59 =	vperm.xlane v30, v4;
	v62 =	vld [tilespmem:s15+$0x310]  }
0x2a8: {  	v33 =	vadd.f32 v33, v63;
	v29 =	vadd.f32 v6, v10;
	v6 =	vmul.f32 v8, v27;
	v8 =	vld [tilespmem:s15+$0x340]  }
0x2a9: {  	v15 =	vadd.f32 v30, v59;
	v30 =	vmul.f32 v57, v26;
	v63 =	vmul.f32 v60, v26;
	v60 =	vld [tilespmem:s15+$0x350]  }
0x2aa: {  	v16 =	vadd.f32 v49, v16;
	v49 =	vperm.xlane v51, v4;
	[tilespmem:$0x1FE60] =	vst v54;
	v54 =	vld [tilespmem:s15+$0x3C0]  }
0x2ab: {  	v6 =	vadd.f32 v6, v30;
	v30 =	vld [tilespmem:s15+$0x380]  }
0x2ac: {  	v49 =	vadd.f32 v51, v49;
	v51 =	vld [tilespmem:s15+$0x1A0];
	v12 =	vmul.f32 v58, v26  }
0x2ad: {  	v57 =	vld [tilespmem:s15+$0x3D0];
	v11 =	vmul.f32 v11, v27;
	v62 =	vmul.f32 v62, v27  }
0x2ae: {  	v59 =	vld [tilespmem:s15+$0x410];
	v58 =	vsub.f32 $0.0e+00, v61;
	v8 =	vmul.f32 v8, v26  }
0x2af: {  	v61 =	vld [tilespmem:s15+$0x20];
	v10 =	vadd.f32 v11, v63;
	v11 =	vadd.f32 v62, v12;
	v12 =	vmul.f32 v60, v27  }
0x2b0: {  	v54 =	vmul.f32 v54, v26;
	v30 =	vmul.f32 v30, v26;
	v60 =	vld [tilespmem:s15+$0xFFFFFFA0]  }
0x2b1: {  	v26 =	vmul.f32 v53, v26;
	v53 =	vld [tilespmem:s15+$0xA0];
	v8 =	vadd.f32 v12, v8;
	v12 =	vmul.f32 v56, v27  }
0x2b2: {  	v56 =	vld [tilespmem:s15+$0xFFFFFFE0]  }
0x2b3: {  	v12 =	vadd.f32 v12, v30;
	v30 =	vmul.f32 v57, v27;
	v57 =	vld [tilespmem:s15+$0x60];
	v27 =	vmul.f32 v59, v27  }
0x2b4: {  	v59 =	vld [tilespmem:s15+$0x120]  }
0x2b5: {  	v26 =	vadd.f32 v27, v26;
	v27 =	vld [tilespmem:$0x1FE70]  }
0x2b6: {  	v63 =	vmul.f32 v60, v31;
	v60 =	vld [tilespmem:s15+$0xE0];
	v53 =	vmul.f32 v53, v31  }
0x2b7: {  	v30 =	vadd.f32 v30, v54;
	v54 =	vld [tilespmem:s15+$0x2E0];
	v56 =	vmul.f32 v56, v31  }
0x2b8: {  	v46 =	vsub.f32 $0.0e+00, v46;
	v42 =	vadd.f32 v53, v42;
	v53 =	vmul.f32 v51, v31;
	v51 =	vld [tilespmem:s15+$0x3E0]  }
0x2b9: {  	v44 =	vadd.f32 v56, v44;
	v56 =	vld [tilespmem:s15+$0x1E0]  }
0x2ba: {  	v50 =	vsub.f32 $0.0e+00, v50;
	v62 =	vmul.f32 v61, v31;
	v27 =	vsel vm0, v46, v27;
	v46 =	vld [tilespmem:s15+$0x160]  }
0x2bb: {  	[tilespmem:$0x1FE70] =	vst v27;
	v27 =	vadd.f32 v63, v41;
	v63 =	vmul.f32 v57, v31;
	v57 =	vmul.f32 v60, v31;
	v60 =	vld [tilespmem:s15+$0x220]  }
0x2bc: {  	v0 =	vsub.f32 $0.0e+00, v0;
	v41 =	vadd.f32 v62, v43;
	v62 =	vld [tilespmem:s15+$0x260]  }
0x2bd: {  	v39 =	vsub.f32 $0.0e+00, v39;
	v5 =	vsub.f32 $0.0e+00, v5;
	v61 =	vmul.f32 v59, v31;
	v59 =	vld [tilespmem:s15+$0x360]  }
0x2be: {  	v21 =	vsel vm0, v0, v21;
	v13 =	vsub.f32 $0.0e+00, v13;
	v0 =	vadd.f32 v57, v40;
	v57 =	vld [tilespmem:s15+$0x320]  }
0x2bf: {  	v20 =	vsel vm0, v58, v20;
	v35 =	vadd.f32 v53, v35;
	v53 =	vmul.f32 v54, v31;
	v54 =	vld [tilespmem:s15+$0x420]  }
0x2c0: {  	v45 =	vadd.f32 v63, v45;
	v63 =	vmul.f32 v46, v31;
	v58 =	vmul.f32 v60, v31;
	v60 =	vld [tilespmem:$0x1FE90]  }
0x2c1: {  	v38 =	vadd.f32 v61, v38;
	v56 =	vmul.f32 v56, v31;
	v61 =	vmul.f32 v62, v31;
	v62 =	vld [tilespmem:s15+$0x3A0]  }
0x2c2: {  	v37 =	vsub.f32 $0.0e+00, v37;
	v19 =	vsel vm0, v13, v19;
	v13 =	vadd.f32 v63, v36;
	v63 =	vld [tilespmem:$0x1FEA0]  }
0x2c3: {  	v7 =	vsub.f32 $0.0e+00, v7;
	v46 =	vld [tilespmem:s15+$0x2A0];
	v34 =	vadd.f32 v56, v34;
	v56 =	vmul.f32 v57, v31  }
0x2c4: {  	v9 =	vsub.f32 $0.0e+00, v9;
	v16 =	vsub.f32 $0.0e+00, v16;
	v57 =	vld [tilespmem:$0x1FED0]  }
0x2c5: {  	v23 =	vsel vm0, v50, v23;
	v14 =	vsub.f32 $0.0e+00, v14;
	v11 =	vadd.f32 v56, v11;
	v56 =	vld [tilespmem:s15+$0x270]  }
0x2c6: {  	v29 =	vadd.f32 v61, v29;
	v50 =	vsel vm0, v39, v60;
	v61 =	vmul.f32 v62, v31;
	v62 =	vld [tilespmem:$0x1FEF0]  }
0x2c7: {  	[tilespmem:$0x1FE90] =	vst v50;
	v50 =	vsel vm0, v5, v63;
	v5 =	vadd.f32 v58, v32;
	v58 =	vmul.f32 v59, v31;
	v59 =	vld [tilespmem:$0x1FEE0]  }
0x2c8: {  	v33 =	vsub.f32 $0.0e+00, v33;
	v17 =	vsub.f32 $0.0e+00, v17;
	v63 =	vld [tilespmem:s15+$0x70]  }
0x2c9: {  	[tilespmem:$0x1FEA0] =	vst v50;
	v50 =	vmul.f32 v46, v31;
	v46 =	vsel vm0, v37, v52;
	v40 =	vsel vm0, v7, v57;
	v7 =	vld [tilespmem:s15+$0xFFFFFFF0]  }
0x2ca: {  	v15 =	vsub.f32 $0.0e+00, v15;
	v10 =	vadd.f32 v53, v10;
	[tilespmem:$0x1FEB0] =	vst v46;
	v46 =	vsel vm0, v17, v55;
	v17 =	vld [tilespmem:s15+$0xFFFFFFB0]  }
0x2cb: {  	v12 =	vadd.f32 v61, v12;
	v8 =	vadd.f32 v58, v8;
	v55 =	vld [tilespmem:s15+$0x230]  }
0x2cc: {  	[tilespmem:$0x1FEC0] =	vst v46;
	v6 =	vadd.f32 v50, v6;
	v46 =	vmul.f32 v51, v31;
	v31 =	vmul.f32 v54, v31;
	v50 =	vld [tilespmem:$0x1FF10]  }
0x2cd: {  	v52 =	vld [tilespmem:$0x1FF20];
	[tilespmem:$0x1FED0] =	vst v40;
	v61 =	vmul.f32 v56, v28;
	v39 =	vsel vm0, v9, v62;
	v40 =	vsel vm0, v33, v59  }
0x2ce: {  	v60 =	vld [tilespmem:s15+$0x30];
	[tilespmem:$0x1FEF0] =	vst v39;
	v39 =	vsel vm0, v15, v47;
	v30 =	vadd.f32 v46, v30;
	v9 =	vmul.f32 v63, v28  }
0x2cf: {  	v26 =	vadd.f32 v31, v26;
	v15 =	vmul.f32 v48, v28;
	v29 =	vadd.f32 v61, v29  }
0x2d0: {  	v53 =	vld [tilespmem:s15+$0x1B0];
	v7 =	vmul.f32 v7, v28;
	v51 =	vmul.f32 v17, v28;
	v9 =	vadd.f32 v9, v45  }
0x2d1: {  	v57 =	vld [tilespmem:s15+$0x2F0];
	v15 =	vadd.f32 v15, v42;
	v59 =	vmul.f32 v55, v28;
	v32 =	vsel vm0, v14, v50  }
0x2d2: {  	v56 =	vperm.xlane v29, v1;
	v7 =	vadd.f32 v7, v44;
	[tilespmem:$0x1FF10] =	vst v32;
	v32 =	vsel vm0, v16, v52  }
0x2d3: {  	v17 =	vld [tilespmem:s15+$0xF0];
	v14 =	vadd.f32 v51, v27;
	v27 =	vmul.f32 v60, v28;
	vm0 =	vmmov vm1  }
0x2d4: {  	v42 =	vperm.xlane v9, v1;
	v43 =	vperm.xlane v15, v1;
	v5 =	vadd.f32 v59, v5  }
0x2d5: {  	v31 =	vld [tilespmem:s15+$0x170];
	v29 =	vadd.f32 v29, v56;
	[tilespmem:$0x1FF20] =	vst v32;
	v37 =	vperm.xlane v7, v1;
	v32 =	vmul.f32 v53, v28  }
0x2d6: {  	v16 =	vld [tilespmem:$0x1FE80];
	v53 =	vmul.f32 v57, v28;
	v33 =	vperm.xlane v14, v1;
	v27 =	vadd.f32 v27, v41  }
0x2d7: {  	v60 =	vld [tilespmem:s15+$0x370];
	v55 =	vperm.xlane v5, v1;
	v9 =	vadd.f32 v9, v42;
	v15 =	vadd.f32 v15, v43  }
0x2d8: {  	v63 =	vld [tilespmem:s15+$0x3F0];
	v17 =	vmul.f32 v17, v28;
	v32 =	vadd.f32 v32, v35;
	v10 =	vadd.f32 v53, v10  }
0x2d9: {  	[tilespmem:$0x1FEE0] =	vst v40;
	v7 =	vadd.f32 v7, v37;
	v53 =	vperm.xlane v29, v2;
	v40 =	vperm.xlane v27, v1  }
0x2da: {  	v54 =	vld [tilespmem:s15+$0x1F0];
	v14 =	vadd.f32 v14, v33;
	v5 =	vadd.f32 v5, v55;
	v48 =	vperm.xlane v15, v2  }
0x2db: {  	v0 =	vadd.f32 v17, v0;
	v17 =	vmul.f32 v31, v28;
	v47 =	vperm.xlane v32, v1  }
0x2dc: {  	v16 =	vsel vm1, v49, v16;
	v57 =	vmul.f32 v60, v28;
	v59 =	vperm.xlane v10, v1  }
0x2dd: {  	v60 =	vmul.f32 v63, v28;
	v29 =	vadd.f32 v29, v53;
	v27 =	vadd.f32 v27, v40  }
0x2de: {  	v31 =	vld [tilespmem:s15+$0x2B0];
	v15 =	vadd.f32 v15, v48;
	v44 =	vperm.xlane v0, v1;
	v13 =	vadd.f32 v17, v13  }
0x2df: {  	[tilespmem:$0x1FE80] =	vst v16;
	v16 =	vld [tilespmem:s15+$0x130];
	v17 =	vmul.f32 v54, v28;
	v8 =	vadd.f32 v57, v8;
	v30 =	vadd.f32 v60, v30  }
0x2e0: {  	v32 =	vadd.f32 v32, v47;
	v47 =	vperm.xlane v9, v2;
	v10 =	vadd.f32 v10, v59  }
0x2e1: {  	v40 =	vperm.xlane v27, v2;
	v46 =	vperm.xlane v13, v1;
	v17 =	vadd.f32 v17, v34  }
0x2e2: {  	v58 =	vld [tilespmem:s15+$0x330];
	v0 =	vadd.f32 v0, v44;
	v44 =	vperm.xlane v14, v2;
	v50 =	vperm.xlane v32, v2  }
0x2e3: {  	v41 =	vperm.xlane v10, v2;
	v9 =	vadd.f32 v9, v47;
	v31 =	vmul.f32 v31, v28  }
0x2e4: {  	v62 =	vld [tilespmem:s15+$0x3B0];
	v27 =	vadd.f32 v27, v40;
	v16 =	vmul.f32 v16, v28;
	v13 =	vadd.f32 v13, v46  }
0x2e5: {  	v54 =	vld [tilespmem:s15+$0x430];
	v52 =	vperm.xlane v17, v1;
	v14 =	vadd.f32 v14, v44;
	v32 =	vadd.f32 v32, v50  }
0x2e6: {  	v46 =	vperm.xlane v7, v2;
	v10 =	vadd.f32 v10, v41;
	v6 =	vadd.f32 v31, v6  }
0x2e7: {  	v31 =	vmul.f32 v58, v28;
	v60 =	vperm.xlane v27, v3;
	v16 =	vadd.f32 v16, v38  }
0x2e8: {  	v17 =	vadd.f32 v17, v52;
	v49 =	vperm.xlane v13, v2;
	v52 =	vperm.xlane v5, v2  }
0x2e9: {  	v7 =	vadd.f32 v7, v46;
	v33 =	vperm.xlane v10, v3;
	v58 =	vperm.xlane v6, v1  }
0x2ea: {  	v11 =	vadd.f32 v31, v11;
	v31 =	vmul.f32 v62, v28;
	v28 =	vmul.f32 v54, v28  }
0x2eb: {  	v50 =	vadd.f32 v27, v60;
	v45 =	vperm.xlane v16, v1;
	v51 =	vperm.xlane v17, v2  }
0x2ec: {  	v13 =	vadd.f32 v13, v49;
	v59 =	vperm.xlane v7, v3;
	v5 =	vadd.f32 v5, v52  }
0x2ed: {  	v35 =	vadd.f32 v10, v33;
	v61 =	vperm.xlane v11, v1;
	v12 =	vadd.f32 v31, v12  }
0x2ee: {  	v31 =	vperm.xlane v8, v1;
	v26 =	vadd.f32 v28, v26;
	v6 =	vadd.f32 v6, v58  }
0x2ef: {  	v28 =	vperm.xlane v30, v1;
	v16 =	vadd.f32 v16, v45;
	v17 =	vadd.f32 v17, v51  }
0x2f0: {  	v47 =	vadd.f32 v7, v59;
	v7 =	vperm.xlane v32, v3;
	v27 =	vperm.xlane v5, v3  }
0x2f1: {  	v62 =	vperm.xlane v12, v1;
	v63 =	vperm.xlane v26, v1;
	v11 =	vadd.f32 v11, v61  }
0x2f2: {  	v8 =	vadd.f32 v8, v31;
	v31 =	vperm.xlane v0, v2;
	v28 =	vadd.f32 v30, v28  }
0x2f3: {  	v54 =	vperm.xlane v6, v2;
	v61 =	vperm.xlane v9, v3;
	v38 =	vadd.f32 v32, v7  }
0x2f4: {  	v30 =	vperm.xlane v16, v2;
	v37 =	vadd.f32 v5, v27;
	v12 =	vadd.f32 v12, v62  }
0x2f5: {  	v26 =	vadd.f32 v26, v63;
	v55 =	vperm.xlane v11, v2;
	v56 =	vperm.xlane v8, v2  }
0x2f6: {  	v58 =	vperm.xlane v28, v2;
	v0 =	vadd.f32 v0, v31;
	v31 =	vperm.xlane v14, v3  }
0x2f7: {  	v6 =	vadd.f32 v6, v54;
	v62 =	vperm.xlane v15, v3;
	v45 =	vadd.f32 v9, v61  }
0x2f8: {  	v16 =	vadd.f32 v16, v30;
	v57 =	vperm.xlane v12, v2;
	v30 =	vperm.xlane v26, v2  }
0x2f9: {  	v11 =	vadd.f32 v11, v55;
	v63 =	vperm.xlane v0, v3;
	v41 =	vadd.f32 v28, v58  }
0x2fa: {  	v28 =	vadd.f32 v14, v31;
	v31 =	vperm.xlane v29, v3;
	v9 =	vperm.xlane v6, v3  }
0x2fb: {  	s15 =	sadd.s32 $0x500, s15;
	v8 =	vadd.f32 v8, v56;
	v55 =	vperm.xlane v47, v4;
	v56 =	vperm.xlane v50, v4  }
0x2fc: {  	s18 =	sadd.s32 $0x40, s18;
	[tilespmem:$0x1FF00] =	vst v39;
	v60 =	vld [tilespmem:s15+$0x450];
	v44 =	vadd.f32 v15, v62;
	v53 =	vperm.xlane v45, v4;
	v39 =	vperm.xlane v16, v3  }
0x2fd: {  	v51 =	vld [tilespmem:s18+$0x10];
	v46 =	vadd.f32 v26, v30;
	v26 =	vperm.xlane v13, v3;
	v30 =	vperm.xlane v17, v3  }
0x2fe: {  	p1 =	sne.s32 s21, $0xF;
	s19 =	sadd.s32 $0x40, s19;
	v59 =	vld [tilespmem:s15+$0x440];
	v12 =	vadd.f32 v12, v57;
	v15 =	vperm.xlane v11, v3;
	v52 =	vperm.xlane v8, v3  }
.Ltmp3:
0x2ff: {  	v27 =	vld [tilespmem:s19+$0xFFFFFFF0];
	v43 =	vadd.f32 v0, v63;
	v61 =	vperm.xlane v41, v3;
	v36 =	vadd.f32 v29, v31;
	(pc) =	sbr.rel @p1 .LBB2_5-.Ltmp3, $4  }
0x300: {  	v54 =	vld [tilespmem:s18+$0x0];
	v48 =	vperm.xlane v28, v4;
	v34 =	vadd.f32 v6, v9;
	v42 =	vadd.f32 v16, v39  }
0x301: {  	v58 =	vld [tilespmem:s18+$0xFFFFFFF0];
	v0 =	vperm.xlane v12, v3;
	v40 =	vadd.f32 v13, v26;
	v39 =	vadd.f32 v17, v30  }
0x302: {  	v57 =	vld [tilespmem:s18+$0xFFFFFFE0];
	v49 =	vperm.xlane v46, v3;
	v33 =	vadd.f32 v11, v15;
	v32 =	vadd.f32 v8, v52  }
0x303: {  	s16 =	smov.u32 s21;
	s21 =	sadd.s32 $0x1, s21;
	v26 =	vld [tilespmem:s19+$0xFFFFFFE0];
	v52 =	vperm.xlane v44, v4;
	v29 =	vadd.f32 v41, v61;
	v30 =	vadd.f32 v12, v0  }
0x304: {  	v41 =	vld [tilespmem:s19+$0x0]  }
0x305: {  	v0 =	vld [tilespmem:s15+$0x460]  }
0x306: {  	v31 =	vld [tilespmem:s19+$0x10]  }
0x307: {  	v5 =	vld [tilespmem:s15+$0x470]  }
0x308: {  	v6 =	vld [tilespmem:s15+$0xFFFFFF80]  }
0x309: {  	v7 =	vld [tilespmem:s15+$0xFFFFFF90]  }
0x30a: {  	v10 =	vld [tilespmem:s15+$0xFFFFFFC0]  }
0x30b: {  	v12 =	vmul.f32 v60, v27;
	v13 =	vld [tilespmem:s15+$0xFFFFFFD0]  }
0x30c: {  	v14 =	vld [tilespmem:s15+$0x0];
	v15 =	vperm.xlane v43, v4;
	v16 =	vperm.xlane v42, v4;
	v48 =	vadd.f32 v28, v48  }
0x30d: {  	v62 =	vld [tilespmem:s15+$0x10];
	v28 =	vperm.xlane v40, v4;
	v47 =	vadd.f32 v47, v55;
	v45 =	vadd.f32 v45, v53  }
0x30e: {  	v17 =	vld [tilespmem:s15+$0x40];
	v44 =	vadd.f32 v44, v52;
	v9 =	vmul.f32 v58, v27;
	v8 =	vmul.f32 v57, v26  }
0x30f: {  	v58 =	vld [tilespmem:s15+$0x90];
	v43 =	vadd.f32 v43, v15;
	v11 =	vmul.f32 v59, v26;
	v61 =	vmul.f32 v54, v41  }
0x310: {  	v42 =	vadd.f32 v42, v16;
	v16 =	vld [tilespmem:s15+$0x1D0];
	v0 =	vmul.f32 v0, v41;
	v63 =	vmul.f32 v51, v31  }
0x311: {  	v57 =	vld [tilespmem:s15+$0x50];
	v54 =	vadd.f32 v46, v49;
	v5 =	vmul.f32 v5, v31;
	v6 =	vmul.f32 v6, v26  }
0x312: {  	v59 =	vld [tilespmem:s15+$0xC0];
	v46 =	vadd.f32 v50, v56;
	v7 =	vmul.f32 v7, v27;
	v10 =	vmul.f32 v10, v26  }
0x313: {  	v60 =	vld [tilespmem:s15+$0xD0];
	v13 =	vmul.f32 v13, v27;
	v62 =	vmul.f32 v62, v27;
	v8 =	vadd.f32 v9, v8  }
0x314: {  	v56 =	vmul.f32 v17, v26;
	v11 =	vadd.f32 v12, v11;
	v9 =	vld [tilespmem:s15+$0x80];
	v50 =	vadd.f32 v7, v6  }
0x315: {  	v6 =	vmul.f32 v14, v26;
	v49 =	vadd.f32 v13, v10;
	v10 =	vld [tilespmem:s15+$0x180];
	v16 =	vmul.f32 v16, v27  }
0x316: {  	v14 =	vld [tilespmem:s15+$0x190];
	v8 =	vadd.f32 v61, v8;
	v0 =	vadd.f32 v0, v11;
	v11 =	vmul.f32 v58, v27  }
0x317: {  	v17 =	vld [tilespmem:s15+$0x150];
	v57 =	vmul.f32 v57, v27;
	v51 =	vadd.f32 v62, v6;
	v58 =	vmul.f32 v59, v26  }
0x318: {  	v53 =	vld [tilespmem:s15+$0x240];
	v62 =	vperm.xlane v39, v4;
	v8 =	vadd.f32 v63, v8;
	v0 =	vadd.f32 v5, v0  }
0x319: {  	v59 =	vmul.f32 v60, v27;
	v9 =	vmul.f32 v9, v26;
	v12 =	vadd.f32 v57, v56  }
0x31a: {  	v7 =	vld [tilespmem:s15+$0x110];
	v15 =	vadd.f32 v39, v62;
	v5 =	vperm.xlane v8, v1;
	v61 =	vperm.xlane v0, v1  }
0x31b: {  	v55 =	vld [tilespmem:s15+$0x210];
	v10 =	vmul.f32 v10, v26;
	v14 =	vmul.f32 v14, v27;
	v9 =	vadd.f32 v11, v9  }
0x31c: {  	v17 =	vmul.f32 v17, v27;
	v56 =	vld [tilespmem:s15+$0x280];
	v5 =	vadd.f32 v8, v5;
	v0 =	vadd.f32 v0, v61  }
0x31d: {  	v52 =	vld [tilespmem:s15+$0x1C0];
	v61 =	vperm.xlane v38, v4;
	v10 =	vadd.f32 v14, v10;
	v14 =	vmul.f32 v53, v26  }
0x31e: {  	v11 =	vadd.f32 v59, v58;
	v59 =	vld [tilespmem:s15+$0x2D0];
	v53 =	vperm.xlane v30, v4;
	v63 =	vperm.xlane v5, v2  }
0x31f: {  	v7 =	vmul.f32 v7, v27;
	v8 =	vld [tilespmem:s15+$0x100];
	v6 =	vperm.xlane v0, v2;
	v38 =	vadd.f32 v38, v61  }
0x320: {  	v13 =	vld [tilespmem:s15+$0x140];
	v61 =	vperm.xlane v36, v4;
	v53 =	vadd.f32 v30, v53;
	v5 =	vadd.f32 v5, v63  }
0x321: {  	v39 =	vld [tilespmem:s15+$0x250];
	v56 =	vmul.f32 v56, v26;
	v30 =	vperm.xlane v54, v4;
	v0 =	vadd.f32 v0, v6  }
0x322: {  	v57 =	vld [tilespmem:s15+$0x290];
	v63 =	vperm.xlane v37, v4;
	v6 =	vperm.xlane v5, v3  }
0x323: {  	v58 =	vld [tilespmem:s15+$0x310];
	v30 =	vadd.f32 v54, v30;
	v54 =	vmul.f32 v59, v27;
	v60 =	vperm.xlane v0, v3  }
0x324: {  	v59 =	vld [tilespmem:s15+$0x400];
	v8 =	vmul.f32 v8, v26;
	v37 =	vadd.f32 v37, v63;
	v5 =	vadd.f32 v5, v6  }
0x325: {  	v63 =	vperm.xlane v34, v4;
	v6 =	vadd.f32 v40, v28;
	v40 =	vld [tilespmem:s15+$0x200];
	v0 =	vadd.f32 v0, v60  }
0x326: {  	v60 =	vmul.f32 v13, v26;
	v13 =	vadd.f32 v36, v61;
	v36 =	vld [tilespmem:s15+$0x2C0];
	v61 =	vperm.xlane v33, v4  }
0x327: {  	v34 =	vadd.f32 v34, v63;
	v63 =	vmul.f32 v57, v27;
	v57 =	vld [tilespmem:s15+$0x3D0];
	v62 =	vperm.xlane v0, v4  }
0x328: {  	v17 =	vadd.f32 v17, v60;
	v60 =	vperm.xlane v35, v4;
	v33 =	vadd.f32 v33, v61;
	v61 =	vld [tilespmem:s15+$0x390]  }
0x329: {  	v6 =	vsub.f32 $0.0e+00, v6;
	v28 =	vadd.f32 v0, v62;
	v0 =	vmul.f32 v52, v26;
	v52 =	vld [tilespmem:s15+$0x300]  }
0x32a: {  	v7 =	vadd.f32 v7, v8;
	v35 =	vadd.f32 v35, v60;
	v62 =	vperm.xlane v32, v4;
	v60 =	vld [tilespmem:s15+$0x380]  }
0x32b: {  	v19 =	vsel vm0, v6, v19;
	v8 =	vmul.f32 v40, v26;
	v40 =	vmul.f32 v55, v27;
	v55 =	vld [tilespmem:s15+$0x350]  }
0x32c: {  	v36 =	vmul.f32 v36, v26;
	v0 =	vadd.f32 v16, v0;
	v16 =	vld [tilespmem:s15+$0x340];
	v32 =	vadd.f32 v32, v62  }
0x32d: {  	v62 =	vld [tilespmem:s15+$0x3C0];
	v40 =	vadd.f32 v40, v8;
	v8 =	vmul.f32 v39, v27;
	v39 =	vperm.xlane v29, v4  }
0x32e: {  	v6 =	vsub.f32 $0.0e+00, v38;
	v38 =	vld [tilespmem:s15+$0x3A0];
	v36 =	vadd.f32 v54, v36;
	v54 =	vmul.f32 v61, v27  }
0x32f: {  	v29 =	vadd.f32 v29, v39;
	v14 =	vadd.f32 v8, v14;
	v8 =	vmul.f32 v58, v27;
	v58 =	vld [tilespmem:s15+$0x410]  }
0x330: {  	v52 =	vmul.f32 v52, v26;
	v39 =	vadd.f32 v63, v56;
	v56 =	vmul.f32 v60, v26;
	v60 =	vld [tilespmem:s15+$0xFFFFFFA0]  }
0x331: {  	v63 =	vld [tilespmem:s15+$0x20];
	v55 =	vmul.f32 v55, v27;
	v16 =	vmul.f32 v16, v26  }
0x332: {  	v61 =	vmul.f32 v62, v26;
	v62 =	vld [tilespmem:s15+$0xFFFFFFE0];
	v52 =	vadd.f32 v8, v52;
	v8 =	vmul.f32 v57, v27  }
0x333: {  	v57 =	vperm.xlane v5, v4;
	v55 =	vadd.f32 v55, v16;
	v16 =	vmul.f32 v59, v26;
	v26 =	vld [tilespmem:s15+$0x60]  }
0x334: {  	v54 =	vadd.f32 v54, v56;
	v56 =	vadd.f32 v8, v61;
	v61 =	vld [tilespmem:$0x1FE70]  }
0x335: {  	v48 =	vsub.f32 $0.0e+00, v48;
	v5 =	vadd.f32 v5, v57;
	v59 =	vld [tilespmem:s15+$0xE0];
	v8 =	vmul.f32 v58, v27  }
0x336: {  	v27 =	vld [tilespmem:s15+$0xA0];
	v57 =	vmul.f32 v60, v41;
	v58 =	vmov s16;
	v60 =	vlaneseq.u32  }
0x337: {  	vm1 =	veq.s32 v58, v60;
	v60 =	vsub.f32 $0.0e+00, v47;
	v47 =	vld [tilespmem:s15+$0x120];
	v58 =	vadd.f32 v8, v16  }
0x338: {  	v16 =	vsub.f32 $0.0e+00, v46;
	v46 =	vmul.f32 v63, v41;
	v63 =	vsub.f32 $0.0e+00, v44;
	v44 =	vld [tilespmem:s15+$0x220]  }
0x339: {  	v8 =	vsel vm0, v48, v61;
	v48 =	vadd.f32 v57, v50;
	v57 =	vld [tilespmem:s15+$0x160]  }
0x33a: {  	v25 =	vsel vm0, v60, v25;
	v60 =	vld [tilespmem:s15+$0x1A0]  }
0x33b: {  	v45 =	vsub.f32 $0.0e+00, v45;
	v50 =	vmul.f32 v62, v41;
	v61 =	vsub.f32 $0.0e+00, v43;
	v43 =	vld [tilespmem:s15+$0x2A0]  }
0x33c: {  	v26 =	vmul.f32 v26, v41;
	v22 =	vsel vm0, v63, v22;
	v63 =	vsub.f32 $0.0e+00, v42;
	v42 =	vld [tilespmem:s15+$0x2E0]  }
0x33d: {  	v46 =	vadd.f32 v46, v51;
	v62 =	vmul.f32 v59, v41;
	v51 =	vmul.f32 v27, v41;
	v27 =	vld [tilespmem:s15+$0x320]  }
0x33e: {  	v49 =	vadd.f32 v50, v49;
	v50 =	vld [tilespmem:s15+$0x1E0];
	v47 =	vmul.f32 v47, v41;
	v59 =	vmul.f32 v57, v41  }
0x33f: {  	v23 =	vsel vm0, v45, v23;
	v45 =	vadd.f32 v26, v12;
	v26 =	vld [tilespmem:s15+$0x260];
	v21 =	vsel vm0, v61, v21  }
0x340: {  	v7 =	vadd.f32 v47, v7;
	v61 =	vmul.f32 v60, v41;
	v47 =	vadd.f32 v59, v17;
	v17 =	vld [tilespmem:$0x1FE90]  }
0x341: {  	v12 =	vld [tilespmem:s15+$0x360]  }
0x342: {  	v18 =	vsel vm0, v6, v18;
	v6 =	vsub.f32 $0.0e+00, v37;
	v37 =	vadd.f32 v61, v10;
	v61 =	vld [tilespmem:$0x1FEA0]  }
0x343: {  	v11 =	vadd.f32 v62, v11;
	v62 =	vsub.f32 $0.0e+00, v15;
	v57 =	vld [tilespmem:s15+$0x420];
	v59 =	vmul.f32 v44, v41  }
0x344: {  	v10 =	vsub.f32 $0.0e+00, v53;
	v53 =	vld [tilespmem:s15+$0x130]  }
0x345: {  	v17 =	vsel vm0, v62, v17;
	v62 =	vsub.f32 $0.0e+00, v34;
	v34 =	vadd.f32 v59, v40;
	v59 =	vld [tilespmem:$0x1FEB0]  }
0x346: {  	v20 =	vsel vm0, v63, v20;
	v63 =	vmul.f32 v50, v41;
	v50 =	vld [tilespmem:s15+$0x3E0]  }
0x347: {  	v24 =	vsel vm0, v16, v24;
	v16 =	vsel vm0, v6, v61;
	v61 =	vld [tilespmem:$0x1FEC0]  }
0x348: {  	v60 =	vsub.f32 $0.0e+00, v13;
	v44 =	vld [tilespmem:s15+$0xFFFFFFB0];
	v0 =	vadd.f32 v63, v0;
	v63 =	vmul.f32 v43, v41  }
0x349: {  	v43 =	vld [tilespmem:s15+$0x70]  }
0x34a: {  	v13 =	vmul.f32 v26, v41;
	v39 =	vadd.f32 v63, v39;
	v15 =	vsel vm0, v60, v59;
	v59 =	vld [tilespmem:$0x1FED0]  }
0x34b: {  	v6 =	vld [tilespmem:s15+$0xFFFFFFF0];
	v63 =	vsub.f32 $0.0e+00, v33;
	v60 =	vsub.f32 $0.0e+00, v35  }
0x34c: {  	v33 =	vld [tilespmem:s15+$0xF0];
	v35 =	vadd.f32 v13, v14;
	v14 =	vsel vm0, v62, v61;
	v62 =	vmul.f32 v42, v41  }
0x34d: {  	v40 =	vld [tilespmem:s15+$0x30]  }
0x34e: {  	v36 =	vadd.f32 v62, v36;
	v62 =	vld [tilespmem:$0x1FEF0]  }
0x34f: {  	v27 =	vmul.f32 v27, v41;
	v13 =	vsel vm0, v60, v59;
	v60 =	vld [tilespmem:$0x1FEE0]  }
0x350: {  	v32 =	vsub.f32 $0.0e+00, v32;
	v44 =	vmul.f32 v44, v31;
	v43 =	vmul.f32 v43, v31;
	v42 =	vld [tilespmem:s15+$0xB0]  }
0x351: {  	v51 =	vadd.f32 v51, v9;
	v27 =	vadd.f32 v27, v52;
	v61 =	vmul.f32 v38, v41;
	v38 =	vld [tilespmem:s15+$0x170]  }
0x352: {  	vm2 =	vmmov vm1;
	v44 =	vadd.f32 v44, v48;
	v48 =	vld [tilespmem:s15+$0x2B0];
	v43 =	vadd.f32 v43, v45  }
0x353: {  	v33 =	vmul.f32 v33, v31;
	v54 =	vadd.f32 v61, v54;
	v26 =	vsel vm0, v32, v62;
	v62 =	vld [tilespmem:s15+$0x230]  }
0x354: {  	v61 =	vld [tilespmem:s15+$0x1F0];
	v59 =	vmul.f32 v12, v41;
	v12 =	vsel vm0, v63, v60;
	v63 =	vmul.f32 v50, v41  }
0x355: {  	v11 =	vadd.f32 v33, v11;
	v60 =	vld [tilespmem:$0x1FF00];
	v41 =	vmul.f32 v57, v41;
	v57 =	vmul.f32 v53, v31  }
0x356: {  	v42 =	vmul.f32 v42, v31;
	v38 =	vmul.f32 v38, v31;
	v52 =	vadd.f32 v59, v55;
	v50 =	vld [tilespmem:s15+$0x1B0]  }
0x357: {  	v55 =	vmul.f32 v48, v31;
	v32 =	vadd.f32 v63, v56;
	v63 =	vld [tilespmem:$0x1FE80];
	v7 =	vadd.f32 v57, v7  }
0x358: {  	v48 =	vperm.xlane v43, v1;
	v41 =	vadd.f32 v41, v58;
	v58 =	vld [tilespmem:s15+$0x330];
	v62 =	vmul.f32 v62, v31  }
0x359: {  	v42 =	vadd.f32 v42, v51;
	v59 =	vld [tilespmem:s15+$0x370];
	v38 =	vadd.f32 v38, v47;
	v51 =	vperm.xlane v7, v1  }
0x35a: {  	v43 =	vadd.f32 v43, v48;
	v34 =	vadd.f32 v62, v34;
	v10 =	vsel vm0, v10, v60  }
0x35b: {  	v50 =	vmul.f32 v50, v31;
	v60 =	vmul.f32 v61, v31;
	v7 =	vadd.f32 v7, v51  }
0x35c: {  	v61 =	vld [tilespmem:s15+$0x3B0];
	v51 =	vperm.xlane v43, v2;
	v9 =	vsel vm1, v5, v63;
	v5 =	vmul.f32 v6, v31  }
0x35d: {  	v6 =	vmul.f32 v40, v31;
	v40 =	vld [tilespmem:s15+$0x270];
	v37 =	vadd.f32 v50, v37;
	v57 =	vmul.f32 v58, v31  }
0x35e: {  	v63 =	vld [tilespmem:s15+$0x3F0];
	v0 =	vadd.f32 v60, v0;
	v58 =	vmul.f32 v59, v31;
	v60 =	vperm.xlane v44, v1  }
0x35f: {  	v50 =	vperm.xlane v11, v1;
	v43 =	vadd.f32 v43, v51;
	v5 =	vadd.f32 v5, v49  }
0x360: {  	v6 =	vadd.f32 v6, v46;
	v44 =	vadd.f32 v44, v60;
	v49 =	vperm.xlane v42, v1  }
0x361: {  	v46 =	vld [tilespmem:s15+$0x2F0];
	v27 =	vadd.f32 v57, v27;
	v11 =	vadd.f32 v11, v50;
	v59 =	vmul.f32 v61, v31  }
0x362: {  	v56 =	vld [tilespmem:s15+$0x430];
	v62 =	vperm.xlane v5, v1;
	v42 =	vadd.f32 v42, v49;
	v48 =	vperm.xlane v44, v2  }
0x363: {  	v53 =	vmul.f32 v40, v31;
	v61 =	vmul.f32 v63, v31;
	v40 =	vadd.f32 v59, v54  }
0x364: {  	v63 =	vperm.xlane v6, v1;
	v54 =	vperm.xlane v0, v1;
	v5 =	vadd.f32 v5, v62  }
0x365: {  	v59 =	vperm.xlane v27, v1;
	v44 =	vadd.f32 v44, v48;
	v33 =	vadd.f32 v53, v35  }
0x366: {  	v46 =	vmul.f32 v46, v31;
	v35 =	vadd.f32 v55, v39;
	v39 =	vadd.f32 v58, v52  }
0x367: {  	v31 =	vmul.f32 v56, v31;
	v32 =	vadd.f32 v61, v32;
	v52 =	vperm.xlane v38, v1  }
0x368: {  	v6 =	vadd.f32 v6, v63;
	v53 =	vperm.xlane v37, v1;
	v55 =	vperm.xlane v34, v1  }
0x369: {  	v0 =	vadd.f32 v0, v54;
	v61 =	vperm.xlane v40, v1;
	v27 =	vadd.f32 v27, v59  }
0x36a: {  	v54 =	vperm.xlane v7, v2;
	v49 =	vperm.xlane v5, v2;
	v36 =	vadd.f32 v46, v36  }
0x36b: {  	v51 =	vperm.xlane v44, v3;
	v31 =	vadd.f32 v31, v41;
	v38 =	vadd.f32 v38, v52  }
0x36c: {  	v56 =	vperm.xlane v33, v1;
	v37 =	vadd.f32 v37, v53;
	v57 =	vperm.xlane v35, v1  }
0x36d: {  	v34 =	vadd.f32 v34, v55;
	v60 =	vperm.xlane v39, v1;
	v62 =	vperm.xlane v32, v1  }
0x36e: {  	v40 =	vadd.f32 v40, v61;
	v50 =	vperm.xlane v6, v2;
	v52 =	vperm.xlane v42, v2  }
0x36f: {  	v53 =	vperm.xlane v11, v2;
	v7 =	vadd.f32 v7, v54;
	v5 =	vadd.f32 v5, v49  }
0x370: {  	v54 =	vperm.xlane v43, v3;
	v44 =	vadd.f32 v44, v51;
	v33 =	vadd.f32 v33, v56  }
0x371: {  	v58 =	vperm.xlane v36, v1;
	v35 =	vadd.f32 v35, v57;
	v39 =	vadd.f32 v39, v60  }
0x372: {  	v63 =	vperm.xlane v31, v1;
	v32 =	vadd.f32 v32, v62;
	v6 =	vadd.f32 v6, v50  }
0x373: {  	v55 =	vperm.xlane v38, v2;
	v42 =	vadd.f32 v42, v52;
	v56 =	vperm.xlane v37, v2  }
0x374: {  	v11 =	vadd.f32 v11, v53;
	v57 =	vperm.xlane v0, v2;
	v62 =	vperm.xlane v27, v2  }
0x375: {  	v48 =	vperm.xlane v40, v2;
	v41 =	vadd.f32 v43, v54;
	v52 =	vperm.xlane v5, v3  }
0x376: {  	v54 =	vperm.xlane v44, v4;
	v36 =	vadd.f32 v36, v58;
	v31 =	vadd.f32 v31, v63  }
0x377: {  	v58 =	vperm.xlane v34, v2;
	v38 =	vadd.f32 v38, v55;
	v59 =	vperm.xlane v33, v2  }
0x378: {  	v37 =	vadd.f32 v37, v56;
	v60 =	vperm.xlane v35, v2;
	v0 =	vadd.f32 v0, v57  }
0x379: {  	v63 =	vperm.xlane v39, v2;
	v49 =	vperm.xlane v32, v2;
	v27 =	vadd.f32 v27, v62  }
0x37a: {  	v40 =	vadd.f32 v40, v48;
	v53 =	vperm.xlane v6, v3;
	v55 =	vperm.xlane v42, v3  }
0x37b: {  	v56 =	vperm.xlane v11, v3;
	v5 =	vadd.f32 v5, v52;
	v43 =	vadd.f32 v44, v54  }
0x37c: {  	v57 =	vperm.xlane v7, v3;
	v34 =	vadd.f32 v34, v58;
	v33 =	vadd.f32 v33, v59  }
0x37d: {  	v61 =	vperm.xlane v36, v2;
	v35 =	vadd.f32 v35, v60;
	v39 =	vadd.f32 v39, v63  }
0x37e: {  	v50 =	vperm.xlane v31, v2;
	v32 =	vadd.f32 v32, v49;
	v6 =	vadd.f32 v6, v53  }
0x37f: {  	v58 =	vperm.xlane v38, v3;
	v42 =	vadd.f32 v42, v55;
	v59 =	vperm.xlane v37, v3  }
0x380: {  	v11 =	vadd.f32 v11, v56;
	v60 =	vperm.xlane v0, v3;
	v49 =	vperm.xlane v27, v3  }
0x381: {  	v7 =	vadd.f32 v7, v57;
	v51 =	vperm.xlane v40, v3;
	v57 =	vperm.xlane v41, v4  }
0x382: {  	v55 =	vperm.xlane v5, v4;
	v43 =	vsub.f32 $0.0e+00, v43;
	v36 =	vadd.f32 v36, v61  }
0x383: {  	v31 =	vadd.f32 v31, v50;
	v61 =	vperm.xlane v34, v3;
	v38 =	vadd.f32 v38, v58  }
0x384: {  	v62 =	vperm.xlane v33, v3;
	v37 =	vadd.f32 v37, v59;
	v63 =	vperm.xlane v35, v3  }
0x385: {  	v0 =	vadd.f32 v0, v60;
	v50 =	vperm.xlane v39, v3;
	v52 =	vperm.xlane v32, v3  }
0x386: {  	v27 =	vadd.f32 v27, v49;
	v40 =	vadd.f32 v40, v51;
	v56 =	vperm.xlane v6, v4  }
0x387: {  	v58 =	vperm.xlane v42, v4;
	v59 =	vperm.xlane v11, v4;
	v41 =	vadd.f32 v41, v57  }
0x388: {  	v60 =	vperm.xlane v7, v4;
	v5 =	vadd.f32 v5, v55;
	v34 =	vadd.f32 v34, v61  }
0x389: {  	v8 =	vsel vm2, v43, v8;
	v33 =	vadd.f32 v33, v62;
	v35 =	vadd.f32 v35, v63  }
0x38a: {  	v48 =	vperm.xlane v36, v3;
	v39 =	vadd.f32 v39, v50;
	v32 =	vadd.f32 v32, v52  }
0x38b: {  	v53 =	vperm.xlane v31, v3;
	v6 =	vadd.f32 v6, v56;
	v42 =	vadd.f32 v42, v58  }
0x38c: {  	v61 =	vperm.xlane v38, v4;
	v11 =	vadd.f32 v11, v59;
	v7 =	vadd.f32 v7, v60  }
0x38d: {  	v62 =	vperm.xlane v37, v4;
	v52 =	vsub.f32 $0.0e+00, v41;
	v5 =	vsub.f32 $0.0e+00, v5  }
0x38e: {  	v63 =	vperm.xlane v0, v4;
	v36 =	vadd.f32 v36, v48;
	v31 =	vadd.f32 v31, v53  }
0x38f: {  	v38 =	vadd.f32 v38, v61;
	v37 =	vadd.f32 v37, v62;
	v48 =	vperm.xlane v34, v4  }
0x390: {  	v0 =	vadd.f32 v0, v63;
	v49 =	vperm.xlane v33, v4;
	v50 =	vperm.xlane v35, v4  }
0x391: {  	[tilespmem:s12+$0xDE10] =	vst v8;
	v6 =	vsub.f32 $0.0e+00, v6;
	v53 =	vsub.f32 $0.0e+00, v42;
	v8 =	vsel vm2, v52, v23  }
0x392: {  	[tilespmem:s12+$0xDC10] =	vst v9;
	v11 =	vsub.f32 $0.0e+00, v11;
	v7 =	vsub.f32 $0.0e+00, v7;
	v56 =	vperm.xlane v39, v4  }
0x393: {  	v5 =	vsel vm2, v5, v25;
	[tilespmem:s12+$0xE410] =	vst v8;
	v34 =	vadd.f32 v34, v48;
	v33 =	vadd.f32 v33, v49  }
0x394: {  	v51 =	vadd.f32 v35, v50;
	v6 =	vsel vm2, v6, v24;
	[tilespmem:s12+$0xE010] =	vst v5;
	v5 =	vperm.xlane v36, v4  }
0x395: {  	v22 =	vsel vm2, v53, v22;
	v54 =	vsel vm2, v11, v21;
	v0 =	vsub.f32 $0.0e+00, v0;
	[tilespmem:s12+$0xE210] =	vst v6  }
0x396: {  	v55 =	vsub.f32 $0.0e+00, v38;
	v7 =	vsel vm2, v7, v20;
	[tilespmem:s12+$0xE610] =	vst v22;
	v5 =	vadd.f32 v36, v5  }
0x397: {  	v57 =	vsub.f32 $0.0e+00, v37;
	v8 =	vadd.f32 v39, v56;
	[tilespmem:s12+$0xE810] =	vst v54;
	v0 =	vsel vm2, v0, v17  }
0x398: {  	v61 =	vld [tilespmem:$0x1FF10];
	v60 =	vperm.xlane v31, v4;
	[tilespmem:s12+$0xF010] =	vst v0;
	v0 =	vperm.xlane v32, v4;
	v5 =	vsub.f32 $0.0e+00, v5  }
0x399: {  	v6 =	vperm.xlane v27, v4;
	[tilespmem:s12+$0xEA10] =	vst v7;
	v11 =	vsel vm2, v55, v19;
	v58 =	vsub.f32 $0.0e+00, v34  }
0x39a: {  	v59 =	vsub.f32 $0.0e+00, v33;
	[tilespmem:s12+$0xEC10] =	vst v11;
	v0 =	vadd.f32 v32, v0;
	v5 =	vsel vm2, v5, v13  }
0x39b: {  	v18 =	vsel vm2, v57, v18;
	v6 =	vadd.f32 v27, v6;
	[tilespmem:s12+$0xF810] =	vst v5;
	v5 =	vsub.f32 $0.0e+00, v29  }
0x39c: {  	v7 =	vperm.xlane v40, v4;
	[tilespmem:s12+$0xEE10] =	vst v18;
	v11 =	vsel vm2, v58, v16;
	v0 =	vsub.f32 $0.0e+00, v0  }
0x39d: {  	v63 =	vld [tilespmem:$0x1FF20];
	v15 =	vsel vm2, v59, v15;
	[tilespmem:s12+$0xF210] =	vst v11;
	v6 =	vsub.f32 $0.0e+00, v6;
	v5 =	vsel vm0, v5, v61  }
0x39e: {  	v9 =	vsub.f32 $0.0e+00, v51;
	v7 =	vadd.f32 v40, v7;
	[tilespmem:s12+$0xF410] =	vst v15;
	v0 =	vsel vm2, v0, v5  }
0x39f: {  	v8 =	vsub.f32 $0.0e+00, v8;
	v11 =	vadd.f32 v31, v60;
	v6 =	vsel vm2, v6, v12;
	[tilespmem:s12+$0x10010] =	vst v0;
	v0 =	vld [tilespmem:$0x1FE60]  }
0x3a0: {  	v9 =	vsel vm2, v9, v14;
	v7 =	vsub.f32 $0.0e+00, v7;
	[tilespmem:s12+$0xFA10] =	vst v6;
	v6 =	vsub.f32 $0.0e+00, v30  }
.Ltmp4:
0x3a1: {  	v8 =	vsel vm2, v8, v26;
	[tilespmem:s12+$0xF610] =	vst v9;
	v62 =	vsub.f32 $0.0e+00, v11;
	(pc) =	sbr.rel @p0 .LBB2_8-.Ltmp4, $4  }
0x3a2: {  	[tilespmem:s12+$0xFC10] =	vst v8;
	v7 =	vsel vm2, v7, v10;
	v6 =	vsel vm0, v6, v63;
	v5 =	vsub.f32 $0.0e+00, v28  }
0x3a3: {  	[tilespmem:s12+$0xFE10] =	vst v7;
	v6 =	vsel vm2, v62, v6  }
0x3a4: {  	[tilespmem:s12+$0x10210] =	vst v6;
	v0 =	vsel vm1, v5, v0  }
0x3a5: {  	[tilespmem:s12+$0x10410] =	vst v0;
	v0 =	vlaneseq.u32  }
0x3a6: {  	s12 =	sadd.s32 $0x3, s14  }
0x3a7: {  	s14 =	sshll.u32 s12, $0x4  }
0x3a8: {  	s12 =	smul.u32 $0x540, s12;
	s14 =	sand.u32 $0x3FFFFFF0, s14  }
0x3a9: {  	[tilespmem:s20], [sflag:$0x2] =	stream.indirect.gather [hbm4b:s3+s11], $0x40, s14, s11, $0xb8;
	[tilespmem:$0x10600] =	vst v63  }
0x3aa: {  	s12 =	sshra.s32 s12, $0x2  }
0x3ab: {  	s19 =	sadd.s32 $0x200, s12  }
0x3ac: {  	[tilespmem:s22], [sflag:$0x2] =	stream.indirect.gather [hbm4b:s4+s13], $0x40, s19, s13, $0xb8;
	[tilespmem:$0x10600] =	vst v63  }
.Ltmp5:
0x3ad: {  	_ = 	snop;
	(pc) =	sbr.rel .LBB2_2-.Ltmp5, $4  }
0x3ae: {  	s21 =	sadd.s32 $0x280, s12  }
0x3af: {  	[tilespmem:s24], [sflag:$0x2] =	stream.indirect.gather [hbm4b:s4+s13], $0x40, s21, s13, $0xb8;
	[tilespmem:$0x10600] =	vst v63  }
0x3b0: {  	s1 =	sadd.s32 $0x1, s1;
	s12 =	sadd.s32 $0x300, s12  }
0x3b1: {  	[tilespmem:s26], [sflag:$0x2] =	stream.indirect.gather [hbm4b:s4+s17], $0x40, s12, s17, $0xb8;
	[tilespmem:$0x10600] =	vst v63  }
.LBB2_9:
0x3b2: {  	_ =	sfence.sel $0x180000  }
0x3b3: {  	[bflag:$0x0] =	sbarrier.arrive $0xFFFF  }
0x3b4: {  	_ =	strace $0x90000047  }
0x3b5: {  	s0 =	stileid.u32;
	[bflag:$0x2] =	sbarrier.arrive $0xFFFF  }
0x3b6: {  	p0 =	sne.s32 s0, $0x0;
	s0 =	rddreg [dreg:$0x2]  }
0x3b7: {  	s0 =	sadd.s32 @!p0 $0x100000, s0  }
0x3b8: {  	[sflag:s0] =	ssyncadd.tile.s32 @!p0 $0x1;
	_ =	shalt  }
.Lfunc_end2:
_tile_overlayer_lowered:
.L_overlay_start_2:
0x3b9: {  	(tag) =	ssettag $0x2  }
0x3ba: {  	s0 =	rddreg [dreg:$0x0];
	s2 =	stileid.u32  }
0x3bb: {  	s1 =	rddreg [dreg:$0x1];
	p0 =	sne.s32 s2, $0x0  }
0x3bc: {  	s3 =	rddreg [dreg:$0x2];
	[bflag:$0x3] =	sbarrier.arrive $0xFFFF;
	s2 =	simm.s32 @!p0 $0x1C03  }
0x3bd: {  	[timem:s3], [sflag:s2] =	dma.local @!p0 [hbm:s0], s1  }
0x3be: {  	s0 =	simm.s32 @!p0 $0x3  }
0x3bf: {  	_ =	swait.ge @!p0 [sflag:s0], s1  }
0x3c0: {  	s1 =	ssub.s32 @!p0 $0x0, s1;
	[sflag:s0] =	ssyncset.done @!p0 $0x0  }
0x3c1: {  	[sflag:s0] =	ssyncadd.s32 @!p0 s1  }
0x3c2: {  	[bflag:$0x3] =	sbarrier.arrive $0xFFFF  }
0x3c3: {  	_ =	shalt  }

</sc_bundles>
